<compile_context>
chip_gen: v7x
topology: tpu7x:2x2x1
jax: 0.10.2.dev20260603
libtpu: 0.0.44.dev20260713+nightly
codegen_flags: <defaults>
</compile_context>

<pallas_src>
import functools

import jax
import jax.numpy as jnp
from jax import lax
from jax.experimental import pallas as pl
from jax.experimental.pallas import tpu as pltpu
from jax.experimental.pallas import tpu_sc as plsc


def _make_sc_kernel(B, T, D):
    info = plsc.get_sparse_core_info()
    NC, NS = info.num_cores, info.num_subcores
    NW = NC * NS
    total = B * T * D
    per_w = total // NW
    CH = 49152
    n_chunks = per_w // CH
    UNROLL = 16
    mesh = plsc.VectorSubcoreMesh(core_axis_name="c", subcore_axis_name="s")

    @functools.partial(
        pl.kernel,
        mesh=mesh,
        out_type=jax.ShapeDtypeStruct((total,), jnp.float32),
        scratch_types=[
            pltpu.VMEM((CH,), jnp.float32),
            pltpu.VMEM((CH,), jnp.float32),
        ],
    )
    def k(x_hbm, r_hbm, out_hbm, xbuf, rbuf):
        wid = lax.axis_index("s") * NC + lax.axis_index("c")
        base = wid * per_w
        rbase = base % (T * D)
        for c in range(n_chunks):
            off = base + c * CH
            roff = rbase + c * CH
            pltpu.sync_copy(x_hbm.at[pl.ds(off, CH)], xbuf)
            pltpu.sync_copy(r_hbm.at[pl.ds(roff, CH)], rbuf)

            def body(n, _):
                s = n * (16 * UNROLL)
                for u in range(UNROLL):
                    sl = pl.ds(s + u * 16, 16)
                    xbuf[sl] = xbuf[sl] + rbuf[sl]
                return 0

            lax.fori_loop(0, CH // (16 * UNROLL), body, 0)
            pltpu.sync_copy(xbuf, out_hbm.at[pl.ds(off, CH)])

    return k


def kernel(x, rank_emb):
    B, T, D = x.shape
    k = _make_sc_kernel(B, T, D)
    out = k(x.reshape(-1), rank_emb[:T].reshape(-1))
    return out.reshape(B, T, D)

# --- scband reference (transcript-rebuilt; emitter-appended) ---
"""Pipeline reference for scband-positional-encoding-50749333570164 (READ-ONLY COPY).

The authoritative reference and input builder live on the scoring server;
editing this copy changes nothing except your own understanding.
"""

import jax, jax.numpy as jnp
import numpy as np

D_MODEL = 768
MAX_LEN = 8192
B, T = 4, 8192

def setup_inputs(seed: int = 0) -> dict:
    key = jax.random.key(seed)
    k1, k2 = jax.random.split(key)
    x = jax.random.normal(k1, (B, T, D_MODEL), dtype=jnp.float32)
    rank_emb = jax.random.normal(k2, (MAX_LEN, D_MODEL), dtype=jnp.float32) * 0.02
    return {"x": x, "rank_emb": rank_emb}

def reference(x, rank_emb):
    Bb, Tt, Dd = x.shape
    idx = jnp.arange(Tt)
    idx = jnp.broadcast_to(idx[None, :], (Bb, Tt))
    pos = jnp.take(rank_emb, idx, axis=0)  # [B, T, D]
    return x + pos

if __name__ == "__main__":
    import jax
    _d = setup_inputs()
    print(jax.jit(kernel)(*tuple(_d.values())))

</pallas_src>

<mosaic_0001>
#map = affine_map<(d0, d1) -> (0)>
module attributes {stable_mosaic.version = 14 : i64} {
  func.func @k(%arg0: i32, %arg1: i32, %arg2: memref<25165824xf32, #tpu.memory_space<hbm>>, %arg3: memref<6291456xf32, #tpu.memory_space<hbm>>, %arg4: memref<25165824xf32, #tpu.memory_space<hbm>>, %arg5: memref<49152xf32, #tpu.memory_space<vmem>>, %arg6: memref<49152xf32, #tpu.memory_space<vmem>>) attributes {dimension_semantics = [#tpu.dimension_semantics<core_parallel>, #tpu.dimension_semantics<subcore_parallel>], iteration_bounds = array<i64: 2, 16>, scalar_prefetch = 0 : i64, scratch_operands = 2 : i64, tpu.core_type = #tpu.core_type<sc_vector_subcore>, window_params = [{transform_indices = #map}, {transform_indices = #map}, {transform_indices = #map}]} {
    %mul3A = arith.constant 2 : i32
    %mul3A_0 = arith.muli %arg1, %mul3A : i32
    %add3A = arith.addi %mul3A_0, %arg0 : i32
    %mul3A_1 = arith.constant 786432 : i32
    %mul3A_2 = arith.muli %add3A, %mul3A_1 : i32
    %jit3A = arith.constant 6291456 : i32
    %eq3A = arith.constant 0 : i32
    %eq3A_3 = arith.cmpi eq, %jit3A, %eq3A : i32
    %jit3A_4 = arith.constant 1 : i32
    %select_n3A = arith.select %eq3A_3, %jit3A_4, %jit3A : i32
    %rem3A = arith.remsi %mul3A_2, %select_n3A : i32
    %ne3A = arith.constant 0 : i32
    %ne3A_5 = arith.cmpi ne, %rem3A, %ne3A : i32
    %lt3A = arith.constant 0 : i32
    %lt3A_6 = arith.cmpi slt, %rem3A, %lt3A : i32
    %lt3A_7 = arith.constant 0 : i32
    %lt3A_8 = arith.cmpi slt, %select_n3A, %lt3A_7 : i32
    %ne3A_9 = arith.xori %lt3A_6, %lt3A_8 : i1
    %and3A = arith.andi %ne3A_9, %ne3A_5 : i1
    %add3A_10 = arith.addi %rem3A, %select_n3A : i32
    %select_n3A_11 = arith.select %and3A, %add3A_10, %rem3A : i32
    %add3A_12 = arith.constant 0 : i32
    %add3A_13 = arith.addi %mul3A_2, %add3A_12 : i32
    %add3A_14 = arith.constant 0 : i32
    %add3A_15 = arith.addi %select_n3A_11, %add3A_14 : i32
    "tpu.region"() ({
      %run_scoped3A = tpu.sem_alloc : memref<!tpu.dma_semaphore, #tpu.memory_space<semaphore_mem>>
      %dma_start3A = tpu.memref_slice %arg2[%add3A_13] : memref<25165824xf32, #tpu.memory_space<hbm>> -> memref<49152xf32, #tpu.memory_space<hbm>>
      %dma_start3A_187 = tpu.memref_slice %arg2[%add3A_13] : memref<25165824xf32, #tpu.memory_space<hbm>> -> memref<49152xf32, #tpu.memory_space<hbm>>
      tpu.enqueue_dma source(%dma_start3A_187 : memref<49152xf32, #tpu.memory_space<hbm>>) target(%arg5 : memref<49152xf32, #tpu.memory_space<vmem>>) target_semaphore(%run_scoped3A : memref<!tpu.dma_semaphore, #tpu.memory_space<semaphore_mem>>)
      %dma_wait3A = tpu.memref_slice %arg2[%add3A_13] : memref<25165824xf32, #tpu.memory_space<hbm>> -> memref<49152xf32, #tpu.memory_space<hbm>>
      %dma_wait3A_188 = tpu.memref_slice %arg2[%add3A_13] : memref<25165824xf32, #tpu.memory_space<hbm>> -> memref<49152xf32, #tpu.memory_space<hbm>>
      tpu.wait_dma2 semaphore(%run_scoped3A : memref<!tpu.dma_semaphore, #tpu.memory_space<semaphore_mem>>) src(%dma_wait3A_188 : memref<49152xf32, #tpu.memory_space<hbm>>) dst(%arg5 : memref<49152xf32, #tpu.memory_space<vmem>>)
      tpu.yield
    }) : () -> ()
    "tpu.region"() ({
      %run_scoped3A = tpu.sem_alloc : memref<!tpu.dma_semaphore, #tpu.memory_space<semaphore_mem>>
      %dma_start3A = tpu.memref_slice %arg3[%add3A_15] : memref<6291456xf32, #tpu.memory_space<hbm>> -> memref<49152xf32, #tpu.memory_space<hbm>>
      %dma_start3A_187 = tpu.memref_slice %arg3[%add3A_15] : memref<6291456xf32, #tpu.memory_space<hbm>> -> memref<49152xf32, #tpu.memory_space<hbm>>
      tpu.enqueue_dma source(%dma_start3A_187 : memref<49152xf32, #tpu.memory_space<hbm>>) target(%arg6 : memref<49152xf32, #tpu.memory_space<vmem>>) target_semaphore(%run_scoped3A : memref<!tpu.dma_semaphore, #tpu.memory_space<semaphore_mem>>)
      %dma_wait3A = tpu.memref_slice %arg3[%add3A_15] : memref<6291456xf32, #tpu.memory_space<hbm>> -> memref<49152xf32, #tpu.memory_space<hbm>>
      %dma_wait3A_188 = tpu.memref_slice %arg3[%add3A_15] : memref<6291456xf32, #tpu.memory_space<hbm>> -> memref<49152xf32, #tpu.memory_space<hbm>>
      tpu.wait_dma2 semaphore(%run_scoped3A : memref<!tpu.dma_semaphore, #tpu.memory_space<semaphore_mem>>) src(%dma_wait3A_188 : memref<49152xf32, #tpu.memory_space<hbm>>) dst(%arg6 : memref<49152xf32, #tpu.memory_space<vmem>>)
      tpu.yield
    }) : () -> ()
    %scan3A = arith.constant 0 : i32
    %scan3A_16 = arith.constant 0 : i32
    %scan3A_17 = arith.constant 192 : i32
    %scan3A_18 = arith.addi %scan3A_16, %scan3A_17 : i32
    %scan3A_19 = arith.constant 1 : i32
    %scan3A_20 = scf.for %scan3A_187 = %scan3A_16 to %scan3A_18 step %scan3A_19 iter_args(%scan3A_188 = %scan3A) -> (i32)  : i32 {
      %mul3A_189 = arith.constant 256 : i32
      %mul3A_190 = arith.muli %scan3A_187, %mul3A_189 : i32
      %add3A_191 = arith.constant 0 : i32
      %add3A_192 = arith.addi %mul3A_190, %add3A_191 : i32
      %get3A = arith.index_cast %add3A_192 : i32 to index
      %get3A_193 = tpu.vector_load %arg5[%get3A] {strides = array<i32>} : memref<49152xf32, #tpu.memory_space<vmem>>, vector<16xf32>,
      %get3A_194 = vector.shape_cast %get3A_193 : vector<16xf32> to vector<16xf32>
      %get3A_195 = arith.index_cast %add3A_192 : i32 to index
      %get3A_196 = tpu.vector_load %arg6[%get3A_195] {strides = array<i32>} : memref<49152xf32, #tpu.memory_space<vmem>>, vector<16xf32>,
      %get3A_197 = vector.shape_cast %get3A_196 : vector<16xf32> to vector<16xf32>
      %add3A_198 = arith.addf %get3A_194, %get3A_197 : vector<16xf32>
      %swap3A = arith.index_cast %add3A_192 : i32 to index
      %swap3A_199 = tpu.vector_load %arg5[%swap3A] {strides = array<i32>} : memref<49152xf32, #tpu.memory_space<vmem>>, vector<16xf32>,
      %swap3A_200 = vector.shape_cast %swap3A_199 : vector<16xf32> to vector<16xf32>
      %swap3A_201 = vector.shape_cast %add3A_198 : vector<16xf32> to vector<16xf32>
      tpu.vector_store %arg5[%swap3A], %swap3A_201 {strides = array<i32>} : memref<49152xf32, #tpu.memory_space<vmem>>, vector<16xf32>,
      %add3A_202 = arith.constant 16 : i32
      %add3A_203 = arith.addi %mul3A_190, %add3A_202 : i32
      %get3A_204 = arith.index_cast %add3A_203 : i32 to index
      %get3A_205 = tpu.vector_load %arg5[%get3A_204] {strides = array<i32>} : memref<49152xf32, #tpu.memory_space<vmem>>, vector<16xf32>,
      %get3A_206 = vector.shape_cast %get3A_205 : vector<16xf32> to vector<16xf32>
      %get3A_207 = arith.index_cast %add3A_203 : i32 to index
      %get3A_208 = tpu.vector_load %arg6[%get3A_207] {strides = array<i32>} : memref<49152xf32, #tpu.memory_space<vmem>>, vector<16xf32>,
      %get3A_209 = vector.shape_cast %get3A_208 : vector<16xf32> to vector<16xf32>
      %add3A_210 = arith.addf %get3A_206, %get3A_209 : vector<16xf32>
      %swap3A_211 = arith.index_cast %add3A_203 : i32 to index
      %swap3A_212 = tpu.vector_load %arg5[%swap3A_211] {strides = array<i32>} : memref<49152xf32, #tpu.memory_space<vmem>>, vector<16xf32>,
      %swap3A_213 = vector.shape_cast %swap3A_212 : vector<16xf32> to vector<16xf32>
      %swap3A_214 = vector.shape_cast %add3A_210 : vector<16xf32> to vector<16xf32>
      tpu.vector_store %arg5[%swap3A_211], %swap3A_214 {strides = array<i32>} : memref<49152xf32, #tpu.memory_space<vmem>>, vector<16xf32>,
      %add3A_215 = arith.constant 32 : i32
      %add3A_216 = arith.addi %mul3A_190, %add3A_215 : i32
      %get3A_217 = arith.index_cast %add3A_216 : i32 to index
      %get3A_218 = tpu.vector_load %arg5[%get3A_217] {strides = array<i32>} : memref<49152xf32, #tpu.memory_space<vmem>>, vector<16xf32>,
      %get3A_219 = vector.shape_cast %get3A_218 : vector<16xf32> to vector<16xf32>
      %get3A_220 = arith.index_cast %add3A_216 : i32 to index
      %get3A_221 = tpu.vector_load %arg6[%get3A_220] {strides = array<i32>} : memref<49152xf32, #tpu.memory_space<vmem>>, vector<16xf32>,
      %get3A_222 = vector.shape_cast %get3A_221 : vector<16xf32> to vector<16xf32>
      %add3A_223 = arith.addf %get3A_219, %get3A_222 : vector<16xf32>
      %swap3A_224 = arith.index_cast %add3A_216 : i32 to index
      %swap3A_225 = tpu.vector_load %arg5[%swap3A_224] {strides = array<i32>} : memref<49152xf32, #tpu.memory_space<vmem>>, vector<16xf32>,
      %swap3A_226 = vector.shape_cast %swap3A_225 : vector<16xf32> to vector<16xf32>
      %swap3A_227 = vector.shape_cast %add3A_223 : vector<16xf32> to vector<16xf32>
      tpu.vector_store %arg5[%swap3A_224], %swap3A_227 {strides = array<i32>} : memref<49152xf32, #tpu.memory_space<vmem>>, vector<16xf32>,
      %add3A_228 = arith.constant 48 : i32
      %add3A_229 = arith.addi %mul3A_190, %add3A_228 : i32
      %get3A_230 = arith.index_cast %add3A_229 : i32 to index
      %get3A_231 = tpu.vector_load %arg5[%get3A_230] {strides = array<i32>} : memref<49152xf32, #tpu.memory_space<vmem>>, vector<16xf32>,
      %get3A_232 = vector.shape_cast %get3A_231 : vector<16xf32> to vector<16xf32>
      %get3A_233 = arith.index_cast %add3A_229 : i32 to index
      %get3A_234 = tpu.vector_load %arg6[%get3A_233] {strides = array<i32>} : memref<49152xf32, #tpu.memory_space<vmem>>, vector<16xf32>,
      %get3A_235 = vector.shape_cast %get3A_234 : vector<16xf32> to vector<16xf32>
      %add3A_236 = arith.addf %get3A_232, %get3A_235 : vector<16xf32>
      %swap3A_237 = arith.index_cast %add3A_229 : i32 to index
      %swap3A_238 = tpu.vector_load %arg5[%swap3A_237] {strides = array<i32>} : memref<49152xf32, #tpu.memory_space<vmem>>, vector<16xf32>,
      %swap3A_239 = vector.shape_cast %swap3A_238 : vector<16xf32> to vector<16xf32>
      %swap3A_240 = vector.shape_cast %add3A_236 : vector<16xf32> to vector<16xf32>
      tpu.vector_store %arg5[%swap3A_237], %swap3A_240 {strides = array<i32>} : memref<49152xf32, #tpu.memory_space<vmem>>, vector<16xf32>,
      %add3A_241 = arith.constant 64 : i32
      %add3A_242 = arith.addi %mul3A_190, %add3A_241 : i32
      %get3A_243 = arith.index_cast %add3A_242 : i32 to index
      %get3A_244 = tpu.vector_load %arg5[%get3A_243] {strides = array<i32>} : memref<49152xf32, #tpu.memory_space<vmem>>, vector<16xf32>,
      %get3A_245 = vector.shape_cast %get3A_244 : vector<16xf32> to vector<16xf32>
      %get3A_246 = arith.index_cast %add3A_242 : i32 to index
      %get3A_247 = tpu.vector_load %arg6[%get3A_246] {strides = array<i32>} : memref<49152xf32, #tpu.memory_space<vmem>>, vector<16xf32>,
      %get3A_248 = vector.shape_cast %get3A_247 : vector<16xf32> to vector<16xf32>
      %add3A_249 = arith.addf %get3A_245, %get3A_248 : vector<16xf32>
      %swap3A_250 = arith.index_cast %add3A_242 : i32 to index
      %swap3A_251 = tpu.vector_load %arg5[%swap3A_250] {strides = array<i32>} : memref<49152xf32, #tpu.memory_space<vmem>>, vector<16xf32>,
      %swap3A_252 = vector.shape_cast %swap3A_251 : vector<16xf32> to vector<16xf32>
      %swap3A_253 = vector.shape_cast %add3A_249 : vector<16xf32> to vector<16xf32>
      tpu.vector_store %arg5[%swap3A_250], %swap3A_253 {strides = array<i32>} : memref<49152xf32, #tpu.memory_space<vmem>>, vector<16xf32>,
      %add3A_254 = arith.constant 80 : i32
      %add3A_255 = arith.addi %mul3A_190, %add3A_254 : i32
      %get3A_256 = arith.index_cast %add3A_255 : i32 to index
      %get3A_257 = tpu.vector_load %arg5[%get3A_256] {strides = array<i32>} : memref<49152xf32, #tpu.memory_space<vmem>>, vector<16xf32>,
      %get3A_258 = vector.shape_cast %get3A_257 : vector<16xf32> to vector<16xf32>
      %get3A_259 = arith.index_cast %add3A_255 : i32 to index
      %get3A_260 = tpu.vector_load %arg6[%get3A_259] {strides = array<i32>} : memref<49152xf32, #tpu.memory_space<vmem>>, vector<16xf32>,
      %get3A_261 = vector.shape_cast %get3A_260 : vector<16xf32> to vector<16xf32>
      %add3A_262 = arith.addf %get3A_258, %get3A_261 : vector<16xf32>
      %swap3A_263 = arith.index_cast %add3A_255 : i32 to index
      %swap3A_264 = tpu.vector_load %arg5[%swap3A_263] {strides = array<i32>} : memref<49152xf32, #tpu.memory_space<vmem>>, vector<16xf32>,
      %swap3A_265 = vector.shape_cast %swap3A_264 : vector<16xf32> to vector<16xf32>
      %swap3A_266 = vector.shape_cast %add3A_262 : vector<16xf32> to vector<16xf32>
      tpu.vector_store %arg5[%swap3A_263], %swap3A_266 {strides = array<i32>} : memref<49152xf32, #tpu.memory_space<vmem>>, vector<16xf32>,
      %add3A_267 = arith.constant 96 : i32
      %add3A_268 = arith.addi %mul3A_190, %add3A_267 : i32
      %get3A_269 = arith.index_cast %add3A_268 : i32 to index
      %get3A_270 = tpu.vector_load %arg5[%get3A_269] {strides = array<i32>} : memref<49152xf32, #tpu.memory_space<vmem>>, vector<16xf32>,
      %get3A_271 = vector.shape_cast %get3A_270 : vector<16xf32> to vector<16xf32>
      %get3A_272 = arith.index_cast %add3A_268 : i32 to index
      %get3A_273 = tpu.vector_load %arg6[%get3A_272] {strides = array<i32>} : memref<49152xf32, #tpu.memory_space<vmem>>, vector<16xf32>,
      %get3A_274 = vector.shape_cast %get3A_273 : vector<16xf32> to vector<16xf32>
      %add3A_275 = arith.addf %get3A_271, %get3A_274 : vector<16xf32>
      %swap3A_276 = arith.index_cast %add3A_268 : i32 to index
      %swap3A_277 = tpu.vector_load %arg5[%swap3A_276] {strides = array<i32>} : memref<49152xf32, #tpu.memory_space<vmem>>, vector<16xf32>,
      %swap3A_278 = vector.shape_cast %swap3A_277 : vector<16xf32> to vector<16xf32>
      %swap3A_279 = vector.shape_cast %add3A_275 : vector<16xf32> to vector<16xf32>
      tpu.vector_store %arg5[%swap3A_276], %swap3A_279 {strides = array<i32>} : memref<49152xf32, #tpu.memory_space<vmem>>, vector<16xf32>,
      %add3A_280 = arith.constant 112 : i32
      %add3A_281 = arith.addi %mul3A_190, %add3A_280 : i32
      %get3A_282 = arith.index_cast %add3A_281 : i32 to index
      %get3A_283 = tpu.vector_load %arg5[%get3A_282] {strides = array<i32>} : memref<49152xf32, #tpu.memory_space<vmem>>, vector<16xf32>,
      %get3A_284 = vector.shape_cast %get3A_283 : vector<16xf32> to vector<16xf32>
      %get3A_285 = arith.index_cast %add3A_281 : i32 to index
      %get3A_286 = tpu.vector_load %arg6[%get3A_285] {strides = array<i32>} : memref<49152xf32, #tpu.memory_space<vmem>>, vector<16xf32>,
      %get3A_287 = vector.shape_cast %get3A_286 : vector<16xf32> to vector<16xf32>
      %add3A_288 = arith.addf %get3A_284, %get3A_287 : vector<16xf32>
      %swap3A_289 = arith.index_cast %add3A_281 : i32 to index
      %swap3A_290 = tpu.vector_load %arg5[%swap3A_289] {strides = array<i32>} : memref<49152xf32, #tpu.memory_space<vmem>>, vector<16xf32>,
      %swap3A_291 = vector.shape_cast %swap3A_290 : vector<16xf32> to vector<16xf32>
      %swap3A_292 = vector.shape_cast %add3A_288 : vector<16xf32> to vector<16xf32>
      tpu.vector_store %arg5[%swap3A_289], %swap3A_292 {strides = array<i32>} : memref<49152xf32, #tpu.memory_space<vmem>>, vector<16xf32>,
      %add3A_293 = arith.constant 128 : i32
      %add3A_294 = arith.addi %mul3A_190, %add3A_293 : i32
      %get3A_295 = arith.index_cast %add3A_294 : i32 to index
      %get3A_296 = tpu.vector_load %arg5[%get3A_295] {strides = array<i32>} : memref<49152xf32, #tpu.memory_space<vmem>>, vector<16xf32>,
      %get3A_297 = vector.shape_cast %get3A_296 : vector<16xf32> to vector<16xf32>
      %get3A_298 = arith.index_cast %add3A_294 : i32 to index
      %get3A_299 = tpu.vector_load %arg6[%get3A_298] {strides = array<i32>} : memref<49152xf32, #tpu.memory_space<vmem>>, vector<16xf32>,
      %get3A_300 = vector.shape_cast %get3A_299 : vector<16xf32> to vector<16xf32>
      %add3A_301 = arith.addf %get3A_297, %get3A_300 : vector<16xf32>
      %swap3A_302 = arith.index_cast %add3A_294 : i32 to index
      %swap3A_303 = tpu.vector_load %arg5[%swap3A_302] {strides = array<i32>} : memref<49152xf32, #tpu.memory_space<vmem>>, vector<16xf32>,
      %swap3A_304 = vector.shape_cast %swap3A_303 : vector<16xf32> to vector<16xf32>
      %swap3A_305 = vector.shape_cast %add3A_301 : vector<16xf32> to vector<16xf32>
      tpu.vector_store %arg5[%swap3A_302], %swap3A_305 {strides = array<i32>} : memref<49152xf32, #tpu.memory_space<vmem>>, vector<16xf32>,
      %add3A_306 = arith.constant 144 : i32
      %add3A_307 = arith.addi %mul3A_190, %add3A_306 : i32
      %get3A_308 = arith.index_cast %add3A_307 : i32 to index
      %get3A_309 = tpu.vector_load %arg5[%get3A_308] {strides = array<i32>} : memref<49152xf32, #tpu.memory_space<vmem>>, vector<16xf32>,
      %get3A_310 = vector.shape_cast %get3A_309 : vector<16xf32> to vector<16xf32>
      %get3A_311 = arith.index_cast %add3A_307 : i32 to index
      %get3A_312 = tpu.vector_load %arg6[%get3A_311] {strides = array<i32>} : memref<49152xf32, #tpu.memory_space<vmem>>, vector<16xf32>,
      %get3A_313 = vector.shape_cast %get3A_312 : vector<16xf32> to vector<16xf32>
      %add3A_314 = arith.addf %get3A_310, %get3A_313 : vector<16xf32>
      %swap3A_315 = arith.index_cast %add3A_307 : i32 to index
      %swap3A_316 = tpu.vector_load %arg5[%swap3A_315] {strides = array<i32>} : memref<49152xf32, #tpu.memory_space<vmem>>, vector<16xf32>,
      %swap3A_317 = vector.shape_cast %swap3A_316 : vector<16xf32> to vector<16xf32>
      %swap3A_318 = vector.shape_cast %add3A_314 : vector<16xf32> to vector<16xf32>
      tpu.vector_store %arg5[%swap3A_315], %swap3A_318 {strides = array<i32>} : memref<49152xf32, #tpu.memory_space<vmem>>, vector<16xf32>,
      %add3A_319 = arith.constant 160 : i32
      %add3A_320 = arith.addi %mul3A_190, %add3A_319 : i32
      %get3A_321 = arith.index_cast %add3A_320 : i32 to index
      %get3A_322 = tpu.vector_load %arg5[%get3A_321] {strides = array<i32>} : memref<49152xf32, #tpu.memory_space<vmem>>, vector<16xf32>,
      %get3A_323 = vector.shape_cast %get3A_322 : vector<16xf32> to vector<16xf32>
      %get3A_324 = arith.index_cast %add3A_320 : i32 to index
      %get3A_325 = tpu.vector_load %arg6[%get3A_324] {strides = array<i32>} : memref<49152xf32, #tpu.memory_space<vmem>>, vector<16xf32>,
      %get3A_326 = vector.shape_cast %get3A_325 : vector<16xf32> to vector<16xf32>
      %add3A_327 = arith.addf %get3A_323, %get3A_326 : vector<16xf32>
      %swap3A_328 = arith.index_cast %add3A_320 : i32 to index
      %swap3A_329 = tpu.vector_load %arg5[%swap3A_328] {strides = array<i32>} : memref<49152xf32, #tpu.memory_space<vmem>>, vector<16xf32>,
      %swap3A_330 = vector.shape_cast %swap3A_329 : vector<16xf32> to vector<16xf32>
      %swap3A_331 = vector.shape_cast %add3A_327 : vector<16xf32> to vector<16xf32>
      tpu.vector_store %arg5[%swap3A_328], %swap3A_331 {strides = array<i32>} : memref<49152xf32, #tpu.memory_space<vmem>>, vector<16xf32>,
      %add3A_332 = arith.constant 176 : i32
      %add3A_333 = arith.addi %mul3A_190, %add3A_332 : i32
      %get3A_334 = arith.index_cast %add3A_333 : i32 to index
      %get3A_335 = tpu.vector_load %arg5[%get3A_334] {strides = array<i32>} : memref<49152xf32, #tpu.memory_space<vmem>>, vector<16xf32>,
      %get3A_336 = vector.shape_cast %get3A_335 : vector<16xf32> to vector<16xf32>
      %get3A_337 = arith.index_cast %add3A_333 : i32 to index
      %get3A_338 = tpu.vector_load %arg6[%get3A_337] {strides = array<i32>} : memref<49152xf32, #tpu.memory_space<vmem>>, vector<16xf32>,
      %get3A_339 = vector.shape_cast %get3A_338 : vector<16xf32> to vector<16xf32>
      %add3A_340 = arith.addf %get3A_336, %get3A_339 : vector<16xf32>
      %swap3A_341 = arith.index_cast %add3A_333 : i32 to index
      %swap3A_342 = tpu.vector_load %arg5[%swap3A_341] {strides = array<i32>} : memref<49152xf32, #tpu.memory_space<vmem>>, vector<16xf32>,
      %swap3A_343 = vector.shape_cast %swap3A_342 : vector<16xf32> to vector<16xf32>
      %swap3A_344 = vector.shape_cast %add3A_340 : vector<16xf32> to vector<16xf32>
      tpu.vector_store %arg5[%swap3A_341], %swap3A_344 {strides = array<i32>} : memref<49152xf32, #tpu.memory_space<vmem>>, vector<16xf32>,
      %add3A_345 = arith.constant 192 : i32
      %add3A_346 = arith.addi %mul3A_190, %add3A_345 : i32
      %get3A_347 = arith.index_cast %add3A_346 : i32 to index
      %get3A_348 = tpu.vector_load %arg5[%get3A_347] {strides = array<i32>} : memref<49152xf32, #tpu.memory_space<vmem>>, vector<16xf32>,
      %get3A_349 = vector.shape_cast %get3A_348 : vector<16xf32> to vector<16xf32>
      %get3A_350 = arith.index_cast %add3A_346 : i32 to index
      %get3A_351 = tpu.vector_load %arg6[%get3A_350] {strides = array<i32>} : memref<49152xf32, #tpu.memory_space<vmem>>, vector<16xf32>,
      %get3A_352 = vector.shape_cast %get3A_351 : vector<16xf32> to vector<16xf32>
      %add3A_353 = arith.addf %get3A_349, %get3A_352 : vector<16xf32>
      %swap3A_354 = arith.index_cast %add3A_346 : i32 to index
      %swap3A_355 = tpu.vector_load %arg5[%swap3A_354] {strides = array<i32>} : memref<49152xf32, #tpu.memory_space<vmem>>, vector<16xf32>,
      %swap3A_356 = vector.shape_cast %swap3A_355 : vector<16xf32> to vector<16xf32>
      %swap3A_357 = vector.shape_cast %add3A_353 : vector<16xf32> to vector<16xf32>
      tpu.vector_store %arg5[%swap3A_354], %swap3A_357 {strides = array<i32>} : memref<49152xf32, #tpu.memory_space<vmem>>, vector<16xf32>,
      %add3A_358 = arith.constant 208 : i32
      %add3A_359 = arith.addi %mul3A_190, %add3A_358 : i32
      %get3A_360 = arith.index_cast %add3A_359 : i32 to index
      %get3A_361 = tpu.vector_load %arg5[%get3A_360] {strides = array<i32>} : memref<49152xf32, #tpu.memory_space<vmem>>, vector<16xf32>,
      %get3A_362 = vector.shape_cast %get3A_361 : vector<16xf32> to vector<16xf32>
      %get3A_363 = arith.index_cast %add3A_359 : i32 to index
      %get3A_364 = tpu.vector_load %arg6[%get3A_363] {strides = array<i32>} : memref<49152xf32, #tpu.memory_space<vmem>>, vector<16xf32>,
      %get3A_365 = vector.shape_cast %get3A_364 : vector<16xf32> to vector<16xf32>
      %add3A_366 = arith.addf %get3A_362, %get3A_365 : vector<16xf32>
      %swap3A_367 = arith.index_cast %add3A_359 : i32 to index
      %swap3A_368 = tpu.vector_load %arg5[%swap3A_367] {strides = array<i32>} : memref<49152xf32, #tpu.memory_space<vmem>>, vector<16xf32>,
      %swap3A_369 = vector.shape_cast %swap3A_368 : vector<16xf32> to vector<16xf32>
      %swap3A_370 = vector.shape_cast %add3A_366 : vector<16xf32> to vector<16xf32>
      tpu.vector_store %arg5[%swap3A_367], %swap3A_370 {strides = array<i32>} : memref<49152xf32, #tpu.memory_space<vmem>>, vector<16xf32>,
      %add3A_371 = arith.constant 224 : i32
      %add3A_372 = arith.addi %mul3A_190, %add3A_371 : i32
      %get3A_373 = arith.index_cast %add3A_372 : i32 to index
      %get3A_374 = tpu.vector_load %arg5[%get3A_373] {strides = array<i32>} : memref<49152xf32, #tpu.memory_space<vmem>>, vector<16xf32>,
      %get3A_375 = vector.shape_cast %get3A_374 : vector<16xf32> to vector<16xf32>
      %get3A_376 = arith.index_cast %add3A_372 : i32 to index
      %get3A_377 = tpu.vector_load %arg6[%get3A_376] {strides = array<i32>} : memref<49152xf32, #tpu.memory_space<vmem>>, vector<16xf32>,
      %get3A_378 = vector.shape_cast %get3A_377 : vector<16xf32> to vector<16xf32>
      %add3A_379 = arith.addf %get3A_375, %get3A_378 : vector<16xf32>
      %swap3A_380 = arith.index_cast %add3A_372 : i32 to index
      %swap3A_381 = tpu.vector_load %arg5[%swap3A_380] {strides = array<i32>} : memref<49152xf32, #tpu.memory_space<vmem>>, vector<16xf32>,
      %swap3A_382 = vector.shape_cast %swap3A_381 : vector<16xf32> to vector<16xf32>
      %swap3A_383 = vector.shape_cast %add3A_379 : vector<16xf32> to vector<16xf32>
      tpu.vector_store %arg5[%swap3A_380], %swap3A_383 {strides = array<i32>} : memref<49152xf32, #tpu.memory_space<vmem>>, vector<16xf32>,
      %add3A_384 = arith.constant 240 : i32
      %add3A_385 = arith.addi %mul3A_190, %add3A_384 : i32
      %get3A_386 = arith.index_cast %add3A_385 : i32 to index
      %get3A_387 = tpu.vector_load %arg5[%get3A_386] {strides = array<i32>} : memref<49152xf32, #tpu.memory_space<vmem>>, vector<16xf32>,
      %get3A_388 = vector.shape_cast %get3A_387 : vector<16xf32> to vector<16xf32>
      %get3A_389 = arith.index_cast %add3A_385 : i32 to index
      %get3A_390 = tpu.vector_load %arg6[%get3A_389] {strides = array<i32>} : memref<49152xf32, #tpu.memory_space<vmem>>, vector<16xf32>,
      %get3A_391 = vector.shape_cast %get3A_390 : vector<16xf32> to vector<16xf32>
      %add3A_392 = arith.addf %get3A_388, %get3A_391 : vector<16xf32>
      %swap3A_393 = arith.index_cast %add3A_385 : i32 to index
      %swap3A_394 = tpu.vector_load %arg5[%swap3A_393] {strides = array<i32>} : memref<49152xf32, #tpu.memory_space<vmem>>, vector<16xf32>,
      %swap3A_395 = vector.shape_cast %swap3A_394 : vector<16xf32> to vector<16xf32>
      %swap3A_396 = vector.shape_cast %add3A_392 : vector<16xf32> to vector<16xf32>
      tpu.vector_store %arg5[%swap3A_393], %swap3A_396 {strides = array<i32>} : memref<49152xf32, #tpu.memory_space<vmem>>, vector<16xf32>,
      %scan3A_397 = arith.constant 0 : i32
      scf.yield %scan3A_397 : i32
    }
    %scan3A_21 = arith.constant 192 : i32
    "tpu.region"() ({
      %run_scoped3A = tpu.sem_alloc : memref<!tpu.dma_semaphore, #tpu.memory_space<semaphore_mem>>
      %dma_start3A = tpu.memref_slice %arg4[%add3A_13] : memref<25165824xf32, #tpu.memory_space<hbm>> -> memref<49152xf32, #tpu.memory_space<hbm>>
      %dma_start3A_187 = tpu.memref_slice %arg4[%add3A_13] : memref<25165824xf32, #tpu.memory_space<hbm>> -> memref<49152xf32, #tpu.memory_space<hbm>>
      tpu.enqueue_dma source(%arg5 : memref<49152xf32, #tpu.memory_space<vmem>>) target(%dma_start3A_187 : memref<49152xf32, #tpu.memory_space<hbm>>) target_semaphore(%run_scoped3A : memref<!tpu.dma_semaphore, #tpu.memory_space<semaphore_mem>>)
      %dma_wait3A = tpu.memref_slice %arg4[%add3A_13] : memref<25165824xf32, #tpu.memory_space<hbm>> -> memref<49152xf32, #tpu.memory_space<hbm>>
      %dma_wait3A_188 = tpu.memref_slice %arg4[%add3A_13] : memref<25165824xf32, #tpu.memory_space<hbm>> -> memref<49152xf32, #tpu.memory_space<hbm>>
      tpu.wait_dma2 semaphore(%run_scoped3A : memref<!tpu.dma_semaphore, #tpu.memory_space<semaphore_mem>>) src(%arg5 : memref<49152xf32, #tpu.memory_space<vmem>>) dst(%dma_wait3A_188 : memref<49152xf32, #tpu.memory_space<hbm>>)
      tpu.yield
    }) : () -> ()
    %add3A_22 = arith.constant 49152 : i32
    %add3A_23 = arith.addi %mul3A_2, %add3A_22 : i32
    %add3A_24 = arith.constant 49152 : i32
    %add3A_25 = arith.addi %select_n3A_11, %add3A_24 : i32
    "tpu.region"() ({
      %run_scoped3A = tpu.sem_alloc : memref<!tpu.dma_semaphore, #tpu.memory_space<semaphore_mem>>
      %dma_start3A = tpu.memref_slice %arg2[%add3A_23] : memref<25165824xf32, #tpu.memory_space<hbm>> -> memref<49152xf32, #tpu.memory_space<hbm>>
      %dma_start3A_187 = tpu.memref_slice %arg2[%add3A_23] : memref<25165824xf32, #tpu.memory_space<hbm>> -> memref<49152xf32, #tpu.memory_space<hbm>>
      tpu.enqueue_dma source(%dma_start3A_187 : memref<49152xf32, #tpu.memory_space<hbm>>) target(%arg5 : memref<49152xf32, #tpu.memory_space<vmem>>) target_semaphore(%run_scoped3A : memref<!tpu.dma_semaphore, #tpu.memory_space<semaphore_mem>>)
      %dma_wait3A = tpu.memref_slice %arg2[%add3A_23] : memref<25165824xf32, #tpu.memory_space<hbm>> -> memref<49152xf32, #tpu.memory_space<hbm>>
      %dma_wait3A_188 = tpu.memref_slice %arg2[%add3A_23] : memref<25165824xf32, #tpu.memory_space<hbm>> -> memref<49152xf32, #tpu.memory_space<hbm>>
      tpu.wait_dma2 semaphore(%run_scoped3A : memref<!tpu.dma_semaphore, #tpu.memory_space<semaphore_mem>>) src(%dma_wait3A_188 : memref<49152xf32, #tpu.memory_space<hbm>>) dst(%arg5 : memref<49152xf32, #tpu.memory_space<vmem>>)
      tpu.yield
    }) : () -> ()
    "tpu.region"() ({
      %run_scoped3A = tpu.sem_alloc : memref<!tpu.dma_semaphore, #tpu.memory_space<semaphore_mem>>
      %dma_start3A = tpu.memref_slice %arg3[%add3A_25] : memref<6291456xf32, #tpu.memory_space<hbm>> -> memref<49152xf32, #tpu.memory_space<hbm>>
      %dma_start3A_187 = tpu.memref_slice %arg3[%add3A_25] : memref<6291456xf32, #tpu.memory_space<hbm>> -> memref<49152xf32, #tpu.memory_space<hbm>>
      tpu.enqueue_dma source(%dma_start3A_187 : memref<49152xf32, #tpu.memory_space<hbm>>) target(%arg6 : memref<49152xf32, #tpu.memory_space<vmem>>) target_semaphore(%run_scoped3A : memref<!tpu.dma_semaphore, #tpu.memory_space<semaphore_mem>>)
      %dma_wait3A = tpu.memref_slice %arg3[%add3A_25] : memref<6291456xf32, #tpu.memory_space<hbm>> -> memref<49152xf32, #tpu.memory_space<hbm>>
      %dma_wait3A_188 = tpu.memref_slice %arg3[%add3A_25] : memref<6291456xf32, #tpu.memory_space<hbm>> -> memref<49152xf32, #tpu.memory_space<hbm>>
      tpu.wait_dma2 semaphore(%run_scoped3A : memref<!tpu.dma_semaphore, #tpu.memory_space<semaphore_mem>>) src(%dma_wait3A_188 : memref<49152xf32, #tpu.memory_space<hbm>>) dst(%arg6 : memref<49152xf32, #tpu.memory_space<vmem>>)
      tpu.yield
    }) : () -> ()
    %scan3A_26 = arith.constant 0 : i32
    %scan3A_27 = arith.constant 0 : i32
    %scan3A_28 = arith.constant 192 : i32
    %scan3A_29 = arith.addi %scan3A_27, %scan3A_28 : i32
    %scan3A_30 = arith.constant 1 : i32
    %scan3A_31 = scf.for %scan3A_187 = %scan3A_27 to %scan3A_29 step %scan3A_30 iter_args(%scan3A_188 = %scan3A_26) -> (i32)  : i32 {
      %mul3A_189 = arith.constant 256 : i32
      %mul3A_190 = arith.muli %scan3A_187, %mul3A_189 : i32
      %add3A_191 = arith.constant 0 : i32
      %add3A_192 = arith.addi %mul3A_190, %add3A_191 : i32
      %get3A = arith.index_cast %add3A_192 : i32 to index
      %get3A_193 = tpu.vector_load %arg5[%get3A] {strides = array<i32>} : memref<49152xf32, #tpu.memory_space<vmem>>, vector<16xf32>,
      %get3A_194 = vector.shape_cast %get3A_193 : vector<16xf32> to vector<16xf32>
      %get3A_195 = arith.index_cast %add3A_192 : i32 to index
      %get3A_196 = tpu.vector_load %arg6[%get3A_195] {strides = array<i32>} : memref<49152xf32, #tpu.memory_space<vmem>>, vector<16xf32>,
      %get3A_197 = vector.shape_cast %get3A_196 : vector<16xf32> to vector<16xf32>
      %add3A_198 = arith.addf %get3A_194, %get3A_197 : vector<16xf32>
      %swap3A = arith.index_cast %add3A_192 : i32 to index
      %swap3A_199 = tpu.vector_load %arg5[%swap3A] {strides = array<i32>} : memref<49152xf32, #tpu.memory_space<vmem>>, vector<16xf32>,
      %swap3A_200 = vector.shape_cast %swap3A_199 : vector<16xf32> to vector<16xf32>
      %swap3A_201 = vector.shape_cast %add3A_198 : vector<16xf32> to vector<16xf32>
      tpu.vector_store %arg5[%swap3A], %swap3A_201 {strides = array<i32>} : memref<49152xf32, #tpu.memory_space<vmem>>, vector<16xf32>,
      %add3A_202 = arith.constant 16 : i32
      %add3A_203 = arith.addi %mul3A_190, %add3A_202 : i32
      %get3A_204 = arith.index_cast %add3A_203 : i32 to index
      %get3A_205 = tpu.vector_load %arg5[%get3A_204] {strides = array<i32>} : memref<49152xf32, #tpu.memory_space<vmem>>, vector<16xf32>,
      %get3A_206 = vector.shape_cast %get3A_205 : vector<16xf32> to vector<16xf32>
      %get3A_207 = arith.index_cast %add3A_203 : i32 to index
      %get3A_208 = tpu.vector_load %arg6[%get3A_207] {strides = array<i32>} : memref<49152xf32, #tpu.memory_space<vmem>>, vector<16xf32>,
      %get3A_209 = vector.shape_cast %get3A_208 : vector<16xf32> to vector<16xf32>
      %add3A_210 = arith.addf %get3A_206, %get3A_209 : vector<16xf32>
      %swap3A_211 = arith.index_cast %add3A_203 : i32 to index
      %swap3A_212 = tpu.vector_load %arg5[%swap3A_211] {strides = array<i32>} : memref<49152xf32, #tpu.memory_space<vmem>>, vector<16xf32>,
      %swap3A_213 = vector.shape_cast %swap3A_212 : vector<16xf32> to vector<16xf32>
      %swap3A_214 = vector.shape_cast %add3A_210 : vector<16xf32> to vector<16xf32>
      tpu.vector_store %arg5[%swap3A_211], %swap3A_214 {strides = array<i32>} : memref<49152xf32, #tpu.memory_space<vmem>>, vector<16xf32>,
      %add3A_215 = arith.constant 32 : i32
      %add3A_216 = arith.addi %mul3A_190, %add3A_215 : i32
      %get3A_217 = arith.index_cast %add3A_216 : i32 to index
      %get3A_218 = tpu.vector_load %arg5[%get3A_217] {strides = array<i32>} : memref<49152xf32, #tpu.memory_space<vmem>>, vector<16xf32>,
      %get3A_219 = vector.shape_cast %get3A_218 : vector<16xf32> to vector<16xf32>
      %get3A_220 = arith.index_cast %add3A_216 : i32 to index
      %get3A_221 = tpu.vector_load %arg6[%get3A_220] {strides = array<i32>} : memref<49152xf32, #tpu.memory_space<vmem>>, vector<16xf32>,
      %get3A_222 = vector.shape_cast %get3A_221 : vector<16xf32> to vector<16xf32>
      %add3A_223 = arith.addf %get3A_219, %get3A_222 : vector<16xf32>
      %swap3A_224 = arith.index_cast %add3A_216 : i32 to index
      %swap3A_225 = tpu.vector_load %arg5[%swap3A_224] {strides = array<i32>} : memref<49152xf32, #tpu.memory_space<vmem>>, vector<16xf32>,
      %swap3A_226 = vector.shape_cast %swap3A_225 : vector<16xf32> to vector<16xf32>
      %swap3A_227 = vector.shape_cast %add3A_223 : vector<16xf32> to vector<16xf32>
      tpu.vector_store %arg5[%swap3A_224], %swap3A_227 {strides = array<i32>} : memref<49152xf32, #tpu.memory_space<vmem>>, vector<16xf32>,
      %add3A_228 = arith.constant 48 : i32
      %add3A_229 = arith.addi %mul3A_190, %add3A_228 : i32
      %get3A_230 = arith.index_cast %add3A_229 : i32 to index
      %get3A_231 = tpu.vector_load %arg5[%get3A_230] {strides = array<i32>} : memref<49152xf32, #tpu.memory_space<vmem>>, vector<16xf32>,
      %get3A_232 = vector.shape_cast %get3A_231 : vector<16xf32> to vector<16xf32>
      %get3A_233 = arith.index_cast %add3A_229 : i32 to index
      %get3A_234 = tpu.vector_load %arg6[%get3A_233] {strides = array<i32>} : memref<49152xf32, #tpu.memory_space<vmem>>, vector<16xf32>,
      %get3A_235 = vector.shape_cast %get3A_234 : vector<16xf32> to vector<16xf32>
      %add3A_236 = arith.addf %get3A_232, %get3A_235 : vector<16xf32>
      %swap3A_237 = arith.index_cast %add3A_229 : i32 to index
      %swap3A_238 = tpu.vector_load %arg5[%swap3A_237] {strides = array<i32>} : memref<49152xf32, #tpu.memory_space<vmem>>, vector<16xf32>,
      %swap3A_239 = vector.shape_cast %swap3A_238 : vector<16xf32> to vector<16xf32>
      %swap3A_240 = vector.shape_cast %add3A_236 : vector<16xf32> to vector<16xf32>
      tpu.vector_store %arg5[%swap3A_237], %swap3A_240 {strides = array<i32>} : memref<49152xf32, #tpu.memory_space<vmem>>, vector<16xf32>,
      %add3A_241 = arith.constant 64 : i32
      %add3A_242 = arith.addi %mul3A_190, %add3A_241 : i32
      %get3A_243 = arith.index_cast %add3A_242 : i32 to index
      %get3A_244 = tpu.vector_load %arg5[%get3A_243] {strides = array<i32>} : memref<49152xf32, #tpu.memory_space<vmem>>, vector<16xf32>,
      %get3A_245 = vector.shape_cast %get3A_244 : vector<16xf32> to vector<16xf32>
      %get3A_246 = arith.index_cast %add3A_242 : i32 to index
      %get3A_247 = tpu.vector_load %arg6[%get3A_246] {strides = array<i32>} : memref<49152xf32, #tpu.memory_space<vmem>>, vector<16xf32>,
      %get3A_248 = vector.shape_cast %get3A_247 : vector<16xf32> to vector<16xf32>
      %add3A_249 = arith.addf %get3A_245, %get3A_248 : vector<16xf32>
      %swap3A_250 = arith.index_cast %add3A_242 : i32 to index
      %swap3A_251 = tpu.vector_load %arg5[%swap3A_250] {strides = array<i32>} : memref<49152xf32, #tpu.memory_space<vmem>>, vector<16xf32>,
      %swap3A_252 = vector.shape_cast %swap3A_251 : vector<16xf32> to vector<16xf32>
      %swap3A_253 = vector.shape_cast %add3A_249 : vector<16xf32> to vector<16xf32>
      tpu.vector_store %arg5[%swap3A_250], %swap3A_253 {strides = array<i32>} : memref<49152xf32, #tpu.memory_space<vmem>>, vector<16xf32>,
      %add3A_254 = arith.constant 80 : i32
      %add3A_255 = arith.addi %mul3A_190, %add3A_254 : i32
      %get3A_256 = arith.index_cast %add3A_255 : i32 to index
      %get3A_257 = tpu.vector_load %arg5[%get3A_256] {strides = array<i32>} : memref<49152xf32, #tpu.memory_space<vmem>>, vector<16xf32>,
      %get3A_258 = vector.shape_cast %get3A_257 : vector<16xf32> to vector<16xf32>
      %get3A_259 = arith.index_cast %add3A_255 : i32 to index
      %get3A_260 = tpu.vector_load %arg6[%get3A_259] {strides = array<i32>} : memref<49152xf32, #tpu.memory_space<vmem>>, vector<16xf32>,
      %get3A_261 = vector.shape_cast %get3A_260 : vector<16xf32> to vector<16xf32>
      %add3A_262 = arith.addf %get3A_258, %get3A_261 : vector<16xf32>
      %swap3A_263 = arith.index_cast %add3A_255 : i32 to index
      %swap3A_264 = tpu.vector_load %arg5[%swap3A_263] {strides = array<i32>} : memref<49152xf32, #tpu.memory_space<vmem>>, vector<16xf32>,
      %swap3A_265 = vector.shape_cast %swap3A_264 : vector<16xf32> to vector<16xf32>
      %swap3A_266 = vector.shape_cast %add3A_262 : vector<16xf32> to vector<16xf32>
      tpu.vector_store %arg5[%swap3A_263], %swap3A_266 {strides = array<i32>} : memref<49152xf32, #tpu.memory_space<vmem>>, vector<16xf32>,
      %add3A_267 = arith.constant 96 : i32
      %add3A_268 = arith.addi %mul3A_190, %add3A_267 : i32
      %get3A_269 = arith.index_cast %add3A_268 : i32 to index
      %get3A_270 = tpu.vector_load %arg5[%get3A_269] {strides = array<i32>} : memref<49152xf32, #tpu.memory_space<vmem>>, vector<16xf32>,
      %get3A_271 = vector.shape_cast %get3A_270 : vector<16xf32> to vector<16xf32>
      %get3A_272 = arith.index_cast %add3A_268 : i32 to index
      %get3A_273 = tpu.vector_load %arg6[%get3A_272] {strides = array<i32>} : memref<49152xf32, #tpu.memory_space<vmem>>, vector<16xf32>,
      %get3A_274 = vector.shape_cast %get3A_273 : vector<16xf32> to vector<16xf32>
      %add3A_275 = arith.addf %get3A_271, %get3A_274 : vector<16xf32>
      %swap3A_276 = arith.index_cast %add3A_268 : i32 to index
      %swap3A_277 = tpu.vector_load %arg5[%swap3A_276] {strides = array<i32>} : memref<49152xf32, #tpu.memory_space<vmem>>, vector<16xf32>,
      %swap3A_278 = vector.shape_cast %swap3A_277 : vector<16xf32> to vector<16xf32>
      %swap3A_279 = vector.shape_cast %add3A_275 : vector<16xf32> to vector<16xf32>
      tpu.vector_store %arg5[%swap3A_276], %swap3A_279 {strides = array<i32>} : memref<49152xf32, #tpu.memory_space<vmem>>, vector<16xf32>,
      %add3A_280 = arith.constant 112 : i32
      %add3A_281 = arith.addi %mul3A_190, %add3A_280 : i32
      %get3A_282 = arith.index_cast %add3A_281 : i32 to index
      %get3A_283 = tpu.vector_load %arg5[%get3A_282] {strides = array<i32>} : memref<49152xf32, #tpu.memory_space<vmem>>, vector<16xf32>,
      %get3A_284 = vector.shape_cast %get3A_283 : vector<16xf32> to vector<16xf32>
      %get3A_285 = arith.index_cast %add3A_281 : i32 to index
      %get3A_286 = tpu.vector_load %arg6[%get3A_285] {strides = array<i32>} : memref<49152xf32, #tpu.memory_space<vmem>>, vector<16xf32>,
      %get3A_287 = vector.shape_cast %get3A_286 : vector<16xf32> to vector<16xf32>
      %add3A_288 = arith.addf %get3A_284, %get3A_287 : vector<16xf32>
      %swap3A_289 = arith.index_cast %add3A_281 : i32 to index
      %swap3A_290 = tpu.vector_load %arg5[%swap3A_289] {strides = array<i32>} : memref<49152xf32, #tpu.memory_space<vmem>>, vector<16xf32>,
      %swap3A_291 = vector.shape_cast %swap3A_290 : vector<16xf32> to vector<16xf32>
      %swap3A_292 = vector.shape_cast %add3A_288 : vector<16xf32> to vector<16xf32>
      tpu.vector_store %arg5[%swap3A_289], %swap3A_292 {strides = array<i32>} : memref<49152xf32, #tpu.memory_space<vmem>>, vector<16xf32>,
      %add3A_293 = arith.constant 128 : i32
      %add3A_294 = arith.addi %mul3A_190, %add3A_293 : i32
      %get3A_295 = arith.index_cast %add3A_294 : i32 to index
      %get3A_296 = tpu.vector_load %arg5[%get3A_295] {strides = array<i32>} : memref<49152xf32, #tpu.memory_space<vmem>>, vector<16xf32>,
      %get3A_297 = vector.shape_cast %get3A_296 : vector<16xf32> to vector<16xf32>
      %get3A_298 = arith.index_cast %add3A_294 : i32 to index
      %get3A_299 = tpu.vector_load %arg6[%get3A_298] {strides = array<i32>} : memref<49152xf32, #tpu.memory_space<vmem>>, vector<16xf32>,
      %get3A_300 = vector.shape_cast %get3A_299 : vector<16xf32> to vector<16xf32>
      %add3A_301 = arith.addf %get3A_297, %get3A_300 : vector<16xf32>
      %swap3A_302 = arith.index_cast %add3A_294 : i32 to index
      %swap3A_303 = tpu.vector_load %arg5[%swap3A_302] {strides = array<i32>} : memref<49152xf32, #tpu.memory_space<vmem>>, vector<16xf32>,
      %swap3A_304 = vector.shape_cast %swap3A_303 : vector<16xf32> to vector<16xf32>
      %swap3A_305 = vector.shape_cast %add3A_301 : vector<16xf32> to vector<16xf32>
      tpu.vector_store %arg5[%swap3A_302], %swap3A_305 {strides = array<i32>} : memref<49152xf32, #tpu.memory_space<vmem>>, vector<16xf32>,
      %add3A_306 = arith.constant 144 : i32
      %add3A_307 = arith.addi %mul3A_190, %add3A_306 : i32
      %get3A_308 = arith.index_cast %add3A_307 : i32 to index
      %get3A_309 = tpu.vector_load %arg5[%get3A_308] {strides = array<i32>} : memref<49152xf32, #tpu.memory_space<vmem>>, vector<16xf32>,
      %get3A_310 = vector.shape_cast %get3A_309 : vector<16xf32> to vector<16xf32>
      %get3A_311 = arith.index_cast %add3A_307 : i32 to index
      %get3A_312 = tpu.vector_load %arg6[%get3A_311] {strides = array<i32>} : memref<49152xf32, #tpu.memory_space<vmem>>, vector<16xf32>,
      %get3A_313 = vector.shape_cast %get3A_312 : vector<16xf32> to vector<16xf32>
      %add3A_314 = arith.addf %get3A_310, %get3A_313 : vector<16xf32>
      %swap3A_315 = arith.index_cast %add3A_307 : i32 to index
      %swap3A_316 = tpu.vector_load %arg5[%swap3A_315] {strides = array<i32>} : memref<49152xf32, #tpu.memory_space<vmem>>, vector<16xf32>,
      %swap3A_317 = vector.shape_cast %swap3A_316 : vector<16xf32> to vector<16xf32>
      %swap3A_318 = vector.shape_cast %add3A_314 : vector<16xf32> to vector<16xf32>
      tpu.vector_store %arg5[%swap3A_315], %swap3A_318 {strides = array<i32>} : memref<49152xf32, #tpu.memory_space<vmem>>, vector<16xf32>,
      %add3A_319 = arith.constant 160 : i32
      %add3A_320 = arith.addi %mul3A_190, %add3A_319 : i32
      %get3A_321 = arith.index_cast %add3A_320 : i32 to index
      %get3A_322 = tpu.vector_load %arg5[%get3A_321] {strides = array<i32>} : memref<49152xf32, #tpu.memory_space<vmem>>, vector<16xf32>,
      %get3A_323 = vector.shape_cast %get3A_322 : vector<16xf32> to vector<16xf32>
      %get3A_324 = arith.index_cast %add3A_320 : i32 to index
      %get3A_325 = tpu.vector_load %arg6[%get3A_324] {strides = array<i32>} : memref<49152xf32, #tpu.memory_space<vmem>>, vector<16xf32>,
      %get3A_326 = vector.shape_cast %get3A_325 : vector<16xf32> to vector<16xf32>
      %add3A_327 = arith.addf %get3A_323, %get3A_326 : vector<16xf32>
      %swap3A_328 = arith.index_cast %add3A_320 : i32 to index
      %swap3A_329 = tpu.vector_load %arg5[%swap3A_328] {strides = array<i32>} : memref<49152xf32, #tpu.memory_space<vmem>>, vector<16xf32>,
      %swap3A_330 = vector.shape_cast %swap3A_329 : vector<16xf32> to vector<16xf32>
      %swap3A_331 = vector.shape_cast %add3A_327 : vector<16xf32> to vector<16xf32>
      tpu.vector_store %arg5[%swap3A_328], %swap3A_331 {strides = array<i32>} : memref<49152xf32, #tpu.memory_space<vmem>>, vector<16xf32>,
      %add3A_332 = arith.constant 176 : i32
      %add3A_333 = arith.addi %mul3A_190, %add3A_332 : i32
      %get3A_334 = arith.index_cast %add3A_333 : i32 to index
      %get3A_335 = tpu.vector_load %arg5[%get3A_334] {strides = array<i32>} : memref<49152xf32, #tpu.memory_space<vmem>>, vector<16xf32>,
      %get3A_336 = vector.shape_cast %get3A_335 : vector<16xf32> to vector<16xf32>
      %get3A_337 = arith.index_cast %add3A_333 : i32 to index
      %get3A_338 = tpu.vector_load %arg6[%get3A_337] {strides = array<i32>} : memref<49152xf32, #tpu.memory_space<vmem>>, vector<16xf32>,
      %get3A_339 = vector.shape_cast %get3A_338 : vector<16xf32> to vector<16xf32>
      %add3A_340 = arith.addf %get3A_336, %get3A_339 : vector<16xf32>
      %swap3A_341 = arith.index_cast %add3A_333 : i32 to index
      %swap3A_342 = tpu.vector_load %arg5[%swap3A_341] {strides = array<i32>} : memref<49152xf32, #tpu.memory_space<vmem>>, vector<16xf32>,
      %swap3A_343 = vector.shape_cast %swap3A_342 : vector<16xf32> to vector<16xf32>
      %swap3A_344 = vector.shape_cast %add3A_340 : vector<16xf32> to vector<16xf32>
      tpu.vector_store %arg5[%swap3A_341], %swap3A_344 {strides = array<i32>} : memref<49152xf32, #tpu.memory_space<vmem>>, vector<16xf32>,
      %add3A_345 = arith.constant 192 : i32
      %add3A_346 = arith.addi %mul3A_190, %add3A_345 : i32
      %get3A_347 = arith.index_cast %add3A_346 : i32 to index
      %get3A_348 = tpu.vector_load %arg5[%get3A_347] {strides = array<i32>} : memref<49152xf32, #tpu.memory_space<vmem>>, vector<16xf32>,
      %get3A_349 = vector.shape_cast %get3A_348 : vector<16xf32> to vector<16xf32>
      %get3A_350 = arith.index_cast %add3A_346 : i32 to index
      %get3A_351 = tpu.vector_load %arg6[%get3A_350] {strides = array<i32>} : memref<49152xf32, #tpu.memory_space<vmem>>, vector<16xf32>,
      %get3A_352 = vector.shape_cast %get3A_351 : vector<16xf32> to vector<16xf32>
      %add3A_353 = arith.addf %get3A_349, %get3A_352 : vector<16xf32>
      %swap3A_354 = arith.index_cast %add3A_346 : i32 to index
      %swap3A_355 = tpu.vector_load %arg5[%swap3A_354] {strides = array<i32>} : memref<49152xf32, #tpu.memory_space<vmem>>, vector<16xf32>,
      %swap3A_356 = vector.shape_cast %swap3A_355 : vector<16xf32> to vector<16xf32>
      %swap3A_357 = vector.shape_cast %add3A_353 : vector<16xf32> to vector<16xf32>
      tpu.vector_store %arg5[%swap3A_354], %swap3A_357 {strides = array<i32>} : memref<49152xf32, #tpu.memory_space<vmem>>, vector<16xf32>,
      %add3A_358 = arith.constant 208 : i32
      %add3A_359 = arith.addi %mul3A_190, %add3A_358 : i32
      %get3A_360 = arith.index_cast %add3A_359 : i32 to index
      %get3A_361 = tpu.vector_load %arg5[%get3A_360] {strides = array<i32>} : memref<49152xf32, #tpu.memory_space<vmem>>, vector<16xf32>,
      %get3A_362 = vector.shape_cast %get3A_361 : vector<16xf32> to vector<16xf32>
      %get3A_363 = arith.index_cast %add3A_359 : i32 to index
      %get3A_364 = tpu.vector_load %arg6[%get3A_363] {strides = array<i32>} : memref<49152xf32, #tpu.memory_space<vmem>>, vector<16xf32>,
      %get3A_365 = vector.shape_cast %get3A_364 : vector<16xf32> to vector<16xf32>
      %add3A_366 = arith.addf %get3A_362, %get3A_365 : vector<16xf32>
      %swap3A_367 = arith.index_cast %add3A_359 : i32 to index
      %swap3A_368 = tpu.vector_load %arg5[%swap3A_367] {strides = array<i32>} : memref<49152xf32, #tpu.memory_space<vmem>>, vector<16xf32>,
      %swap3A_369 = vector.shape_cast %swap3A_368 : vector<16xf32> to vector<16xf32>
      %swap3A_370 = vector.shape_cast %add3A_366 : vector<16xf32> to vector<16xf32>
      tpu.vector_store %arg5[%swap3A_367], %swap3A_370 {strides = array<i32>} : memref<49152xf32, #tpu.memory_space<vmem>>, vector<16xf32>,
      %add3A_371 = arith.constant 224 : i32
      %add3A_372 = arith.addi %mul3A_190, %add3A_371 : i32
      %get3A_373 = arith.index_cast %add3A_372 : i32 to index
      %get3A_374 = tpu.vector_load %arg5[%get3A_373] {strides = array<i32>} : memref<49152xf32, #tpu.memory_space<vmem>>, vector<16xf32>,
      %get3A_375 = vector.shape_cast %get3A_374 : vector<16xf32> to vector<16xf32>
      %get3A_376 = arith.index_cast %add3A_372 : i32 to index
      %get3A_377 = tpu.vector_load %arg6[%get3A_376] {strides = array<i32>} : memref<49152xf32, #tpu.memory_space<vmem>>, vector<16xf32>,
      %get3A_378 = vector.shape_cast %get3A_377 : vector<16xf32> to vector<16xf32>
      %add3A_379 = arith.addf %get3A_375, %get3A_378 : vector<16xf32>
      %swap3A_380 = arith.index_cast %add3A_372 : i32 to index
      %swap3A_381 = tpu.vector_load %arg5[%swap3A_380] {strides = array<i32>} : memref<49152xf32, #tpu.memory_space<vmem>>, vector<16xf32>,
      %swap3A_382 = vector.shape_cast %swap3A_381 : vector<16xf32> to vector<16xf32>
      %swap3A_383 = vector.shape_cast %add3A_379 : vector<16xf32> to vector<16xf32>
      tpu.vector_store %arg5[%swap3A_380], %swap3A_383 {strides = array<i32>} : memref<49152xf32, #tpu.memory_space<vmem>>, vector<16xf32>,
      %add3A_384 = arith.constant 240 : i32
      %add3A_385 = arith.addi %mul3A_190, %add3A_384 : i32
      %get3A_386 = arith.index_cast %add3A_385 : i32 to index
      %get3A_387 = tpu.vector_load %arg5[%get3A_386] {strides = array<i32>} : memref<49152xf32, #tpu.memory_space<vmem>>, vector<16xf32>,
      %get3A_388 = vector.shape_cast %get3A_387 : vector<16xf32> to vector<16xf32>
      %get3A_389 = arith.index_cast %add3A_385 : i32 to index
      %get3A_390 = tpu.vector_load %arg6[%get3A_389] {strides = array<i32>} : memref<49152xf32, #tpu.memory_space<vmem>>, vector<16xf32>,
      %get3A_391 = vector.shape_cast %get3A_390 : vector<16xf32> to vector<16xf32>
      %add3A_392 = arith.addf %get3A_388, %get3A_391 : vector<16xf32>
      %swap3A_393 = arith.index_cast %add3A_385 : i32 to index
      %swap3A_394 = tpu.vector_load %arg5[%swap3A_393] {strides = array<i32>} : memref<49152xf32, #tpu.memory_space<vmem>>, vector<16xf32>,
      %swap3A_395 = vector.shape_cast %swap3A_394 : vector<16xf32> to vector<16xf32>
      %swap3A_396 = vector.shape_cast %add3A_392 : vector<16xf32> to vector<16xf32>
      tpu.vector_store %arg5[%swap3A_393], %swap3A_396 {strides = array<i32>} : memref<49152xf32, #tpu.memory_space<vmem>>, vector<16xf32>,
      %scan3A_397 = arith.constant 0 : i32
      scf.yield %scan3A_397 : i32
    }
    %scan3A_32 = arith.constant 192 : i32
    "tpu.region"() ({
      %run_scoped3A = tpu.sem_alloc : memref<!tpu.dma_semaphore, #tpu.memory_space<semaphore_mem>>
      %dma_start3A = tpu.memref_slice %arg4[%add3A_23] : memref<25165824xf32, #tpu.memory_space<hbm>> -> memref<49152xf32, #tpu.memory_space<hbm>>
      %dma_start3A_187 = tpu.memref_slice %arg4[%add3A_23] : memref<25165824xf32, #tpu.memory_space<hbm>> -> memref<49152xf32, #tpu.memory_space<hbm>>
      tpu.enqueue_dma source(%arg5 : memref<49152xf32, #tpu.memory_space<vmem>>) target(%dma_start3A_187 : memref<49152xf32, #tpu.memory_space<hbm>>) target_semaphore(%run_scoped3A : memref<!tpu.dma_semaphore, #tpu.memory_space<semaphore_mem>>)
      %dma_wait3A = tpu.memref_slice %arg4[%add3A_23] : memref<25165824xf32, #tpu.memory_space<hbm>> -> memref<49152xf32, #tpu.memory_space<hbm>>
      %dma_wait3A_188 = tpu.memref_slice %arg4[%add3A_23] : memref<25165824xf32, #tpu.memory_space<hbm>> -> memref<49152xf32, #tpu.memory_space<hbm>>
      tpu.wait_dma2 semaphore(%run_scoped3A : memref<!tpu.dma_semaphore, #tpu.memory_space<semaphore_mem>>) src(%arg5 : memref<49152xf32, #tpu.memory_space<vmem>>) dst(%dma_wait3A_188 : memref<49152xf32, #tpu.memory_space<hbm>>)
      tpu.yield
    }) : () -> ()
    %add3A_33 = arith.constant 98304 : i32
    %add3A_34 = arith.addi %mul3A_2, %add3A_33 : i32
    %add3A_35 = arith.constant 98304 : i32
    %add3A_36 = arith.addi %select_n3A_11, %add3A_35 : i32
    "tpu.region"() ({
      %run_scoped3A = tpu.sem_alloc : memref<!tpu.dma_semaphore, #tpu.memory_space<semaphore_mem>>
      %dma_start3A = tpu.memref_slice %arg2[%add3A_34] : memref<25165824xf32, #tpu.memory_space<hbm>> -> memref<49152xf32, #tpu.memory_space<hbm>>
      %dma_start3A_187 = tpu.memref_slice %arg2[%add3A_34] : memref<25165824xf32, #tpu.memory_space<hbm>> -> memref<49152xf32, #tpu.memory_space<hbm>>
      tpu.enqueue_dma source(%dma_start3A_187 : memref<49152xf32, #tpu.memory_space<hbm>>) target(%arg5 : memref<49152xf32, #tpu.memory_space<vmem>>) target_semaphore(%run_scoped3A : memref<!tpu.dma_semaphore, #tpu.memory_space<semaphore_mem>>)
      %dma_wait3A = tpu.memref_slice %arg2[%add3A_34] : memref<25165824xf32, #tpu.memory_space<hbm>> -> memref<49152xf32, #tpu.memory_space<hbm>>
      %dma_wait3A_188 = tpu.memref_slice %arg2[%add3A_34] : memref<25165824xf32, #tpu.memory_space<hbm>> -> memref<49152xf32, #tpu.memory_space<hbm>>
      tpu.wait_dma2 semaphore(%run_scoped3A : memref<!tpu.dma_semaphore, #tpu.memory_space<semaphore_mem>>) src(%dma_wait3A_188 : memref<49152xf32, #tpu.memory_space<hbm>>) dst(%arg5 : memref<49152xf32, #tpu.memory_space<vmem>>)
      tpu.yield
    }) : () -> ()
    "tpu.region"() ({
      %run_scoped3A = tpu.sem_alloc : memref<!tpu.dma_semaphore, #tpu.memory_space<semaphore_mem>>
      %dma_start3A = tpu.memref_slice %arg3[%add3A_36] : memref<6291456xf32, #tpu.memory_space<hbm>> -> memref<49152xf32, #tpu.memory_space<hbm>>
      %dma_start3A_187 = tpu.memref_slice %arg3[%add3A_36] : memref<6291456xf32, #tpu.memory_space<hbm>> -> memref<49152xf32, #tpu.memory_space<hbm>>
      tpu.enqueue_dma source(%dma_start3A_187 : memref<49152xf32, #tpu.memory_space<hbm>>) target(%arg6 : memref<49152xf32, #tpu.memory_space<vmem>>) target_semaphore(%run_scoped3A : memref<!tpu.dma_semaphore, #tpu.memory_space<semaphore_mem>>)
      %dma_wait3A = tpu.memref_slice %arg3[%add3A_36] : memref<6291456xf32, #tpu.memory_space<hbm>> -> memref<49152xf32, #tpu.memory_space<hbm>>
      %dma_wait3A_188 = tpu.memref_slice %arg3[%add3A_36] : memref<6291456xf32, #tpu.memory_space<hbm>> -> memref<49152xf32, #tpu.memory_space<hbm>>
      tpu.wait_dma2 semaphore(%run_scoped3A : memref<!tpu.dma_semaphore, #tpu.memory_space<semaphore_mem>>) src(%dma_wait3A_188 : memref<49152xf32, #tpu.memory_space<hbm>>) dst(%arg6 : memref<49152xf32, #tpu.memory_space<vmem>>)
      tpu.yield
    }) : () -> ()
    %scan3A_37 = arith.constant 0 : i32
    %scan3A_38 = arith.constant 0 : i32
    %scan3A_39 = arith.constant 192 : i32
    %scan3A_40 = arith.addi %scan3A_38, %scan3A_39 : i32
    %scan3A_41 = arith.constant 1 : i32
    %scan3A_42 = scf.for %scan3A_187 = %scan3A_38 to %scan3A_40 step %scan3A_41 iter_args(%scan3A_188 = %scan3A_37) -> (i32)  : i32 {
      %mul3A_189 = arith.constant 256 : i32
      %mul3A_190 = arith.muli %scan3A_187, %mul3A_189 : i32
      %add3A_191 = arith.constant 0 : i32
      %add3A_192 = arith.addi %mul3A_190, %add3A_191 : i32
      %get3A = arith.index_cast %add3A_192 : i32 to index
      %get3A_193 = tpu.vector_load %arg5[%get3A] {strides = array<i32>} : memref<49152xf32, #tpu.memory_space<vmem>>, vector<16xf32>,
      %get3A_194 = vector.shape_cast %get3A_193 : vector<16xf32> to vector<16xf32>
      %get3A_195 = arith.index_cast %add3A_192 : i32 to index
      %get3A_196 = tpu.vector_load %arg6[%get3A_195] {strides = array<i32>} : memref<49152xf32, #tpu.memory_space<vmem>>, vector<16xf32>,
      %get3A_197 = vector.shape_cast %get3A_196 : vector<16xf32> to vector<16xf32>
      %add3A_198 = arith.addf %get3A_194, %get3A_197 : vector<16xf32>
      %swap3A = arith.index_cast %add3A_192 : i32 to index
      %swap3A_199 = tpu.vector_load %arg5[%swap3A] {strides = array<i32>} : memref<49152xf32, #tpu.memory_space<vmem>>, vector<16xf32>,
      %swap3A_200 = vector.shape_cast %swap3A_199 : vector<16xf32> to vector<16xf32>
      %swap3A_201 = vector.shape_cast %add3A_198 : vector<16xf32> to vector<16xf32>
      tpu.vector_store %arg5[%swap3A], %swap3A_201 {strides = array<i32>} : memref<49152xf32, #tpu.memory_space<vmem>>, vector<16xf32>,
      %add3A_202 = arith.constant 16 : i32
      %add3A_203 = arith.addi %mul3A_190, %add3A_202 : i32
      %get3A_204 = arith.index_cast %add3A_203 : i32 to index
      %get3A_205 = tpu.vector_load %arg5[%get3A_204] {strides = array<i32>} : memref<49152xf32, #tpu.memory_space<vmem>>, vector<16xf32>,
      %get3A_206 = vector.shape_cast %get3A_205 : vector<16xf32> to vector<16xf32>
      %get3A_207 = arith.index_cast %add3A_203 : i32 to index
      %get3A_208 = tpu.vector_load %arg6[%get3A_207] {strides = array<i32>} : memref<49152xf32, #tpu.memory_space<vmem>>, vector<16xf32>,
      %get3A_209 = vector.shape_cast %get3A_208 : vector<16xf32> to vector<16xf32>
      %add3A_210 = arith.addf %get3A_206, %get3A_209 : vector<16xf32>
      %swap3A_211 = arith.index_cast %add3A_203 : i32 to index
      %swap3A_212 = tpu.vector_load %arg5[%swap3A_211] {strides = array<i32>} : memref<49152xf32, #tpu.memory_space<vmem>>, vector<16xf32>,
      %swap3A_213 = vector.shape_cast %swap3A_212 : vector<16xf32> to vector<16xf32>
      %swap3A_214 = vector.shape_cast %add3A_210 : vector<16xf32> to vector<16xf32>
      tpu.vector_store %arg5[%swap3A_211], %swap3A_214 {strides = array<i32>} : memref<49152xf32, #tpu.memory_space<vmem>>, vector<16xf32>,
      %add3A_215 = arith.constant 32 : i32
      %add3A_216 = arith.addi %mul3A_190, %add3A_215 : i32
      %get3A_217 = arith.index_cast %add3A_216 : i32 to index
      %get3A_218 = tpu.vector_load %arg5[%get3A_217] {strides = array<i32>} : memref<49152xf32, #tpu.memory_space<vmem>>, vector<16xf32>,
      %get3A_219 = vector.shape_cast %get3A_218 : vector<16xf32> to vector<16xf32>
      %get3A_220 = arith.index_cast %add3A_216 : i32 to index
      %get3A_221 = tpu.vector_load %arg6[%get3A_220] {strides = array<i32>} : memref<49152xf32, #tpu.memory_space<vmem>>, vector<16xf32>,
      %get3A_222 = vector.shape_cast %get3A_221 : vector<16xf32> to vector<16xf32>
      %add3A_223 = arith.addf %get3A_219, %get3A_222 : vector<16xf32>
      %swap3A_224 = arith.index_cast %add3A_216 : i32 to index
      %swap3A_225 = tpu.vector_load %arg5[%swap3A_224] {strides = array<i32>} : memref<49152xf32, #tpu.memory_space<vmem>>, vector<16xf32>,
      %swap3A_226 = vector.shape_cast %swap3A_225 : vector<16xf32> to vector<16xf32>
      %swap3A_227 = vector.shape_cast %add3A_223 : vector<16xf32> to vector<16xf32>
      tpu.vector_store %arg5[%swap3A_224], %swap3A_227 {strides = array<i32>} : memref<49152xf32, #tpu.memory_space<vmem>>, vector<16xf32>,
      %add3A_228 = arith.constant 48 : i32
      %add3A_229 = arith.addi %mul3A_190, %add3A_228 : i32
      %get3A_230 = arith.index_cast %add3A_229 : i32 to index
      %get3A_231 = tpu.vector_load %arg5[%get3A_230] {strides = array<i32>} : memref<49152xf32, #tpu.memory_space<vmem>>, vector<16xf32>,
      %get3A_232 = vector.shape_cast %get3A_231 : vector<16xf32> to vector<16xf32>
      %get3A_233 = arith.index_cast %add3A_229 : i32 to index
      %get3A_234 = tpu.vector_load %arg6[%get3A_233] {strides = array<i32>} : memref<49152xf32, #tpu.memory_space<vmem>>, vector<16xf32>,
      %get3A_235 = vector.shape_cast %get3A_234 : vector<16xf32> to vector<16xf32>
      %add3A_236 = arith.addf %get3A_232, %get3A_235 : vector<16xf32>
      %swap3A_237 = arith.index_cast %add3A_229 : i32 to index
      %swap3A_238 = tpu.vector_load %arg5[%swap3A_237] {strides = array<i32>} : memref<49152xf32, #tpu.memory_space<vmem>>, vector<16xf32>,
      %swap3A_239 = vector.shape_cast %swap3A_238 : vector<16xf32> to vector<16xf32>
      %swap3A_240 = vector.shape_cast %add3A_236 : vector<16xf32> to vector<16xf32>
      tpu.vector_store %arg5[%swap3A_237], %swap3A_240 {strides = array<i32>} : memref<49152xf32, #tpu.memory_space<vmem>>, vector<16xf32>,
      %add3A_241 = arith.constant 64 : i32
      %add3A_242 = arith.addi %mul3A_190, %add3A_241 : i32
      %get3A_243 = arith.index_cast %add3A_242 : i32 to index
      %get3A_244 = tpu.vector_load %arg5[%get3A_243] {strides = array<i32>} : memref<49152xf32, #tpu.memory_space<vmem>>, vector<16xf32>,
      %get3A_245 = vector.shape_cast %get3A_244 : vector<16xf32> to vector<16xf32>
      %get3A_246 = arith.index_cast %add3A_242 : i32 to index
      %get3A_247 = tpu.vector_load %arg6[%get3A_246] {strides = array<i32>} : memref<49152xf32, #tpu.memory_space<vmem>>, vector<16xf32>,
      %get3A_248 = vector.shape_cast %get3A_247 : vector<16xf32> to vector<16xf32>
      %add3A_249 = arith.addf %get3A_245, %get3A_248 : vector<16xf32>
      %swap3A_250 = arith.index_cast %add3A_242 : i32 to index
      %swap3A_251 = tpu.vector_load %arg5[%swap3A_250] {strides = array<i32>} : memref<49152xf32, #tpu.memory_space<vmem>>, vector<16xf32>,
      %swap3A_252 = vector.shape_cast %swap3A_251 : vector<16xf32> to vector<16xf32>
      %swap3A_253 = vector.shape_cast %add3A_249 : vector<16xf32> to vector<16xf32>
      tpu.vector_store %arg5[%swap3A_250], %swap3A_253 {strides = array<i32>} : memref<49152xf32, #tpu.memory_space<vmem>>, vector<16xf32>,
      %add3A_254 = arith.constant 80 : i32
      %add3A_255 = arith.addi %mul3A_190, %add3A_254 : i32
      %get3A_256 = arith.index_cast %add3A_255 : i32 to index
      %get3A_257 = tpu.vector_load %arg5[%get3A_256] {strides = array<i32>} : memref<49152xf32, #tpu.memory_space<vmem>>, vector<16xf32>,
      %get3A_258 = vector.shape_cast %get3A_257 : vector<16xf32> to vector<16xf32>
      %get3A_259 = arith.index_cast %add3A_255 : i32 to index
      %get3A_260 = tpu.vector_load %arg6[%get3A_259] {strides = array<i32>} : memref<49152xf32, #tpu.memory_space<vmem>>, vector<16xf32>,
      %get3A_261 = vector.shape_cast %get3A_260 : vector<16xf32> to vector<16xf32>
      %add3A_262 = arith.addf %get3A_258, %get3A_261 : vector<16xf32>
      %swap3A_263 = arith.index_cast %add3A_255 : i32 to index
      %swap3A_264 = tpu.vector_load %arg5[%swap3A_263] {strides = array<i32>} : memref<49152xf32, #tpu.memory_space<vmem>>, vector<16xf32>,
      %swap3A_265 = vector.shape_cast %swap3A_264 : vector<16xf32> to vector<16xf32>
      %swap3A_266 = vector.shape_cast %add3A_262 : vector<16xf32> to vector<16xf32>
      tpu.vector_store %arg5[%swap3A_263], %swap3A_266 {strides = array<i32>} : memref<49152xf32, #tpu.memory_space<vmem>>, vector<16xf32>,
      %add3A_267 = arith.constant 96 : i32
      %add3A_268 = arith.addi %mul3A_190, %add3A_267 : i32
      %get3A_269 = arith.index_cast %add3A_268 : i32 to index
      %get3A_270 = tpu.vector_load %arg5[%get3A_269] {strides = array<i32>} : memref<49152xf32, #tpu.memory_space<vmem>>, vector<16xf32>,
      %get3A_271 = vector.shape_cast %get3A_270 : vector<16xf32> to vector<16xf32>
      %get3A_272 = arith.index_cast %add3A_268 : i32 to index
      %get3A_273 = tpu.vector_load %arg6[%get3A_272] {strides = array<i32>} : memref<49152xf32, #tpu.memory_space<vmem>>, vector<16xf32>,
      %get3A_274 = vector.shape_cast %get3A_273 : vector<16xf32> to vector<16xf32>
      %add3A_275 = arith.addf %get3A_271, %get3A_274 : vector<16xf32>
      %swap3A_276 = arith.index_cast %add3A_268 : i32 to index
      %swap3A_277 = tpu.vector_load %arg5[%swap3A_276] {strides = array<i32>} : memref<49152xf32, #tpu.memory_space<vmem>>, vector<16xf32>,
      %swap3A_278 = vector.shape_cast %swap3A_277 : vector<16xf32> to vector<16xf32>
      %swap3A_279 = vector.shape_cast %add3A_275 : vector<16xf32> to vector<16xf32>
      tpu.vector_store %arg5[%swap3A_276], %swap3A_279 {strides = array<i32>} : memref<49152xf32, #tpu.memory_space<vmem>>, vector<16xf32>,
      %add3A_280 = arith.constant 112 : i32
      %add3A_281 = arith.addi %mul3A_190, %add3A_280 : i32
      %get3A_282 = arith.index_cast %add3A_281 : i32 to index
      %get3A_283 = tpu.vector_load %arg5[%get3A_282] {strides = array<i32>} : memref<49152xf32, #tpu.memory_space<vmem>>, vector<16xf32>,
      %get3A_284 = vector.shape_cast %get3A_283 : vector<16xf32> to vector<16xf32>
      %get3A_285 = arith.index_cast %add3A_281 : i32 to index
      %get3A_286 = tpu.vector_load %arg6[%get3A_285] {strides = array<i32>} : memref<49152xf32, #tpu.memory_space<vmem>>, vector<16xf32>,
      %get3A_287 = vector.shape_cast %get3A_286 : vector<16xf32> to vector<16xf32>
      %add3A_288 = arith.addf %get3A_284, %get3A_287 : vector<16xf32>
      %swap3A_289 = arith.index_cast %add3A_281 : i32 to index
      %swap3A_290 = tpu.vector_load %arg5[%swap3A_289] {strides = array<i32>} : memref<49152xf32, #tpu.memory_space<vmem>>, vector<16xf32>,
      %swap3A_291 = vector.shape_cast %swap3A_290 : vector<16xf32> to vector<16xf32>
      %swap3A_292 = vector.shape_cast %add3A_288 : vector<16xf32> to vector<16xf32>
      tpu.vector_store %arg5[%swap3A_289], %swap3A_292 {strides = array<i32>} : memref<49152xf32, #tpu.memory_space<vmem>>, vector<16xf32>,
      %add3A_293 = arith.constant 128 : i32
      %add3A_294 = arith.addi %mul3A_190, %add3A_293 : i32
      %get3A_295 = arith.index_cast %add3A_294 : i32 to index
      %get3A_296 = tpu.vector_load %arg5[%get3A_295] {strides = array<i32>} : memref<49152xf32, #tpu.memory_space<vmem>>, vector<16xf32>,
      %get3A_297 = vector.shape_cast %get3A_296 : vector<16xf32> to vector<16xf32>
      %get3A_298 = arith.index_cast %add3A_294 : i32 to index
      %get3A_299 = tpu.vector_load %arg6[%get3A_298] {strides = array<i32>} : memref<49152xf32, #tpu.memory_space<vmem>>, vector<16xf32>,
      %get3A_300 = vector.shape_cast %get3A_299 : vector<16xf32> to vector<16xf32>
      %add3A_301 = arith.addf %get3A_297, %get3A_300 : vector<16xf32>
      %swap3A_302 = arith.index_cast %add3A_294 : i32 to index
      %swap3A_303 = tpu.vector_load %arg5[%swap3A_302] {strides = array<i32>} : memref<49152xf32, #tpu.memory_space<vmem>>, vector<16xf32>,
      %swap3A_304 = vector.shape_cast %swap3A_303 : vector<16xf32> to vector<16xf32>
      %swap3A_305 = vector.shape_cast %add3A_301 : vector<16xf32> to vector<16xf32>
      tpu.vector_store %arg5[%swap3A_302], %swap3A_305 {strides = array<i32>} : memref<49152xf32, #tpu.memory_space<vmem>>, vector<16xf32>,
      %add3A_306 = arith.constant 144 : i32
      %add3A_307 = arith.addi %mul3A_190, %add3A_306 : i32
      %get3A_308 = arith.index_cast %add3A_307 : i32 to index
      %get3A_309 = tpu.vector_load %arg5[%get3A_308] {strides = array<i32>} : memref<49152xf32, #tpu.memory_space<vmem>>, vector<16xf32>,
      %get3A_310 = vector.shape_cast %get3A_309 : vector<16xf32> to vector<16xf32>
      %get3A_311 = arith.index_cast %add3A_307 : i32 to index
      %get3A_312 = tpu.vector_load %arg6[%get3A_311] {strides = array<i32>} : memref<49152xf32, #tpu.memory_space<vmem>>, vector<16xf32>,
      %get3A_313 = vector.shape_cast %get3A_312 : vector<16xf32> to vector<16xf32>
      %add3A_314 = arith.addf %get3A_310, %get3A_313 : vector<16xf32>
      %swap3A_315 = arith.index_cast %add3A_307 : i32 to index
      %swap3A_316 = tpu.vector_load %arg5[%swap3A_315] {strides = array<i32>} : memref<49152xf32, #tpu.memory_space<vmem>>, vector<16xf32>,
      %swap3A_317 = vector.shape_cast %swap3A_316 : vector<16xf32> to vector<16xf32>
      %swap3A_318 = vector.shape_cast %add3A_314 : vector<16xf32> to vector<16xf32>
      tpu.vector_store %arg5[%swap3A_315], %swap3A_318 {strides = array<i32>} : memref<49152xf32, #tpu.memory_space<vmem>>, vector<16xf32>,
      %add3A_319 = arith.constant 160 : i32
      %add3A_320 = arith.addi %mul3A_190, %add3A_319 : i32
      %get3A_321 = arith.index_cast %add3A_320 : i32 to index
      %get3A_322 = tpu.vector_load %arg5[%get3A_321] {strides = array<i32>} : memref<49152xf32, #tpu.memory_space<vmem>>, vector<16xf32>,
      %get3A_323 = vector.shape_cast %get3A_322 : vector<16xf32> to vector<16xf32>
      %get3A_324 = arith.index_cast %add3A_320 : i32 to index
      %get3A_325 = tpu.vector_load %arg6[%get3A_324] {strides = array<i32>} : memref<49152xf32, #tpu.memory_space<vmem>>, vector<16xf32>,
      %get3A_326 = vector.shape_cast %get3A_325 : vector<16xf32> to vector<16xf32>
      %add3A_327 = arith.addf %get3A_323, %get3A_326 : vector<16xf32>
      %swap3A_328 = arith.index_cast %add3A_320 : i32 to index
      %swap3A_329 = tpu.vector_load %arg5[%swap3A_328] {strides = array<i32>} : memref<49152xf32, #tpu.memory_space<vmem>>, vector<16xf32>,
      %swap3A_330 = vector.shape_cast %swap3A_329 : vector<16xf32> to vector<16xf32>
      %swap3A_331 = vector.shape_cast %add3A_327 : vector<16xf32> to vector<16xf32>
      tpu.vector_store %arg5[%swap3A_328], %swap3A_331 {strides = array<i32>} : memref<49152xf32, #tpu.memory_space<vmem>>, vector<16xf32>,
      %add3A_332 = arith.constant 176 : i32
      %add3A_333 = arith.addi %mul3A_190, %add3A_332 : i32
      %get3A_334 = arith.index_cast %add3A_333 : i32 to index
      %get3A_335 = tpu.vector_load %arg5[%get3A_334] {strides = array<i32>} : memref<49152xf32, #tpu.memory_space<vmem>>, vector<16xf32>,
      %get3A_336 = vector.shape_cast %get3A_335 : vector<16xf32> to vector<16xf32>
      %get3A_337 = arith.index_cast %add3A_333 : i32 to index
      %get3A_338 = tpu.vector_load %arg6[%get3A_337] {strides = array<i32>} : memref<49152xf32, #tpu.memory_space<vmem>>, vector<16xf32>,
      %get3A_339 = vector.shape_cast %get3A_338 : vector<16xf32> to vector<16xf32>
      %add3A_340 = arith.addf %get3A_336, %get3A_339 : vector<16xf32>
      %swap3A_341 = arith.index_cast %add3A_333 : i32 to index
      %swap3A_342 = tpu.vector_load %arg5[%swap3A_341] {strides = array<i32>} : memref<49152xf32, #tpu.memory_space<vmem>>, vector<16xf32>,
      %swap3A_343 = vector.shape_cast %swap3A_342 : vector<16xf32> to vector<16xf32>
      %swap3A_344 = vector.shape_cast %add3A_340 : vector<16xf32> to vector<16xf32>
      tpu.vector_store %arg5[%swap3A_341], %swap3A_344 {strides = array<i32>} : memref<49152xf32, #tpu.memory_space<vmem>>, vector<16xf32>,
      %add3A_345 = arith.constant 192 : i32
      %add3A_346 = arith.addi %mul3A_190, %add3A_345 : i32
      %get3A_347 = arith.index_cast %add3A_346 : i32 to index
      %get3A_348 = tpu.vector_load %arg5[%get3A_347] {strides = array<i32>} : memref<49152xf32, #tpu.memory_space<vmem>>, vector<16xf32>,
      %get3A_349 = vector.shape_cast %get3A_348 : vector<16xf32> to vector<16xf32>
      %get3A_350 = arith.index_cast %add3A_346 : i32 to index
      %get3A_351 = tpu.vector_load %arg6[%get3A_350] {strides = array<i32>} : memref<49152xf32, #tpu.memory_space<vmem>>, vector<16xf32>,
      %get3A_352 = vector.shape_cast %get3A_351 : vector<16xf32> to vector<16xf32>
      %add3A_353 = arith.addf %get3A_349, %get3A_352 : vector<16xf32>
      %swap3A_354 = arith.index_cast %add3A_346 : i32 to index
      %swap3A_355 = tpu.vector_load %arg5[%swap3A_354] {strides = array<i32>} : memref<49152xf32, #tpu.memory_space<vmem>>, vector<16xf32>,
      %swap3A_356 = vector.shape_cast %swap3A_355 : vector<16xf32> to vector<16xf32>
      %swap3A_357 = vector.shape_cast %add3A_353 : vector<16xf32> to vector<16xf32>
      tpu.vector_store %arg5[%swap3A_354], %swap3A_357 {strides = array<i32>} : memref<49152xf32, #tpu.memory_space<vmem>>, vector<16xf32>,
      %add3A_358 = arith.constant 208 : i32
      %add3A_359 = arith.addi %mul3A_190, %add3A_358 : i32
      %get3A_360 = arith.index_cast %add3A_359 : i32 to index
      %get3A_361 = tpu.vector_load %arg5[%get3A_360] {strides = array<i32>} : memref<49152xf32, #tpu.memory_space<vmem>>, vector<16xf32>,
      %get3A_362 = vector.shape_cast %get3A_361 : vector<16xf32> to vector<16xf32>
      %get3A_363 = arith.index_cast %add3A_359 : i32 to index
      %get3A_364 = tpu.vector_load %arg6[%get3A_363] {strides = array<i32>} : memref<49152xf32, #tpu.memory_space<vmem>>, vector<16xf32>,
      %get3A_365 = vector.shape_cast %get3A_364 : vector<16xf32> to vector<16xf32>
      %add3A_366 = arith.addf %get3A_362, %get3A_365 : vector<16xf32>
      %swap3A_367 = arith.index_cast %add3A_359 : i32 to index
      %swap3A_368 = tpu.vector_load %arg5[%swap3A_367] {strides = array<i32>} : memref<49152xf32, #tpu.memory_space<vmem>>, vector<16xf32>,
      %swap3A_369 = vector.shape_cast %swap3A_368 : vector<16xf32> to vector<16xf32>
      %swap3A_370 = vector.shape_cast %add3A_366 : vector<16xf32> to vector<16xf32>
      tpu.vector_store %arg5[%swap3A_367], %swap3A_370 {strides = array<i32>} : memref<49152xf32, #tpu.memory_space<vmem>>, vector<16xf32>,
      %add3A_371 = arith.constant 224 : i32
      %add3A_372 = arith.addi %mul3A_190, %add3A_371 : i32
      %get3A_373 = arith.index_cast %add3A_372 : i32 to index
      %get3A_374 = tpu.vector_load %arg5[%get3A_373] {strides = array<i32>} : memref<49152xf32, #tpu.memory_space<vmem>>, vector<16xf32>,
      %get3A_375 = vector.shape_cast %get3A_374 : vector<16xf32> to vector<16xf32>
      %get3A_376 = arith.index_cast %add3A_372 : i32 to index
      %get3A_377 = tpu.vector_load %arg6[%get3A_376] {strides = array<i32>} : memref<49152xf32, #tpu.memory_space<vmem>>, vector<16xf32>,
      %get3A_378 = vector.shape_cast %get3A_377 : vector<16xf32> to vector<16xf32>
      %add3A_379 = arith.addf %get3A_375, %get3A_378 : vector<16xf32>
      %swap3A_380 = arith.index_cast %add3A_372 : i32 to index
      %swap3A_381 = tpu.vector_load %arg5[%swap3A_380] {strides = array<i32>} : memref<49152xf32, #tpu.memory_space<vmem>>, vector<16xf32>,
      %swap3A_382 = vector.shape_cast %swap3A_381 : vector<16xf32> to vector<16xf32>
      %swap3A_383 = vector.shape_cast %add3A_379 : vector<16xf32> to vector<16xf32>
      tpu.vector_store %arg5[%swap3A_380], %swap3A_383 {strides = array<i32>} : memref<49152xf32, #tpu.memory_space<vmem>>, vector<16xf32>,
      %add3A_384 = arith.constant 240 : i32
      %add3A_385 = arith.addi %mul3A_190, %add3A_384 : i32
      %get3A_386 = arith.index_cast %add3A_385 : i32 to index
      %get3A_387 = tpu.vector_load %arg5[%get3A_386] {strides = array<i32>} : memref<49152xf32, #tpu.memory_space<vmem>>, vector<16xf32>,
      %get3A_388 = vector.shape_cast %get3A_387 : vector<16xf32> to vector<16xf32>
      %get3A_389 = arith.index_cast %add3A_385 : i32 to index
      %get3A_390 = tpu.vector_load %arg6[%get3A_389] {strides = array<i32>} : memref<49152xf32, #tpu.memory_space<vmem>>, vector<16xf32>,
      %get3A_391 = vector.shape_cast %get3A_390 : vector<16xf32> to vector<16xf32>
      %add3A_392 = arith.addf %get3A_388, %get3A_391 : vector<16xf32>
      %swap3A_393 = arith.index_cast %add3A_385 : i32 to index
      %swap3A_394 = tpu.vector_load %arg5[%swap3A_393] {strides = array<i32>} : memref<49152xf32, #tpu.memory_space<vmem>>, vector<16xf32>,
      %swap3A_395 = vector.shape_cast %swap3A_394 : vector<16xf32> to vector<16xf32>
      %swap3A_396 = vector.shape_cast %add3A_392 : vector<16xf32> to vector<16xf32>
      tpu.vector_store %arg5[%swap3A_393], %swap3A_396 {strides = array<i32>} : memref<49152xf32, #tpu.memory_space<vmem>>, vector<16xf32>,
      %scan3A_397 = arith.constant 0 : i32
      scf.yield %scan3A_397 : i32
    }
    %scan3A_43 = arith.constant 192 : i32
    "tpu.region"() ({
      %run_scoped3A = tpu.sem_alloc : memref<!tpu.dma_semaphore, #tpu.memory_space<semaphore_mem>>
      %dma_start3A = tpu.memref_slice %arg4[%add3A_34] : memref<25165824xf32, #tpu.memory_space<hbm>> -> memref<49152xf32, #tpu.memory_space<hbm>>
      %dma_start3A_187 = tpu.memref_slice %arg4[%add3A_34] : memref<25165824xf32, #tpu.memory_space<hbm>> -> memref<49152xf32, #tpu.memory_space<hbm>>
      tpu.enqueue_dma source(%arg5 : memref<49152xf32, #tpu.memory_space<vmem>>) target(%dma_start3A_187 : memref<49152xf32, #tpu.memory_space<hbm>>) target_semaphore(%run_scoped3A : memref<!tpu.dma_semaphore, #tpu.memory_space<semaphore_mem>>)
      %dma_wait3A = tpu.memref_slice %arg4[%add3A_34] : memref<25165824xf32, #tpu.memory_space<hbm>> -> memref<49152xf32, #tpu.memory_space<hbm>>
      %dma_wait3A_188 = tpu.memref_slice %arg4[%add3A_34] : memref<25165824xf32, #tpu.memory_space<hbm>> -> memref<49152xf32, #tpu.memory_space<hbm>>
      tpu.wait_dma2 semaphore(%run_scoped3A : memref<!tpu.dma_semaphore, #tpu.memory_space<semaphore_mem>>) src(%arg5 : memref<49152xf32, #tpu.memory_space<vmem>>) dst(%dma_wait3A_188 : memref<49152xf32, #tpu.memory_space<hbm>>)
      tpu.yield
    }) : () -> ()
    %add3A_44 = arith.constant 147456 : i32
    %add3A_45 = arith.addi %mul3A_2, %add3A_44 : i32
    %add3A_46 = arith.constant 147456 : i32
    %add3A_47 = arith.addi %select_n3A_11, %add3A_46 : i32
    "tpu.region"() ({
      %run_scoped3A = tpu.sem_alloc : memref<!tpu.dma_semaphore, #tpu.memory_space<semaphore_mem>>
      %dma_start3A = tpu.memref_slice %arg2[%add3A_45] : memref<25165824xf32, #tpu.memory_space<hbm>> -> memref<49152xf32, #tpu.memory_space<hbm>>
      %dma_start3A_187 = tpu.memref_slice %arg2[%add3A_45] : memref<25165824xf32, #tpu.memory_space<hbm>> -> memref<49152xf32, #tpu.memory_space<hbm>>
      tpu.enqueue_dma source(%dma_start3A_187 : memref<49152xf32, #tpu.memory_space<hbm>>) target(%arg5 : memref<49152xf32, #tpu.memory_space<vmem>>) target_semaphore(%run_scoped3A : memref<!tpu.dma_semaphore, #tpu.memory_space<semaphore_mem>>)
      %dma_wait3A = tpu.memref_slice %arg2[%add3A_45] : memref<25165824xf32, #tpu.memory_space<hbm>> -> memref<49152xf32, #tpu.memory_space<hbm>>
      %dma_wait3A_188 = tpu.memref_slice %arg2[%add3A_45] : memref<25165824xf32, #tpu.memory_space<hbm>> -> memref<49152xf32, #tpu.memory_space<hbm>>
      tpu.wait_dma2 semaphore(%run_scoped3A : memref<!tpu.dma_semaphore, #tpu.memory_space<semaphore_mem>>) src(%dma_wait3A_188 : memref<49152xf32, #tpu.memory_space<hbm>>) dst(%arg5 : memref<49152xf32, #tpu.memory_space<vmem>>)
      tpu.yield
    }) : () -> ()
    "tpu.region"() ({
      %run_scoped3A = tpu.sem_alloc : memref<!tpu.dma_semaphore, #tpu.memory_space<semaphore_mem>>
      %dma_start3A = tpu.memref_slice %arg3[%add3A_47] : memref<6291456xf32, #tpu.memory_space<hbm>> -> memref<49152xf32, #tpu.memory_space<hbm>>
      %dma_start3A_187 = tpu.memref_slice %arg3[%add3A_47] : memref<6291456xf32, #tpu.memory_space<hbm>> -> memref<49152xf32, #tpu.memory_space<hbm>>
      tpu.enqueue_dma source(%dma_start3A_187 : memref<49152xf32, #tpu.memory_space<hbm>>) target(%arg6 : memref<49152xf32, #tpu.memory_space<vmem>>) target_semaphore(%run_scoped3A : memref<!tpu.dma_semaphore, #tpu.memory_space<semaphore_mem>>)
      %dma_wait3A = tpu.memref_slice %arg3[%add3A_47] : memref<6291456xf32, #tpu.memory_space<hbm>> -> memref<49152xf32, #tpu.memory_space<hbm>>
      %dma_wait3A_188 = tpu.memref_slice %arg3[%add3A_47] : memref<6291456xf32, #tpu.memory_space<hbm>> -> memref<49152xf32, #tpu.memory_space<hbm>>
      tpu.wait_dma2 semaphore(%run_scoped3A : memref<!tpu.dma_semaphore, #tpu.memory_space<semaphore_mem>>) src(%dma_wait3A_188 : memref<49152xf32, #tpu.memory_space<hbm>>) dst(%arg6 : memref<49152xf32, #tpu.memory_space<vmem>>)
      tpu.yield
    }) : () -> ()
    %scan3A_48 = arith.constant 0 : i32
    %scan3A_49 = arith.constant 0 : i32
    %scan3A_50 = arith.constant 192 : i32
    %scan3A_51 = arith.addi %scan3A_49, %scan3A_50 : i32
    %scan3A_52 = arith.constant 1 : i32
    %scan3A_53 = scf.for %scan3A_187 = %scan3A_49 to %scan3A_51 step %scan3A_52 iter_args(%scan3A_188 = %scan3A_48) -> (i32)  : i32 {
      %mul3A_189 = arith.constant 256 : i32
      %mul3A_190 = arith.muli %scan3A_187, %mul3A_189 : i32
      %add3A_191 = arith.constant 0 : i32
      %add3A_192 = arith.addi %mul3A_190, %add3A_191 : i32
      %get3A = arith.index_cast %add3A_192 : i32 to index
      %get3A_193 = tpu.vector_load %arg5[%get3A] {strides = array<i32>} : memref<49152xf32, #tpu.memory_space<vmem>>, vector<16xf32>,
      %get3A_194 = vector.shape_cast %get3A_193 : vector<16xf32> to vector<16xf32>
      %get3A_195 = arith.index_cast %add3A_192 : i32 to index
      %get3A_196 = tpu.vector_load %arg6[%get3A_195] {strides = array<i32>} : memref<49152xf32, #tpu.memory_space<vmem>>, vector<16xf32>,
      %get3A_197 = vector.shape_cast %get3A_196 : vector<16xf32> to vector<16xf32>
      %add3A_198 = arith.addf %get3A_194, %get3A_197 : vector<16xf32>
      %swap3A = arith.index_cast %add3A_192 : i32 to index
      %swap3A_199 = tpu.vector_load %arg5[%swap3A] {strides = array<i32>} : memref<49152xf32, #tpu.memory_space<vmem>>, vector<16xf32>,
      %swap3A_200 = vector.shape_cast %swap3A_199 : vector<16xf32> to vector<16xf32>
      %swap3A_201 = vector.shape_cast %add3A_198 : vector<16xf32> to vector<16xf32>
      tpu.vector_store %arg5[%swap3A], %swap3A_201 {strides = array<i32>} : memref<49152xf32, #tpu.memory_space<vmem>>, vector<16xf32>,
      %add3A_202 = arith.constant 16 : i32
      %add3A_203 = arith.addi %mul3A_190, %add3A_202 : i32
      %get3A_204 = arith.index_cast %add3A_203 : i32 to index
      %get3A_205 = tpu.vector_load %arg5[%get3A_204] {strides = array<i32>} : memref<49152xf32, #tpu.memory_space<vmem>>, vector<16xf32>,
      %get3A_206 = vector.shape_cast %get3A_205 : vector<16xf32> to vector<16xf32>
      %get3A_207 = arith.index_cast %add3A_203 : i32 to index
      %get3A_208 = tpu.vector_load %arg6[%get3A_207] {strides = array<i32>} : memref<49152xf32, #tpu.memory_space<vmem>>, vector<16xf32>,
      %get3A_209 = vector.shape_cast %get3A_208 : vector<16xf32> to vector<16xf32>
      %add3A_210 = arith.addf %get3A_206, %get3A_209 : vector<16xf32>
      %swap3A_211 = arith.index_cast %add3A_203 : i32 to index
      %swap3A_212 = tpu.vector_load %arg5[%swap3A_211] {strides = array<i32>} : memref<49152xf32, #tpu.memory_space<vmem>>, vector<16xf32>,
      %swap3A_213 = vector.shape_cast %swap3A_212 : vector<16xf32> to vector<16xf32>
      %swap3A_214 = vector.shape_cast %add3A_210 : vector<16xf32> to vector<16xf32>
      tpu.vector_store %arg5[%swap3A_211], %swap3A_214 {strides = array<i32>} : memref<49152xf32, #tpu.memory_space<vmem>>, vector<16xf32>,
      %add3A_215 = arith.constant 32 : i32
      %add3A_216 = arith.addi %mul3A_190, %add3A_215 : i32
      %get3A_217 = arith.index_cast %add3A_216 : i32 to index
      %get3A_218 = tpu.vector_load %arg5[%get3A_217] {strides = array<i32>} : memref<49152xf32, #tpu.memory_space<vmem>>, vector<16xf32>,
      %get3A_219 = vector.shape_cast %get3A_218 : vector<16xf32> to vector<16xf32>
      %get3A_220 = arith.index_cast %add3A_216 : i32 to index
      %get3A_221 = tpu.vector_load %arg6[%get3A_220] {strides = array<i32>} : memref<49152xf32, #tpu.memory_space<vmem>>, vector<16xf32>,
      %get3A_222 = vector.shape_cast %get3A_221 : vector<16xf32> to vector<16xf32>
      %add3A_223 = arith.addf %get3A_219, %get3A_222 : vector<16xf32>
      %swap3A_224 = arith.index_cast %add3A_216 : i32 to index
      %swap3A_225 = tpu.vector_load %arg5[%swap3A_224] {strides = array<i32>} : memref<49152xf32, #tpu.memory_space<vmem>>, vector<16xf32>,
      %swap3A_226 = vector.shape_cast %swap3A_225 : vector<16xf32> to vector<16xf32>
      %swap3A_227 = vector.shape_cast %add3A_223 : vector<16xf32> to vector<16xf32>
      tpu.vector_store %arg5[%swap3A_224], %swap3A_227 {strides = array<i32>} : memref<49152xf32, #tpu.memory_space<vmem>>, vector<16xf32>,
      %add3A_228 = arith.constant 48 : i32
      %add3A_229 = arith.addi %mul3A_190, %add3A_228 : i32
      %get3A_230 = arith.index_cast %add3A_229 : i32 to index
      %get3A_231 = tpu.vector_load %arg5[%get3A_230] {strides = array<i32>} : memref<49152xf32, #tpu.memory_space<vmem>>, vector<16xf32>,
      %get3A_232 = vector.shape_cast %get3A_231 : vector<16xf32> to vector<16xf32>
      %get3A_233 = arith.index_cast %add3A_229 : i32 to index
      %get3A_234 = tpu.vector_load %arg6[%get3A_233] {strides = array<i32>} : memref<49152xf32, #tpu.memory_space<vmem>>, vector<16xf32>,
      %get3A_235 = vector.shape_cast %get3A_234 : vector<16xf32> to vector<16xf32>
      %add3A_236 = arith.addf %get3A_232, %get3A_235 : vector<16xf32>
      %swap3A_237 = arith.index_cast %add3A_229 : i32 to index
      %swap3A_238 = tpu.vector_load %arg5[%swap3A_237] {strides = array<i32>} : memref<49152xf32, #tpu.memory_space<vmem>>, vector<16xf32>,
      %swap3A_239 = vector.shape_cast %swap3A_238 : vector<16xf32> to vector<16xf32>
      %swap3A_240 = vector.shape_cast %add3A_236 : vector<16xf32> to vector<16xf32>
      tpu.vector_store %arg5[%swap3A_237], %swap3A_240 {strides = array<i32>} : memref<49152xf32, #tpu.memory_space<vmem>>, vector<16xf32>,
      %add3A_241 = arith.constant 64 : i32
      %add3A_242 = arith.addi %mul3A_190, %add3A_241 : i32
      %get3A_243 = arith.index_cast %add3A_242 : i32 to index
      %get3A_244 = tpu.vector_load %arg5[%get3A_243] {strides = array<i32>} : memref<49152xf32, #tpu.memory_space<vmem>>, vector<16xf32>,
      %get3A_245 = vector.shape_cast %get3A_244 : vector<16xf32> to vector<16xf32>
      %get3A_246 = arith.index_cast %add3A_242 : i32 to index
      %get3A_247 = tpu.vector_load %arg6[%get3A_246] {strides = array<i32>} : memref<49152xf32, #tpu.memory_space<vmem>>, vector<16xf32>,
      %get3A_248 = vector.shape_cast %get3A_247 : vector<16xf32> to vector<16xf32>
      %add3A_249 = arith.addf %get3A_245, %get3A_248 : vector<16xf32>
      %swap3A_250 = arith.index_cast %add3A_242 : i32 to index
      %swap3A_251 = tpu.vector_load %arg5[%swap3A_250] {strides = array<i32>} : memref<49152xf32, #tpu.memory_space<vmem>>, vector<16xf32>,
      %swap3A_252 = vector.shape_cast %swap3A_251 : vector<16xf32> to vector<16xf32>
      %swap3A_253 = vector.shape_cast %add3A_249 : vector<16xf32> to vector<16xf32>
      tpu.vector_store %arg5[%swap3A_250], %swap3A_253 {strides = array<i32>} : memref<49152xf32, #tpu.memory_space<vmem>>, vector<16xf32>,
      %add3A_254 = arith.constant 80 : i32
      %add3A_255 = arith.addi %mul3A_190, %add3A_254 : i32
      %get3A_256 = arith.index_cast %add3A_255 : i32 to index
      %get3A_257 = tpu.vector_load %arg5[%get3A_256] {strides = array<i32>} : memref<49152xf32, #tpu.memory_space<vmem>>, vector<16xf32>,
      %get3A_258 = vector.shape_cast %get3A_257 : vector<16xf32> to vector<16xf32>
      %get3A_259 = arith.index_cast %add3A_255 : i32 to index
      %get3A_260 = tpu.vector_load %arg6[%get3A_259] {strides = array<i32>} : memref<49152xf32, #tpu.memory_space<vmem>>, vector<16xf32>,
      %get3A_261 = vector.shape_cast %get3A_260 : vector<16xf32> to vector<16xf32>
      %add3A_262 = arith.addf %get3A_258, %get3A_261 : vector<16xf32>
      %swap3A_263 = arith.index_cast %add3A_255 : i32 to index
      %swap3A_264 = tpu.vector_load %arg5[%swap3A_263] {strides = array<i32>} : memref<49152xf32, #tpu.memory_space<vmem>>, vector<16xf32>,
      %swap3A_265 = vector.shape_cast %swap3A_264 : vector<16xf32> to vector<16xf32>
      %swap3A_266 = vector.shape_cast %add3A_262 : vector<16xf32> to vector<16xf32>
      tpu.vector_store %arg5[%swap3A_263], %swap3A_266 {strides = array<i32>} : memref<49152xf32, #tpu.memory_space<vmem>>, vector<16xf32>,
      %add3A_267 = arith.constant 96 : i32
      %add3A_268 = arith.addi %mul3A_190, %add3A_267 : i32
      %get3A_269 = arith.index_cast %add3A_268 : i32 to index
      %get3A_270 = tpu.vector_load %arg5[%get3A_269] {strides = array<i32>} : memref<49152xf32, #tpu.memory_space<vmem>>, vector<16xf32>,
      %get3A_271 = vector.shape_cast %get3A_270 : vector<16xf32> to vector<16xf32>
      %get3A_272 = arith.index_cast %add3A_268 : i32 to index
      %get3A_273 = tpu.vector_load %arg6[%get3A_272] {strides = array<i32>} : memref<49152xf32, #tpu.memory_space<vmem>>, vector<16xf32>,
      %get3A_274 = vector.shape_cast %get3A_273 : vector<16xf32> to vector<16xf32>
      %add3A_275 = arith.addf %get3A_271, %get3A_274 : vector<16xf32>
      %swap3A_276 = arith.index_cast %add3A_268 : i32 to index
      %swap3A_277 = tpu.vector_load %arg5[%swap3A_276] {strides = array<i32>} : memref<49152xf32, #tpu.memory_space<vmem>>, vector<16xf32>,
      %swap3A_278 = vector.shape_cast %swap3A_277 : vector<16xf32> to vector<16xf32>
      %swap3A_279 = vector.shape_cast %add3A_275 : vector<16xf32> to vector<16xf32>
      tpu.vector_store %arg5[%swap3A_276], %swap3A_279 {strides = array<i32>} : memref<49152xf32, #tpu.memory_space<vmem>>, vector<16xf32>,
      %add3A_280 = arith.constant 112 : i32
      %add3A_281 = arith.addi %mul3A_190, %add3A_280 : i32
      %get3A_282 = arith.index_cast %add3A_281 : i32 to index
      %get3A_283 = tpu.vector_load %arg5[%get3A_282] {strides = array<i32>} : memref<49152xf32, #tpu.memory_space<vmem>>, vector<16xf32>,
      %get3A_284 = vector.shape_cast %get3A_283 : vector<16xf32> to vector<16xf32>
      %get3A_285 = arith.index_cast %add3A_281 : i32 to index
      %get3A_286 = tpu.vector_load %arg6[%get3A_285] {strides = array<i32>} : memref<49152xf32, #tpu.memory_space<vmem>>, vector<16xf32>,
      %get3A_287 = vector.shape_cast %get3A_286 : vector<16xf32> to vector<16xf32>
      %add3A_288 = arith.addf %get3A_284, %get3A_287 : vector<16xf32>
      %swap3A_289 = arith.index_cast %add3A_281 : i32 to index
      %swap3A_290 = tpu.vector_load %arg5[%swap3A_289] {strides = array<i32>} : memref<49152xf32, #tpu.memory_space<vmem>>, vector<16xf32>,
      %swap3A_291 = vector.shape_cast %swap3A_290 : vector<16xf32> to vector<16xf32>
      %swap3A_292 = vector.shape_cast %add3A_288 : vector<16xf32> to vector<16xf32>
      tpu.vector_store %arg5[%swap3A_289], %swap3A_292 {strides = array<i32>} : memref<49152xf32, #tpu.memory_space<vmem>>, vector<16xf32>,
      %add3A_293 = arith.constant 128 : i32
      %add3A_294 = arith.addi %mul3A_190, %add3A_293 : i32
      %get3A_295 = arith.index_cast %add3A_294 : i32 to index
      %get3A_296 = tpu.vector_load %arg5[%get3A_295] {strides = array<i32>} : memref<49152xf32, #tpu.memory_space<vmem>>, vector<16xf32>,
      %get3A_297 = vector.shape_cast %get3A_296 : vector<16xf32> to vector<16xf32>
      %get3A_298 = arith.index_cast %add3A_294 : i32 to index
      %get3A_299 = tpu.vector_load %arg6[%get3A_298] {strides = array<i32>} : memref<49152xf32, #tpu.memory_space<vmem>>, vector<16xf32>,
      %get3A_300 = vector.shape_cast %get3A_299 : vector<16xf32> to vector<16xf32>
      %add3A_301 = arith.addf %get3A_297, %get3A_300 : vector<16xf32>
      %swap3A_302 = arith.index_cast %add3A_294 : i32 to index
      %swap3A_303 = tpu.vector_load %arg5[%swap3A_302] {strides = array<i32>} : memref<49152xf32, #tpu.memory_space<vmem>>, vector<16xf32>,
      %swap3A_304 = vector.shape_cast %swap3A_303 : vector<16xf32> to vector<16xf32>
      %swap3A_305 = vector.shape_cast %add3A_301 : vector<16xf32> to vector<16xf32>
      tpu.vector_store %arg5[%swap3A_302], %swap3A_305 {strides = array<i32>} : memref<49152xf32, #tpu.memory_space<vmem>>, vector<16xf32>,
      %add3A_306 = arith.constant 144 : i32
      %add3A_307 = arith.addi %mul3A_190, %add3A_306 : i32
      %get3A_308 = arith.index_cast %add3A_307 : i32 to index
      %get3A_309 = tpu.vector_load %arg5[%get3A_308] {strides = array<i32>} : memref<49152xf32, #tpu.memory_space<vmem>>, vector<16xf32>,
      %get3A_310 = vector.shape_cast %get3A_309 : vector<16xf32> to vector<16xf32>
      %get3A_311 = arith.index_cast %add3A_307 : i32 to index
      %get3A_312 = tpu.vector_load %arg6[%get3A_311] {strides = array<i32>} : memref<49152xf32, #tpu.memory_space<vmem>>, vector<16xf32>,
      %get3A_313 = vector.shape_cast %get3A_312 : vector<16xf32> to vector<16xf32>
      %add3A_314 = arith.addf %get3A_310, %get3A_313 : vector<16xf32>
      %swap3A_315 = arith.index_cast %add3A_307 : i32 to index
      %swap3A_316 = tpu.vector_load %arg5[%swap3A_315] {strides = array<i32>} : memref<49152xf32, #tpu.memory_space<vmem>>, vector<16xf32>,
      %swap3A_317 = vector.shape_cast %swap3A_316 : vector<16xf32> to vector<16xf32>
      %swap3A_318 = vector.shape_cast %add3A_314 : vector<16xf32> to vector<16xf32>
      tpu.vector_store %arg5[%swap3A_315], %swap3A_318 {strides = array<i32>} : memref<49152xf32, #tpu.memory_space<vmem>>, vector<16xf32>,
      %add3A_319 = arith.constant 160 : i32
      %add3A_320 = arith.addi %mul3A_190, %add3A_319 : i32
      %get3A_321 = arith.index_cast %add3A_320 : i32 to index
      %get3A_322 = tpu.vector_load %arg5[%get3A_321] {strides = array<i32>} : memref<49152xf32, #tpu.memory_space<vmem>>, vector<16xf32>,
      %get3A_323 = vector.shape_cast %get3A_322 : vector<16xf32> to vector<16xf32>
      %get3A_324 = arith.index_cast %add3A_320 : i32 to index
      %get3A_325 = tpu.vector_load %arg6[%get3A_324] {strides = array<i32>} : memref<49152xf32, #tpu.memory_space<vmem>>, vector<16xf32>,
      %get3A_326 = vector.shape_cast %get3A_325 : vector<16xf32> to vector<16xf32>
      %add3A_327 = arith.addf %get3A_323, %get3A_326 : vector<16xf32>
      %swap3A_328 = arith.index_cast %add3A_320 : i32 to index
      %swap3A_329 = tpu.vector_load %arg5[%swap3A_328] {strides = array<i32>} : memref<49152xf32, #tpu.memory_space<vmem>>, vector<16xf32>,
      %swap3A_330 = vector.shape_cast %swap3A_329 : vector<16xf32> to vector<16xf32>
      %swap3A_331 = vector.shape_cast %add3A_327 : vector<16xf32> to vector<16xf32>
      tpu.vector_store %arg5[%swap3A_328], %swap3A_331 {strides = array<i32>} : memref<49152xf32, #tpu.memory_space<vmem>>, vector<16xf32>,
      %add3A_332 = arith.constant 176 : i32
      %add3A_333 = arith.addi %mul3A_190, %add3A_332 : i32
      %get3A_334 = arith.index_cast %add3A_333 : i32 to index
      %get3A_335 = tpu.vector_load %arg5[%get3A_334] {strides = array<i32>} : memref<49152xf32, #tpu.memory_space<vmem>>, vector<16xf32>,
      %get3A_336 = vector.shape_cast %get3A_335 : vector<16xf32> to vector<16xf32>
      %get3A_337 = arith.index_cast %add3A_333 : i32 to index
      %get3A_338 = tpu.vector_load %arg6[%get3A_337] {strides = array<i32>} : memref<49152xf32, #tpu.memory_space<vmem>>, vector<16xf32>,
      %get3A_339 = vector.shape_cast %get3A_338 : vector<16xf32> to vector<16xf32>
      %add3A_340 = arith.addf %get3A_336, %get3A_339 : vector<16xf32>
      %swap3A_341 = arith.index_cast %add3A_333 : i32 to index
      %swap3A_342 = tpu.vector_load %arg5[%swap3A_341] {strides = array<i32>} : memref<49152xf32, #tpu.memory_space<vmem>>, vector<16xf32>,
      %swap3A_343 = vector.shape_cast %swap3A_342 : vector<16xf32> to vector<16xf32>
      %swap3A_344 = vector.shape_cast %add3A_340 : vector<16xf32> to vector<16xf32>
      tpu.vector_store %arg5[%swap3A_341], %swap3A_344 {strides = array<i32>} : memref<49152xf32, #tpu.memory_space<vmem>>, vector<16xf32>,
      %add3A_345 = arith.constant 192 : i32
      %add3A_346 = arith.addi %mul3A_190, %add3A_345 : i32
      %get3A_347 = arith.index_cast %add3A_346 : i32 to index
      %get3A_348 = tpu.vector_load %arg5[%get3A_347] {strides = array<i32>} : memref<49152xf32, #tpu.memory_space<vmem>>, vector<16xf32>,
      %get3A_349 = vector.shape_cast %get3A_348 : vector<16xf32> to vector<16xf32>
      %get3A_350 = arith.index_cast %add3A_346 : i32 to index
      %get3A_351 = tpu.vector_load %arg6[%get3A_350] {strides = array<i32>} : memref<49152xf32, #tpu.memory_space<vmem>>, vector<16xf32>,
      %get3A_352 = vector.shape_cast %get3A_351 : vector<16xf32> to vector<16xf32>
      %add3A_353 = arith.addf %get3A_349, %get3A_352 : vector<16xf32>
      %swap3A_354 = arith.index_cast %add3A_346 : i32 to index
      %swap3A_355 = tpu.vector_load %arg5[%swap3A_354] {strides = array<i32>} : memref<49152xf32, #tpu.memory_space<vmem>>, vector<16xf32>,
      %swap3A_356 = vector.shape_cast %swap3A_355 : vector<16xf32> to vector<16xf32>
      %swap3A_357 = vector.shape_cast %add3A_353 : vector<16xf32> to vector<16xf32>
      tpu.vector_store %arg5[%swap3A_354], %swap3A_357 {strides = array<i32>} : memref<49152xf32, #tpu.memory_space<vmem>>, vector<16xf32>,
      %add3A_358 = arith.constant 208 : i32
      %add3A_359 = arith.addi %mul3A_190, %add3A_358 : i32
      %get3A_360 = arith.index_cast %add3A_359 : i32 to index
      %get3A_361 = tpu.vector_load %arg5[%get3A_360] {strides = array<i32>} : memref<49152xf32, #tpu.memory_space<vmem>>, vector<16xf32>,
      %get3A_362 = vector.shape_cast %get3A_361 : vector<16xf32> to vector<16xf32>
      %get3A_363 = arith.index_cast %add3A_359 : i32 to index
      %get3A_364 = tpu.vector_load %arg6[%get3A_363] {strides = array<i32>} : memref<49152xf32, #tpu.memory_space<vmem>>, vector<16xf32>,
      %get3A_365 = vector.shape_cast %get3A_364 : vector<16xf32> to vector<16xf32>
      %add3A_366 = arith.addf %get3A_362, %get3A_365 : vector<16xf32>
      %swap3A_367 = arith.index_cast %add3A_359 : i32 to index
      %swap3A_368 = tpu.vector_load %arg5[%swap3A_367] {strides = array<i32>} : memref<49152xf32, #tpu.memory_space<vmem>>, vector<16xf32>,
      %swap3A_369 = vector.shape_cast %swap3A_368 : vector<16xf32> to vector<16xf32>
      %swap3A_370 = vector.shape_cast %add3A_366 : vector<16xf32> to vector<16xf32>
      tpu.vector_store %arg5[%swap3A_367], %swap3A_370 {strides = array<i32>} : memref<49152xf32, #tpu.memory_space<vmem>>, vector<16xf32>,
      %add3A_371 = arith.constant 224 : i32
      %add3A_372 = arith.addi %mul3A_190, %add3A_371 : i32
      %get3A_373 = arith.index_cast %add3A_372 : i32 to index
      %get3A_374 = tpu.vector_load %arg5[%get3A_373] {strides = array<i32>} : memref<49152xf32, #tpu.memory_space<vmem>>, vector<16xf32>,
      %get3A_375 = vector.shape_cast %get3A_374 : vector<16xf32> to vector<16xf32>
      %get3A_376 = arith.index_cast %add3A_372 : i32 to index
      %get3A_377 = tpu.vector_load %arg6[%get3A_376] {strides = array<i32>} : memref<49152xf32, #tpu.memory_space<vmem>>, vector<16xf32>,
      %get3A_378 = vector.shape_cast %get3A_377 : vector<16xf32> to vector<16xf32>
      %add3A_379 = arith.addf %get3A_375, %get3A_378 : vector<16xf32>
      %swap3A_380 = arith.index_cast %add3A_372 : i32 to index
      %swap3A_381 = tpu.vector_load %arg5[%swap3A_380] {strides = array<i32>} : memref<49152xf32, #tpu.memory_space<vmem>>, vector<16xf32>,
      %swap3A_382 = vector.shape_cast %swap3A_381 : vector<16xf32> to vector<16xf32>
      %swap3A_383 = vector.shape_cast %add3A_379 : vector<16xf32> to vector<16xf32>
      tpu.vector_store %arg5[%swap3A_380], %swap3A_383 {strides = array<i32>} : memref<49152xf32, #tpu.memory_space<vmem>>, vector<16xf32>,
      %add3A_384 = arith.constant 240 : i32
      %add3A_385 = arith.addi %mul3A_190, %add3A_384 : i32
      %get3A_386 = arith.index_cast %add3A_385 : i32 to index
      %get3A_387 = tpu.vector_load %arg5[%get3A_386] {strides = array<i32>} : memref<49152xf32, #tpu.memory_space<vmem>>, vector<16xf32>,
      %get3A_388 = vector.shape_cast %get3A_387 : vector<16xf32> to vector<16xf32>
      %get3A_389 = arith.index_cast %add3A_385 : i32 to index
      %get3A_390 = tpu.vector_load %arg6[%get3A_389] {strides = array<i32>} : memref<49152xf32, #tpu.memory_space<vmem>>, vector<16xf32>,
      %get3A_391 = vector.shape_cast %get3A_390 : vector<16xf32> to vector<16xf32>
      %add3A_392 = arith.addf %get3A_388, %get3A_391 : vector<16xf32>
      %swap3A_393 = arith.index_cast %add3A_385 : i32 to index
      %swap3A_394 = tpu.vector_load %arg5[%swap3A_393] {strides = array<i32>} : memref<49152xf32, #tpu.memory_space<vmem>>, vector<16xf32>,
      %swap3A_395 = vector.shape_cast %swap3A_394 : vector<16xf32> to vector<16xf32>
      %swap3A_396 = vector.shape_cast %add3A_392 : vector<16xf32> to vector<16xf32>
      tpu.vector_store %arg5[%swap3A_393], %swap3A_396 {strides = array<i32>} : memref<49152xf32, #tpu.memory_space<vmem>>, vector<16xf32>,
      %scan3A_397 = arith.constant 0 : i32
      scf.yield %scan3A_397 : i32
    }
    %scan3A_54 = arith.constant 192 : i32
    "tpu.region"() ({
      %run_scoped3A = tpu.sem_alloc : memref<!tpu.dma_semaphore, #tpu.memory_space<semaphore_mem>>
      %dma_start3A = tpu.memref_slice %arg4[%add3A_45] : memref<25165824xf32, #tpu.memory_space<hbm>> -> memref<49152xf32, #tpu.memory_space<hbm>>
      %dma_start3A_187 = tpu.memref_slice %arg4[%add3A_45] : memref<25165824xf32, #tpu.memory_space<hbm>> -> memref<49152xf32, #tpu.memory_space<hbm>>
      tpu.enqueue_dma source(%arg5 : memref<49152xf32, #tpu.memory_space<vmem>>) target(%dma_start3A_187 : memref<49152xf32, #tpu.memory_space<hbm>>) target_semaphore(%run_scoped3A : memref<!tpu.dma_semaphore, #tpu.memory_space<semaphore_mem>>)
      %dma_wait3A = tpu.memref_slice %arg4[%add3A_45] : memref<25165824xf32, #tpu.memory_space<hbm>> -> memref<49152xf32, #tpu.memory_space<hbm>>
      %dma_wait3A_188 = tpu.memref_slice %arg4[%add3A_45] : memref<25165824xf32, #tpu.memory_space<hbm>> -> memref<49152xf32, #tpu.memory_space<hbm>>
      tpu.wait_dma2 semaphore(%run_scoped3A : memref<!tpu.dma_semaphore, #tpu.memory_space<semaphore_mem>>) src(%arg5 : memref<49152xf32, #tpu.memory_space<vmem>>) dst(%dma_wait3A_188 : memref<49152xf32, #tpu.memory_space<hbm>>)
      tpu.yield
    }) : () -> ()
    %add3A_55 = arith.constant 196608 : i32
    %add3A_56 = arith.addi %mul3A_2, %add3A_55 : i32
    %add3A_57 = arith.constant 196608 : i32
    %add3A_58 = arith.addi %select_n3A_11, %add3A_57 : i32
    "tpu.region"() ({
      %run_scoped3A = tpu.sem_alloc : memref<!tpu.dma_semaphore, #tpu.memory_space<semaphore_mem>>
      %dma_start3A = tpu.memref_slice %arg2[%add3A_56] : memref<25165824xf32, #tpu.memory_space<hbm>> -> memref<49152xf32, #tpu.memory_space<hbm>>
      %dma_start3A_187 = tpu.memref_slice %arg2[%add3A_56] : memref<25165824xf32, #tpu.memory_space<hbm>> -> memref<49152xf32, #tpu.memory_space<hbm>>
      tpu.enqueue_dma source(%dma_start3A_187 : memref<49152xf32, #tpu.memory_space<hbm>>) target(%arg5 : memref<49152xf32, #tpu.memory_space<vmem>>) target_semaphore(%run_scoped3A : memref<!tpu.dma_semaphore, #tpu.memory_space<semaphore_mem>>)
      %dma_wait3A = tpu.memref_slice %arg2[%add3A_56] : memref<25165824xf32, #tpu.memory_space<hbm>> -> memref<49152xf32, #tpu.memory_space<hbm>>
      %dma_wait3A_188 = tpu.memref_slice %arg2[%add3A_56] : memref<25165824xf32, #tpu.memory_space<hbm>> -> memref<49152xf32, #tpu.memory_space<hbm>>
      tpu.wait_dma2 semaphore(%run_scoped3A : memref<!tpu.dma_semaphore, #tpu.memory_space<semaphore_mem>>) src(%dma_wait3A_188 : memref<49152xf32, #tpu.memory_space<hbm>>) dst(%arg5 : memref<49152xf32, #tpu.memory_space<vmem>>)
      tpu.yield
    }) : () -> ()
    "tpu.region"() ({
      %run_scoped3A = tpu.sem_alloc : memref<!tpu.dma_semaphore, #tpu.memory_space<semaphore_mem>>
      %dma_start3A = tpu.memref_slice %arg3[%add3A_58] : memref<6291456xf32, #tpu.memory_space<hbm>> -> memref<49152xf32, #tpu.memory_space<hbm>>
      %dma_start3A_187 = tpu.memref_slice %arg3[%add3A_58] : memref<6291456xf32, #tpu.memory_space<hbm>> -> memref<49152xf32, #tpu.memory_space<hbm>>
      tpu.enqueue_dma source(%dma_start3A_187 : memref<49152xf32, #tpu.memory_space<hbm>>) target(%arg6 : memref<49152xf32, #tpu.memory_space<vmem>>) target_semaphore(%run_scoped3A : memref<!tpu.dma_semaphore, #tpu.memory_space<semaphore_mem>>)
      %dma_wait3A = tpu.memref_slice %arg3[%add3A_58] : memref<6291456xf32, #tpu.memory_space<hbm>> -> memref<49152xf32, #tpu.memory_space<hbm>>
      %dma_wait3A_188 = tpu.memref_slice %arg3[%add3A_58] : memref<6291456xf32, #tpu.memory_space<hbm>> -> memref<49152xf32, #tpu.memory_space<hbm>>
      tpu.wait_dma2 semaphore(%run_scoped3A : memref<!tpu.dma_semaphore, #tpu.memory_space<semaphore_mem>>) src(%dma_wait3A_188 : memref<49152xf32, #tpu.memory_space<hbm>>) dst(%arg6 : memref<49152xf32, #tpu.memory_space<vmem>>)
      tpu.yield
    }) : () -> ()
    %scan3A_59 = arith.constant 0 : i32
    %scan3A_60 = arith.constant 0 : i32
    %scan3A_61 = arith.constant 192 : i32
    %scan3A_62 = arith.addi %scan3A_60, %scan3A_61 : i32
    %scan3A_63 = arith.constant 1 : i32
    %scan3A_64 = scf.for %scan3A_187 = %scan3A_60 to %scan3A_62 step %scan3A_63 iter_args(%scan3A_188 = %scan3A_59) -> (i32)  : i32 {
      %mul3A_189 = arith.constant 256 : i32
      %mul3A_190 = arith.muli %scan3A_187, %mul3A_189 : i32
      %add3A_191 = arith.constant 0 : i32
      %add3A_192 = arith.addi %mul3A_190, %add3A_191 : i32
      %get3A = arith.index_cast %add3A_192 : i32 to index
      %get3A_193 = tpu.vector_load %arg5[%get3A] {strides = array<i32>} : memref<49152xf32, #tpu.memory_space<vmem>>, vector<16xf32>,
      %get3A_194 = vector.shape_cast %get3A_193 : vector<16xf32> to vector<16xf32>
      %get3A_195 = arith.index_cast %add3A_192 : i32 to index
      %get3A_196 = tpu.vector_load %arg6[%get3A_195] {strides = array<i32>} : memref<49152xf32, #tpu.memory_space<vmem>>, vector<16xf32>,
      %get3A_197 = vector.shape_cast %get3A_196 : vector<16xf32> to vector<16xf32>
      %add3A_198 = arith.addf %get3A_194, %get3A_197 : vector<16xf32>
      %swap3A = arith.index_cast %add3A_192 : i32 to index
      %swap3A_199 = tpu.vector_load %arg5[%swap3A] {strides = array<i32>} : memref<49152xf32, #tpu.memory_space<vmem>>, vector<16xf32>,
      %swap3A_200 = vector.shape_cast %swap3A_199 : vector<16xf32> to vector<16xf32>
      %swap3A_201 = vector.shape_cast %add3A_198 : vector<16xf32> to vector<16xf32>
      tpu.vector_store %arg5[%swap3A], %swap3A_201 {strides = array<i32>} : memref<49152xf32, #tpu.memory_space<vmem>>, vector<16xf32>,
      %add3A_202 = arith.constant 16 : i32
      %add3A_203 = arith.addi %mul3A_190, %add3A_202 : i32
      %get3A_204 = arith.index_cast %add3A_203 : i32 to index
      %get3A_205 = tpu.vector_load %arg5[%get3A_204] {strides = array<i32>} : memref<49152xf32, #tpu.memory_space<vmem>>, vector<16xf32>,
      %get3A_206 = vector.shape_cast %get3A_205 : vector<16xf32> to vector<16xf32>
      %get3A_207 = arith.index_cast %add3A_203 : i32 to index
      %get3A_208 = tpu.vector_load %arg6[%get3A_207] {strides = array<i32>} : memref<49152xf32, #tpu.memory_space<vmem>>, vector<16xf32>,
      %get3A_209 = vector.shape_cast %get3A_208 : vector<16xf32> to vector<16xf32>
      %add3A_210 = arith.addf %get3A_206, %get3A_209 : vector<16xf32>
      %swap3A_211 = arith.index_cast %add3A_203 : i32 to index
      %swap3A_212 = tpu.vector_load %arg5[%swap3A_211] {strides = array<i32>} : memref<49152xf32, #tpu.memory_space<vmem>>, vector<16xf32>,
      %swap3A_213 = vector.shape_cast %swap3A_212 : vector<16xf32> to vector<16xf32>
      %swap3A_214 = vector.shape_cast %add3A_210 : vector<16xf32> to vector<16xf32>
      tpu.vector_store %arg5[%swap3A_211], %swap3A_214 {strides = array<i32>} : memref<49152xf32, #tpu.memory_space<vmem>>, vector<16xf32>,
      %add3A_215 = arith.constant 32 : i32
      %add3A_216 = arith.addi %mul3A_190, %add3A_215 : i32
      %get3A_217 = arith.index_cast %add3A_216 : i32 to index
      %get3A_218 = tpu.vector_load %arg5[%get3A_217] {strides = array<i32>} : memref<49152xf32, #tpu.memory_space<vmem>>, vector<16xf32>,
      %get3A_219 = vector.shape_cast %get3A_218 : vector<16xf32> to vector<16xf32>
      %get3A_220 = arith.index_cast %add3A_216 : i32 to index
      %get3A_221 = tpu.vector_load %arg6[%get3A_220] {strides = array<i32>} : memref<49152xf32, #tpu.memory_space<vmem>>, vector<16xf32>,
      %get3A_222 = vector.shape_cast %get3A_221 : vector<16xf32> to vector<16xf32>
      %add3A_223 = arith.addf %get3A_219, %get3A_222 : vector<16xf32>
      %swap3A_224 = arith.index_cast %add3A_216 : i32 to index
      %swap3A_225 = tpu.vector_load %arg5[%swap3A_224] {strides = array<i32>} : memref<49152xf32, #tpu.memory_space<vmem>>, vector<16xf32>,
      %swap3A_226 = vector.shape_cast %swap3A_225 : vector<16xf32> to vector<16xf32>
      %swap3A_227 = vector.shape_cast %add3A_223 : vector<16xf32> to vector<16xf32>
      tpu.vector_store %arg5[%swap3A_224], %swap3A_227 {strides = array<i32>} : memref<49152xf32, #tpu.memory_space<vmem>>, vector<16xf32>,
      %add3A_228 = arith.constant 48 : i32
      %add3A_229 = arith.addi %mul3A_190, %add3A_228 : i32
      %get3A_230 = arith.index_cast %add3A_229 : i32 to index
      %get3A_231 = tpu.vector_load %arg5[%get3A_230] {strides = array<i32>} : memref<49152xf32, #tpu.memory_space<vmem>>, vector<16xf32>,
      %get3A_232 = vector.shape_cast %get3A_231 : vector<16xf32> to vector<16xf32>
      %get3A_233 = arith.index_cast %add3A_229 : i32 to index
      %get3A_234 = tpu.vector_load %arg6[%get3A_233] {strides = array<i32>} : memref<49152xf32, #tpu.memory_space<vmem>>, vector<16xf32>,
      %get3A_235 = vector.shape_cast %get3A_234 : vector<16xf32> to vector<16xf32>
      %add3A_236 = arith.addf %get3A_232, %get3A_235 : vector<16xf32>
      %swap3A_237 = arith.index_cast %add3A_229 : i32 to index
      %swap3A_238 = tpu.vector_load %arg5[%swap3A_237] {strides = array<i32>} : memref<49152xf32, #tpu.memory_space<vmem>>, vector<16xf32>,
      %swap3A_239 = vector.shape_cast %swap3A_238 : vector<16xf32> to vector<16xf32>
      %swap3A_240 = vector.shape_cast %add3A_236 : vector<16xf32> to vector<16xf32>
      tpu.vector_store %arg5[%swap3A_237], %swap3A_240 {strides = array<i32>} : memref<49152xf32, #tpu.memory_space<vmem>>, vector<16xf32>,
      %add3A_241 = arith.constant 64 : i32
      %add3A_242 = arith.addi %mul3A_190, %add3A_241 : i32
      %get3A_243 = arith.index_cast %add3A_242 : i32 to index
      %get3A_244 = tpu.vector_load %arg5[%get3A_243] {strides = array<i32>} : memref<49152xf32, #tpu.memory_space<vmem>>, vector<16xf32>,
      %get3A_245 = vector.shape_cast %get3A_244 : vector<16xf32> to vector<16xf32>
      %get3A_246 = arith.index_cast %add3A_242 : i32 to index
      %get3A_247 = tpu.vector_load %arg6[%get3A_246] {strides = array<i32>} : memref<49152xf32, #tpu.memory_space<vmem>>, vector<16xf32>,
      %get3A_248 = vector.shape_cast %get3A_247 : vector<16xf32> to vector<16xf32>
      %add3A_249 = arith.addf %get3A_245, %get3A_248 : vector<16xf32>
      %swap3A_250 = arith.index_cast %add3A_242 : i32 to index
      %swap3A_251 = tpu.vector_load %arg5[%swap3A_250] {strides = array<i32>} : memref<49152xf32, #tpu.memory_space<vmem>>, vector<16xf32>,
      %swap3A_252 = vector.shape_cast %swap3A_251 : vector<16xf32> to vector<16xf32>
      %swap3A_253 = vector.shape_cast %add3A_249 : vector<16xf32> to vector<16xf32>
      tpu.vector_store %arg5[%swap3A_250], %swap3A_253 {strides = array<i32>} : memref<49152xf32, #tpu.memory_space<vmem>>, vector<16xf32>,
      %add3A_254 = arith.constant 80 : i32
      %add3A_255 = arith.addi %mul3A_190, %add3A_254 : i32
      %get3A_256 = arith.index_cast %add3A_255 : i32 to index
      %get3A_257 = tpu.vector_load %arg5[%get3A_256] {strides = array<i32>} : memref<49152xf32, #tpu.memory_space<vmem>>, vector<16xf32>,
      %get3A_258 = vector.shape_cast %get3A_257 : vector<16xf32> to vector<16xf32>
      %get3A_259 = arith.index_cast %add3A_255 : i32 to index
      %get3A_260 = tpu.vector_load %arg6[%get3A_259] {strides = array<i32>} : memref<49152xf32, #tpu.memory_space<vmem>>, vector<16xf32>,
      %get3A_261 = vector.shape_cast %get3A_260 : vector<16xf32> to vector<16xf32>
      %add3A_262 = arith.addf %get3A_258, %get3A_261 : vector<16xf32>
      %swap3A_263 = arith.index_cast %add3A_255 : i32 to index
      %swap3A_264 = tpu.vector_load %arg5[%swap3A_263] {strides = array<i32>} : memref<49152xf32, #tpu.memory_space<vmem>>, vector<16xf32>,
      %swap3A_265 = vector.shape_cast %swap3A_264 : vector<16xf32> to vector<16xf32>
      %swap3A_266 = vector.shape_cast %add3A_262 : vector<16xf32> to vector<16xf32>
      tpu.vector_store %arg5[%swap3A_263], %swap3A_266 {strides = array<i32>} : memref<49152xf32, #tpu.memory_space<vmem>>, vector<16xf32>,
      %add3A_267 = arith.constant 96 : i32
      %add3A_268 = arith.addi %mul3A_190, %add3A_267 : i32
      %get3A_269 = arith.index_cast %add3A_268 : i32 to index
      %get3A_270 = tpu.vector_load %arg5[%get3A_269] {strides = array<i32>} : memref<49152xf32, #tpu.memory_space<vmem>>, vector<16xf32>,
      %get3A_271 = vector.shape_cast %get3A_270 : vector<16xf32> to vector<16xf32>
      %get3A_272 = arith.index_cast %add3A_268 : i32 to index
      %get3A_273 = tpu.vector_load %arg6[%get3A_272] {strides = array<i32>} : memref<49152xf32, #tpu.memory_space<vmem>>, vector<16xf32>,
      %get3A_274 = vector.shape_cast %get3A_273 : vector<16xf32> to vector<16xf32>
      %add3A_275 = arith.addf %get3A_271, %get3A_274 : vector<16xf32>
      %swap3A_276 = arith.index_cast %add3A_268 : i32 to index
      %swap3A_277 = tpu.vector_load %arg5[%swap3A_276] {strides = array<i32>} : memref<49152xf32, #tpu.memory_space<vmem>>, vector<16xf32>,
      %swap3A_278 = vector.shape_cast %swap3A_277 : vector<16xf32> to vector<16xf32>
      %swap3A_279 = vector.shape_cast %add3A_275 : vector<16xf32> to vector<16xf32>
      tpu.vector_store %arg5[%swap3A_276], %swap3A_279 {strides = array<i32>} : memref<49152xf32, #tpu.memory_space<vmem>>, vector<16xf32>,
      %add3A_280 = arith.constant 112 : i32
      %add3A_281 = arith.addi %mul3A_190, %add3A_280 : i32
      %get3A_282 = arith.index_cast %add3A_281 : i32 to index
      %get3A_283 = tpu.vector_load %arg5[%get3A_282] {strides = array<i32>} : memref<49152xf32, #tpu.memory_space<vmem>>, vector<16xf32>,
      %get3A_284 = vector.shape_cast %get3A_283 : vector<16xf32> to vector<16xf32>
      %get3A_285 = arith.index_cast %add3A_281 : i32 to index
      %get3A_286 = tpu.vector_load %arg6[%get3A_285] {strides = array<i32>} : memref<49152xf32, #tpu.memory_space<vmem>>, vector<16xf32>,
      %get3A_287 = vector.shape_cast %get3A_286 : vector<16xf32> to vector<16xf32>
      %add3A_288 = arith.addf %get3A_284, %get3A_287 : vector<16xf32>
      %swap3A_289 = arith.index_cast %add3A_281 : i32 to index
      %swap3A_290 = tpu.vector_load %arg5[%swap3A_289] {strides = array<i32>} : memref<49152xf32, #tpu.memory_space<vmem>>, vector<16xf32>,
      %swap3A_291 = vector.shape_cast %swap3A_290 : vector<16xf32> to vector<16xf32>
      %swap3A_292 = vector.shape_cast %add3A_288 : vector<16xf32> to vector<16xf32>
      tpu.vector_store %arg5[%swap3A_289], %swap3A_292 {strides = array<i32>} : memref<49152xf32, #tpu.memory_space<vmem>>, vector<16xf32>,
      %add3A_293 = arith.constant 128 : i32
      %add3A_294 = arith.addi %mul3A_190, %add3A_293 : i32
      %get3A_295 = arith.index_cast %add3A_294 : i32 to index
      %get3A_296 = tpu.vector_load %arg5[%get3A_295] {strides = array<i32>} : memref<49152xf32, #tpu.memory_space<vmem>>, vector<16xf32>,
      %get3A_297 = vector.shape_cast %get3A_296 : vector<16xf32> to vector<16xf32>
      %get3A_298 = arith.index_cast %add3A_294 : i32 to index
      %get3A_299 = tpu.vector_load %arg6[%get3A_298] {strides = array<i32>} : memref<49152xf32, #tpu.memory_space<vmem>>, vector<16xf32>,
      %get3A_300 = vector.shape_cast %get3A_299 : vector<16xf32> to vector<16xf32>
      %add3A_301 = arith.addf %get3A_297, %get3A_300 : vector<16xf32>
      %swap3A_302 = arith.index_cast %add3A_294 : i32 to index
      %swap3A_303 = tpu.vector_load %arg5[%swap3A_302] {strides = array<i32>} : memref<49152xf32, #tpu.memory_space<vmem>>, vector<16xf32>,
      %swap3A_304 = vector.shape_cast %swap3A_303 : vector<16xf32> to vector<16xf32>
      %swap3A_305 = vector.shape_cast %add3A_301 : vector<16xf32> to vector<16xf32>
      tpu.vector_store %arg5[%swap3A_302], %swap3A_305 {strides = array<i32>} : memref<49152xf32, #tpu.memory_space<vmem>>, vector<16xf32>,
      %add3A_306 = arith.constant 144 : i32
      %add3A_307 = arith.addi %mul3A_190, %add3A_306 : i32
      %get3A_308 = arith.index_cast %add3A_307 : i32 to index
      %get3A_309 = tpu.vector_load %arg5[%get3A_308] {strides = array<i32>} : memref<49152xf32, #tpu.memory_space<vmem>>, vector<16xf32>,
      %get3A_310 = vector.shape_cast %get3A_309 : vector<16xf32> to vector<16xf32>
      %get3A_311 = arith.index_cast %add3A_307 : i32 to index
      %get3A_312 = tpu.vector_load %arg6[%get3A_311] {strides = array<i32>} : memref<49152xf32, #tpu.memory_space<vmem>>, vector<16xf32>,
      %get3A_313 = vector.shape_cast %get3A_312 : vector<16xf32> to vector<16xf32>
      %add3A_314 = arith.addf %get3A_310, %get3A_313 : vector<16xf32>
      %swap3A_315 = arith.index_cast %add3A_307 : i32 to index
      %swap3A_316 = tpu.vector_load %arg5[%swap3A_315] {strides = array<i32>} : memref<49152xf32, #tpu.memory_space<vmem>>, vector<16xf32>,
      %swap3A_317 = vector.shape_cast %swap3A_316 : vector<16xf32> to vector<16xf32>
      %swap3A_318 = vector.shape_cast %add3A_314 : vector<16xf32> to vector<16xf32>
      tpu.vector_store %arg5[%swap3A_315], %swap3A_318 {strides = array<i32>} : memref<49152xf32, #tpu.memory_space<vmem>>, vector<16xf32>,
      %add3A_319 = arith.constant 160 : i32
      %add3A_320 = arith.addi %mul3A_190, %add3A_319 : i32
      %get3A_321 = arith.index_cast %add3A_320 : i32 to index
      %get3A_322 = tpu.vector_load %arg5[%get3A_321] {strides = array<i32>} : memref<49152xf32, #tpu.memory_space<vmem>>, vector<16xf32>,
      %get3A_323 = vector.shape_cast %get3A_322 : vector<16xf32> to vector<16xf32>
      %get3A_324 = arith.index_cast %add3A_320 : i32 to index
      %get3A_325 = tpu.vector_load %arg6[%get3A_324] {strides = array<i32>} : memref<49152xf32, #tpu.memory_space<vmem>>, vector<16xf32>,
      %get3A_326 = vector.shape_cast %get3A_325 : vector<16xf32> to vector<16xf32>
      %add3A_327 = arith.addf %get3A_323, %get3A_326 : vector<16xf32>
      %swap3A_328 = arith.index_cast %add3A_320 : i32 to index
      %swap3A_329 = tpu.vector_load %arg5[%swap3A_328] {strides = array<i32>} : memref<49152xf32, #tpu.memory_space<vmem>>, vector<16xf32>,
      %swap3A_330 = vector.shape_cast %swap3A_329 : vector<16xf32> to vector<16xf32>
      %swap3A_331 = vector.shape_cast %add3A_327 : vector<16xf32> to vector<16xf32>
      tpu.vector_store %arg5[%swap3A_328], %swap3A_331 {strides = array<i32>} : memref<49152xf32, #tpu.memory_space<vmem>>, vector<16xf32>,
      %add3A_332 = arith.constant 176 : i32
      %add3A_333 = arith.addi %mul3A_190, %add3A_332 : i32
      %get3A_334 = arith.index_cast %add3A_333 : i32 to index
      %get3A_335 = tpu.vector_load %arg5[%get3A_334] {strides = array<i32>} : memref<49152xf32, #tpu.memory_space<vmem>>, vector<16xf32>,
      %get3A_336 = vector.shape_cast %get3A_335 : vector<16xf32> to vector<16xf32>
      %get3A_337 = arith.index_cast %add3A_333 : i32 to index
      %get3A_338 = tpu.vector_load %arg6[%get3A_337] {strides = array<i32>} : memref<49152xf32, #tpu.memory_space<vmem>>, vector<16xf32>,
      %get3A_339 = vector.shape_cast %get3A_338 : vector<16xf32> to vector<16xf32>
      %add3A_340 = arith.addf %get3A_336, %get3A_339 : vector<16xf32>
      %swap3A_341 = arith.index_cast %add3A_333 : i32 to index
      %swap3A_342 = tpu.vector_load %arg5[%swap3A_341] {strides = array<i32>} : memref<49152xf32, #tpu.memory_space<vmem>>, vector<16xf32>,
      %swap3A_343 = vector.shape_cast %swap3A_342 : vector<16xf32> to vector<16xf32>
      %swap3A_344 = vector.shape_cast %add3A_340 : vector<16xf32> to vector<16xf32>
      tpu.vector_store %arg5[%swap3A_341], %swap3A_344 {strides = array<i32>} : memref<49152xf32, #tpu.memory_space<vmem>>, vector<16xf32>,
      %add3A_345 = arith.constant 192 : i32
      %add3A_346 = arith.addi %mul3A_190, %add3A_345 : i32
      %get3A_347 = arith.index_cast %add3A_346 : i32 to index
      %get3A_348 = tpu.vector_load %arg5[%get3A_347] {strides = array<i32>} : memref<49152xf32, #tpu.memory_space<vmem>>, vector<16xf32>,
      %get3A_349 = vector.shape_cast %get3A_348 : vector<16xf32> to vector<16xf32>
      %get3A_350 = arith.index_cast %add3A_346 : i32 to index
      %get3A_351 = tpu.vector_load %arg6[%get3A_350] {strides = array<i32>} : memref<49152xf32, #tpu.memory_space<vmem>>, vector<16xf32>,
      %get3A_352 = vector.shape_cast %get3A_351 : vector<16xf32> to vector<16xf32>
      %add3A_353 = arith.addf %get3A_349, %get3A_352 : vector<16xf32>
      %swap3A_354 = arith.index_cast %add3A_346 : i32 to index
      %swap3A_355 = tpu.vector_load %arg5[%swap3A_354] {strides = array<i32>} : memref<49152xf32, #tpu.memory_space<vmem>>, vector<16xf32>,
      %swap3A_356 = vector.shape_cast %swap3A_355 : vector<16xf32> to vector<16xf32>
      %swap3A_357 = vector.shape_cast %add3A_353 : vector<16xf32> to vector<16xf32>
      tpu.vector_store %arg5[%swap3A_354], %swap3A_357 {strides = array<i32>} : memref<49152xf32, #tpu.memory_space<vmem>>, vector<16xf32>,
      %add3A_358 = arith.constant 208 : i32
      %add3A_359 = arith.addi %mul3A_190, %add3A_358 : i32
      %get3A_360 = arith.index_cast %add3A_359 : i32 to index
      %get3A_361 = tpu.vector_load %arg5[%get3A_360] {strides = array<i32>} : memref<49152xf32, #tpu.memory_space<vmem>>, vector<16xf32>,
      %get3A_362 = vector.shape_cast %get3A_361 : vector<16xf32> to vector<16xf32>
      %get3A_363 = arith.index_cast %add3A_359 : i32 to index
      %get3A_364 = tpu.vector_load %arg6[%get3A_363] {strides = array<i32>} : memref<49152xf32, #tpu.memory_space<vmem>>, vector<16xf32>,
      %get3A_365 = vector.shape_cast %get3A_364 : vector<16xf32> to vector<16xf32>
      %add3A_366 = arith.addf %get3A_362, %get3A_365 : vector<16xf32>
      %swap3A_367 = arith.index_cast %add3A_359 : i32 to index
      %swap3A_368 = tpu.vector_load %arg5[%swap3A_367] {strides = array<i32>} : memref<49152xf32, #tpu.memory_space<vmem>>, vector<16xf32>,
      %swap3A_369 = vector.shape_cast %swap3A_368 : vector<16xf32> to vector<16xf32>
      %swap3A_370 = vector.shape_cast %add3A_366 : vector<16xf32> to vector<16xf32>
      tpu.vector_store %arg5[%swap3A_367], %swap3A_370 {strides = array<i32>} : memref<49152xf32, #tpu.memory_space<vmem>>, vector<16xf32>,
      %add3A_371 = arith.constant 224 : i32
      %add3A_372 = arith.addi %mul3A_190, %add3A_371 : i32
      %get3A_373 = arith.index_cast %add3A_372 : i32 to index
      %get3A_374 = tpu.vector_load %arg5[%get3A_373] {strides = array<i32>} : memref<49152xf32, #tpu.memory_space<vmem>>, vector<16xf32>,
      %get3A_375 = vector.shape_cast %get3A_374 : vector<16xf32> to vector<16xf32>
      %get3A_376 = arith.index_cast %add3A_372 : i32 to index
      %get3A_377 = tpu.vector_load %arg6[%get3A_376] {strides = array<i32>} : memref<49152xf32, #tpu.memory_space<vmem>>, vector<16xf32>,
      %get3A_378 = vector.shape_cast %get3A_377 : vector<16xf32> to vector<16xf32>
      %add3A_379 = arith.addf %get3A_375, %get3A_378 : vector<16xf32>
      %swap3A_380 = arith.index_cast %add3A_372 : i32 to index
      %swap3A_381 = tpu.vector_load %arg5[%swap3A_380] {strides = array<i32>} : memref<49152xf32, #tpu.memory_space<vmem>>, vector<16xf32>,
      %swap3A_382 = vector.shape_cast %swap3A_381 : vector<16xf32> to vector<16xf32>
      %swap3A_383 = vector.shape_cast %add3A_379 : vector<16xf32> to vector<16xf32>
      tpu.vector_store %arg5[%swap3A_380], %swap3A_383 {strides = array<i32>} : memref<49152xf32, #tpu.memory_space<vmem>>, vector<16xf32>,
      %add3A_384 = arith.constant 240 : i32
      %add3A_385 = arith.addi %mul3A_190, %add3A_384 : i32
      %get3A_386 = arith.index_cast %add3A_385 : i32 to index
      %get3A_387 = tpu.vector_load %arg5[%get3A_386] {strides = array<i32>} : memref<49152xf32, #tpu.memory_space<vmem>>, vector<16xf32>,
      %get3A_388 = vector.shape_cast %get3A_387 : vector<16xf32> to vector<16xf32>
      %get3A_389 = arith.index_cast %add3A_385 : i32 to index
      %get3A_390 = tpu.vector_load %arg6[%get3A_389] {strides = array<i32>} : memref<49152xf32, #tpu.memory_space<vmem>>, vector<16xf32>,
      %get3A_391 = vector.shape_cast %get3A_390 : vector<16xf32> to vector<16xf32>
      %add3A_392 = arith.addf %get3A_388, %get3A_391 : vector<16xf32>
      %swap3A_393 = arith.index_cast %add3A_385 : i32 to index
      %swap3A_394 = tpu.vector_load %arg5[%swap3A_393] {strides = array<i32>} : memref<49152xf32, #tpu.memory_space<vmem>>, vector<16xf32>,
      %swap3A_395 = vector.shape_cast %swap3A_394 : vector<16xf32> to vector<16xf32>
      %swap3A_396 = vector.shape_cast %add3A_392 : vector<16xf32> to vector<16xf32>
      tpu.vector_store %arg5[%swap3A_393], %swap3A_396 {strides = array<i32>} : memref<49152xf32, #tpu.memory_space<vmem>>, vector<16xf32>,
      %scan3A_397 = arith.constant 0 : i32
      scf.yield %scan3A_397 : i32
    }
    %scan3A_65 = arith.constant 192 : i32
    "tpu.region"() ({
      %run_scoped3A = tpu.sem_alloc : memref<!tpu.dma_semaphore, #tpu.memory_space<semaphore_mem>>
      %dma_start3A = tpu.memref_slice %arg4[%add3A_56] : memref<25165824xf32, #tpu.memory_space<hbm>> -> memref<49152xf32, #tpu.memory_space<hbm>>
      %dma_start3A_187 = tpu.memref_slice %arg4[%add3A_56] : memref<25165824xf32, #tpu.memory_space<hbm>> -> memref<49152xf32, #tpu.memory_space<hbm>>
      tpu.enqueue_dma source(%arg5 : memref<49152xf32, #tpu.memory_space<vmem>>) target(%dma_start3A_187 : memref<49152xf32, #tpu.memory_space<hbm>>) target_semaphore(%run_scoped3A : memref<!tpu.dma_semaphore, #tpu.memory_space<semaphore_mem>>)
      %dma_wait3A = tpu.memref_slice %arg4[%add3A_56] : memref<25165824xf32, #tpu.memory_space<hbm>> -> memref<49152xf32, #tpu.memory_space<hbm>>
      %dma_wait3A_188 = tpu.memref_slice %arg4[%add3A_56] : memref<25165824xf32, #tpu.memory_space<hbm>> -> memref<49152xf32, #tpu.memory_space<hbm>>
      tpu.wait_dma2 semaphore(%run_scoped3A : memref<!tpu.dma_semaphore, #tpu.memory_space<semaphore_mem>>) src(%arg5 : memref<49152xf32, #tpu.memory_space<vmem>>) dst(%dma_wait3A_188 : memref<49152xf32, #tpu.memory_space<hbm>>)
      tpu.yield
    }) : () -> ()
    %add3A_66 = arith.constant 245760 : i32
    %add3A_67 = arith.addi %mul3A_2, %add3A_66 : i32
    %add3A_68 = arith.constant 245760 : i32
    %add3A_69 = arith.addi %select_n3A_11, %add3A_68 : i32
    "tpu.region"() ({
      %run_scoped3A = tpu.sem_alloc : memref<!tpu.dma_semaphore, #tpu.memory_space<semaphore_mem>>
      %dma_start3A = tpu.memref_slice %arg2[%add3A_67] : memref<25165824xf32, #tpu.memory_space<hbm>> -> memref<49152xf32, #tpu.memory_space<hbm>>
      %dma_start3A_187 = tpu.memref_slice %arg2[%add3A_67] : memref<25165824xf32, #tpu.memory_space<hbm>> -> memref<49152xf32, #tpu.memory_space<hbm>>
      tpu.enqueue_dma source(%dma_start3A_187 : memref<49152xf32, #tpu.memory_space<hbm>>) target(%arg5 : memref<49152xf32, #tpu.memory_space<vmem>>) target_semaphore(%run_scoped3A : memref<!tpu.dma_semaphore, #tpu.memory_space<semaphore_mem>>)
      %dma_wait3A = tpu.memref_slice %arg2[%add3A_67] : memref<25165824xf32, #tpu.memory_space<hbm>> -> memref<49152xf32, #tpu.memory_space<hbm>>
      %dma_wait3A_188 = tpu.memref_slice %arg2[%add3A_67] : memref<25165824xf32, #tpu.memory_space<hbm>> -> memref<49152xf32, #tpu.memory_space<hbm>>
      tpu.wait_dma2 semaphore(%run_scoped3A : memref<!tpu.dma_semaphore, #tpu.memory_space<semaphore_mem>>) src(%dma_wait3A_188 : memref<49152xf32, #tpu.memory_space<hbm>>) dst(%arg5 : memref<49152xf32, #tpu.memory_space<vmem>>)
      tpu.yield
    }) : () -> ()
    "tpu.region"() ({
      %run_scoped3A = tpu.sem_alloc : memref<!tpu.dma_semaphore, #tpu.memory_space<semaphore_mem>>
      %dma_start3A = tpu.memref_slice %arg3[%add3A_69] : memref<6291456xf32, #tpu.memory_space<hbm>> -> memref<49152xf32, #tpu.memory_space<hbm>>
      %dma_start3A_187 = tpu.memref_slice %arg3[%add3A_69] : memref<6291456xf32, #tpu.memory_space<hbm>> -> memref<49152xf32, #tpu.memory_space<hbm>>
      tpu.enqueue_dma source(%dma_start3A_187 : memref<49152xf32, #tpu.memory_space<hbm>>) target(%arg6 : memref<49152xf32, #tpu.memory_space<vmem>>) target_semaphore(%run_scoped3A : memref<!tpu.dma_semaphore, #tpu.memory_space<semaphore_mem>>)
      %dma_wait3A = tpu.memref_slice %arg3[%add3A_69] : memref<6291456xf32, #tpu.memory_space<hbm>> -> memref<49152xf32, #tpu.memory_space<hbm>>
      %dma_wait3A_188 = tpu.memref_slice %arg3[%add3A_69] : memref<6291456xf32, #tpu.memory_space<hbm>> -> memref<49152xf32, #tpu.memory_space<hbm>>
      tpu.wait_dma2 semaphore(%run_scoped3A : memref<!tpu.dma_semaphore, #tpu.memory_space<semaphore_mem>>) src(%dma_wait3A_188 : memref<49152xf32, #tpu.memory_space<hbm>>) dst(%arg6 : memref<49152xf32, #tpu.memory_space<vmem>>)
      tpu.yield
    }) : () -> ()
    %scan3A_70 = arith.constant 0 : i32
    %scan3A_71 = arith.constant 0 : i32
    %scan3A_72 = arith.constant 192 : i32
    %scan3A_73 = arith.addi %scan3A_71, %scan3A_72 : i32
    %scan3A_74 = arith.constant 1 : i32
    %scan3A_75 = scf.for %scan3A_187 = %scan3A_71 to %scan3A_73 step %scan3A_74 iter_args(%scan3A_188 = %scan3A_70) -> (i32)  : i32 {
      %mul3A_189 = arith.constant 256 : i32
      %mul3A_190 = arith.muli %scan3A_187, %mul3A_189 : i32
      %add3A_191 = arith.constant 0 : i32
      %add3A_192 = arith.addi %mul3A_190, %add3A_191 : i32
      %get3A = arith.index_cast %add3A_192 : i32 to index
      %get3A_193 = tpu.vector_load %arg5[%get3A] {strides = array<i32>} : memref<49152xf32, #tpu.memory_space<vmem>>, vector<16xf32>,
      %get3A_194 = vector.shape_cast %get3A_193 : vector<16xf32> to vector<16xf32>
      %get3A_195 = arith.index_cast %add3A_192 : i32 to index
      %get3A_196 = tpu.vector_load %arg6[%get3A_195] {strides = array<i32>} : memref<49152xf32, #tpu.memory_space<vmem>>, vector<16xf32>,
      %get3A_197 = vector.shape_cast %get3A_196 : vector<16xf32> to vector<16xf32>
      %add3A_198 = arith.addf %get3A_194, %get3A_197 : vector<16xf32>
      %swap3A = arith.index_cast %add3A_192 : i32 to index
      %swap3A_199 = tpu.vector_load %arg5[%swap3A] {strides = array<i32>} : memref<49152xf32, #tpu.memory_space<vmem>>, vector<16xf32>,
      %swap3A_200 = vector.shape_cast %swap3A_199 : vector<16xf32> to vector<16xf32>
      %swap3A_201 = vector.shape_cast %add3A_198 : vector<16xf32> to vector<16xf32>
      tpu.vector_store %arg5[%swap3A], %swap3A_201 {strides = array<i32>} : memref<49152xf32, #tpu.memory_space<vmem>>, vector<16xf32>,
      %add3A_202 = arith.constant 16 : i32
      %add3A_203 = arith.addi %mul3A_190, %add3A_202 : i32
      %get3A_204 = arith.index_cast %add3A_203 : i32 to index
      %get3A_205 = tpu.vector_load %arg5[%get3A_204] {strides = array<i32>} : memref<49152xf32, #tpu.memory_space<vmem>>, vector<16xf32>,
      %get3A_206 = vector.shape_cast %get3A_205 : vector<16xf32> to vector<16xf32>
      %get3A_207 = arith.index_cast %add3A_203 : i32 to index
      %get3A_208 = tpu.vector_load %arg6[%get3A_207] {strides = array<i32>} : memref<49152xf32, #tpu.memory_space<vmem>>, vector<16xf32>,
      %get3A_209 = vector.shape_cast %get3A_208 : vector<16xf32> to vector<16xf32>
      %add3A_210 = arith.addf %get3A_206, %get3A_209 : vector<16xf32>
      %swap3A_211 = arith.index_cast %add3A_203 : i32 to index
      %swap3A_212 = tpu.vector_load %arg5[%swap3A_211] {strides = array<i32>} : memref<49152xf32, #tpu.memory_space<vmem>>, vector<16xf32>,
      %swap3A_213 = vector.shape_cast %swap3A_212 : vector<16xf32> to vector<16xf32>
      %swap3A_214 = vector.shape_cast %add3A_210 : vector<16xf32> to vector<16xf32>
      tpu.vector_store %arg5[%swap3A_211], %swap3A_214 {strides = array<i32>} : memref<49152xf32, #tpu.memory_space<vmem>>, vector<16xf32>,
      %add3A_215 = arith.constant 32 : i32
      %add3A_216 = arith.addi %mul3A_190, %add3A_215 : i32
      %get3A_217 = arith.index_cast %add3A_216 : i32 to index
      %get3A_218 = tpu.vector_load %arg5[%get3A_217] {strides = array<i32>} : memref<49152xf32, #tpu.memory_space<vmem>>, vector<16xf32>,
      %get3A_219 = vector.shape_cast %get3A_218 : vector<16xf32> to vector<16xf32>
      %get3A_220 = arith.index_cast %add3A_216 : i32 to index
      %get3A_221 = tpu.vector_load %arg6[%get3A_220] {strides = array<i32>} : memref<49152xf32, #tpu.memory_space<vmem>>, vector<16xf32>,
      %get3A_222 = vector.shape_cast %get3A_221 : vector<16xf32> to vector<16xf32>
      %add3A_223 = arith.addf %get3A_219, %get3A_222 : vector<16xf32>
      %swap3A_224 = arith.index_cast %add3A_216 : i32 to index
      %swap3A_225 = tpu.vector_load %arg5[%swap3A_224] {strides = array<i32>} : memref<49152xf32, #tpu.memory_space<vmem>>, vector<16xf32>,
      %swap3A_226 = vector.shape_cast %swap3A_225 : vector<16xf32> to vector<16xf32>
      %swap3A_227 = vector.shape_cast %add3A_223 : vector<16xf32> to vector<16xf32>
      tpu.vector_store %arg5[%swap3A_224], %swap3A_227 {strides = array<i32>} : memref<49152xf32, #tpu.memory_space<vmem>>, vector<16xf32>,
      %add3A_228 = arith.constant 48 : i32
      %add3A_229 = arith.addi %mul3A_190, %add3A_228 : i32
      %get3A_230 = arith.index_cast %add3A_229 : i32 to index
      %get3A_231 = tpu.vector_load %arg5[%get3A_230] {strides = array<i32>} : memref<49152xf32, #tpu.memory_space<vmem>>, vector<16xf32>,
      %get3A_232 = vector.shape_cast %get3A_231 : vector<16xf32> to vector<16xf32>
      %get3A_233 = arith.index_cast %add3A_229 : i32 to index
      %get3A_234 = tpu.vector_load %arg6[%get3A_233] {strides = array<i32>} : memref<49152xf32, #tpu.memory_space<vmem>>, vector<16xf32>,
      %get3A_235 = vector.shape_cast %get3A_234 : vector<16xf32> to vector<16xf32>
      %add3A_236 = arith.addf %get3A_232, %get3A_235 : vector<16xf32>
      %swap3A_237 = arith.index_cast %add3A_229 : i32 to index
      %swap3A_238 = tpu.vector_load %arg5[%swap3A_237] {strides = array<i32>} : memref<49152xf32, #tpu.memory_space<vmem>>, vector<16xf32>,
      %swap3A_239 = vector.shape_cast %swap3A_238 : vector<16xf32> to vector<16xf32>
      %swap3A_240 = vector.shape_cast %add3A_236 : vector<16xf32> to vector<16xf32>
      tpu.vector_store %arg5[%swap3A_237], %swap3A_240 {strides = array<i32>} : memref<49152xf32, #tpu.memory_space<vmem>>, vector<16xf32>,
      %add3A_241 = arith.constant 64 : i32
      %add3A_242 = arith.addi %mul3A_190, %add3A_241 : i32
      %get3A_243 = arith.index_cast %add3A_242 : i32 to index
      %get3A_244 = tpu.vector_load %arg5[%get3A_243] {strides = array<i32>} : memref<49152xf32, #tpu.memory_space<vmem>>, vector<16xf32>,
      %get3A_245 = vector.shape_cast %get3A_244 : vector<16xf32> to vector<16xf32>
      %get3A_246 = arith.index_cast %add3A_242 : i32 to index
      %get3A_247 = tpu.vector_load %arg6[%get3A_246] {strides = array<i32>} : memref<49152xf32, #tpu.memory_space<vmem>>, vector<16xf32>,
      %get3A_248 = vector.shape_cast %get3A_247 : vector<16xf32> to vector<16xf32>
      %add3A_249 = arith.addf %get3A_245, %get3A_248 : vector<16xf32>
      %swap3A_250 = arith.index_cast %add3A_242 : i32 to index
      %swap3A_251 = tpu.vector_load %arg5[%swap3A_250] {strides = array<i32>} : memref<49152xf32, #tpu.memory_space<vmem>>, vector<16xf32>,
      %swap3A_252 = vector.shape_cast %swap3A_251 : vector<16xf32> to vector<16xf32>
      %swap3A_253 = vector.shape_cast %add3A_249 : vector<16xf32> to vector<16xf32>
      tpu.vector_store %arg5[%swap3A_250], %swap3A_253 {strides = array<i32>} : memref<49152xf32, #tpu.memory_space<vmem>>, vector<16xf32>,
      %add3A_254 = arith.constant 80 : i32
      %add3A_255 = arith.addi %mul3A_190, %add3A_254 : i32
      %get3A_256 = arith.index_cast %add3A_255 : i32 to index
      %get3A_257 = tpu.vector_load %arg5[%get3A_256] {strides = array<i32>} : memref<49152xf32, #tpu.memory_space<vmem>>, vector<16xf32>,
      %get3A_258 = vector.shape_cast %get3A_257 : vector<16xf32> to vector<16xf32>
      %get3A_259 = arith.index_cast %add3A_255 : i32 to index
      %get3A_260 = tpu.vector_load %arg6[%get3A_259] {strides = array<i32>} : memref<49152xf32, #tpu.memory_space<vmem>>, vector<16xf32>,
      %get3A_261 = vector.shape_cast %get3A_260 : vector<16xf32> to vector<16xf32>
      %add3A_262 = arith.addf %get3A_258, %get3A_261 : vector<16xf32>
      %swap3A_263 = arith.index_cast %add3A_255 : i32 to index
      %swap3A_264 = tpu.vector_load %arg5[%swap3A_263] {strides = array<i32>} : memref<49152xf32, #tpu.memory_space<vmem>>, vector<16xf32>,
      %swap3A_265 = vector.shape_cast %swap3A_264 : vector<16xf32> to vector<16xf32>
      %swap3A_266 = vector.shape_cast %add3A_262 : vector<16xf32> to vector<16xf32>
      tpu.vector_store %arg5[%swap3A_263], %swap3A_266 {strides = array<i32>} : memref<49152xf32, #tpu.memory_space<vmem>>, vector<16xf32>,
      %add3A_267 = arith.constant 96 : i32
      %add3A_268 = arith.addi %mul3A_190, %add3A_267 : i32
      %get3A_269 = arith.index_cast %add3A_268 : i32 to index
      %get3A_270 = tpu.vector_load %arg5[%get3A_269] {strides = array<i32>} : memref<49152xf32, #tpu.memory_space<vmem>>, vector<16xf32>,
      %get3A_271 = vector.shape_cast %get3A_270 : vector<16xf32> to vector<16xf32>
      %get3A_272 = arith.index_cast %add3A_268 : i32 to index
      %get3A_273 = tpu.vector_load %arg6[%get3A_272] {strides = array<i32>} : memref<49152xf32, #tpu.memory_space<vmem>>, vector<16xf32>,
      %get3A_274 = vector.shape_cast %get3A_273 : vector<16xf32> to vector<16xf32>
      %add3A_275 = arith.addf %get3A_271, %get3A_274 : vector<16xf32>
      %swap3A_276 = arith.index_cast %add3A_268 : i32 to index
      %swap3A_277 = tpu.vector_load %arg5[%swap3A_276] {strides = array<i32>} : memref<49152xf32, #tpu.memory_space<vmem>>, vector<16xf32>,
      %swap3A_278 = vector.shape_cast %swap3A_277 : vector<16xf32> to vector<16xf32>
      %swap3A_279 = vector.shape_cast %add3A_275 : vector<16xf32> to vector<16xf32>
      tpu.vector_store %arg5[%swap3A_276], %swap3A_279 {strides = array<i32>} : memref<49152xf32, #tpu.memory_space<vmem>>, vector<16xf32>,
      %add3A_280 = arith.constant 112 : i32
      %add3A_281 = arith.addi %mul3A_190, %add3A_280 : i32
      %get3A_282 = arith.index_cast %add3A_281 : i32 to index
      %get3A_283 = tpu.vector_load %arg5[%get3A_282] {strides = array<i32>} : memref<49152xf32, #tpu.memory_space<vmem>>, vector<16xf32>,
      %get3A_284 = vector.shape_cast %get3A_283 : vector<16xf32> to vector<16xf32>
      %get3A_285 = arith.index_cast %add3A_281 : i32 to index
      %get3A_286 = tpu.vector_load %arg6[%get3A_285] {strides = array<i32>} : memref<49152xf32, #tpu.memory_space<vmem>>, vector<16xf32>,
      %get3A_287 = vector.shape_cast %get3A_286 : vector<16xf32> to vector<16xf32>
      %add3A_288 = arith.addf %get3A_284, %get3A_287 : vector<16xf32>
      %swap3A_289 = arith.index_cast %add3A_281 : i32 to index
      %swap3A_290 = tpu.vector_load %arg5[%swap3A_289] {strides = array<i32>} : memref<49152xf32, #tpu.memory_space<vmem>>, vector<16xf32>,
      %swap3A_291 = vector.shape_cast %swap3A_290 : vector<16xf32> to vector<16xf32>
      %swap3A_292 = vector.shape_cast %add3A_288 : vector<16xf32> to vector<16xf32>
      tpu.vector_store %arg5[%swap3A_289], %swap3A_292 {strides = array<i32>} : memref<49152xf32, #tpu.memory_space<vmem>>, vector<16xf32>,
      %add3A_293 = arith.constant 128 : i32
      %add3A_294 = arith.addi %mul3A_190, %add3A_293 : i32
      %get3A_295 = arith.index_cast %add3A_294 : i32 to index
      %get3A_296 = tpu.vector_load %arg5[%get3A_295] {strides = array<i32>} : memref<49152xf32, #tpu.memory_space<vmem>>, vector<16xf32>,
      %get3A_297 = vector.shape_cast %get3A_296 : vector<16xf32> to vector<16xf32>
      %get3A_298 = arith.index_cast %add3A_294 : i32 to index
      %get3A_299 = tpu.vector_load %arg6[%get3A_298] {strides = array<i32>} : memref<49152xf32, #tpu.memory_space<vmem>>, vector<16xf32>,
      %get3A_300 = vector.shape_cast %get3A_299 : vector<16xf32> to vector<16xf32>
      %add3A_301 = arith.addf %get3A_297, %get3A_300 : vector<16xf32>
      %swap3A_302 = arith.index_cast %add3A_294 : i32 to index
      %swap3A_303 = tpu.vector_load %arg5[%swap3A_302] {strides = array<i32>} : memref<49152xf32, #tpu.memory_space<vmem>>, vector<16xf32>,
      %swap3A_304 = vector.shape_cast %swap3A_303 : vector<16xf32> to vector<16xf32>
      %swap3A_305 = vector.shape_cast %add3A_301 : vector<16xf32> to vector<16xf32>
      tpu.vector_store %arg5[%swap3A_302], %swap3A_305 {strides = array<i32>} : memref<49152xf32, #tpu.memory_space<vmem>>, vector<16xf32>,
      %add3A_306 = arith.constant 144 : i32
      %add3A_307 = arith.addi %mul3A_190, %add3A_306 : i32
      %get3A_308 = arith.index_cast %add3A_307 : i32 to index
      %get3A_309 = tpu.vector_load %arg5[%get3A_308] {strides = array<i32>} : memref<49152xf32, #tpu.memory_space<vmem>>, vector<16xf32>,
      %get3A_310 = vector.shape_cast %get3A_309 : vector<16xf32> to vector<16xf32>
      %get3A_311 = arith.index_cast %add3A_307 : i32 to index
      %get3A_312 = tpu.vector_load %arg6[%get3A_311] {strides = array<i32>} : memref<49152xf32, #tpu.memory_space<vmem>>, vector<16xf32>,
      %get3A_313 = vector.shape_cast %get3A_312 : vector<16xf32> to vector<16xf32>
      %add3A_314 = arith.addf %get3A_310, %get3A_313 : vector<16xf32>
      %swap3A_315 = arith.index_cast %add3A_307 : i32 to index
      %swap3A_316 = tpu.vector_load %arg5[%swap3A_315] {strides = array<i32>} : memref<49152xf32, #tpu.memory_space<vmem>>, vector<16xf32>,
      %swap3A_317 = vector.shape_cast %swap3A_316 : vector<16xf32> to vector<16xf32>
      %swap3A_318 = vector.shape_cast %add3A_314 : vector<16xf32> to vector<16xf32>
      tpu.vector_store %arg5[%swap3A_315], %swap3A_318 {strides = array<i32>} : memref<49152xf32, #tpu.memory_space<vmem>>, vector<16xf32>,
      %add3A_319 = arith.constant 160 : i32
      %add3A_320 = arith.addi %mul3A_190, %add3A_319 : i32
      %get3A_321 = arith.index_cast %add3A_320 : i32 to index
      %get3A_322 = tpu.vector_load %arg5[%get3A_321] {strides = array<i32>} : memref<49152xf32, #tpu.memory_space<vmem>>, vector<16xf32>,
      %get3A_323 = vector.shape_cast %get3A_322 : vector<16xf32> to vector<16xf32>
      %get3A_324 = arith.index_cast %add3A_320 : i32 to index
      %get3A_325 = tpu.vector_load %arg6[%get3A_324] {strides = array<i32>} : memref<49152xf32, #tpu.memory_space<vmem>>, vector<16xf32>,
      %get3A_326 = vector.shape_cast %get3A_325 : vector<16xf32> to vector<16xf32>
      %add3A_327 = arith.addf %get3A_323, %get3A_326 : vector<16xf32>
      %swap3A_328 = arith.index_cast %add3A_320 : i32 to index
      %swap3A_329 = tpu.vector_load %arg5[%swap3A_328] {strides = array<i32>} : memref<49152xf32, #tpu.memory_space<vmem>>, vector<16xf32>,
      %swap3A_330 = vector.shape_cast %swap3A_329 : vector<16xf32> to vector<16xf32>
      %swap3A_331 = vector.shape_cast %add3A_327 : vector<16xf32> to vector<16xf32>
      tpu.vector_store %arg5[%swap3A_328], %swap3A_331 {strides = array<i32>} : memref<49152xf32, #tpu.memory_space<vmem>>, vector<16xf32>,
      %add3A_332 = arith.constant 176 : i32
      %add3A_333 = arith.addi %mul3A_190, %add3A_332 : i32
      %get3A_334 = arith.index_cast %add3A_333 : i32 to index
      %get3A_335 = tpu.vector_load %arg5[%get3A_334] {strides = array<i32>} : memref<49152xf32, #tpu.memory_space<vmem>>, vector<16xf32>,
      %get3A_336 = vector.shape_cast %get3A_335 : vector<16xf32> to vector<16xf32>
      %get3A_337 = arith.index_cast %add3A_333 : i32 to index
      %get3A_338 = tpu.vector_load %arg6[%get3A_337] {strides = array<i32>} : memref<49152xf32, #tpu.memory_space<vmem>>, vector<16xf32>,
      %get3A_339 = vector.shape_cast %get3A_338 : vector<16xf32> to vector<16xf32>
      %add3A_340 = arith.addf %get3A_336, %get3A_339 : vector<16xf32>
      %swap3A_341 = arith.index_cast %add3A_333 : i32 to index
      %swap3A_342 = tpu.vector_load %arg5[%swap3A_341] {strides = array<i32>} : memref<49152xf32, #tpu.memory_space<vmem>>, vector<16xf32>,
      %swap3A_343 = vector.shape_cast %swap3A_342 : vector<16xf32> to vector<16xf32>
      %swap3A_344 = vector.shape_cast %add3A_340 : vector<16xf32> to vector<16xf32>
      tpu.vector_store %arg5[%swap3A_341], %swap3A_344 {strides = array<i32>} : memref<49152xf32, #tpu.memory_space<vmem>>, vector<16xf32>,
      %add3A_345 = arith.constant 192 : i32
      %add3A_346 = arith.addi %mul3A_190, %add3A_345 : i32
      %get3A_347 = arith.index_cast %add3A_346 : i32 to index
      %get3A_348 = tpu.vector_load %arg5[%get3A_347] {strides = array<i32>} : memref<49152xf32, #tpu.memory_space<vmem>>, vector<16xf32>,
      %get3A_349 = vector.shape_cast %get3A_348 : vector<16xf32> to vector<16xf32>
      %get3A_350 = arith.index_cast %add3A_346 : i32 to index
      %get3A_351 = tpu.vector_load %arg6[%get3A_350] {strides = array<i32>} : memref<49152xf32, #tpu.memory_space<vmem>>, vector<16xf32>,
      %get3A_352 = vector.shape_cast %get3A_351 : vector<16xf32> to vector<16xf32>
      %add3A_353 = arith.addf %get3A_349, %get3A_352 : vector<16xf32>
      %swap3A_354 = arith.index_cast %add3A_346 : i32 to index
      %swap3A_355 = tpu.vector_load %arg5[%swap3A_354] {strides = array<i32>} : memref<49152xf32, #tpu.memory_space<vmem>>, vector<16xf32>,
      %swap3A_356 = vector.shape_cast %swap3A_355 : vector<16xf32> to vector<16xf32>
      %swap3A_357 = vector.shape_cast %add3A_353 : vector<16xf32> to vector<16xf32>
      tpu.vector_store %arg5[%swap3A_354], %swap3A_357 {strides = array<i32>} : memref<49152xf32, #tpu.memory_space<vmem>>, vector<16xf32>,
      %add3A_358 = arith.constant 208 : i32
      %add3A_359 = arith.addi %mul3A_190, %add3A_358 : i32
      %get3A_360 = arith.index_cast %add3A_359 : i32 to index
      %get3A_361 = tpu.vector_load %arg5[%get3A_360] {strides = array<i32>} : memref<49152xf32, #tpu.memory_space<vmem>>, vector<16xf32>,
      %get3A_362 = vector.shape_cast %get3A_361 : vector<16xf32> to vector<16xf32>
      %get3A_363 = arith.index_cast %add3A_359 : i32 to index
      %get3A_364 = tpu.vector_load %arg6[%get3A_363] {strides = array<i32>} : memref<49152xf32, #tpu.memory_space<vmem>>, vector<16xf32>,
      %get3A_365 = vector.shape_cast %get3A_364 : vector<16xf32> to vector<16xf32>
      %add3A_366 = arith.addf %get3A_362, %get3A_365 : vector<16xf32>
      %swap3A_367 = arith.index_cast %add3A_359 : i32 to index
      %swap3A_368 = tpu.vector_load %arg5[%swap3A_367] {strides = array<i32>} : memref<49152xf32, #tpu.memory_space<vmem>>, vector<16xf32>,
      %swap3A_369 = vector.shape_cast %swap3A_368 : vector<16xf32> to vector<16xf32>
      %swap3A_370 = vector.shape_cast %add3A_366 : vector<16xf32> to vector<16xf32>
      tpu.vector_store %arg5[%swap3A_367], %swap3A_370 {strides = array<i32>} : memref<49152xf32, #tpu.memory_space<vmem>>, vector<16xf32>,
      %add3A_371 = arith.constant 224 : i32
      %add3A_372 = arith.addi %mul3A_190, %add3A_371 : i32
      %get3A_373 = arith.index_cast %add3A_372 : i32 to index
      %get3A_374 = tpu.vector_load %arg5[%get3A_373] {strides = array<i32>} : memref<49152xf32, #tpu.memory_space<vmem>>, vector<16xf32>,
      %get3A_375 = vector.shape_cast %get3A_374 : vector<16xf32> to vector<16xf32>
      %get3A_376 = arith.index_cast %add3A_372 : i32 to index
      %get3A_377 = tpu.vector_load %arg6[%get3A_376] {strides = array<i32>} : memref<49152xf32, #tpu.memory_space<vmem>>, vector<16xf32>,
      %get3A_378 = vector.shape_cast %get3A_377 : vector<16xf32> to vector<16xf32>
      %add3A_379 = arith.addf %get3A_375, %get3A_378 : vector<16xf32>
      %swap3A_380 = arith.index_cast %add3A_372 : i32 to index
      %swap3A_381 = tpu.vector_load %arg5[%swap3A_380] {strides = array<i32>} : memref<49152xf32, #tpu.memory_space<vmem>>, vector<16xf32>,
      %swap3A_382 = vector.shape_cast %swap3A_381 : vector<16xf32> to vector<16xf32>
      %swap3A_383 = vector.shape_cast %add3A_379 : vector<16xf32> to vector<16xf32>
      tpu.vector_store %arg5[%swap3A_380], %swap3A_383 {strides = array<i32>} : memref<49152xf32, #tpu.memory_space<vmem>>, vector<16xf32>,
      %add3A_384 = arith.constant 240 : i32
      %add3A_385 = arith.addi %mul3A_190, %add3A_384 : i32
      %get3A_386 = arith.index_cast %add3A_385 : i32 to index
      %get3A_387 = tpu.vector_load %arg5[%get3A_386] {strides = array<i32>} : memref<49152xf32, #tpu.memory_space<vmem>>, vector<16xf32>,
      %get3A_388 = vector.shape_cast %get3A_387 : vector<16xf32> to vector<16xf32>
      %get3A_389 = arith.index_cast %add3A_385 : i32 to index
      %get3A_390 = tpu.vector_load %arg6[%get3A_389] {strides = array<i32>} : memref<49152xf32, #tpu.memory_space<vmem>>, vector<16xf32>,
      %get3A_391 = vector.shape_cast %get3A_390 : vector<16xf32> to vector<16xf32>
      %add3A_392 = arith.addf %get3A_388, %get3A_391 : vector<16xf32>
      %swap3A_393 = arith.index_cast %add3A_385 : i32 to index
      %swap3A_394 = tpu.vector_load %arg5[%swap3A_393] {strides = array<i32>} : memref<49152xf32, #tpu.memory_space<vmem>>, vector<16xf32>,
      %swap3A_395 = vector.shape_cast %swap3A_394 : vector<16xf32> to vector<16xf32>
      %swap3A_396 = vector.shape_cast %add3A_392 : vector<16xf32> to vector<16xf32>
      tpu.vector_store %arg5[%swap3A_393], %swap3A_396 {strides = array<i32>} : memref<49152xf32, #tpu.memory_space<vmem>>, vector<16xf32>,
      %scan3A_397 = arith.constant 0 : i32
      scf.yield %scan3A_397 : i32
    }
    %scan3A_76 = arith.constant 192 : i32
    "tpu.region"() ({
      %run_scoped3A = tpu.sem_alloc : memref<!tpu.dma_semaphore, #tpu.memory_space<semaphore_mem>>
      %dma_start3A = tpu.memref_slice %arg4[%add3A_67] : memref<25165824xf32, #tpu.memory_space<hbm>> -> memref<49152xf32, #tpu.memory_space<hbm>>
      %dma_start3A_187 = tpu.memref_slice %arg4[%add3A_67] : memref<25165824xf32, #tpu.memory_space<hbm>> -> memref<49152xf32, #tpu.memory_space<hbm>>
      tpu.enqueue_dma source(%arg5 : memref<49152xf32, #tpu.memory_space<vmem>>) target(%dma_start3A_187 : memref<49152xf32, #tpu.memory_space<hbm>>) target_semaphore(%run_scoped3A : memref<!tpu.dma_semaphore, #tpu.memory_space<semaphore_mem>>)
      %dma_wait3A = tpu.memref_slice %arg4[%add3A_67] : memref<25165824xf32, #tpu.memory_space<hbm>> -> memref<49152xf32, #tpu.memory_space<hbm>>
      %dma_wait3A_188 = tpu.memref_slice %arg4[%add3A_67] : memref<25165824xf32, #tpu.memory_space<hbm>> -> memref<49152xf32, #tpu.memory_space<hbm>>
      tpu.wait_dma2 semaphore(%run_scoped3A : memref<!tpu.dma_semaphore, #tpu.memory_space<semaphore_mem>>) src(%arg5 : memref<49152xf32, #tpu.memory_space<vmem>>) dst(%dma_wait3A_188 : memref<49152xf32, #tpu.memory_space<hbm>>)
      tpu.yield
    }) : () -> ()
    %add3A_77 = arith.constant 294912 : i32
    %add3A_78 = arith.addi %mul3A_2, %add3A_77 : i32
    %add3A_79 = arith.constant 294912 : i32
    %add3A_80 = arith.addi %select_n3A_11, %add3A_79 : i32
    "tpu.region"() ({
      %run_scoped3A = tpu.sem_alloc : memref<!tpu.dma_semaphore, #tpu.memory_space<semaphore_mem>>
      %dma_start3A = tpu.memref_slice %arg2[%add3A_78] : memref<25165824xf32, #tpu.memory_space<hbm>> -> memref<49152xf32, #tpu.memory_space<hbm>>
      %dma_start3A_187 = tpu.memref_slice %arg2[%add3A_78] : memref<25165824xf32, #tpu.memory_space<hbm>> -> memref<49152xf32, #tpu.memory_space<hbm>>
      tpu.enqueue_dma source(%dma_start3A_187 : memref<49152xf32, #tpu.memory_space<hbm>>) target(%arg5 : memref<49152xf32, #tpu.memory_space<vmem>>) target_semaphore(%run_scoped3A : memref<!tpu.dma_semaphore, #tpu.memory_space<semaphore_mem>>)
      %dma_wait3A = tpu.memref_slice %arg2[%add3A_78] : memref<25165824xf32, #tpu.memory_space<hbm>> -> memref<49152xf32, #tpu.memory_space<hbm>>
      %dma_wait3A_188 = tpu.memref_slice %arg2[%add3A_78] : memref<25165824xf32, #tpu.memory_space<hbm>> -> memref<49152xf32, #tpu.memory_space<hbm>>
      tpu.wait_dma2 semaphore(%run_scoped3A : memref<!tpu.dma_semaphore, #tpu.memory_space<semaphore_mem>>) src(%dma_wait3A_188 : memref<49152xf32, #tpu.memory_space<hbm>>) dst(%arg5 : memref<49152xf32, #tpu.memory_space<vmem>>)
      tpu.yield
    }) : () -> ()
    "tpu.region"() ({
      %run_scoped3A = tpu.sem_alloc : memref<!tpu.dma_semaphore, #tpu.memory_space<semaphore_mem>>
      %dma_start3A = tpu.memref_slice %arg3[%add3A_80] : memref<6291456xf32, #tpu.memory_space<hbm>> -> memref<49152xf32, #tpu.memory_space<hbm>>
      %dma_start3A_187 = tpu.memref_slice %arg3[%add3A_80] : memref<6291456xf32, #tpu.memory_space<hbm>> -> memref<49152xf32, #tpu.memory_space<hbm>>
      tpu.enqueue_dma source(%dma_start3A_187 : memref<49152xf32, #tpu.memory_space<hbm>>) target(%arg6 : memref<49152xf32, #tpu.memory_space<vmem>>) target_semaphore(%run_scoped3A : memref<!tpu.dma_semaphore, #tpu.memory_space<semaphore_mem>>)
      %dma_wait3A = tpu.memref_slice %arg3[%add3A_80] : memref<6291456xf32, #tpu.memory_space<hbm>> -> memref<49152xf32, #tpu.memory_space<hbm>>
      %dma_wait3A_188 = tpu.memref_slice %arg3[%add3A_80] : memref<6291456xf32, #tpu.memory_space<hbm>> -> memref<49152xf32, #tpu.memory_space<hbm>>
      tpu.wait_dma2 semaphore(%run_scoped3A : memref<!tpu.dma_semaphore, #tpu.memory_space<semaphore_mem>>) src(%dma_wait3A_188 : memref<49152xf32, #tpu.memory_space<hbm>>) dst(%arg6 : memref<49152xf32, #tpu.memory_space<vmem>>)
      tpu.yield
    }) : () -> ()
    %scan3A_81 = arith.constant 0 : i32
    %scan3A_82 = arith.constant 0 : i32
    %scan3A_83 = arith.constant 192 : i32
    %scan3A_84 = arith.addi %scan3A_82, %scan3A_83 : i32
    %scan3A_85 = arith.constant 1 : i32
    %scan3A_86 = scf.for %scan3A_187 = %scan3A_82 to %scan3A_84 step %scan3A_85 iter_args(%scan3A_188 = %scan3A_81) -> (i32)  : i32 {
      %mul3A_189 = arith.constant 256 : i32
      %mul3A_190 = arith.muli %scan3A_187, %mul3A_189 : i32
      %add3A_191 = arith.constant 0 : i32
      %add3A_192 = arith.addi %mul3A_190, %add3A_191 : i32
      %get3A = arith.index_cast %add3A_192 : i32 to index
      %get3A_193 = tpu.vector_load %arg5[%get3A] {strides = array<i32>} : memref<49152xf32, #tpu.memory_space<vmem>>, vector<16xf32>,
      %get3A_194 = vector.shape_cast %get3A_193 : vector<16xf32> to vector<16xf32>
      %get3A_195 = arith.index_cast %add3A_192 : i32 to index
      %get3A_196 = tpu.vector_load %arg6[%get3A_195] {strides = array<i32>} : memref<49152xf32, #tpu.memory_space<vmem>>, vector<16xf32>,
      %get3A_197 = vector.shape_cast %get3A_196 : vector<16xf32> to vector<16xf32>
      %add3A_198 = arith.addf %get3A_194, %get3A_197 : vector<16xf32>
      %swap3A = arith.index_cast %add3A_192 : i32 to index
      %swap3A_199 = tpu.vector_load %arg5[%swap3A] {strides = array<i32>} : memref<49152xf32, #tpu.memory_space<vmem>>, vector<16xf32>,
      %swap3A_200 = vector.shape_cast %swap3A_199 : vector<16xf32> to vector<16xf32>
      %swap3A_201 = vector.shape_cast %add3A_198 : vector<16xf32> to vector<16xf32>
      tpu.vector_store %arg5[%swap3A], %swap3A_201 {strides = array<i32>} : memref<49152xf32, #tpu.memory_space<vmem>>, vector<16xf32>,
      %add3A_202 = arith.constant 16 : i32
      %add3A_203 = arith.addi %mul3A_190, %add3A_202 : i32
      %get3A_204 = arith.index_cast %add3A_203 : i32 to index
      %get3A_205 = tpu.vector_load %arg5[%get3A_204] {strides = array<i32>} : memref<49152xf32, #tpu.memory_space<vmem>>, vector<16xf32>,
      %get3A_206 = vector.shape_cast %get3A_205 : vector<16xf32> to vector<16xf32>
      %get3A_207 = arith.index_cast %add3A_203 : i32 to index
      %get3A_208 = tpu.vector_load %arg6[%get3A_207] {strides = array<i32>} : memref<49152xf32, #tpu.memory_space<vmem>>, vector<16xf32>,
      %get3A_209 = vector.shape_cast %get3A_208 : vector<16xf32> to vector<16xf32>
      %add3A_210 = arith.addf %get3A_206, %get3A_209 : vector<16xf32>
      %swap3A_211 = arith.index_cast %add3A_203 : i32 to index
      %swap3A_212 = tpu.vector_load %arg5[%swap3A_211] {strides = array<i32>} : memref<49152xf32, #tpu.memory_space<vmem>>, vector<16xf32>,
      %swap3A_213 = vector.shape_cast %swap3A_212 : vector<16xf32> to vector<16xf32>
      %swap3A_214 = vector.shape_cast %add3A_210 : vector<16xf32> to vector<16xf32>
      tpu.vector_store %arg5[%swap3A_211], %swap3A_214 {strides = array<i32>} : memref<49152xf32, #tpu.memory_space<vmem>>, vector<16xf32>,
      %add3A_215 = arith.constant 32 : i32
      %add3A_216 = arith.addi %mul3A_190, %add3A_215 : i32
      %get3A_217 = arith.index_cast %add3A_216 : i32 to index
      %get3A_218 = tpu.vector_load %arg5[%get3A_217] {strides = array<i32>} : memref<49152xf32, #tpu.memory_space<vmem>>, vector<16xf32>,
      %get3A_219 = vector.shape_cast %get3A_218 : vector<16xf32> to vector<16xf32>
      %get3A_220 = arith.index_cast %add3A_216 : i32 to index
      %get3A_221 = tpu.vector_load %arg6[%get3A_220] {strides = array<i32>} : memref<49152xf32, #tpu.memory_space<vmem>>, vector<16xf32>,
      %get3A_222 = vector.shape_cast %get3A_221 : vector<16xf32> to vector<16xf32>
      %add3A_223 = arith.addf %get3A_219, %get3A_222 : vector<16xf32>
      %swap3A_224 = arith.index_cast %add3A_216 : i32 to index
      %swap3A_225 = tpu.vector_load %arg5[%swap3A_224] {strides = array<i32>} : memref<49152xf32, #tpu.memory_space<vmem>>, vector<16xf32>,
      %swap3A_226 = vector.shape_cast %swap3A_225 : vector<16xf32> to vector<16xf32>
      %swap3A_227 = vector.shape_cast %add3A_223 : vector<16xf32> to vector<16xf32>
      tpu.vector_store %arg5[%swap3A_224], %swap3A_227 {strides = array<i32>} : memref<49152xf32, #tpu.memory_space<vmem>>, vector<16xf32>,
      %add3A_228 = arith.constant 48 : i32
      %add3A_229 = arith.addi %mul3A_190, %add3A_228 : i32
      %get3A_230 = arith.index_cast %add3A_229 : i32 to index
      %get3A_231 = tpu.vector_load %arg5[%get3A_230] {strides = array<i32>} : memref<49152xf32, #tpu.memory_space<vmem>>, vector<16xf32>,
      %get3A_232 = vector.shape_cast %get3A_231 : vector<16xf32> to vector<16xf32>
      %get3A_233 = arith.index_cast %add3A_229 : i32 to index
      %get3A_234 = tpu.vector_load %arg6[%get3A_233] {strides = array<i32>} : memref<49152xf32, #tpu.memory_space<vmem>>, vector<16xf32>,
      %get3A_235 = vector.shape_cast %get3A_234 : vector<16xf32> to vector<16xf32>
      %add3A_236 = arith.addf %get3A_232, %get3A_235 : vector<16xf32>
      %swap3A_237 = arith.index_cast %add3A_229 : i32 to index
      %swap3A_238 = tpu.vector_load %arg5[%swap3A_237] {strides = array<i32>} : memref<49152xf32, #tpu.memory_space<vmem>>, vector<16xf32>,
      %swap3A_239 = vector.shape_cast %swap3A_238 : vector<16xf32> to vector<16xf32>
      %swap3A_240 = vector.shape_cast %add3A_236 : vector<16xf32> to vector<16xf32>
      tpu.vector_store %arg5[%swap3A_237], %swap3A_240 {strides = array<i32>} : memref<49152xf32, #tpu.memory_space<vmem>>, vector<16xf32>,
      %add3A_241 = arith.constant 64 : i32
      %add3A_242 = arith.addi %mul3A_190, %add3A_241 : i32
      %get3A_243 = arith.index_cast %add3A_242 : i32 to index
      %get3A_244 = tpu.vector_load %arg5[%get3A_243] {strides = array<i32>} : memref<49152xf32, #tpu.memory_space<vmem>>, vector<16xf32>,
      %get3A_245 = vector.shape_cast %get3A_244 : vector<16xf32> to vector<16xf32>
      %get3A_246 = arith.index_cast %add3A_242 : i32 to index
      %get3A_247 = tpu.vector_load %arg6[%get3A_246] {strides = array<i32>} : memref<49152xf32, #tpu.memory_space<vmem>>, vector<16xf32>,
      %get3A_248 = vector.shape_cast %get3A_247 : vector<16xf32> to vector<16xf32>
      %add3A_249 = arith.addf %get3A_245, %get3A_248 : vector<16xf32>
      %swap3A_250 = arith.index_cast %add3A_242 : i32 to index
      %swap3A_251 = tpu.vector_load %arg5[%swap3A_250] {strides = array<i32>} : memref<49152xf32, #tpu.memory_space<vmem>>, vector<16xf32>,
      %swap3A_252 = vector.shape_cast %swap3A_251 : vector<16xf32> to vector<16xf32>
      %swap3A_253 = vector.shape_cast %add3A_249 : vector<16xf32> to vector<16xf32>
      tpu.vector_store %arg5[%swap3A_250], %swap3A_253 {strides = array<i32>} : memref<49152xf32, #tpu.memory_space<vmem>>, vector<16xf32>,
      %add3A_254 = arith.constant 80 : i32
      %add3A_255 = arith.addi %mul3A_190, %add3A_254 : i32
      %get3A_256 = arith.index_cast %add3A_255 : i32 to index
      %get3A_257 = tpu.vector_load %arg5[%get3A_256] {strides = array<i32>} : memref<49152xf32, #tpu.memory_space<vmem>>, vector<16xf32>,
      %get3A_258 = vector.shape_cast %get3A_257 : vector<16xf32> to vector<16xf32>
      %get3A_259 = arith.index_cast %add3A_255 : i32 to index
      %get3A_260 = tpu.vector_load %arg6[%get3A_259] {strides = array<i32>} : memref<49152xf32, #tpu.memory_space<vmem>>, vector<16xf32>,
      %get3A_261 = vector.shape_cast %get3A_260 : vector<16xf32> to vector<16xf32>
      %add3A_262 = arith.addf %get3A_258, %get3A_261 : vector<16xf32>
      %swap3A_263 = arith.index_cast %add3A_255 : i32 to index
      %swap3A_264 = tpu.vector_load %arg5[%swap3A_263] {strides = array<i32>} : memref<49152xf32, #tpu.memory_space<vmem>>, vector<16xf32>,
      %swap3A_265 = vector.shape_cast %swap3A_264 : vector<16xf32> to vector<16xf32>
      %swap3A_266 = vector.shape_cast %add3A_262 : vector<16xf32> to vector<16xf32>
      tpu.vector_store %arg5[%swap3A_263], %swap3A_266 {strides = array<i32>} : memref<49152xf32, #tpu.memory_space<vmem>>, vector<16xf32>,
      %add3A_267 = arith.constant 96 : i32
      %add3A_268 = arith.addi %mul3A_190, %add3A_267 : i32
      %get3A_269 = arith.index_cast %add3A_268 : i32 to index
      %get3A_270 = tpu.vector_load %arg5[%get3A_269] {strides = array<i32>} : memref<49152xf32, #tpu.memory_space<vmem>>, vector<16xf32>,
      %get3A_271 = vector.shape_cast %get3A_270 : vector<16xf32> to vector<16xf32>
      %get3A_272 = arith.index_cast %add3A_268 : i32 to index
      %get3A_273 = tpu.vector_load %arg6[%get3A_272] {strides = array<i32>} : memref<49152xf32, #tpu.memory_space<vmem>>, vector<16xf32>,
      %get3A_274 = vector.shape_cast %get3A_273 : vector<16xf32> to vector<16xf32>
      %add3A_275 = arith.addf %get3A_271, %get3A_274 : vector<16xf32>
      %swap3A_276 = arith.index_cast %add3A_268 : i32 to index
      %swap3A_277 = tpu.vector_load %arg5[%swap3A_276] {strides = array<i32>} : memref<49152xf32, #tpu.memory_space<vmem>>, vector<16xf32>,
      %swap3A_278 = vector.shape_cast %swap3A_277 : vector<16xf32> to vector<16xf32>
      %swap3A_279 = vector.shape_cast %add3A_275 : vector<16xf32> to vector<16xf32>
      tpu.vector_store %arg5[%swap3A_276], %swap3A_279 {strides = array<i32>} : memref<49152xf32, #tpu.memory_space<vmem>>, vector<16xf32>,
      %add3A_280 = arith.constant 112 : i32
      %add3A_281 = arith.addi %mul3A_190, %add3A_280 : i32
      %get3A_282 = arith.index_cast %add3A_281 : i32 to index
      %get3A_283 = tpu.vector_load %arg5[%get3A_282] {strides = array<i32>} : memref<49152xf32, #tpu.memory_space<vmem>>, vector<16xf32>,
      %get3A_284 = vector.shape_cast %get3A_283 : vector<16xf32> to vector<16xf32>
      %get3A_285 = arith.index_cast %add3A_281 : i32 to index
      %get3A_286 = tpu.vector_load %arg6[%get3A_285] {strides = array<i32>} : memref<49152xf32, #tpu.memory_space<vmem>>, vector<16xf32>,
      %get3A_287 = vector.shape_cast %get3A_286 : vector<16xf32> to vector<16xf32>
      %add3A_288 = arith.addf %get3A_284, %get3A_287 : vector<16xf32>
      %swap3A_289 = arith.index_cast %add3A_281 : i32 to index
      %swap3A_290 = tpu.vector_load %arg5[%swap3A_289] {strides = array<i32>} : memref<49152xf32, #tpu.memory_space<vmem>>, vector<16xf32>,
      %swap3A_291 = vector.shape_cast %swap3A_290 : vector<16xf32> to vector<16xf32>
      %swap3A_292 = vector.shape_cast %add3A_288 : vector<16xf32> to vector<16xf32>
      tpu.vector_store %arg5[%swap3A_289], %swap3A_292 {strides = array<i32>} : memref<49152xf32, #tpu.memory_space<vmem>>, vector<16xf32>,
      %add3A_293 = arith.constant 128 : i32
      %add3A_294 = arith.addi %mul3A_190, %add3A_293 : i32
      %get3A_295 = arith.index_cast %add3A_294 : i32 to index
      %get3A_296 = tpu.vector_load %arg5[%get3A_295] {strides = array<i32>} : memref<49152xf32, #tpu.memory_space<vmem>>, vector<16xf32>,
      %get3A_297 = vector.shape_cast %get3A_296 : vector<16xf32> to vector<16xf32>
      %get3A_298 = arith.index_cast %add3A_294 : i32 to index
      %get3A_299 = tpu.vector_load %arg6[%get3A_298] {strides = array<i32>} : memref<49152xf32, #tpu.memory_space<vmem>>, vector<16xf32>,
      %get3A_300 = vector.shape_cast %get3A_299 : vector<16xf32> to vector<16xf32>
      %add3A_301 = arith.addf %get3A_297, %get3A_300 : vector<16xf32>
      %swap3A_302 = arith.index_cast %add3A_294 : i32 to index
      %swap3A_303 = tpu.vector_load %arg5[%swap3A_302] {strides = array<i32>} : memref<49152xf32, #tpu.memory_space<vmem>>, vector<16xf32>,
      %swap3A_304 = vector.shape_cast %swap3A_303 : vector<16xf32> to vector<16xf32>
      %swap3A_305 = vector.shape_cast %add3A_301 : vector<16xf32> to vector<16xf32>
      tpu.vector_store %arg5[%swap3A_302], %swap3A_305 {strides = array<i32>} : memref<49152xf32, #tpu.memory_space<vmem>>, vector<16xf32>,
      %add3A_306 = arith.constant 144 : i32
      %add3A_307 = arith.addi %mul3A_190, %add3A_306 : i32
      %get3A_308 = arith.index_cast %add3A_307 : i32 to index
      %get3A_309 = tpu.vector_load %arg5[%get3A_308] {strides = array<i32>} : memref<49152xf32, #tpu.memory_space<vmem>>, vector<16xf32>,
      %get3A_310 = vector.shape_cast %get3A_309 : vector<16xf32> to vector<16xf32>
      %get3A_311 = arith.index_cast %add3A_307 : i32 to index
      %get3A_312 = tpu.vector_load %arg6[%get3A_311] {strides = array<i32>} : memref<49152xf32, #tpu.memory_space<vmem>>, vector<16xf32>,
      %get3A_313 = vector.shape_cast %get3A_312 : vector<16xf32> to vector<16xf32>
      %add3A_314 = arith.addf %get3A_310, %get3A_313 : vector<16xf32>
      %swap3A_315 = arith.index_cast %add3A_307 : i32 to index
      %swap3A_316 = tpu.vector_load %arg5[%swap3A_315] {strides = array<i32>} : memref<49152xf32, #tpu.memory_space<vmem>>, vector<16xf32>,
      %swap3A_317 = vector.shape_cast %swap3A_316 : vector<16xf32> to vector<16xf32>
      %swap3A_318 = vector.shape_cast %add3A_314 : vector<16xf32> to vector<16xf32>
      tpu.vector_store %arg5[%swap3A_315], %swap3A_318 {strides = array<i32>} : memref<49152xf32, #tpu.memory_space<vmem>>, vector<16xf32>,
      %add3A_319 = arith.constant 160 : i32
      %add3A_320 = arith.addi %mul3A_190, %add3A_319 : i32
      %get3A_321 = arith.index_cast %add3A_320 : i32 to index
      %get3A_322 = tpu.vector_load %arg5[%get3A_321] {strides = array<i32>} : memref<49152xf32, #tpu.memory_space<vmem>>, vector<16xf32>,
      %get3A_323 = vector.shape_cast %get3A_322 : vector<16xf32> to vector<16xf32>
      %get3A_324 = arith.index_cast %add3A_320 : i32 to index
      %get3A_325 = tpu.vector_load %arg6[%get3A_324] {strides = array<i32>} : memref<49152xf32, #tpu.memory_space<vmem>>, vector<16xf32>,
      %get3A_326 = vector.shape_cast %get3A_325 : vector<16xf32> to vector<16xf32>
      %add3A_327 = arith.addf %get3A_323, %get3A_326 : vector<16xf32>
      %swap3A_328 = arith.index_cast %add3A_320 : i32 to index
      %swap3A_329 = tpu.vector_load %arg5[%swap3A_328] {strides = array<i32>} : memref<49152xf32, #tpu.memory_space<vmem>>, vector<16xf32>,
      %swap3A_330 = vector.shape_cast %swap3A_329 : vector<16xf32> to vector<16xf32>
      %swap3A_331 = vector.shape_cast %add3A_327 : vector<16xf32> to vector<16xf32>
      tpu.vector_store %arg5[%swap3A_328], %swap3A_331 {strides = array<i32>} : memref<49152xf32, #tpu.memory_space<vmem>>, vector<16xf32>,
      %add3A_332 = arith.constant 176 : i32
      %add3A_333 = arith.addi %mul3A_190, %add3A_332 : i32
      %get3A_334 = arith.index_cast %add3A_333 : i32 to index
      %get3A_335 = tpu.vector_load %arg5[%get3A_334] {strides = array<i32>} : memref<49152xf32, #tpu.memory_space<vmem>>, vector<16xf32>,
      %get3A_336 = vector.shape_cast %get3A_335 : vector<16xf32> to vector<16xf32>
      %get3A_337 = arith.index_cast %add3A_333 : i32 to index
      %get3A_338 = tpu.vector_load %arg6[%get3A_337] {strides = array<i32>} : memref<49152xf32, #tpu.memory_space<vmem>>, vector<16xf32>,
      %get3A_339 = vector.shape_cast %get3A_338 : vector<16xf32> to vector<16xf32>
      %add3A_340 = arith.addf %get3A_336, %get3A_339 : vector<16xf32>
      %swap3A_341 = arith.index_cast %add3A_333 : i32 to index
      %swap3A_342 = tpu.vector_load %arg5[%swap3A_341] {strides = array<i32>} : memref<49152xf32, #tpu.memory_space<vmem>>, vector<16xf32>,
      %swap3A_343 = vector.shape_cast %swap3A_342 : vector<16xf32> to vector<16xf32>
      %swap3A_344 = vector.shape_cast %add3A_340 : vector<16xf32> to vector<16xf32>
      tpu.vector_store %arg5[%swap3A_341], %swap3A_344 {strides = array<i32>} : memref<49152xf32, #tpu.memory_space<vmem>>, vector<16xf32>,
      %add3A_345 = arith.constant 192 : i32
      %add3A_346 = arith.addi %mul3A_190, %add3A_345 : i32
      %get3A_347 = arith.index_cast %add3A_346 : i32 to index
      %get3A_348 = tpu.vector_load %arg5[%get3A_347] {strides = array<i32>} : memref<49152xf32, #tpu.memory_space<vmem>>, vector<16xf32>,
      %get3A_349 = vector.shape_cast %get3A_348 : vector<16xf32> to vector<16xf32>
      %get3A_350 = arith.index_cast %add3A_346 : i32 to index
      %get3A_351 = tpu.vector_load %arg6[%get3A_350] {strides = array<i32>} : memref<49152xf32, #tpu.memory_space<vmem>>, vector<16xf32>,
      %get3A_352 = vector.shape_cast %get3A_351 : vector<16xf32> to vector<16xf32>
      %add3A_353 = arith.addf %get3A_349, %get3A_352 : vector<16xf32>
      %swap3A_354 = arith.index_cast %add3A_346 : i32 to index
      %swap3A_355 = tpu.vector_load %arg5[%swap3A_354] {strides = array<i32>} : memref<49152xf32, #tpu.memory_space<vmem>>, vector<16xf32>,
      %swap3A_356 = vector.shape_cast %swap3A_355 : vector<16xf32> to vector<16xf32>
      %swap3A_357 = vector.shape_cast %add3A_353 : vector<16xf32> to vector<16xf32>
      tpu.vector_store %arg5[%swap3A_354], %swap3A_357 {strides = array<i32>} : memref<49152xf32, #tpu.memory_space<vmem>>, vector<16xf32>,
      %add3A_358 = arith.constant 208 : i32
      %add3A_359 = arith.addi %mul3A_190, %add3A_358 : i32
      %get3A_360 = arith.index_cast %add3A_359 : i32 to index
      %get3A_361 = tpu.vector_load %arg5[%get3A_360] {strides = array<i32>} : memref<49152xf32, #tpu.memory_space<vmem>>, vector<16xf32>,
      %get3A_362 = vector.shape_cast %get3A_361 : vector<16xf32> to vector<16xf32>
      %get3A_363 = arith.index_cast %add3A_359 : i32 to index
      %get3A_364 = tpu.vector_load %arg6[%get3A_363] {strides = array<i32>} : memref<49152xf32, #tpu.memory_space<vmem>>, vector<16xf32>,
      %get3A_365 = vector.shape_cast %get3A_364 : vector<16xf32> to vector<16xf32>
      %add3A_366 = arith.addf %get3A_362, %get3A_365 : vector<16xf32>
      %swap3A_367 = arith.index_cast %add3A_359 : i32 to index
      %swap3A_368 = tpu.vector_load %arg5[%swap3A_367] {strides = array<i32>} : memref<49152xf32, #tpu.memory_space<vmem>>, vector<16xf32>,
      %swap3A_369 = vector.shape_cast %swap3A_368 : vector<16xf32> to vector<16xf32>
      %swap3A_370 = vector.shape_cast %add3A_366 : vector<16xf32> to vector<16xf32>
      tpu.vector_store %arg5[%swap3A_367], %swap3A_370 {strides = array<i32>} : memref<49152xf32, #tpu.memory_space<vmem>>, vector<16xf32>,
      %add3A_371 = arith.constant 224 : i32
      %add3A_372 = arith.addi %mul3A_190, %add3A_371 : i32
      %get3A_373 = arith.index_cast %add3A_372 : i32 to index
      %get3A_374 = tpu.vector_load %arg5[%get3A_373] {strides = array<i32>} : memref<49152xf32, #tpu.memory_space<vmem>>, vector<16xf32>,
      %get3A_375 = vector.shape_cast %get3A_374 : vector<16xf32> to vector<16xf32>
      %get3A_376 = arith.index_cast %add3A_372 : i32 to index
      %get3A_377 = tpu.vector_load %arg6[%get3A_376] {strides = array<i32>} : memref<49152xf32, #tpu.memory_space<vmem>>, vector<16xf32>,
      %get3A_378 = vector.shape_cast %get3A_377 : vector<16xf32> to vector<16xf32>
      %add3A_379 = arith.addf %get3A_375, %get3A_378 : vector<16xf32>
      %swap3A_380 = arith.index_cast %add3A_372 : i32 to index
      %swap3A_381 = tpu.vector_load %arg5[%swap3A_380] {strides = array<i32>} : memref<49152xf32, #tpu.memory_space<vmem>>, vector<16xf32>,
      %swap3A_382 = vector.shape_cast %swap3A_381 : vector<16xf32> to vector<16xf32>
      %swap3A_383 = vector.shape_cast %add3A_379 : vector<16xf32> to vector<16xf32>
      tpu.vector_store %arg5[%swap3A_380], %swap3A_383 {strides = array<i32>} : memref<49152xf32, #tpu.memory_space<vmem>>, vector<16xf32>,
      %add3A_384 = arith.constant 240 : i32
      %add3A_385 = arith.addi %mul3A_190, %add3A_384 : i32
      %get3A_386 = arith.index_cast %add3A_385 : i32 to index
      %get3A_387 = tpu.vector_load %arg5[%get3A_386] {strides = array<i32>} : memref<49152xf32, #tpu.memory_space<vmem>>, vector<16xf32>,
      %get3A_388 = vector.shape_cast %get3A_387 : vector<16xf32> to vector<16xf32>
      %get3A_389 = arith.index_cast %add3A_385 : i32 to index
      %get3A_390 = tpu.vector_load %arg6[%get3A_389] {strides = array<i32>} : memref<49152xf32, #tpu.memory_space<vmem>>, vector<16xf32>,
      %get3A_391 = vector.shape_cast %get3A_390 : vector<16xf32> to vector<16xf32>
      %add3A_392 = arith.addf %get3A_388, %get3A_391 : vector<16xf32>
      %swap3A_393 = arith.index_cast %add3A_385 : i32 to index
      %swap3A_394 = tpu.vector_load %arg5[%swap3A_393] {strides = array<i32>} : memref<49152xf32, #tpu.memory_space<vmem>>, vector<16xf32>,
      %swap3A_395 = vector.shape_cast %swap3A_394 : vector<16xf32> to vector<16xf32>
      %swap3A_396 = vector.shape_cast %add3A_392 : vector<16xf32> to vector<16xf32>
      tpu.vector_store %arg5[%swap3A_393], %swap3A_396 {strides = array<i32>} : memref<49152xf32, #tpu.memory_space<vmem>>, vector<16xf32>,
      %scan3A_397 = arith.constant 0 : i32
      scf.yield %scan3A_397 : i32
    }
    %scan3A_87 = arith.constant 192 : i32
    "tpu.region"() ({
      %run_scoped3A = tpu.sem_alloc : memref<!tpu.dma_semaphore, #tpu.memory_space<semaphore_mem>>
      %dma_start3A = tpu.memref_slice %arg4[%add3A_78] : memref<25165824xf32, #tpu.memory_space<hbm>> -> memref<49152xf32, #tpu.memory_space<hbm>>
      %dma_start3A_187 = tpu.memref_slice %arg4[%add3A_78] : memref<25165824xf32, #tpu.memory_space<hbm>> -> memref<49152xf32, #tpu.memory_space<hbm>>
      tpu.enqueue_dma source(%arg5 : memref<49152xf32, #tpu.memory_space<vmem>>) target(%dma_start3A_187 : memref<49152xf32, #tpu.memory_space<hbm>>) target_semaphore(%run_scoped3A : memref<!tpu.dma_semaphore, #tpu.memory_space<semaphore_mem>>)
      %dma_wait3A = tpu.memref_slice %arg4[%add3A_78] : memref<25165824xf32, #tpu.memory_space<hbm>> -> memref<49152xf32, #tpu.memory_space<hbm>>
      %dma_wait3A_188 = tpu.memref_slice %arg4[%add3A_78] : memref<25165824xf32, #tpu.memory_space<hbm>> -> memref<49152xf32, #tpu.memory_space<hbm>>
      tpu.wait_dma2 semaphore(%run_scoped3A : memref<!tpu.dma_semaphore, #tpu.memory_space<semaphore_mem>>) src(%arg5 : memref<49152xf32, #tpu.memory_space<vmem>>) dst(%dma_wait3A_188 : memref<49152xf32, #tpu.memory_space<hbm>>)
      tpu.yield
    }) : () -> ()
    %add3A_88 = arith.constant 344064 : i32
    %add3A_89 = arith.addi %mul3A_2, %add3A_88 : i32
    %add3A_90 = arith.constant 344064 : i32
    %add3A_91 = arith.addi %select_n3A_11, %add3A_90 : i32
    "tpu.region"() ({
      %run_scoped3A = tpu.sem_alloc : memref<!tpu.dma_semaphore, #tpu.memory_space<semaphore_mem>>
      %dma_start3A = tpu.memref_slice %arg2[%add3A_89] : memref<25165824xf32, #tpu.memory_space<hbm>> -> memref<49152xf32, #tpu.memory_space<hbm>>
      %dma_start3A_187 = tpu.memref_slice %arg2[%add3A_89] : memref<25165824xf32, #tpu.memory_space<hbm>> -> memref<49152xf32, #tpu.memory_space<hbm>>
      tpu.enqueue_dma source(%dma_start3A_187 : memref<49152xf32, #tpu.memory_space<hbm>>) target(%arg5 : memref<49152xf32, #tpu.memory_space<vmem>>) target_semaphore(%run_scoped3A : memref<!tpu.dma_semaphore, #tpu.memory_space<semaphore_mem>>)
      %dma_wait3A = tpu.memref_slice %arg2[%add3A_89] : memref<25165824xf32, #tpu.memory_space<hbm>> -> memref<49152xf32, #tpu.memory_space<hbm>>
      %dma_wait3A_188 = tpu.memref_slice %arg2[%add3A_89] : memref<25165824xf32, #tpu.memory_space<hbm>> -> memref<49152xf32, #tpu.memory_space<hbm>>
      tpu.wait_dma2 semaphore(%run_scoped3A : memref<!tpu.dma_semaphore, #tpu.memory_space<semaphore_mem>>) src(%dma_wait3A_188 : memref<49152xf32, #tpu.memory_space<hbm>>) dst(%arg5 : memref<49152xf32, #tpu.memory_space<vmem>>)
      tpu.yield
    }) : () -> ()
    "tpu.region"() ({
      %run_scoped3A = tpu.sem_alloc : memref<!tpu.dma_semaphore, #tpu.memory_space<semaphore_mem>>
      %dma_start3A = tpu.memref_slice %arg3[%add3A_91] : memref<6291456xf32, #tpu.memory_space<hbm>> -> memref<49152xf32, #tpu.memory_space<hbm>>
      %dma_start3A_187 = tpu.memref_slice %arg3[%add3A_91] : memref<6291456xf32, #tpu.memory_space<hbm>> -> memref<49152xf32, #tpu.memory_space<hbm>>
      tpu.enqueue_dma source(%dma_start3A_187 : memref<49152xf32, #tpu.memory_space<hbm>>) target(%arg6 : memref<49152xf32, #tpu.memory_space<vmem>>) target_semaphore(%run_scoped3A : memref<!tpu.dma_semaphore, #tpu.memory_space<semaphore_mem>>)
      %dma_wait3A = tpu.memref_slice %arg3[%add3A_91] : memref<6291456xf32, #tpu.memory_space<hbm>> -> memref<49152xf32, #tpu.memory_space<hbm>>
      %dma_wait3A_188 = tpu.memref_slice %arg3[%add3A_91] : memref<6291456xf32, #tpu.memory_space<hbm>> -> memref<49152xf32, #tpu.memory_space<hbm>>
      tpu.wait_dma2 semaphore(%run_scoped3A : memref<!tpu.dma_semaphore, #tpu.memory_space<semaphore_mem>>) src(%dma_wait3A_188 : memref<49152xf32, #tpu.memory_space<hbm>>) dst(%arg6 : memref<49152xf32, #tpu.memory_space<vmem>>)
      tpu.yield
    }) : () -> ()
    %scan3A_92 = arith.constant 0 : i32
    %scan3A_93 = arith.constant 0 : i32
    %scan3A_94 = arith.constant 192 : i32
    %scan3A_95 = arith.addi %scan3A_93, %scan3A_94 : i32
    %scan3A_96 = arith.constant 1 : i32
    %scan3A_97 = scf.for %scan3A_187 = %scan3A_93 to %scan3A_95 step %scan3A_96 iter_args(%scan3A_188 = %scan3A_92) -> (i32)  : i32 {
      %mul3A_189 = arith.constant 256 : i32
      %mul3A_190 = arith.muli %scan3A_187, %mul3A_189 : i32
      %add3A_191 = arith.constant 0 : i32
      %add3A_192 = arith.addi %mul3A_190, %add3A_191 : i32
      %get3A = arith.index_cast %add3A_192 : i32 to index
      %get3A_193 = tpu.vector_load %arg5[%get3A] {strides = array<i32>} : memref<49152xf32, #tpu.memory_space<vmem>>, vector<16xf32>,
      %get3A_194 = vector.shape_cast %get3A_193 : vector<16xf32> to vector<16xf32>
      %get3A_195 = arith.index_cast %add3A_192 : i32 to index
      %get3A_196 = tpu.vector_load %arg6[%get3A_195] {strides = array<i32>} : memref<49152xf32, #tpu.memory_space<vmem>>, vector<16xf32>,
      %get3A_197 = vector.shape_cast %get3A_196 : vector<16xf32> to vector<16xf32>
      %add3A_198 = arith.addf %get3A_194, %get3A_197 : vector<16xf32>
      %swap3A = arith.index_cast %add3A_192 : i32 to index
      %swap3A_199 = tpu.vector_load %arg5[%swap3A] {strides = array<i32>} : memref<49152xf32, #tpu.memory_space<vmem>>, vector<16xf32>,
      %swap3A_200 = vector.shape_cast %swap3A_199 : vector<16xf32> to vector<16xf32>
      %swap3A_201 = vector.shape_cast %add3A_198 : vector<16xf32> to vector<16xf32>
      tpu.vector_store %arg5[%swap3A], %swap3A_201 {strides = array<i32>} : memref<49152xf32, #tpu.memory_space<vmem>>, vector<16xf32>,
      %add3A_202 = arith.constant 16 : i32
      %add3A_203 = arith.addi %mul3A_190, %add3A_202 : i32
      %get3A_204 = arith.index_cast %add3A_203 : i32 to index
      %get3A_205 = tpu.vector_load %arg5[%get3A_204] {strides = array<i32>} : memref<49152xf32, #tpu.memory_space<vmem>>, vector<16xf32>,
      %get3A_206 = vector.shape_cast %get3A_205 : vector<16xf32> to vector<16xf32>
      %get3A_207 = arith.index_cast %add3A_203 : i32 to index
      %get3A_208 = tpu.vector_load %arg6[%get3A_207] {strides = array<i32>} : memref<49152xf32, #tpu.memory_space<vmem>>, vector<16xf32>,
      %get3A_209 = vector.shape_cast %get3A_208 : vector<16xf32> to vector<16xf32>
      %add3A_210 = arith.addf %get3A_206, %get3A_209 : vector<16xf32>
      %swap3A_211 = arith.index_cast %add3A_203 : i32 to index
      %swap3A_212 = tpu.vector_load %arg5[%swap3A_211] {strides = array<i32>} : memref<49152xf32, #tpu.memory_space<vmem>>, vector<16xf32>,
      %swap3A_213 = vector.shape_cast %swap3A_212 : vector<16xf32> to vector<16xf32>
      %swap3A_214 = vector.shape_cast %add3A_210 : vector<16xf32> to vector<16xf32>
      tpu.vector_store %arg5[%swap3A_211], %swap3A_214 {strides = array<i32>} : memref<49152xf32, #tpu.memory_space<vmem>>, vector<16xf32>,
      %add3A_215 = arith.constant 32 : i32
      %add3A_216 = arith.addi %mul3A_190, %add3A_215 : i32
      %get3A_217 = arith.index_cast %add3A_216 : i32 to index
      %get3A_218 = tpu.vector_load %arg5[%get3A_217] {strides = array<i32>} : memref<49152xf32, #tpu.memory_space<vmem>>, vector<16xf32>,
      %get3A_219 = vector.shape_cast %get3A_218 : vector<16xf32> to vector<16xf32>
      %get3A_220 = arith.index_cast %add3A_216 : i32 to index
      %get3A_221 = tpu.vector_load %arg6[%get3A_220] {strides = array<i32>} : memref<49152xf32, #tpu.memory_space<vmem>>, vector<16xf32>,
      %get3A_222 = vector.shape_cast %get3A_221 : vector<16xf32> to vector<16xf32>
      %add3A_223 = arith.addf %get3A_219, %get3A_222 : vector<16xf32>
      %swap3A_224 = arith.index_cast %add3A_216 : i32 to index
      %swap3A_225 = tpu.vector_load %arg5[%swap3A_224] {strides = array<i32>} : memref<49152xf32, #tpu.memory_space<vmem>>, vector<16xf32>,
      %swap3A_226 = vector.shape_cast %swap3A_225 : vector<16xf32> to vector<16xf32>
      %swap3A_227 = vector.shape_cast %add3A_223 : vector<16xf32> to vector<16xf32>
      tpu.vector_store %arg5[%swap3A_224], %swap3A_227 {strides = array<i32>} : memref<49152xf32, #tpu.memory_space<vmem>>, vector<16xf32>,
      %add3A_228 = arith.constant 48 : i32
      %add3A_229 = arith.addi %mul3A_190, %add3A_228 : i32
      %get3A_230 = arith.index_cast %add3A_229 : i32 to index
      %get3A_231 = tpu.vector_load %arg5[%get3A_230] {strides = array<i32>} : memref<49152xf32, #tpu.memory_space<vmem>>, vector<16xf32>,
      %get3A_232 = vector.shape_cast %get3A_231 : vector<16xf32> to vector<16xf32>
      %get3A_233 = arith.index_cast %add3A_229 : i32 to index
      %get3A_234 = tpu.vector_load %arg6[%get3A_233] {strides = array<i32>} : memref<49152xf32, #tpu.memory_space<vmem>>, vector<16xf32>,
      %get3A_235 = vector.shape_cast %get3A_234 : vector<16xf32> to vector<16xf32>
      %add3A_236 = arith.addf %get3A_232, %get3A_235 : vector<16xf32>
      %swap3A_237 = arith.index_cast %add3A_229 : i32 to index
      %swap3A_238 = tpu.vector_load %arg5[%swap3A_237] {strides = array<i32>} : memref<49152xf32, #tpu.memory_space<vmem>>, vector<16xf32>,
      %swap3A_239 = vector.shape_cast %swap3A_238 : vector<16xf32> to vector<16xf32>
      %swap3A_240 = vector.shape_cast %add3A_236 : vector<16xf32> to vector<16xf32>
      tpu.vector_store %arg5[%swap3A_237], %swap3A_240 {strides = array<i32>} : memref<49152xf32, #tpu.memory_space<vmem>>, vector<16xf32>,
      %add3A_241 = arith.constant 64 : i32
      %add3A_242 = arith.addi %mul3A_190, %add3A_241 : i32
      %get3A_243 = arith.index_cast %add3A_242 : i32 to index
      %get3A_244 = tpu.vector_load %arg5[%get3A_243] {strides = array<i32>} : memref<49152xf32, #tpu.memory_space<vmem>>, vector<16xf32>,
      %get3A_245 = vector.shape_cast %get3A_244 : vector<16xf32> to vector<16xf32>
      %get3A_246 = arith.index_cast %add3A_242 : i32 to index
      %get3A_247 = tpu.vector_load %arg6[%get3A_246] {strides = array<i32>} : memref<49152xf32, #tpu.memory_space<vmem>>, vector<16xf32>,
      %get3A_248 = vector.shape_cast %get3A_247 : vector<16xf32> to vector<16xf32>
      %add3A_249 = arith.addf %get3A_245, %get3A_248 : vector<16xf32>
      %swap3A_250 = arith.index_cast %add3A_242 : i32 to index
      %swap3A_251 = tpu.vector_load %arg5[%swap3A_250] {strides = array<i32>} : memref<49152xf32, #tpu.memory_space<vmem>>, vector<16xf32>,
      %swap3A_252 = vector.shape_cast %swap3A_251 : vector<16xf32> to vector<16xf32>
      %swap3A_253 = vector.shape_cast %add3A_249 : vector<16xf32> to vector<16xf32>
      tpu.vector_store %arg5[%swap3A_250], %swap3A_253 {strides = array<i32>} : memref<49152xf32, #tpu.memory_space<vmem>>, vector<16xf32>,
      %add3A_254 = arith.constant 80 : i32
      %add3A_255 = arith.addi %mul3A_190, %add3A_254 : i32
      %get3A_256 = arith.index_cast %add3A_255 : i32 to index
      %get3A_257 = tpu.vector_load %arg5[%get3A_256] {strides = array<i32>} : memref<49152xf32, #tpu.memory_space<vmem>>, vector<16xf32>,
      %get3A_258 = vector.shape_cast %get3A_257 : vector<16xf32> to vector<16xf32>
      %get3A_259 = arith.index_cast %add3A_255 : i32 to index
      %get3A_260 = tpu.vector_load %arg6[%get3A_259] {strides = array<i32>} : memref<49152xf32, #tpu.memory_space<vmem>>, vector<16xf32>,
      %get3A_261 = vector.shape_cast %get3A_260 : vector<16xf32> to vector<16xf32>
      %add3A_262 = arith.addf %get3A_258, %get3A_261 : vector<16xf32>
      %swap3A_263 = arith.index_cast %add3A_255 : i32 to index
      %swap3A_264 = tpu.vector_load %arg5[%swap3A_263] {strides = array<i32>} : memref<49152xf32, #tpu.memory_space<vmem>>, vector<16xf32>,
      %swap3A_265 = vector.shape_cast %swap3A_264 : vector<16xf32> to vector<16xf32>
      %swap3A_266 = vector.shape_cast %add3A_262 : vector<16xf32> to vector<16xf32>
      tpu.vector_store %arg5[%swap3A_263], %swap3A_266 {strides = array<i32>} : memref<49152xf32, #tpu.memory_space<vmem>>, vector<16xf32>,
      %add3A_267 = arith.constant 96 : i32
      %add3A_268 = arith.addi %mul3A_190, %add3A_267 : i32
      %get3A_269 = arith.index_cast %add3A_268 : i32 to index
      %get3A_270 = tpu.vector_load %arg5[%get3A_269] {strides = array<i32>} : memref<49152xf32, #tpu.memory_space<vmem>>, vector<16xf32>,
      %get3A_271 = vector.shape_cast %get3A_270 : vector<16xf32> to vector<16xf32>
      %get3A_272 = arith.index_cast %add3A_268 : i32 to index
      %get3A_273 = tpu.vector_load %arg6[%get3A_272] {strides = array<i32>} : memref<49152xf32, #tpu.memory_space<vmem>>, vector<16xf32>,
      %get3A_274 = vector.shape_cast %get3A_273 : vector<16xf32> to vector<16xf32>
      %add3A_275 = arith.addf %get3A_271, %get3A_274 : vector<16xf32>
      %swap3A_276 = arith.index_cast %add3A_268 : i32 to index
      %swap3A_277 = tpu.vector_load %arg5[%swap3A_276] {strides = array<i32>} : memref<49152xf32, #tpu.memory_space<vmem>>, vector<16xf32>,
      %swap3A_278 = vector.shape_cast %swap3A_277 : vector<16xf32> to vector<16xf32>
      %swap3A_279 = vector.shape_cast %add3A_275 : vector<16xf32> to vector<16xf32>
      tpu.vector_store %arg5[%swap3A_276], %swap3A_279 {strides = array<i32>} : memref<49152xf32, #tpu.memory_space<vmem>>, vector<16xf32>,
      %add3A_280 = arith.constant 112 : i32
      %add3A_281 = arith.addi %mul3A_190, %add3A_280 : i32
      %get3A_282 = arith.index_cast %add3A_281 : i32 to index
      %get3A_283 = tpu.vector_load %arg5[%get3A_282] {strides = array<i32>} : memref<49152xf32, #tpu.memory_space<vmem>>, vector<16xf32>,
      %get3A_284 = vector.shape_cast %get3A_283 : vector<16xf32> to vector<16xf32>
      %get3A_285 = arith.index_cast %add3A_281 : i32 to index
      %get3A_286 = tpu.vector_load %arg6[%get3A_285] {strides = array<i32>} : memref<49152xf32, #tpu.memory_space<vmem>>, vector<16xf32>,
      %get3A_287 = vector.shape_cast %get3A_286 : vector<16xf32> to vector<16xf32>
      %add3A_288 = arith.addf %get3A_284, %get3A_287 : vector<16xf32>
      %swap3A_289 = arith.index_cast %add3A_281 : i32 to index
      %swap3A_290 = tpu.vector_load %arg5[%swap3A_289] {strides = array<i32>} : memref<49152xf32, #tpu.memory_space<vmem>>, vector<16xf32>,
      %swap3A_291 = vector.shape_cast %swap3A_290 : vector<16xf32> to vector<16xf32>
      %swap3A_292 = vector.shape_cast %add3A_288 : vector<16xf32> to vector<16xf32>
      tpu.vector_store %arg5[%swap3A_289], %swap3A_292 {strides = array<i32>} : memref<49152xf32, #tpu.memory_space<vmem>>, vector<16xf32>,
      %add3A_293 = arith.constant 128 : i32
      %add3A_294 = arith.addi %mul3A_190, %add3A_293 : i32
      %get3A_295 = arith.index_cast %add3A_294 : i32 to index
      %get3A_296 = tpu.vector_load %arg5[%get3A_295] {strides = array<i32>} : memref<49152xf32, #tpu.memory_space<vmem>>, vector<16xf32>,
      %get3A_297 = vector.shape_cast %get3A_296 : vector<16xf32> to vector<16xf32>
      %get3A_298 = arith.index_cast %add3A_294 : i32 to index
      %get3A_299 = tpu.vector_load %arg6[%get3A_298] {strides = array<i32>} : memref<49152xf32, #tpu.memory_space<vmem>>, vector<16xf32>,
      %get3A_300 = vector.shape_cast %get3A_299 : vector<16xf32> to vector<16xf32>
      %add3A_301 = arith.addf %get3A_297, %get3A_300 : vector<16xf32>
      %swap3A_302 = arith.index_cast %add3A_294 : i32 to index
      %swap3A_303 = tpu.vector_load %arg5[%swap3A_302] {strides = array<i32>} : memref<49152xf32, #tpu.memory_space<vmem>>, vector<16xf32>,
      %swap3A_304 = vector.shape_cast %swap3A_303 : vector<16xf32> to vector<16xf32>
      %swap3A_305 = vector.shape_cast %add3A_301 : vector<16xf32> to vector<16xf32>
      tpu.vector_store %arg5[%swap3A_302], %swap3A_305 {strides = array<i32>} : memref<49152xf32, #tpu.memory_space<vmem>>, vector<16xf32>,
      %add3A_306 = arith.constant 144 : i32
      %add3A_307 = arith.addi %mul3A_190, %add3A_306 : i32
      %get3A_308 = arith.index_cast %add3A_307 : i32 to index
      %get3A_309 = tpu.vector_load %arg5[%get3A_308] {strides = array<i32>} : memref<49152xf32, #tpu.memory_space<vmem>>, vector<16xf32>,
      %get3A_310 = vector.shape_cast %get3A_309 : vector<16xf32> to vector<16xf32>
      %get3A_311 = arith.index_cast %add3A_307 : i32 to index
      %get3A_312 = tpu.vector_load %arg6[%get3A_311] {strides = array<i32>} : memref<49152xf32, #tpu.memory_space<vmem>>, vector<16xf32>,
      %get3A_313 = vector.shape_cast %get3A_312 : vector<16xf32> to vector<16xf32>
      %add3A_314 = arith.addf %get3A_310, %get3A_313 : vector<16xf32>
      %swap3A_315 = arith.index_cast %add3A_307 : i32 to index
      %swap3A_316 = tpu.vector_load %arg5[%swap3A_315] {strides = array<i32>} : memref<49152xf32, #tpu.memory_space<vmem>>, vector<16xf32>,
      %swap3A_317 = vector.shape_cast %swap3A_316 : vector<16xf32> to vector<16xf32>
      %swap3A_318 = vector.shape_cast %add3A_314 : vector<16xf32> to vector<16xf32>
      tpu.vector_store %arg5[%swap3A_315], %swap3A_318 {strides = array<i32>} : memref<49152xf32, #tpu.memory_space<vmem>>, vector<16xf32>,
      %add3A_319 = arith.constant 160 : i32
      %add3A_320 = arith.addi %mul3A_190, %add3A_319 : i32
      %get3A_321 = arith.index_cast %add3A_320 : i32 to index
      %get3A_322 = tpu.vector_load %arg5[%get3A_321] {strides = array<i32>} : memref<49152xf32, #tpu.memory_space<vmem>>, vector<16xf32>,
      %get3A_323 = vector.shape_cast %get3A_322 : vector<16xf32> to vector<16xf32>
      %get3A_324 = arith.index_cast %add3A_320 : i32 to index
      %get3A_325 = tpu.vector_load %arg6[%get3A_324] {strides = array<i32>} : memref<49152xf32, #tpu.memory_space<vmem>>, vector<16xf32>,
      %get3A_326 = vector.shape_cast %get3A_325 : vector<16xf32> to vector<16xf32>
      %add3A_327 = arith.addf %get3A_323, %get3A_326 : vector<16xf32>
      %swap3A_328 = arith.index_cast %add3A_320 : i32 to index
      %swap3A_329 = tpu.vector_load %arg5[%swap3A_328] {strides = array<i32>} : memref<49152xf32, #tpu.memory_space<vmem>>, vector<16xf32>,
      %swap3A_330 = vector.shape_cast %swap3A_329 : vector<16xf32> to vector<16xf32>
      %swap3A_331 = vector.shape_cast %add3A_327 : vector<16xf32> to vector<16xf32>
      tpu.vector_store %arg5[%swap3A_328], %swap3A_331 {strides = array<i32>} : memref<49152xf32, #tpu.memory_space<vmem>>, vector<16xf32>,
      %add3A_332 = arith.constant 176 : i32
      %add3A_333 = arith.addi %mul3A_190, %add3A_332 : i32
      %get3A_334 = arith.index_cast %add3A_333 : i32 to index
      %get3A_335 = tpu.vector_load %arg5[%get3A_334] {strides = array<i32>} : memref<49152xf32, #tpu.memory_space<vmem>>, vector<16xf32>,
      %get3A_336 = vector.shape_cast %get3A_335 : vector<16xf32> to vector<16xf32>
      %get3A_337 = arith.index_cast %add3A_333 : i32 to index
      %get3A_338 = tpu.vector_load %arg6[%get3A_337] {strides = array<i32>} : memref<49152xf32, #tpu.memory_space<vmem>>, vector<16xf32>,
      %get3A_339 = vector.shape_cast %get3A_338 : vector<16xf32> to vector<16xf32>
      %add3A_340 = arith.addf %get3A_336, %get3A_339 : vector<16xf32>
      %swap3A_341 = arith.index_cast %add3A_333 : i32 to index
      %swap3A_342 = tpu.vector_load %arg5[%swap3A_341] {strides = array<i32>} : memref<49152xf32, #tpu.memory_space<vmem>>, vector<16xf32>,
      %swap3A_343 = vector.shape_cast %swap3A_342 : vector<16xf32> to vector<16xf32>
      %swap3A_344 = vector.shape_cast %add3A_340 : vector<16xf32> to vector<16xf32>
      tpu.vector_store %arg5[%swap3A_341], %swap3A_344 {strides = array<i32>} : memref<49152xf32, #tpu.memory_space<vmem>>, vector<16xf32>,
      %add3A_345 = arith.constant 192 : i32
      %add3A_346 = arith.addi %mul3A_190, %add3A_345 : i32
      %get3A_347 = arith.index_cast %add3A_346 : i32 to index
      %get3A_348 = tpu.vector_load %arg5[%get3A_347] {strides = array<i32>} : memref<49152xf32, #tpu.memory_space<vmem>>, vector<16xf32>,
      %get3A_349 = vector.shape_cast %get3A_348 : vector<16xf32> to vector<16xf32>
      %get3A_350 = arith.index_cast %add3A_346 : i32 to index
      %get3A_351 = tpu.vector_load %arg6[%get3A_350] {strides = array<i32>} : memref<49152xf32, #tpu.memory_space<vmem>>, vector<16xf32>,
      %get3A_352 = vector.shape_cast %get3A_351 : vector<16xf32> to vector<16xf32>
      %add3A_353 = arith.addf %get3A_349, %get3A_352 : vector<16xf32>
      %swap3A_354 = arith.index_cast %add3A_346 : i32 to index
      %swap3A_355 = tpu.vector_load %arg5[%swap3A_354] {strides = array<i32>} : memref<49152xf32, #tpu.memory_space<vmem>>, vector<16xf32>,
      %swap3A_356 = vector.shape_cast %swap3A_355 : vector<16xf32> to vector<16xf32>
      %swap3A_357 = vector.shape_cast %add3A_353 : vector<16xf32> to vector<16xf32>
      tpu.vector_store %arg5[%swap3A_354], %swap3A_357 {strides = array<i32>} : memref<49152xf32, #tpu.memory_space<vmem>>, vector<16xf32>,
      %add3A_358 = arith.constant 208 : i32
      %add3A_359 = arith.addi %mul3A_190, %add3A_358 : i32
      %get3A_360 = arith.index_cast %add3A_359 : i32 to index
      %get3A_361 = tpu.vector_load %arg5[%get3A_360] {strides = array<i32>} : memref<49152xf32, #tpu.memory_space<vmem>>, vector<16xf32>,
      %get3A_362 = vector.shape_cast %get3A_361 : vector<16xf32> to vector<16xf32>
      %get3A_363 = arith.index_cast %add3A_359 : i32 to index
      %get3A_364 = tpu.vector_load %arg6[%get3A_363] {strides = array<i32>} : memref<49152xf32, #tpu.memory_space<vmem>>, vector<16xf32>,
      %get3A_365 = vector.shape_cast %get3A_364 : vector<16xf32> to vector<16xf32>
      %add3A_366 = arith.addf %get3A_362, %get3A_365 : vector<16xf32>
      %swap3A_367 = arith.index_cast %add3A_359 : i32 to index
      %swap3A_368 = tpu.vector_load %arg5[%swap3A_367] {strides = array<i32>} : memref<49152xf32, #tpu.memory_space<vmem>>, vector<16xf32>,
      %swap3A_369 = vector.shape_cast %swap3A_368 : vector<16xf32> to vector<16xf32>
      %swap3A_370 = vector.shape_cast %add3A_366 : vector<16xf32> to vector<16xf32>
      tpu.vector_store %arg5[%swap3A_367], %swap3A_370 {strides = array<i32>} : memref<49152xf32, #tpu.memory_space<vmem>>, vector<16xf32>,
      %add3A_371 = arith.constant 224 : i32
      %add3A_372 = arith.addi %mul3A_190, %add3A_371 : i32
      %get3A_373 = arith.index_cast %add3A_372 : i32 to index
      %get3A_374 = tpu.vector_load %arg5[%get3A_373] {strides = array<i32>} : memref<49152xf32, #tpu.memory_space<vmem>>, vector<16xf32>,
      %get3A_375 = vector.shape_cast %get3A_374 : vector<16xf32> to vector<16xf32>
      %get3A_376 = arith.index_cast %add3A_372 : i32 to index
      %get3A_377 = tpu.vector_load %arg6[%get3A_376] {strides = array<i32>} : memref<49152xf32, #tpu.memory_space<vmem>>, vector<16xf32>,
      %get3A_378 = vector.shape_cast %get3A_377 : vector<16xf32> to vector<16xf32>
      %add3A_379 = arith.addf %get3A_375, %get3A_378 : vector<16xf32>
      %swap3A_380 = arith.index_cast %add3A_372 : i32 to index
      %swap3A_381 = tpu.vector_load %arg5[%swap3A_380] {strides = array<i32>} : memref<49152xf32, #tpu.memory_space<vmem>>, vector<16xf32>,
      %swap3A_382 = vector.shape_cast %swap3A_381 : vector<16xf32> to vector<16xf32>
      %swap3A_383 = vector.shape_cast %add3A_379 : vector<16xf32> to vector<16xf32>
      tpu.vector_store %arg5[%swap3A_380], %swap3A_383 {strides = array<i32>} : memref<49152xf32, #tpu.memory_space<vmem>>, vector<16xf32>,
      %add3A_384 = arith.constant 240 : i32
      %add3A_385 = arith.addi %mul3A_190, %add3A_384 : i32
      %get3A_386 = arith.index_cast %add3A_385 : i32 to index
      %get3A_387 = tpu.vector_load %arg5[%get3A_386] {strides = array<i32>} : memref<49152xf32, #tpu.memory_space<vmem>>, vector<16xf32>,
      %get3A_388 = vector.shape_cast %get3A_387 : vector<16xf32> to vector<16xf32>
      %get3A_389 = arith.index_cast %add3A_385 : i32 to index
      %get3A_390 = tpu.vector_load %arg6[%get3A_389] {strides = array<i32>} : memref<49152xf32, #tpu.memory_space<vmem>>, vector<16xf32>,
      %get3A_391 = vector.shape_cast %get3A_390 : vector<16xf32> to vector<16xf32>
      %add3A_392 = arith.addf %get3A_388, %get3A_391 : vector<16xf32>
      %swap3A_393 = arith.index_cast %add3A_385 : i32 to index
      %swap3A_394 = tpu.vector_load %arg5[%swap3A_393] {strides = array<i32>} : memref<49152xf32, #tpu.memory_space<vmem>>, vector<16xf32>,
      %swap3A_395 = vector.shape_cast %swap3A_394 : vector<16xf32> to vector<16xf32>
      %swap3A_396 = vector.shape_cast %add3A_392 : vector<16xf32> to vector<16xf32>
      tpu.vector_store %arg5[%swap3A_393], %swap3A_396 {strides = array<i32>} : memref<49152xf32, #tpu.memory_space<vmem>>, vector<16xf32>,
      %scan3A_397 = arith.constant 0 : i32
      scf.yield %scan3A_397 : i32
    }
    %scan3A_98 = arith.constant 192 : i32
    "tpu.region"() ({
      %run_scoped3A = tpu.sem_alloc : memref<!tpu.dma_semaphore, #tpu.memory_space<semaphore_mem>>
      %dma_start3A = tpu.memref_slice %arg4[%add3A_89] : memref<25165824xf32, #tpu.memory_space<hbm>> -> memref<49152xf32, #tpu.memory_space<hbm>>
      %dma_start3A_187 = tpu.memref_slice %arg4[%add3A_89] : memref<25165824xf32, #tpu.memory_space<hbm>> -> memref<49152xf32, #tpu.memory_space<hbm>>
      tpu.enqueue_dma source(%arg5 : memref<49152xf32, #tpu.memory_space<vmem>>) target(%dma_start3A_187 : memref<49152xf32, #tpu.memory_space<hbm>>) target_semaphore(%run_scoped3A : memref<!tpu.dma_semaphore, #tpu.memory_space<semaphore_mem>>)
      %dma_wait3A = tpu.memref_slice %arg4[%add3A_89] : memref<25165824xf32, #tpu.memory_space<hbm>> -> memref<49152xf32, #tpu.memory_space<hbm>>
      %dma_wait3A_188 = tpu.memref_slice %arg4[%add3A_89] : memref<25165824xf32, #tpu.memory_space<hbm>> -> memref<49152xf32, #tpu.memory_space<hbm>>
      tpu.wait_dma2 semaphore(%run_scoped3A : memref<!tpu.dma_semaphore, #tpu.memory_space<semaphore_mem>>) src(%arg5 : memref<49152xf32, #tpu.memory_space<vmem>>) dst(%dma_wait3A_188 : memref<49152xf32, #tpu.memory_space<hbm>>)
      tpu.yield
    }) : () -> ()
    %add3A_99 = arith.constant 393216 : i32
    %add3A_100 = arith.addi %mul3A_2, %add3A_99 : i32
    %add3A_101 = arith.constant 393216 : i32
    %add3A_102 = arith.addi %select_n3A_11, %add3A_101 : i32
    "tpu.region"() ({
      %run_scoped3A = tpu.sem_alloc : memref<!tpu.dma_semaphore, #tpu.memory_space<semaphore_mem>>
      %dma_start3A = tpu.memref_slice %arg2[%add3A_100] : memref<25165824xf32, #tpu.memory_space<hbm>> -> memref<49152xf32, #tpu.memory_space<hbm>>
      %dma_start3A_187 = tpu.memref_slice %arg2[%add3A_100] : memref<25165824xf32, #tpu.memory_space<hbm>> -> memref<49152xf32, #tpu.memory_space<hbm>>
      tpu.enqueue_dma source(%dma_start3A_187 : memref<49152xf32, #tpu.memory_space<hbm>>) target(%arg5 : memref<49152xf32, #tpu.memory_space<vmem>>) target_semaphore(%run_scoped3A : memref<!tpu.dma_semaphore, #tpu.memory_space<semaphore_mem>>)
      %dma_wait3A = tpu.memref_slice %arg2[%add3A_100] : memref<25165824xf32, #tpu.memory_space<hbm>> -> memref<49152xf32, #tpu.memory_space<hbm>>
      %dma_wait3A_188 = tpu.memref_slice %arg2[%add3A_100] : memref<25165824xf32, #tpu.memory_space<hbm>> -> memref<49152xf32, #tpu.memory_space<hbm>>
      tpu.wait_dma2 semaphore(%run_scoped3A : memref<!tpu.dma_semaphore, #tpu.memory_space<semaphore_mem>>) src(%dma_wait3A_188 : memref<49152xf32, #tpu.memory_space<hbm>>) dst(%arg5 : memref<49152xf32, #tpu.memory_space<vmem>>)
      tpu.yield
    }) : () -> ()
    "tpu.region"() ({
      %run_scoped3A = tpu.sem_alloc : memref<!tpu.dma_semaphore, #tpu.memory_space<semaphore_mem>>
      %dma_start3A = tpu.memref_slice %arg3[%add3A_102] : memref<6291456xf32, #tpu.memory_space<hbm>> -> memref<49152xf32, #tpu.memory_space<hbm>>
      %dma_start3A_187 = tpu.memref_slice %arg3[%add3A_102] : memref<6291456xf32, #tpu.memory_space<hbm>> -> memref<49152xf32, #tpu.memory_space<hbm>>
      tpu.enqueue_dma source(%dma_start3A_187 : memref<49152xf32, #tpu.memory_space<hbm>>) target(%arg6 : memref<49152xf32, #tpu.memory_space<vmem>>) target_semaphore(%run_scoped3A : memref<!tpu.dma_semaphore, #tpu.memory_space<semaphore_mem>>)
      %dma_wait3A = tpu.memref_slice %arg3[%add3A_102] : memref<6291456xf32, #tpu.memory_space<hbm>> -> memref<49152xf32, #tpu.memory_space<hbm>>
      %dma_wait3A_188 = tpu.memref_slice %arg3[%add3A_102] : memref<6291456xf32, #tpu.memory_space<hbm>> -> memref<49152xf32, #tpu.memory_space<hbm>>
      tpu.wait_dma2 semaphore(%run_scoped3A : memref<!tpu.dma_semaphore, #tpu.memory_space<semaphore_mem>>) src(%dma_wait3A_188 : memref<49152xf32, #tpu.memory_space<hbm>>) dst(%arg6 : memref<49152xf32, #tpu.memory_space<vmem>>)
      tpu.yield
    }) : () -> ()
    %scan3A_103 = arith.constant 0 : i32
    %scan3A_104 = arith.constant 0 : i32
    %scan3A_105 = arith.constant 192 : i32
    %scan3A_106 = arith.addi %scan3A_104, %scan3A_105 : i32
    %scan3A_107 = arith.constant 1 : i32
    %scan3A_108 = scf.for %scan3A_187 = %scan3A_104 to %scan3A_106 step %scan3A_107 iter_args(%scan3A_188 = %scan3A_103) -> (i32)  : i32 {
      %mul3A_189 = arith.constant 256 : i32
      %mul3A_190 = arith.muli %scan3A_187, %mul3A_189 : i32
      %add3A_191 = arith.constant 0 : i32
      %add3A_192 = arith.addi %mul3A_190, %add3A_191 : i32
      %get3A = arith.index_cast %add3A_192 : i32 to index
      %get3A_193 = tpu.vector_load %arg5[%get3A] {strides = array<i32>} : memref<49152xf32, #tpu.memory_space<vmem>>, vector<16xf32>,
      %get3A_194 = vector.shape_cast %get3A_193 : vector<16xf32> to vector<16xf32>
      %get3A_195 = arith.index_cast %add3A_192 : i32 to index
      %get3A_196 = tpu.vector_load %arg6[%get3A_195] {strides = array<i32>} : memref<49152xf32, #tpu.memory_space<vmem>>, vector<16xf32>,
      %get3A_197 = vector.shape_cast %get3A_196 : vector<16xf32> to vector<16xf32>
      %add3A_198 = arith.addf %get3A_194, %get3A_197 : vector<16xf32>
      %swap3A = arith.index_cast %add3A_192 : i32 to index
      %swap3A_199 = tpu.vector_load %arg5[%swap3A] {strides = array<i32>} : memref<49152xf32, #tpu.memory_space<vmem>>, vector<16xf32>,
      %swap3A_200 = vector.shape_cast %swap3A_199 : vector<16xf32> to vector<16xf32>
      %swap3A_201 = vector.shape_cast %add3A_198 : vector<16xf32> to vector<16xf32>
      tpu.vector_store %arg5[%swap3A], %swap3A_201 {strides = array<i32>} : memref<49152xf32, #tpu.memory_space<vmem>>, vector<16xf32>,
      %add3A_202 = arith.constant 16 : i32
      %add3A_203 = arith.addi %mul3A_190, %add3A_202 : i32
      %get3A_204 = arith.index_cast %add3A_203 : i32 to index
      %get3A_205 = tpu.vector_load %arg5[%get3A_204] {strides = array<i32>} : memref<49152xf32, #tpu.memory_space<vmem>>, vector<16xf32>,
      %get3A_206 = vector.shape_cast %get3A_205 : vector<16xf32> to vector<16xf32>
      %get3A_207 = arith.index_cast %add3A_203 : i32 to index
      %get3A_208 = tpu.vector_load %arg6[%get3A_207] {strides = array<i32>} : memref<49152xf32, #tpu.memory_space<vmem>>, vector<16xf32>,
      %get3A_209 = vector.shape_cast %get3A_208 : vector<16xf32> to vector<16xf32>
      %add3A_210 = arith.addf %get3A_206, %get3A_209 : vector<16xf32>
      %swap3A_211 = arith.index_cast %add3A_203 : i32 to index
      %swap3A_212 = tpu.vector_load %arg5[%swap3A_211] {strides = array<i32>} : memref<49152xf32, #tpu.memory_space<vmem>>, vector<16xf32>,
      %swap3A_213 = vector.shape_cast %swap3A_212 : vector<16xf32> to vector<16xf32>
      %swap3A_214 = vector.shape_cast %add3A_210 : vector<16xf32> to vector<16xf32>
      tpu.vector_store %arg5[%swap3A_211], %swap3A_214 {strides = array<i32>} : memref<49152xf32, #tpu.memory_space<vmem>>, vector<16xf32>,
      %add3A_215 = arith.constant 32 : i32
      %add3A_216 = arith.addi %mul3A_190, %add3A_215 : i32
      %get3A_217 = arith.index_cast %add3A_216 : i32 to index
      %get3A_218 = tpu.vector_load %arg5[%get3A_217] {strides = array<i32>} : memref<49152xf32, #tpu.memory_space<vmem>>, vector<16xf32>,
      %get3A_219 = vector.shape_cast %get3A_218 : vector<16xf32> to vector<16xf32>
      %get3A_220 = arith.index_cast %add3A_216 : i32 to index
      %get3A_221 = tpu.vector_load %arg6[%get3A_220] {strides = array<i32>} : memref<49152xf32, #tpu.memory_space<vmem>>, vector<16xf32>,
      %get3A_222 = vector.shape_cast %get3A_221 : vector<16xf32> to vector<16xf32>
      %add3A_223 = arith.addf %get3A_219, %get3A_222 : vector<16xf32>
      %swap3A_224 = arith.index_cast %add3A_216 : i32 to index
      %swap3A_225 = tpu.vector_load %arg5[%swap3A_224] {strides = array<i32>} : memref<49152xf32, #tpu.memory_space<vmem>>, vector<16xf32>,
      %swap3A_226 = vector.shape_cast %swap3A_225 : vector<16xf32> to vector<16xf32>
      %swap3A_227 = vector.shape_cast %add3A_223 : vector<16xf32> to vector<16xf32>
      tpu.vector_store %arg5[%swap3A_224], %swap3A_227 {strides = array<i32>} : memref<49152xf32, #tpu.memory_space<vmem>>, vector<16xf32>,
      %add3A_228 = arith.constant 48 : i32
      %add3A_229 = arith.addi %mul3A_190, %add3A_228 : i32
      %get3A_230 = arith.index_cast %add3A_229 : i32 to index
      %get3A_231 = tpu.vector_load %arg5[%get3A_230] {strides = array<i32>} : memref<49152xf32, #tpu.memory_space<vmem>>, vector<16xf32>,
      %get3A_232 = vector.shape_cast %get3A_231 : vector<16xf32> to vector<16xf32>
      %get3A_233 = arith.index_cast %add3A_229 : i32 to index
      %get3A_234 = tpu.vector_load %arg6[%get3A_233] {strides = array<i32>} : memref<49152xf32, #tpu.memory_space<vmem>>, vector<16xf32>,
      %get3A_235 = vector.shape_cast %get3A_234 : vector<16xf32> to vector<16xf32>
      %add3A_236 = arith.addf %get3A_232, %get3A_235 : vector<16xf32>
      %swap3A_237 = arith.index_cast %add3A_229 : i32 to index
      %swap3A_238 = tpu.vector_load %arg5[%swap3A_237] {strides = array<i32>} : memref<49152xf32, #tpu.memory_space<vmem>>, vector<16xf32>,
      %swap3A_239 = vector.shape_cast %swap3A_238 : vector<16xf32> to vector<16xf32>
      %swap3A_240 = vector.shape_cast %add3A_236 : vector<16xf32> to vector<16xf32>
      tpu.vector_store %arg5[%swap3A_237], %swap3A_240 {strides = array<i32>} : memref<49152xf32, #tpu.memory_space<vmem>>, vector<16xf32>,
      %add3A_241 = arith.constant 64 : i32
      %add3A_242 = arith.addi %mul3A_190, %add3A_241 : i32
      %get3A_243 = arith.index_cast %add3A_242 : i32 to index
      %get3A_244 = tpu.vector_load %arg5[%get3A_243] {strides = array<i32>} : memref<49152xf32, #tpu.memory_space<vmem>>, vector<16xf32>,
      %get3A_245 = vector.shape_cast %get3A_244 : vector<16xf32> to vector<16xf32>
      %get3A_246 = arith.index_cast %add3A_242 : i32 to index
      %get3A_247 = tpu.vector_load %arg6[%get3A_246] {strides = array<i32>} : memref<49152xf32, #tpu.memory_space<vmem>>, vector<16xf32>,
      %get3A_248 = vector.shape_cast %get3A_247 : vector<16xf32> to vector<16xf32>
      %add3A_249 = arith.addf %get3A_245, %get3A_248 : vector<16xf32>
      %swap3A_250 = arith.index_cast %add3A_242 : i32 to index
      %swap3A_251 = tpu.vector_load %arg5[%swap3A_250] {strides = array<i32>} : memref<49152xf32, #tpu.memory_space<vmem>>, vector<16xf32>,
      %swap3A_252 = vector.shape_cast %swap3A_251 : vector<16xf32> to vector<16xf32>
      %swap3A_253 = vector.shape_cast %add3A_249 : vector<16xf32> to vector<16xf32>
      tpu.vector_store %arg5[%swap3A_250], %swap3A_253 {strides = array<i32>} : memref<49152xf32, #tpu.memory_space<vmem>>, vector<16xf32>,
      %add3A_254 = arith.constant 80 : i32
      %add3A_255 = arith.addi %mul3A_190, %add3A_254 : i32
      %get3A_256 = arith.index_cast %add3A_255 : i32 to index
      %get3A_257 = tpu.vector_load %arg5[%get3A_256] {strides = array<i32>} : memref<49152xf32, #tpu.memory_space<vmem>>, vector<16xf32>,
      %get3A_258 = vector.shape_cast %get3A_257 : vector<16xf32> to vector<16xf32>
      %get3A_259 = arith.index_cast %add3A_255 : i32 to index
      %get3A_260 = tpu.vector_load %arg6[%get3A_259] {strides = array<i32>} : memref<49152xf32, #tpu.memory_space<vmem>>, vector<16xf32>,
      %get3A_261 = vector.shape_cast %get3A_260 : vector<16xf32> to vector<16xf32>
      %add3A_262 = arith.addf %get3A_258, %get3A_261 : vector<16xf32>
      %swap3A_263 = arith.index_cast %add3A_255 : i32 to index
      %swap3A_264 = tpu.vector_load %arg5[%swap3A_263] {strides = array<i32>} : memref<49152xf32, #tpu.memory_space<vmem>>, vector<16xf32>,
      %swap3A_265 = vector.shape_cast %swap3A_264 : vector<16xf32> to vector<16xf32>
      %swap3A_266 = vector.shape_cast %add3A_262 : vector<16xf32> to vector<16xf32>
      tpu.vector_store %arg5[%swap3A_263], %swap3A_266 {strides = array<i32>} : memref<49152xf32, #tpu.memory_space<vmem>>, vector<16xf32>,
      %add3A_267 = arith.constant 96 : i32
      %add3A_268 = arith.addi %mul3A_190, %add3A_267 : i32
      %get3A_269 = arith.index_cast %add3A_268 : i32 to index
      %get3A_270 = tpu.vector_load %arg5[%get3A_269] {strides = array<i32>} : memref<49152xf32, #tpu.memory_space<vmem>>, vector<16xf32>,
      %get3A_271 = vector.shape_cast %get3A_270 : vector<16xf32> to vector<16xf32>
      %get3A_272 = arith.index_cast %add3A_268 : i32 to index
      %get3A_273 = tpu.vector_load %arg6[%get3A_272] {strides = array<i32>} : memref<49152xf32, #tpu.memory_space<vmem>>, vector<16xf32>,
      %get3A_274 = vector.shape_cast %get3A_273 : vector<16xf32> to vector<16xf32>
      %add3A_275 = arith.addf %get3A_271, %get3A_274 : vector<16xf32>
      %swap3A_276 = arith.index_cast %add3A_268 : i32 to index
      %swap3A_277 = tpu.vector_load %arg5[%swap3A_276] {strides = array<i32>} : memref<49152xf32, #tpu.memory_space<vmem>>, vector<16xf32>,
      %swap3A_278 = vector.shape_cast %swap3A_277 : vector<16xf32> to vector<16xf32>
      %swap3A_279 = vector.shape_cast %add3A_275 : vector<16xf32> to vector<16xf32>
      tpu.vector_store %arg5[%swap3A_276], %swap3A_279 {strides = array<i32>} : memref<49152xf32, #tpu.memory_space<vmem>>, vector<16xf32>,
      %add3A_280 = arith.constant 112 : i32
      %add3A_281 = arith.addi %mul3A_190, %add3A_280 : i32
      %get3A_282 = arith.index_cast %add3A_281 : i32 to index
      %get3A_283 = tpu.vector_load %arg5[%get3A_282] {strides = array<i32>} : memref<49152xf32, #tpu.memory_space<vmem>>, vector<16xf32>,
      %get3A_284 = vector.shape_cast %get3A_283 : vector<16xf32> to vector<16xf32>
      %get3A_285 = arith.index_cast %add3A_281 : i32 to index
      %get3A_286 = tpu.vector_load %arg6[%get3A_285] {strides = array<i32>} : memref<49152xf32, #tpu.memory_space<vmem>>, vector<16xf32>,
      %get3A_287 = vector.shape_cast %get3A_286 : vector<16xf32> to vector<16xf32>
      %add3A_288 = arith.addf %get3A_284, %get3A_287 : vector<16xf32>
      %swap3A_289 = arith.index_cast %add3A_281 : i32 to index
      %swap3A_290 = tpu.vector_load %arg5[%swap3A_289] {strides = array<i32>} : memref<49152xf32, #tpu.memory_space<vmem>>, vector<16xf32>,
      %swap3A_291 = vector.shape_cast %swap3A_290 : vector<16xf32> to vector<16xf32>
      %swap3A_292 = vector.shape_cast %add3A_288 : vector<16xf32> to vector<16xf32>
      tpu.vector_store %arg5[%swap3A_289], %swap3A_292 {strides = array<i32>} : memref<49152xf32, #tpu.memory_space<vmem>>, vector<16xf32>,
      %add3A_293 = arith.constant 128 : i32
      %add3A_294 = arith.addi %mul3A_190, %add3A_293 : i32
      %get3A_295 = arith.index_cast %add3A_294 : i32 to index
      %get3A_296 = tpu.vector_load %arg5[%get3A_295] {strides = array<i32>} : memref<49152xf32, #tpu.memory_space<vmem>>, vector<16xf32>,
      %get3A_297 = vector.shape_cast %get3A_296 : vector<16xf32> to vector<16xf32>
      %get3A_298 = arith.index_cast %add3A_294 : i32 to index
      %get3A_299 = tpu.vector_load %arg6[%get3A_298] {strides = array<i32>} : memref<49152xf32, #tpu.memory_space<vmem>>, vector<16xf32>,
      %get3A_300 = vector.shape_cast %get3A_299 : vector<16xf32> to vector<16xf32>
      %add3A_301 = arith.addf %get3A_297, %get3A_300 : vector<16xf32>
      %swap3A_302 = arith.index_cast %add3A_294 : i32 to index
      %swap3A_303 = tpu.vector_load %arg5[%swap3A_302] {strides = array<i32>} : memref<49152xf32, #tpu.memory_space<vmem>>, vector<16xf32>,
      %swap3A_304 = vector.shape_cast %swap3A_303 : vector<16xf32> to vector<16xf32>
      %swap3A_305 = vector.shape_cast %add3A_301 : vector<16xf32> to vector<16xf32>
      tpu.vector_store %arg5[%swap3A_302], %swap3A_305 {strides = array<i32>} : memref<49152xf32, #tpu.memory_space<vmem>>, vector<16xf32>,
      %add3A_306 = arith.constant 144 : i32
      %add3A_307 = arith.addi %mul3A_190, %add3A_306 : i32
      %get3A_308 = arith.index_cast %add3A_307 : i32 to index
      %get3A_309 = tpu.vector_load %arg5[%get3A_308] {strides = array<i32>} : memref<49152xf32, #tpu.memory_space<vmem>>, vector<16xf32>,
      %get3A_310 = vector.shape_cast %get3A_309 : vector<16xf32> to vector<16xf32>
      %get3A_311 = arith.index_cast %add3A_307 : i32 to index
      %get3A_312 = tpu.vector_load %arg6[%get3A_311] {strides = array<i32>} : memref<49152xf32, #tpu.memory_space<vmem>>, vector<16xf32>,
      %get3A_313 = vector.shape_cast %get3A_312 : vector<16xf32> to vector<16xf32>
      %add3A_314 = arith.addf %get3A_310, %get3A_313 : vector<16xf32>
      %swap3A_315 = arith.index_cast %add3A_307 : i32 to index
      %swap3A_316 = tpu.vector_load %arg5[%swap3A_315] {strides = array<i32>} : memref<49152xf32, #tpu.memory_space<vmem>>, vector<16xf32>,
      %swap3A_317 = vector.shape_cast %swap3A_316 : vector<16xf32> to vector<16xf32>
      %swap3A_318 = vector.shape_cast %add3A_314 : vector<16xf32> to vector<16xf32>
      tpu.vector_store %arg5[%swap3A_315], %swap3A_318 {strides = array<i32>} : memref<49152xf32, #tpu.memory_space<vmem>>, vector<16xf32>,
      %add3A_319 = arith.constant 160 : i32
      %add3A_320 = arith.addi %mul3A_190, %add3A_319 : i32
      %get3A_321 = arith.index_cast %add3A_320 : i32 to index
      %get3A_322 = tpu.vector_load %arg5[%get3A_321] {strides = array<i32>} : memref<49152xf32, #tpu.memory_space<vmem>>, vector<16xf32>,
      %get3A_323 = vector.shape_cast %get3A_322 : vector<16xf32> to vector<16xf32>
      %get3A_324 = arith.index_cast %add3A_320 : i32 to index
      %get3A_325 = tpu.vector_load %arg6[%get3A_324] {strides = array<i32>} : memref<49152xf32, #tpu.memory_space<vmem>>, vector<16xf32>,
      %get3A_326 = vector.shape_cast %get3A_325 : vector<16xf32> to vector<16xf32>
      %add3A_327 = arith.addf %get3A_323, %get3A_326 : vector<16xf32>
      %swap3A_328 = arith.index_cast %add3A_320 : i32 to index
      %swap3A_329 = tpu.vector_load %arg5[%swap3A_328] {strides = array<i32>} : memref<49152xf32, #tpu.memory_space<vmem>>, vector<16xf32>,
      %swap3A_330 = vector.shape_cast %swap3A_329 : vector<16xf32> to vector<16xf32>
      %swap3A_331 = vector.shape_cast %add3A_327 : vector<16xf32> to vector<16xf32>
      tpu.vector_store %arg5[%swap3A_328], %swap3A_331 {strides = array<i32>} : memref<49152xf32, #tpu.memory_space<vmem>>, vector<16xf32>,
      %add3A_332 = arith.constant 176 : i32
      %add3A_333 = arith.addi %mul3A_190, %add3A_332 : i32
      %get3A_334 = arith.index_cast %add3A_333 : i32 to index
      %get3A_335 = tpu.vector_load %arg5[%get3A_334] {strides = array<i32>} : memref<49152xf32, #tpu.memory_space<vmem>>, vector<16xf32>,
      %get3A_336 = vector.shape_cast %get3A_335 : vector<16xf32> to vector<16xf32>
      %get3A_337 = arith.index_cast %add3A_333 : i32 to index
      %get3A_338 = tpu.vector_load %arg6[%get3A_337] {strides = array<i32>} : memref<49152xf32, #tpu.memory_space<vmem>>, vector<16xf32>,
      %get3A_339 = vector.shape_cast %get3A_338 : vector<16xf32> to vector<16xf32>
      %add3A_340 = arith.addf %get3A_336, %get3A_339 : vector<16xf32>
      %swap3A_341 = arith.index_cast %add3A_333 : i32 to index
      %swap3A_342 = tpu.vector_load %arg5[%swap3A_341] {strides = array<i32>} : memref<49152xf32, #tpu.memory_space<vmem>>, vector<16xf32>,
      %swap3A_343 = vector.shape_cast %swap3A_342 : vector<16xf32> to vector<16xf32>
      %swap3A_344 = vector.shape_cast %add3A_340 : vector<16xf32> to vector<16xf32>
      tpu.vector_store %arg5[%swap3A_341], %swap3A_344 {strides = array<i32>} : memref<49152xf32, #tpu.memory_space<vmem>>, vector<16xf32>,
      %add3A_345 = arith.constant 192 : i32
      %add3A_346 = arith.addi %mul3A_190, %add3A_345 : i32
      %get3A_347 = arith.index_cast %add3A_346 : i32 to index
      %get3A_348 = tpu.vector_load %arg5[%get3A_347] {strides = array<i32>} : memref<49152xf32, #tpu.memory_space<vmem>>, vector<16xf32>,
      %get3A_349 = vector.shape_cast %get3A_348 : vector<16xf32> to vector<16xf32>
      %get3A_350 = arith.index_cast %add3A_346 : i32 to index
      %get3A_351 = tpu.vector_load %arg6[%get3A_350] {strides = array<i32>} : memref<49152xf32, #tpu.memory_space<vmem>>, vector<16xf32>,
      %get3A_352 = vector.shape_cast %get3A_351 : vector<16xf32> to vector<16xf32>
      %add3A_353 = arith.addf %get3A_349, %get3A_352 : vector<16xf32>
      %swap3A_354 = arith.index_cast %add3A_346 : i32 to index
      %swap3A_355 = tpu.vector_load %arg5[%swap3A_354] {strides = array<i32>} : memref<49152xf32, #tpu.memory_space<vmem>>, vector<16xf32>,
      %swap3A_356 = vector.shape_cast %swap3A_355 : vector<16xf32> to vector<16xf32>
      %swap3A_357 = vector.shape_cast %add3A_353 : vector<16xf32> to vector<16xf32>
      tpu.vector_store %arg5[%swap3A_354], %swap3A_357 {strides = array<i32>} : memref<49152xf32, #tpu.memory_space<vmem>>, vector<16xf32>,
      %add3A_358 = arith.constant 208 : i32
      %add3A_359 = arith.addi %mul3A_190, %add3A_358 : i32
      %get3A_360 = arith.index_cast %add3A_359 : i32 to index
      %get3A_361 = tpu.vector_load %arg5[%get3A_360] {strides = array<i32>} : memref<49152xf32, #tpu.memory_space<vmem>>, vector<16xf32>,
      %get3A_362 = vector.shape_cast %get3A_361 : vector<16xf32> to vector<16xf32>
      %get3A_363 = arith.index_cast %add3A_359 : i32 to index
      %get3A_364 = tpu.vector_load %arg6[%get3A_363] {strides = array<i32>} : memref<49152xf32, #tpu.memory_space<vmem>>, vector<16xf32>,
      %get3A_365 = vector.shape_cast %get3A_364 : vector<16xf32> to vector<16xf32>
      %add3A_366 = arith.addf %get3A_362, %get3A_365 : vector<16xf32>
      %swap3A_367 = arith.index_cast %add3A_359 : i32 to index
      %swap3A_368 = tpu.vector_load %arg5[%swap3A_367] {strides = array<i32>} : memref<49152xf32, #tpu.memory_space<vmem>>, vector<16xf32>,
      %swap3A_369 = vector.shape_cast %swap3A_368 : vector<16xf32> to vector<16xf32>
      %swap3A_370 = vector.shape_cast %add3A_366 : vector<16xf32> to vector<16xf32>
      tpu.vector_store %arg5[%swap3A_367], %swap3A_370 {strides = array<i32>} : memref<49152xf32, #tpu.memory_space<vmem>>, vector<16xf32>,
      %add3A_371 = arith.constant 224 : i32
      %add3A_372 = arith.addi %mul3A_190, %add3A_371 : i32
      %get3A_373 = arith.index_cast %add3A_372 : i32 to index
      %get3A_374 = tpu.vector_load %arg5[%get3A_373] {strides = array<i32>} : memref<49152xf32, #tpu.memory_space<vmem>>, vector<16xf32>,
      %get3A_375 = vector.shape_cast %get3A_374 : vector<16xf32> to vector<16xf32>
      %get3A_376 = arith.index_cast %add3A_372 : i32 to index
      %get3A_377 = tpu.vector_load %arg6[%get3A_376] {strides = array<i32>} : memref<49152xf32, #tpu.memory_space<vmem>>, vector<16xf32>,
      %get3A_378 = vector.shape_cast %get3A_377 : vector<16xf32> to vector<16xf32>
      %add3A_379 = arith.addf %get3A_375, %get3A_378 : vector<16xf32>
      %swap3A_380 = arith.index_cast %add3A_372 : i32 to index
      %swap3A_381 = tpu.vector_load %arg5[%swap3A_380] {strides = array<i32>} : memref<49152xf32, #tpu.memory_space<vmem>>, vector<16xf32>,
      %swap3A_382 = vector.shape_cast %swap3A_381 : vector<16xf32> to vector<16xf32>
      %swap3A_383 = vector.shape_cast %add3A_379 : vector<16xf32> to vector<16xf32>
      tpu.vector_store %arg5[%swap3A_380], %swap3A_383 {strides = array<i32>} : memref<49152xf32, #tpu.memory_space<vmem>>, vector<16xf32>,
      %add3A_384 = arith.constant 240 : i32
      %add3A_385 = arith.addi %mul3A_190, %add3A_384 : i32
      %get3A_386 = arith.index_cast %add3A_385 : i32 to index
      %get3A_387 = tpu.vector_load %arg5[%get3A_386] {strides = array<i32>} : memref<49152xf32, #tpu.memory_space<vmem>>, vector<16xf32>,
      %get3A_388 = vector.shape_cast %get3A_387 : vector<16xf32> to vector<16xf32>
      %get3A_389 = arith.index_cast %add3A_385 : i32 to index
      %get3A_390 = tpu.vector_load %arg6[%get3A_389] {strides = array<i32>} : memref<49152xf32, #tpu.memory_space<vmem>>, vector<16xf32>,
      %get3A_391 = vector.shape_cast %get3A_390 : vector<16xf32> to vector<16xf32>
      %add3A_392 = arith.addf %get3A_388, %get3A_391 : vector<16xf32>
      %swap3A_393 = arith.index_cast %add3A_385 : i32 to index
      %swap3A_394 = tpu.vector_load %arg5[%swap3A_393] {strides = array<i32>} : memref<49152xf32, #tpu.memory_space<vmem>>, vector<16xf32>,
      %swap3A_395 = vector.shape_cast %swap3A_394 : vector<16xf32> to vector<16xf32>
      %swap3A_396 = vector.shape_cast %add3A_392 : vector<16xf32> to vector<16xf32>
      tpu.vector_store %arg5[%swap3A_393], %swap3A_396 {strides = array<i32>} : memref<49152xf32, #tpu.memory_space<vmem>>, vector<16xf32>,
      %scan3A_397 = arith.constant 0 : i32
      scf.yield %scan3A_397 : i32
    }
    %scan3A_109 = arith.constant 192 : i32
    "tpu.region"() ({
      %run_scoped3A = tpu.sem_alloc : memref<!tpu.dma_semaphore, #tpu.memory_space<semaphore_mem>>
      %dma_start3A = tpu.memref_slice %arg4[%add3A_100] : memref<25165824xf32, #tpu.memory_space<hbm>> -> memref<49152xf32, #tpu.memory_space<hbm>>
      %dma_start3A_187 = tpu.memref_slice %arg4[%add3A_100] : memref<25165824xf32, #tpu.memory_space<hbm>> -> memref<49152xf32, #tpu.memory_space<hbm>>
      tpu.enqueue_dma source(%arg5 : memref<49152xf32, #tpu.memory_space<vmem>>) target(%dma_start3A_187 : memref<49152xf32, #tpu.memory_space<hbm>>) target_semaphore(%run_scoped3A : memref<!tpu.dma_semaphore, #tpu.memory_space<semaphore_mem>>)
      %dma_wait3A = tpu.memref_slice %arg4[%add3A_100] : memref<25165824xf32, #tpu.memory_space<hbm>> -> memref<49152xf32, #tpu.memory_space<hbm>>
      %dma_wait3A_188 = tpu.memref_slice %arg4[%add3A_100] : memref<25165824xf32, #tpu.memory_space<hbm>> -> memref<49152xf32, #tpu.memory_space<hbm>>
      tpu.wait_dma2 semaphore(%run_scoped3A : memref<!tpu.dma_semaphore, #tpu.memory_space<semaphore_mem>>) src(%arg5 : memref<49152xf32, #tpu.memory_space<vmem>>) dst(%dma_wait3A_188 : memref<49152xf32, #tpu.memory_space<hbm>>)
      tpu.yield
    }) : () -> ()
    %add3A_110 = arith.constant 442368 : i32
    %add3A_111 = arith.addi %mul3A_2, %add3A_110 : i32
    %add3A_112 = arith.constant 442368 : i32
    %add3A_113 = arith.addi %select_n3A_11, %add3A_112 : i32
    "tpu.region"() ({
      %run_scoped3A = tpu.sem_alloc : memref<!tpu.dma_semaphore, #tpu.memory_space<semaphore_mem>>
      %dma_start3A = tpu.memref_slice %arg2[%add3A_111] : memref<25165824xf32, #tpu.memory_space<hbm>> -> memref<49152xf32, #tpu.memory_space<hbm>>
      %dma_start3A_187 = tpu.memref_slice %arg2[%add3A_111] : memref<25165824xf32, #tpu.memory_space<hbm>> -> memref<49152xf32, #tpu.memory_space<hbm>>
      tpu.enqueue_dma source(%dma_start3A_187 : memref<49152xf32, #tpu.memory_space<hbm>>) target(%arg5 : memref<49152xf32, #tpu.memory_space<vmem>>) target_semaphore(%run_scoped3A : memref<!tpu.dma_semaphore, #tpu.memory_space<semaphore_mem>>)
      %dma_wait3A = tpu.memref_slice %arg2[%add3A_111] : memref<25165824xf32, #tpu.memory_space<hbm>> -> memref<49152xf32, #tpu.memory_space<hbm>>
      %dma_wait3A_188 = tpu.memref_slice %arg2[%add3A_111] : memref<25165824xf32, #tpu.memory_space<hbm>> -> memref<49152xf32, #tpu.memory_space<hbm>>
      tpu.wait_dma2 semaphore(%run_scoped3A : memref<!tpu.dma_semaphore, #tpu.memory_space<semaphore_mem>>) src(%dma_wait3A_188 : memref<49152xf32, #tpu.memory_space<hbm>>) dst(%arg5 : memref<49152xf32, #tpu.memory_space<vmem>>)
      tpu.yield
    }) : () -> ()
    "tpu.region"() ({
      %run_scoped3A = tpu.sem_alloc : memref<!tpu.dma_semaphore, #tpu.memory_space<semaphore_mem>>
      %dma_start3A = tpu.memref_slice %arg3[%add3A_113] : memref<6291456xf32, #tpu.memory_space<hbm>> -> memref<49152xf32, #tpu.memory_space<hbm>>
      %dma_start3A_187 = tpu.memref_slice %arg3[%add3A_113] : memref<6291456xf32, #tpu.memory_space<hbm>> -> memref<49152xf32, #tpu.memory_space<hbm>>
      tpu.enqueue_dma source(%dma_start3A_187 : memref<49152xf32, #tpu.memory_space<hbm>>) target(%arg6 : memref<49152xf32, #tpu.memory_space<vmem>>) target_semaphore(%run_scoped3A : memref<!tpu.dma_semaphore, #tpu.memory_space<semaphore_mem>>)
      %dma_wait3A = tpu.memref_slice %arg3[%add3A_113] : memref<6291456xf32, #tpu.memory_space<hbm>> -> memref<49152xf32, #tpu.memory_space<hbm>>
      %dma_wait3A_188 = tpu.memref_slice %arg3[%add3A_113] : memref<6291456xf32, #tpu.memory_space<hbm>> -> memref<49152xf32, #tpu.memory_space<hbm>>
      tpu.wait_dma2 semaphore(%run_scoped3A : memref<!tpu.dma_semaphore, #tpu.memory_space<semaphore_mem>>) src(%dma_wait3A_188 : memref<49152xf32, #tpu.memory_space<hbm>>) dst(%arg6 : memref<49152xf32, #tpu.memory_space<vmem>>)
      tpu.yield
    }) : () -> ()
    %scan3A_114 = arith.constant 0 : i32
    %scan3A_115 = arith.constant 0 : i32
    %scan3A_116 = arith.constant 192 : i32
    %scan3A_117 = arith.addi %scan3A_115, %scan3A_116 : i32
    %scan3A_118 = arith.constant 1 : i32
    %scan3A_119 = scf.for %scan3A_187 = %scan3A_115 to %scan3A_117 step %scan3A_118 iter_args(%scan3A_188 = %scan3A_114) -> (i32)  : i32 {
      %mul3A_189 = arith.constant 256 : i32
      %mul3A_190 = arith.muli %scan3A_187, %mul3A_189 : i32
      %add3A_191 = arith.constant 0 : i32
      %add3A_192 = arith.addi %mul3A_190, %add3A_191 : i32
      %get3A = arith.index_cast %add3A_192 : i32 to index
      %get3A_193 = tpu.vector_load %arg5[%get3A] {strides = array<i32>} : memref<49152xf32, #tpu.memory_space<vmem>>, vector<16xf32>,
      %get3A_194 = vector.shape_cast %get3A_193 : vector<16xf32> to vector<16xf32>
      %get3A_195 = arith.index_cast %add3A_192 : i32 to index
      %get3A_196 = tpu.vector_load %arg6[%get3A_195] {strides = array<i32>} : memref<49152xf32, #tpu.memory_space<vmem>>, vector<16xf32>,
      %get3A_197 = vector.shape_cast %get3A_196 : vector<16xf32> to vector<16xf32>
      %add3A_198 = arith.addf %get3A_194, %get3A_197 : vector<16xf32>
      %swap3A = arith.index_cast %add3A_192 : i32 to index
      %swap3A_199 = tpu.vector_load %arg5[%swap3A] {strides = array<i32>} : memref<49152xf32, #tpu.memory_space<vmem>>, vector<16xf32>,
      %swap3A_200 = vector.shape_cast %swap3A_199 : vector<16xf32> to vector<16xf32>
      %swap3A_201 = vector.shape_cast %add3A_198 : vector<16xf32> to vector<16xf32>
      tpu.vector_store %arg5[%swap3A], %swap3A_201 {strides = array<i32>} : memref<49152xf32, #tpu.memory_space<vmem>>, vector<16xf32>,
      %add3A_202 = arith.constant 16 : i32
      %add3A_203 = arith.addi %mul3A_190, %add3A_202 : i32
      %get3A_204 = arith.index_cast %add3A_203 : i32 to index
      %get3A_205 = tpu.vector_load %arg5[%get3A_204] {strides = array<i32>} : memref<49152xf32, #tpu.memory_space<vmem>>, vector<16xf32>,
      %get3A_206 = vector.shape_cast %get3A_205 : vector<16xf32> to vector<16xf32>
      %get3A_207 = arith.index_cast %add3A_203 : i32 to index
      %get3A_208 = tpu.vector_load %arg6[%get3A_207] {strides = array<i32>} : memref<49152xf32, #tpu.memory_space<vmem>>, vector<16xf32>,
      %get3A_209 = vector.shape_cast %get3A_208 : vector<16xf32> to vector<16xf32>
      %add3A_210 = arith.addf %get3A_206, %get3A_209 : vector<16xf32>
      %swap3A_211 = arith.index_cast %add3A_203 : i32 to index
      %swap3A_212 = tpu.vector_load %arg5[%swap3A_211] {strides = array<i32>} : memref<49152xf32, #tpu.memory_space<vmem>>, vector<16xf32>,
      %swap3A_213 = vector.shape_cast %swap3A_212 : vector<16xf32> to vector<16xf32>
      %swap3A_214 = vector.shape_cast %add3A_210 : vector<16xf32> to vector<16xf32>
      tpu.vector_store %arg5[%swap3A_211], %swap3A_214 {strides = array<i32>} : memref<49152xf32, #tpu.memory_space<vmem>>, vector<16xf32>,
      %add3A_215 = arith.constant 32 : i32
      %add3A_216 = arith.addi %mul3A_190, %add3A_215 : i32
      %get3A_217 = arith.index_cast %add3A_216 : i32 to index
      %get3A_218 = tpu.vector_load %arg5[%get3A_217] {strides = array<i32>} : memref<49152xf32, #tpu.memory_space<vmem>>, vector<16xf32>,
      %get3A_219 = vector.shape_cast %get3A_218 : vector<16xf32> to vector<16xf32>
      %get3A_220 = arith.index_cast %add3A_216 : i32 to index
      %get3A_221 = tpu.vector_load %arg6[%get3A_220] {strides = array<i32>} : memref<49152xf32, #tpu.memory_space<vmem>>, vector<16xf32>,
      %get3A_222 = vector.shape_cast %get3A_221 : vector<16xf32> to vector<16xf32>
      %add3A_223 = arith.addf %get3A_219, %get3A_222 : vector<16xf32>
      %swap3A_224 = arith.index_cast %add3A_216 : i32 to index
      %swap3A_225 = tpu.vector_load %arg5[%swap3A_224] {strides = array<i32>} : memref<49152xf32, #tpu.memory_space<vmem>>, vector<16xf32>,
      %swap3A_226 = vector.shape_cast %swap3A_225 : vector<16xf32> to vector<16xf32>
      %swap3A_227 = vector.shape_cast %add3A_223 : vector<16xf32> to vector<16xf32>
      tpu.vector_store %arg5[%swap3A_224], %swap3A_227 {strides = array<i32>} : memref<49152xf32, #tpu.memory_space<vmem>>, vector<16xf32>,
      %add3A_228 = arith.constant 48 : i32
      %add3A_229 = arith.addi %mul3A_190, %add3A_228 : i32
      %get3A_230 = arith.index_cast %add3A_229 : i32 to index
      %get3A_231 = tpu.vector_load %arg5[%get3A_230] {strides = array<i32>} : memref<49152xf32, #tpu.memory_space<vmem>>, vector<16xf32>,
      %get3A_232 = vector.shape_cast %get3A_231 : vector<16xf32> to vector<16xf32>
      %get3A_233 = arith.index_cast %add3A_229 : i32 to index
      %get3A_234 = tpu.vector_load %arg6[%get3A_233] {strides = array<i32>} : memref<49152xf32, #tpu.memory_space<vmem>>, vector<16xf32>,
      %get3A_235 = vector.shape_cast %get3A_234 : vector<16xf32> to vector<16xf32>
      %add3A_236 = arith.addf %get3A_232, %get3A_235 : vector<16xf32>
      %swap3A_237 = arith.index_cast %add3A_229 : i32 to index
      %swap3A_238 = tpu.vector_load %arg5[%swap3A_237] {strides = array<i32>} : memref<49152xf32, #tpu.memory_space<vmem>>, vector<16xf32>,
      %swap3A_239 = vector.shape_cast %swap3A_238 : vector<16xf32> to vector<16xf32>
      %swap3A_240 = vector.shape_cast %add3A_236 : vector<16xf32> to vector<16xf32>
      tpu.vector_store %arg5[%swap3A_237], %swap3A_240 {strides = array<i32>} : memref<49152xf32, #tpu.memory_space<vmem>>, vector<16xf32>,
      %add3A_241 = arith.constant 64 : i32
      %add3A_242 = arith.addi %mul3A_190, %add3A_241 : i32
      %get3A_243 = arith.index_cast %add3A_242 : i32 to index
      %get3A_244 = tpu.vector_load %arg5[%get3A_243] {strides = array<i32>} : memref<49152xf32, #tpu.memory_space<vmem>>, vector<16xf32>,
      %get3A_245 = vector.shape_cast %get3A_244 : vector<16xf32> to vector<16xf32>
      %get3A_246 = arith.index_cast %add3A_242 : i32 to index
      %get3A_247 = tpu.vector_load %arg6[%get3A_246] {strides = array<i32>} : memref<49152xf32, #tpu.memory_space<vmem>>, vector<16xf32>,
      %get3A_248 = vector.shape_cast %get3A_247 : vector<16xf32> to vector<16xf32>
      %add3A_249 = arith.addf %get3A_245, %get3A_248 : vector<16xf32>
      %swap3A_250 = arith.index_cast %add3A_242 : i32 to index
      %swap3A_251 = tpu.vector_load %arg5[%swap3A_250] {strides = array<i32>} : memref<49152xf32, #tpu.memory_space<vmem>>, vector<16xf32>,
      %swap3A_252 = vector.shape_cast %swap3A_251 : vector<16xf32> to vector<16xf32>
      %swap3A_253 = vector.shape_cast %add3A_249 : vector<16xf32> to vector<16xf32>
      tpu.vector_store %arg5[%swap3A_250], %swap3A_253 {strides = array<i32>} : memref<49152xf32, #tpu.memory_space<vmem>>, vector<16xf32>,
      %add3A_254 = arith.constant 80 : i32
      %add3A_255 = arith.addi %mul3A_190, %add3A_254 : i32
      %get3A_256 = arith.index_cast %add3A_255 : i32 to index
      %get3A_257 = tpu.vector_load %arg5[%get3A_256] {strides = array<i32>} : memref<49152xf32, #tpu.memory_space<vmem>>, vector<16xf32>,
      %get3A_258 = vector.shape_cast %get3A_257 : vector<16xf32> to vector<16xf32>
      %get3A_259 = arith.index_cast %add3A_255 : i32 to index
      %get3A_260 = tpu.vector_load %arg6[%get3A_259] {strides = array<i32>} : memref<49152xf32, #tpu.memory_space<vmem>>, vector<16xf32>,
      %get3A_261 = vector.shape_cast %get3A_260 : vector<16xf32> to vector<16xf32>
      %add3A_262 = arith.addf %get3A_258, %get3A_261 : vector<16xf32>
      %swap3A_263 = arith.index_cast %add3A_255 : i32 to index
      %swap3A_264 = tpu.vector_load %arg5[%swap3A_263] {strides = array<i32>} : memref<49152xf32, #tpu.memory_space<vmem>>, vector<16xf32>,
      %swap3A_265 = vector.shape_cast %swap3A_264 : vector<16xf32> to vector<16xf32>
      %swap3A_266 = vector.shape_cast %add3A_262 : vector<16xf32> to vector<16xf32>
      tpu.vector_store %arg5[%swap3A_263], %swap3A_266 {strides = array<i32>} : memref<49152xf32, #tpu.memory_space<vmem>>, vector<16xf32>,
      %add3A_267 = arith.constant 96 : i32
      %add3A_268 = arith.addi %mul3A_190, %add3A_267 : i32
      %get3A_269 = arith.index_cast %add3A_268 : i32 to index
      %get3A_270 = tpu.vector_load %arg5[%get3A_269] {strides = array<i32>} : memref<49152xf32, #tpu.memory_space<vmem>>, vector<16xf32>,
      %get3A_271 = vector.shape_cast %get3A_270 : vector<16xf32> to vector<16xf32>
      %get3A_272 = arith.index_cast %add3A_268 : i32 to index
      %get3A_273 = tpu.vector_load %arg6[%get3A_272] {strides = array<i32>} : memref<49152xf32, #tpu.memory_space<vmem>>, vector<16xf32>,
      %get3A_274 = vector.shape_cast %get3A_273 : vector<16xf32> to vector<16xf32>
      %add3A_275 = arith.addf %get3A_271, %get3A_274 : vector<16xf32>
      %swap3A_276 = arith.index_cast %add3A_268 : i32 to index
      %swap3A_277 = tpu.vector_load %arg5[%swap3A_276] {strides = array<i32>} : memref<49152xf32, #tpu.memory_space<vmem>>, vector<16xf32>,
      %swap3A_278 = vector.shape_cast %swap3A_277 : vector<16xf32> to vector<16xf32>
      %swap3A_279 = vector.shape_cast %add3A_275 : vector<16xf32> to vector<16xf32>
      tpu.vector_store %arg5[%swap3A_276], %swap3A_279 {strides = array<i32>} : memref<49152xf32, #tpu.memory_space<vmem>>, vector<16xf32>,
      %add3A_280 = arith.constant 112 : i32
      %add3A_281 = arith.addi %mul3A_190, %add3A_280 : i32
      %get3A_282 = arith.index_cast %add3A_281 : i32 to index
      %get3A_283 = tpu.vector_load %arg5[%get3A_282] {strides = array<i32>} : memref<49152xf32, #tpu.memory_space<vmem>>, vector<16xf32>,
      %get3A_284 = vector.shape_cast %get3A_283 : vector<16xf32> to vector<16xf32>
      %get3A_285 = arith.index_cast %add3A_281 : i32 to index
      %get3A_286 = tpu.vector_load %arg6[%get3A_285] {strides = array<i32>} : memref<49152xf32, #tpu.memory_space<vmem>>, vector<16xf32>,
      %get3A_287 = vector.shape_cast %get3A_286 : vector<16xf32> to vector<16xf32>
      %add3A_288 = arith.addf %get3A_284, %get3A_287 : vector<16xf32>
      %swap3A_289 = arith.index_cast %add3A_281 : i32 to index
      %swap3A_290 = tpu.vector_load %arg5[%swap3A_289] {strides = array<i32>} : memref<49152xf32, #tpu.memory_space<vmem>>, vector<16xf32>,
      %swap3A_291 = vector.shape_cast %swap3A_290 : vector<16xf32> to vector<16xf32>
      %swap3A_292 = vector.shape_cast %add3A_288 : vector<16xf32> to vector<16xf32>
      tpu.vector_store %arg5[%swap3A_289], %swap3A_292 {strides = array<i32>} : memref<49152xf32, #tpu.memory_space<vmem>>, vector<16xf32>,
      %add3A_293 = arith.constant 128 : i32
      %add3A_294 = arith.addi %mul3A_190, %add3A_293 : i32
      %get3A_295 = arith.index_cast %add3A_294 : i32 to index
      %get3A_296 = tpu.vector_load %arg5[%get3A_295] {strides = array<i32>} : memref<49152xf32, #tpu.memory_space<vmem>>, vector<16xf32>,
      %get3A_297 = vector.shape_cast %get3A_296 : vector<16xf32> to vector<16xf32>
      %get3A_298 = arith.index_cast %add3A_294 : i32 to index
      %get3A_299 = tpu.vector_load %arg6[%get3A_298] {strides = array<i32>} : memref<49152xf32, #tpu.memory_space<vmem>>, vector<16xf32>,
      %get3A_300 = vector.shape_cast %get3A_299 : vector<16xf32> to vector<16xf32>
      %add3A_301 = arith.addf %get3A_297, %get3A_300 : vector<16xf32>
      %swap3A_302 = arith.index_cast %add3A_294 : i32 to index
      %swap3A_303 = tpu.vector_load %arg5[%swap3A_302] {strides = array<i32>} : memref<49152xf32, #tpu.memory_space<vmem>>, vector<16xf32>,
      %swap3A_304 = vector.shape_cast %swap3A_303 : vector<16xf32> to vector<16xf32>
      %swap3A_305 = vector.shape_cast %add3A_301 : vector<16xf32> to vector<16xf32>
      tpu.vector_store %arg5[%swap3A_302], %swap3A_305 {strides = array<i32>} : memref<49152xf32, #tpu.memory_space<vmem>>, vector<16xf32>,
      %add3A_306 = arith.constant 144 : i32
      %add3A_307 = arith.addi %mul3A_190, %add3A_306 : i32
      %get3A_308 = arith.index_cast %add3A_307 : i32 to index
      %get3A_309 = tpu.vector_load %arg5[%get3A_308] {strides = array<i32>} : memref<49152xf32, #tpu.memory_space<vmem>>, vector<16xf32>,
      %get3A_310 = vector.shape_cast %get3A_309 : vector<16xf32> to vector<16xf32>
      %get3A_311 = arith.index_cast %add3A_307 : i32 to index
      %get3A_312 = tpu.vector_load %arg6[%get3A_311] {strides = array<i32>} : memref<49152xf32, #tpu.memory_space<vmem>>, vector<16xf32>,
      %get3A_313 = vector.shape_cast %get3A_312 : vector<16xf32> to vector<16xf32>
      %add3A_314 = arith.addf %get3A_310, %get3A_313 : vector<16xf32>
      %swap3A_315 = arith.index_cast %add3A_307 : i32 to index
      %swap3A_316 = tpu.vector_load %arg5[%swap3A_315] {strides = array<i32>} : memref<49152xf32, #tpu.memory_space<vmem>>, vector<16xf32>,
      %swap3A_317 = vector.shape_cast %swap3A_316 : vector<16xf32> to vector<16xf32>
      %swap3A_318 = vector.shape_cast %add3A_314 : vector<16xf32> to vector<16xf32>
      tpu.vector_store %arg5[%swap3A_315], %swap3A_318 {strides = array<i32>} : memref<49152xf32, #tpu.memory_space<vmem>>, vector<16xf32>,
      %add3A_319 = arith.constant 160 : i32
      %add3A_320 = arith.addi %mul3A_190, %add3A_319 : i32
      %get3A_321 = arith.index_cast %add3A_320 : i32 to index
      %get3A_322 = tpu.vector_load %arg5[%get3A_321] {strides = array<i32>} : memref<49152xf32, #tpu.memory_space<vmem>>, vector<16xf32>,
      %get3A_323 = vector.shape_cast %get3A_322 : vector<16xf32> to vector<16xf32>
      %get3A_324 = arith.index_cast %add3A_320 : i32 to index
      %get3A_325 = tpu.vector_load %arg6[%get3A_324] {strides = array<i32>} : memref<49152xf32, #tpu.memory_space<vmem>>, vector<16xf32>,
      %get3A_326 = vector.shape_cast %get3A_325 : vector<16xf32> to vector<16xf32>
      %add3A_327 = arith.addf %get3A_323, %get3A_326 : vector<16xf32>
      %swap3A_328 = arith.index_cast %add3A_320 : i32 to index
      %swap3A_329 = tpu.vector_load %arg5[%swap3A_328] {strides = array<i32>} : memref<49152xf32, #tpu.memory_space<vmem>>, vector<16xf32>,
      %swap3A_330 = vector.shape_cast %swap3A_329 : vector<16xf32> to vector<16xf32>
      %swap3A_331 = vector.shape_cast %add3A_327 : vector<16xf32> to vector<16xf32>
      tpu.vector_store %arg5[%swap3A_328], %swap3A_331 {strides = array<i32>} : memref<49152xf32, #tpu.memory_space<vmem>>, vector<16xf32>,
      %add3A_332 = arith.constant 176 : i32
      %add3A_333 = arith.addi %mul3A_190, %add3A_332 : i32
      %get3A_334 = arith.index_cast %add3A_333 : i32 to index
      %get3A_335 = tpu.vector_load %arg5[%get3A_334] {strides = array<i32>} : memref<49152xf32, #tpu.memory_space<vmem>>, vector<16xf32>,
      %get3A_336 = vector.shape_cast %get3A_335 : vector<16xf32> to vector<16xf32>
      %get3A_337 = arith.index_cast %add3A_333 : i32 to index
      %get3A_338 = tpu.vector_load %arg6[%get3A_337] {strides = array<i32>} : memref<49152xf32, #tpu.memory_space<vmem>>, vector<16xf32>,
      %get3A_339 = vector.shape_cast %get3A_338 : vector<16xf32> to vector<16xf32>
      %add3A_340 = arith.addf %get3A_336, %get3A_339 : vector<16xf32>
      %swap3A_341 = arith.index_cast %add3A_333 : i32 to index
      %swap3A_342 = tpu.vector_load %arg5[%swap3A_341] {strides = array<i32>} : memref<49152xf32, #tpu.memory_space<vmem>>, vector<16xf32>,
      %swap3A_343 = vector.shape_cast %swap3A_342 : vector<16xf32> to vector<16xf32>
      %swap3A_344 = vector.shape_cast %add3A_340 : vector<16xf32> to vector<16xf32>
      tpu.vector_store %arg5[%swap3A_341], %swap3A_344 {strides = array<i32>} : memref<49152xf32, #tpu.memory_space<vmem>>, vector<16xf32>,
      %add3A_345 = arith.constant 192 : i32
      %add3A_346 = arith.addi %mul3A_190, %add3A_345 : i32
      %get3A_347 = arith.index_cast %add3A_346 : i32 to index
      %get3A_348 = tpu.vector_load %arg5[%get3A_347] {strides = array<i32>} : memref<49152xf32, #tpu.memory_space<vmem>>, vector<16xf32>,
      %get3A_349 = vector.shape_cast %get3A_348 : vector<16xf32> to vector<16xf32>
      %get3A_350 = arith.index_cast %add3A_346 : i32 to index
      %get3A_351 = tpu.vector_load %arg6[%get3A_350] {strides = array<i32>} : memref<49152xf32, #tpu.memory_space<vmem>>, vector<16xf32>,
      %get3A_352 = vector.shape_cast %get3A_351 : vector<16xf32> to vector<16xf32>
      %add3A_353 = arith.addf %get3A_349, %get3A_352 : vector<16xf32>
      %swap3A_354 = arith.index_cast %add3A_346 : i32 to index
      %swap3A_355 = tpu.vector_load %arg5[%swap3A_354] {strides = array<i32>} : memref<49152xf32, #tpu.memory_space<vmem>>, vector<16xf32>,
      %swap3A_356 = vector.shape_cast %swap3A_355 : vector<16xf32> to vector<16xf32>
      %swap3A_357 = vector.shape_cast %add3A_353 : vector<16xf32> to vector<16xf32>
      tpu.vector_store %arg5[%swap3A_354], %swap3A_357 {strides = array<i32>} : memref<49152xf32, #tpu.memory_space<vmem>>, vector<16xf32>,
      %add3A_358 = arith.constant 208 : i32
      %add3A_359 = arith.addi %mul3A_190, %add3A_358 : i32
      %get3A_360 = arith.index_cast %add3A_359 : i32 to index
      %get3A_361 = tpu.vector_load %arg5[%get3A_360] {strides = array<i32>} : memref<49152xf32, #tpu.memory_space<vmem>>, vector<16xf32>,
      %get3A_362 = vector.shape_cast %get3A_361 : vector<16xf32> to vector<16xf32>
      %get3A_363 = arith.index_cast %add3A_359 : i32 to index
      %get3A_364 = tpu.vector_load %arg6[%get3A_363] {strides = array<i32>} : memref<49152xf32, #tpu.memory_space<vmem>>, vector<16xf32>,
      %get3A_365 = vector.shape_cast %get3A_364 : vector<16xf32> to vector<16xf32>
      %add3A_366 = arith.addf %get3A_362, %get3A_365 : vector<16xf32>
      %swap3A_367 = arith.index_cast %add3A_359 : i32 to index
      %swap3A_368 = tpu.vector_load %arg5[%swap3A_367] {strides = array<i32>} : memref<49152xf32, #tpu.memory_space<vmem>>, vector<16xf32>,
      %swap3A_369 = vector.shape_cast %swap3A_368 : vector<16xf32> to vector<16xf32>
      %swap3A_370 = vector.shape_cast %add3A_366 : vector<16xf32> to vector<16xf32>
      tpu.vector_store %arg5[%swap3A_367], %swap3A_370 {strides = array<i32>} : memref<49152xf32, #tpu.memory_space<vmem>>, vector<16xf32>,
      %add3A_371 = arith.constant 224 : i32
      %add3A_372 = arith.addi %mul3A_190, %add3A_371 : i32
      %get3A_373 = arith.index_cast %add3A_372 : i32 to index
      %get3A_374 = tpu.vector_load %arg5[%get3A_373] {strides = array<i32>} : memref<49152xf32, #tpu.memory_space<vmem>>, vector<16xf32>,
      %get3A_375 = vector.shape_cast %get3A_374 : vector<16xf32> to vector<16xf32>
      %get3A_376 = arith.index_cast %add3A_372 : i32 to index
      %get3A_377 = tpu.vector_load %arg6[%get3A_376] {strides = array<i32>} : memref<49152xf32, #tpu.memory_space<vmem>>, vector<16xf32>,
      %get3A_378 = vector.shape_cast %get3A_377 : vector<16xf32> to vector<16xf32>
      %add3A_379 = arith.addf %get3A_375, %get3A_378 : vector<16xf32>
      %swap3A_380 = arith.index_cast %add3A_372 : i32 to index
      %swap3A_381 = tpu.vector_load %arg5[%swap3A_380] {strides = array<i32>} : memref<49152xf32, #tpu.memory_space<vmem>>, vector<16xf32>,
      %swap3A_382 = vector.shape_cast %swap3A_381 : vector<16xf32> to vector<16xf32>
      %swap3A_383 = vector.shape_cast %add3A_379 : vector<16xf32> to vector<16xf32>
      tpu.vector_store %arg5[%swap3A_380], %swap3A_383 {strides = array<i32>} : memref<49152xf32, #tpu.memory_space<vmem>>, vector<16xf32>,
      %add3A_384 = arith.constant 240 : i32
      %add3A_385 = arith.addi %mul3A_190, %add3A_384 : i32
      %get3A_386 = arith.index_cast %add3A_385 : i32 to index
      %get3A_387 = tpu.vector_load %arg5[%get3A_386] {strides = array<i32>} : memref<49152xf32, #tpu.memory_space<vmem>>, vector<16xf32>,
      %get3A_388 = vector.shape_cast %get3A_387 : vector<16xf32> to vector<16xf32>
      %get3A_389 = arith.index_cast %add3A_385 : i32 to index
      %get3A_390 = tpu.vector_load %arg6[%get3A_389] {strides = array<i32>} : memref<49152xf32, #tpu.memory_space<vmem>>, vector<16xf32>,
      %get3A_391 = vector.shape_cast %get3A_390 : vector<16xf32> to vector<16xf32>
      %add3A_392 = arith.addf %get3A_388, %get3A_391 : vector<16xf32>
      %swap3A_393 = arith.index_cast %add3A_385 : i32 to index
      %swap3A_394 = tpu.vector_load %arg5[%swap3A_393] {strides = array<i32>} : memref<49152xf32, #tpu.memory_space<vmem>>, vector<16xf32>,
      %swap3A_395 = vector.shape_cast %swap3A_394 : vector<16xf32> to vector<16xf32>
      %swap3A_396 = vector.shape_cast %add3A_392 : vector<16xf32> to vector<16xf32>
      tpu.vector_store %arg5[%swap3A_393], %swap3A_396 {strides = array<i32>} : memref<49152xf32, #tpu.memory_space<vmem>>, vector<16xf32>,
      %scan3A_397 = arith.constant 0 : i32
      scf.yield %scan3A_397 : i32
    }
    %scan3A_120 = arith.constant 192 : i32
    "tpu.region"() ({
      %run_scoped3A = tpu.sem_alloc : memref<!tpu.dma_semaphore, #tpu.memory_space<semaphore_mem>>
      %dma_start3A = tpu.memref_slice %arg4[%add3A_111] : memref<25165824xf32, #tpu.memory_space<hbm>> -> memref<49152xf32, #tpu.memory_space<hbm>>
      %dma_start3A_187 = tpu.memref_slice %arg4[%add3A_111] : memref<25165824xf32, #tpu.memory_space<hbm>> -> memref<49152xf32, #tpu.memory_space<hbm>>
      tpu.enqueue_dma source(%arg5 : memref<49152xf32, #tpu.memory_space<vmem>>) target(%dma_start3A_187 : memref<49152xf32, #tpu.memory_space<hbm>>) target_semaphore(%run_scoped3A : memref<!tpu.dma_semaphore, #tpu.memory_space<semaphore_mem>>)
      %dma_wait3A = tpu.memref_slice %arg4[%add3A_111] : memref<25165824xf32, #tpu.memory_space<hbm>> -> memref<49152xf32, #tpu.memory_space<hbm>>
      %dma_wait3A_188 = tpu.memref_slice %arg4[%add3A_111] : memref<25165824xf32, #tpu.memory_space<hbm>> -> memref<49152xf32, #tpu.memory_space<hbm>>
      tpu.wait_dma2 semaphore(%run_scoped3A : memref<!tpu.dma_semaphore, #tpu.memory_space<semaphore_mem>>) src(%arg5 : memref<49152xf32, #tpu.memory_space<vmem>>) dst(%dma_wait3A_188 : memref<49152xf32, #tpu.memory_space<hbm>>)
      tpu.yield
    }) : () -> ()
    %add3A_121 = arith.constant 491520 : i32
    %add3A_122 = arith.addi %mul3A_2, %add3A_121 : i32
    %add3A_123 = arith.constant 491520 : i32
    %add3A_124 = arith.addi %select_n3A_11, %add3A_123 : i32
    "tpu.region"() ({
      %run_scoped3A = tpu.sem_alloc : memref<!tpu.dma_semaphore, #tpu.memory_space<semaphore_mem>>
      %dma_start3A = tpu.memref_slice %arg2[%add3A_122] : memref<25165824xf32, #tpu.memory_space<hbm>> -> memref<49152xf32, #tpu.memory_space<hbm>>
      %dma_start3A_187 = tpu.memref_slice %arg2[%add3A_122] : memref<25165824xf32, #tpu.memory_space<hbm>> -> memref<49152xf32, #tpu.memory_space<hbm>>
      tpu.enqueue_dma source(%dma_start3A_187 : memref<49152xf32, #tpu.memory_space<hbm>>) target(%arg5 : memref<49152xf32, #tpu.memory_space<vmem>>) target_semaphore(%run_scoped3A : memref<!tpu.dma_semaphore, #tpu.memory_space<semaphore_mem>>)
      %dma_wait3A = tpu.memref_slice %arg2[%add3A_122] : memref<25165824xf32, #tpu.memory_space<hbm>> -> memref<49152xf32, #tpu.memory_space<hbm>>
      %dma_wait3A_188 = tpu.memref_slice %arg2[%add3A_122] : memref<25165824xf32, #tpu.memory_space<hbm>> -> memref<49152xf32, #tpu.memory_space<hbm>>
      tpu.wait_dma2 semaphore(%run_scoped3A : memref<!tpu.dma_semaphore, #tpu.memory_space<semaphore_mem>>) src(%dma_wait3A_188 : memref<49152xf32, #tpu.memory_space<hbm>>) dst(%arg5 : memref<49152xf32, #tpu.memory_space<vmem>>)
      tpu.yield
    }) : () -> ()
    "tpu.region"() ({
      %run_scoped3A = tpu.sem_alloc : memref<!tpu.dma_semaphore, #tpu.memory_space<semaphore_mem>>
      %dma_start3A = tpu.memref_slice %arg3[%add3A_124] : memref<6291456xf32, #tpu.memory_space<hbm>> -> memref<49152xf32, #tpu.memory_space<hbm>>
      %dma_start3A_187 = tpu.memref_slice %arg3[%add3A_124] : memref<6291456xf32, #tpu.memory_space<hbm>> -> memref<49152xf32, #tpu.memory_space<hbm>>
      tpu.enqueue_dma source(%dma_start3A_187 : memref<49152xf32, #tpu.memory_space<hbm>>) target(%arg6 : memref<49152xf32, #tpu.memory_space<vmem>>) target_semaphore(%run_scoped3A : memref<!tpu.dma_semaphore, #tpu.memory_space<semaphore_mem>>)
      %dma_wait3A = tpu.memref_slice %arg3[%add3A_124] : memref<6291456xf32, #tpu.memory_space<hbm>> -> memref<49152xf32, #tpu.memory_space<hbm>>
      %dma_wait3A_188 = tpu.memref_slice %arg3[%add3A_124] : memref<6291456xf32, #tpu.memory_space<hbm>> -> memref<49152xf32, #tpu.memory_space<hbm>>
      tpu.wait_dma2 semaphore(%run_scoped3A : memref<!tpu.dma_semaphore, #tpu.memory_space<semaphore_mem>>) src(%dma_wait3A_188 : memref<49152xf32, #tpu.memory_space<hbm>>) dst(%arg6 : memref<49152xf32, #tpu.memory_space<vmem>>)
      tpu.yield
    }) : () -> ()
    %scan3A_125 = arith.constant 0 : i32
    %scan3A_126 = arith.constant 0 : i32
    %scan3A_127 = arith.constant 192 : i32
    %scan3A_128 = arith.addi %scan3A_126, %scan3A_127 : i32
    %scan3A_129 = arith.constant 1 : i32
    %scan3A_130 = scf.for %scan3A_187 = %scan3A_126 to %scan3A_128 step %scan3A_129 iter_args(%scan3A_188 = %scan3A_125) -> (i32)  : i32 {
      %mul3A_189 = arith.constant 256 : i32
      %mul3A_190 = arith.muli %scan3A_187, %mul3A_189 : i32
      %add3A_191 = arith.constant 0 : i32
      %add3A_192 = arith.addi %mul3A_190, %add3A_191 : i32
      %get3A = arith.index_cast %add3A_192 : i32 to index
      %get3A_193 = tpu.vector_load %arg5[%get3A] {strides = array<i32>} : memref<49152xf32, #tpu.memory_space<vmem>>, vector<16xf32>,
      %get3A_194 = vector.shape_cast %get3A_193 : vector<16xf32> to vector<16xf32>
      %get3A_195 = arith.index_cast %add3A_192 : i32 to index
      %get3A_196 = tpu.vector_load %arg6[%get3A_195] {strides = array<i32>} : memref<49152xf32, #tpu.memory_space<vmem>>, vector<16xf32>,
      %get3A_197 = vector.shape_cast %get3A_196 : vector<16xf32> to vector<16xf32>
      %add3A_198 = arith.addf %get3A_194, %get3A_197 : vector<16xf32>
      %swap3A = arith.index_cast %add3A_192 : i32 to index
      %swap3A_199 = tpu.vector_load %arg5[%swap3A] {strides = array<i32>} : memref<49152xf32, #tpu.memory_space<vmem>>, vector<16xf32>,
      %swap3A_200 = vector.shape_cast %swap3A_199 : vector<16xf32> to vector<16xf32>
      %swap3A_201 = vector.shape_cast %add3A_198 : vector<16xf32> to vector<16xf32>
      tpu.vector_store %arg5[%swap3A], %swap3A_201 {strides = array<i32>} : memref<49152xf32, #tpu.memory_space<vmem>>, vector<16xf32>,
      %add3A_202 = arith.constant 16 : i32
      %add3A_203 = arith.addi %mul3A_190, %add3A_202 : i32
      %get3A_204 = arith.index_cast %add3A_203 : i32 to index
      %get3A_205 = tpu.vector_load %arg5[%get3A_204] {strides = array<i32>} : memref<49152xf32, #tpu.memory_space<vmem>>, vector<16xf32>,
      %get3A_206 = vector.shape_cast %get3A_205 : vector<16xf32> to vector<16xf32>
      %get3A_207 = arith.index_cast %add3A_203 : i32 to index
      %get3A_208 = tpu.vector_load %arg6[%get3A_207] {strides = array<i32>} : memref<49152xf32, #tpu.memory_space<vmem>>, vector<16xf32>,
      %get3A_209 = vector.shape_cast %get3A_208 : vector<16xf32> to vector<16xf32>
      %add3A_210 = arith.addf %get3A_206, %get3A_209 : vector<16xf32>
      %swap3A_211 = arith.index_cast %add3A_203 : i32 to index
      %swap3A_212 = tpu.vector_load %arg5[%swap3A_211] {strides = array<i32>} : memref<49152xf32, #tpu.memory_space<vmem>>, vector<16xf32>,
      %swap3A_213 = vector.shape_cast %swap3A_212 : vector<16xf32> to vector<16xf32>
      %swap3A_214 = vector.shape_cast %add3A_210 : vector<16xf32> to vector<16xf32>
      tpu.vector_store %arg5[%swap3A_211], %swap3A_214 {strides = array<i32>} : memref<49152xf32, #tpu.memory_space<vmem>>, vector<16xf32>,
      %add3A_215 = arith.constant 32 : i32
      %add3A_216 = arith.addi %mul3A_190, %add3A_215 : i32
      %get3A_217 = arith.index_cast %add3A_216 : i32 to index
      %get3A_218 = tpu.vector_load %arg5[%get3A_217] {strides = array<i32>} : memref<49152xf32, #tpu.memory_space<vmem>>, vector<16xf32>,
      %get3A_219 = vector.shape_cast %get3A_218 : vector<16xf32> to vector<16xf32>
      %get3A_220 = arith.index_cast %add3A_216 : i32 to index
      %get3A_221 = tpu.vector_load %arg6[%get3A_220] {strides = array<i32>} : memref<49152xf32, #tpu.memory_space<vmem>>, vector<16xf32>,
      %get3A_222 = vector.shape_cast %get3A_221 : vector<16xf32> to vector<16xf32>
      %add3A_223 = arith.addf %get3A_219, %get3A_222 : vector<16xf32>
      %swap3A_224 = arith.index_cast %add3A_216 : i32 to index
      %swap3A_225 = tpu.vector_load %arg5[%swap3A_224] {strides = array<i32>} : memref<49152xf32, #tpu.memory_space<vmem>>, vector<16xf32>,
      %swap3A_226 = vector.shape_cast %swap3A_225 : vector<16xf32> to vector<16xf32>
      %swap3A_227 = vector.shape_cast %add3A_223 : vector<16xf32> to vector<16xf32>
      tpu.vector_store %arg5[%swap3A_224], %swap3A_227 {strides = array<i32>} : memref<49152xf32, #tpu.memory_space<vmem>>, vector<16xf32>,
      %add3A_228 = arith.constant 48 : i32
      %add3A_229 = arith.addi %mul3A_190, %add3A_228 : i32
      %get3A_230 = arith.index_cast %add3A_229 : i32 to index
      %get3A_231 = tpu.vector_load %arg5[%get3A_230] {strides = array<i32>} : memref<49152xf32, #tpu.memory_space<vmem>>, vector<16xf32>,
      %get3A_232 = vector.shape_cast %get3A_231 : vector<16xf32> to vector<16xf32>
      %get3A_233 = arith.index_cast %add3A_229 : i32 to index
      %get3A_234 = tpu.vector_load %arg6[%get3A_233] {strides = array<i32>} : memref<49152xf32, #tpu.memory_space<vmem>>, vector<16xf32>,
      %get3A_235 = vector.shape_cast %get3A_234 : vector<16xf32> to vector<16xf32>
      %add3A_236 = arith.addf %get3A_232, %get3A_235 : vector<16xf32>
      %swap3A_237 = arith.index_cast %add3A_229 : i32 to index
      %swap3A_238 = tpu.vector_load %arg5[%swap3A_237] {strides = array<i32>} : memref<49152xf32, #tpu.memory_space<vmem>>, vector<16xf32>,
      %swap3A_239 = vector.shape_cast %swap3A_238 : vector<16xf32> to vector<16xf32>
      %swap3A_240 = vector.shape_cast %add3A_236 : vector<16xf32> to vector<16xf32>
      tpu.vector_store %arg5[%swap3A_237], %swap3A_240 {strides = array<i32>} : memref<49152xf32, #tpu.memory_space<vmem>>, vector<16xf32>,
      %add3A_241 = arith.constant 64 : i32
      %add3A_242 = arith.addi %mul3A_190, %add3A_241 : i32
      %get3A_243 = arith.index_cast %add3A_242 : i32 to index
      %get3A_244 = tpu.vector_load %arg5[%get3A_243] {strides = array<i32>} : memref<49152xf32, #tpu.memory_space<vmem>>, vector<16xf32>,
      %get3A_245 = vector.shape_cast %get3A_244 : vector<16xf32> to vector<16xf32>
      %get3A_246 = arith.index_cast %add3A_242 : i32 to index
      %get3A_247 = tpu.vector_load %arg6[%get3A_246] {strides = array<i32>} : memref<49152xf32, #tpu.memory_space<vmem>>, vector<16xf32>,
      %get3A_248 = vector.shape_cast %get3A_247 : vector<16xf32> to vector<16xf32>
      %add3A_249 = arith.addf %get3A_245, %get3A_248 : vector<16xf32>
      %swap3A_250 = arith.index_cast %add3A_242 : i32 to index
      %swap3A_251 = tpu.vector_load %arg5[%swap3A_250] {strides = array<i32>} : memref<49152xf32, #tpu.memory_space<vmem>>, vector<16xf32>,
      %swap3A_252 = vector.shape_cast %swap3A_251 : vector<16xf32> to vector<16xf32>
      %swap3A_253 = vector.shape_cast %add3A_249 : vector<16xf32> to vector<16xf32>
      tpu.vector_store %arg5[%swap3A_250], %swap3A_253 {strides = array<i32>} : memref<49152xf32, #tpu.memory_space<vmem>>, vector<16xf32>,
      %add3A_254 = arith.constant 80 : i32
      %add3A_255 = arith.addi %mul3A_190, %add3A_254 : i32
      %get3A_256 = arith.index_cast %add3A_255 : i32 to index
      %get3A_257 = tpu.vector_load %arg5[%get3A_256] {strides = array<i32>} : memref<49152xf32, #tpu.memory_space<vmem>>, vector<16xf32>,
      %get3A_258 = vector.shape_cast %get3A_257 : vector<16xf32> to vector<16xf32>
      %get3A_259 = arith.index_cast %add3A_255 : i32 to index
      %get3A_260 = tpu.vector_load %arg6[%get3A_259] {strides = array<i32>} : memref<49152xf32, #tpu.memory_space<vmem>>, vector<16xf32>,
      %get3A_261 = vector.shape_cast %get3A_260 : vector<16xf32> to vector<16xf32>
      %add3A_262 = arith.addf %get3A_258, %get3A_261 : vector<16xf32>
      %swap3A_263 = arith.index_cast %add3A_255 : i32 to index
      %swap3A_264 = tpu.vector_load %arg5[%swap3A_263] {strides = array<i32>} : memref<49152xf32, #tpu.memory_space<vmem>>, vector<16xf32>,
      %swap3A_265 = vector.shape_cast %swap3A_264 : vector<16xf32> to vector<16xf32>
      %swap3A_266 = vector.shape_cast %add3A_262 : vector<16xf32> to vector<16xf32>
      tpu.vector_store %arg5[%swap3A_263], %swap3A_266 {strides = array<i32>} : memref<49152xf32, #tpu.memory_space<vmem>>, vector<16xf32>,
      %add3A_267 = arith.constant 96 : i32
      %add3A_268 = arith.addi %mul3A_190, %add3A_267 : i32
      %get3A_269 = arith.index_cast %add3A_268 : i32 to index
      %get3A_270 = tpu.vector_load %arg5[%get3A_269] {strides = array<i32>} : memref<49152xf32, #tpu.memory_space<vmem>>, vector<16xf32>,
      %get3A_271 = vector.shape_cast %get3A_270 : vector<16xf32> to vector<16xf32>
      %get3A_272 = arith.index_cast %add3A_268 : i32 to index
      %get3A_273 = tpu.vector_load %arg6[%get3A_272] {strides = array<i32>} : memref<49152xf32, #tpu.memory_space<vmem>>, vector<16xf32>,
      %get3A_274 = vector.shape_cast %get3A_273 : vector<16xf32> to vector<16xf32>
      %add3A_275 = arith.addf %get3A_271, %get3A_274 : vector<16xf32>
      %swap3A_276 = arith.index_cast %add3A_268 : i32 to index
      %swap3A_277 = tpu.vector_load %arg5[%swap3A_276] {strides = array<i32>} : memref<49152xf32, #tpu.memory_space<vmem>>, vector<16xf32>,
      %swap3A_278 = vector.shape_cast %swap3A_277 : vector<16xf32> to vector<16xf32>
      %swap3A_279 = vector.shape_cast %add3A_275 : vector<16xf32> to vector<16xf32>
      tpu.vector_store %arg5[%swap3A_276], %swap3A_279 {strides = array<i32>} : memref<49152xf32, #tpu.memory_space<vmem>>, vector<16xf32>,
      %add3A_280 = arith.constant 112 : i32
      %add3A_281 = arith.addi %mul3A_190, %add3A_280 : i32
      %get3A_282 = arith.index_cast %add3A_281 : i32 to index
      %get3A_283 = tpu.vector_load %arg5[%get3A_282] {strides = array<i32>} : memref<49152xf32, #tpu.memory_space<vmem>>, vector<16xf32>,
      %get3A_284 = vector.shape_cast %get3A_283 : vector<16xf32> to vector<16xf32>
      %get3A_285 = arith.index_cast %add3A_281 : i32 to index
      %get3A_286 = tpu.vector_load %arg6[%get3A_285] {strides = array<i32>} : memref<49152xf32, #tpu.memory_space<vmem>>, vector<16xf32>,
      %get3A_287 = vector.shape_cast %get3A_286 : vector<16xf32> to vector<16xf32>
      %add3A_288 = arith.addf %get3A_284, %get3A_287 : vector<16xf32>
      %swap3A_289 = arith.index_cast %add3A_281 : i32 to index
      %swap3A_290 = tpu.vector_load %arg5[%swap3A_289] {strides = array<i32>} : memref<49152xf32, #tpu.memory_space<vmem>>, vector<16xf32>,
      %swap3A_291 = vector.shape_cast %swap3A_290 : vector<16xf32> to vector<16xf32>
      %swap3A_292 = vector.shape_cast %add3A_288 : vector<16xf32> to vector<16xf32>
      tpu.vector_store %arg5[%swap3A_289], %swap3A_292 {strides = array<i32>} : memref<49152xf32, #tpu.memory_space<vmem>>, vector<16xf32>,
      %add3A_293 = arith.constant 128 : i32
      %add3A_294 = arith.addi %mul3A_190, %add3A_293 : i32
      %get3A_295 = arith.index_cast %add3A_294 : i32 to index
      %get3A_296 = tpu.vector_load %arg5[%get3A_295] {strides = array<i32>} : memref<49152xf32, #tpu.memory_space<vmem>>, vector<16xf32>,
      %get3A_297 = vector.shape_cast %get3A_296 : vector<16xf32> to vector<16xf32>
      %get3A_298 = arith.index_cast %add3A_294 : i32 to index
      %get3A_299 = tpu.vector_load %arg6[%get3A_298] {strides = array<i32>} : memref<49152xf32, #tpu.memory_space<vmem>>, vector<16xf32>,
      %get3A_300 = vector.shape_cast %get3A_299 : vector<16xf32> to vector<16xf32>
      %add3A_301 = arith.addf %get3A_297, %get3A_300 : vector<16xf32>
      %swap3A_302 = arith.index_cast %add3A_294 : i32 to index
      %swap3A_303 = tpu.vector_load %arg5[%swap3A_302] {strides = array<i32>} : memref<49152xf32, #tpu.memory_space<vmem>>, vector<16xf32>,
      %swap3A_304 = vector.shape_cast %swap3A_303 : vector<16xf32> to vector<16xf32>
      %swap3A_305 = vector.shape_cast %add3A_301 : vector<16xf32> to vector<16xf32>
      tpu.vector_store %arg5[%swap3A_302], %swap3A_305 {strides = array<i32>} : memref<49152xf32, #tpu.memory_space<vmem>>, vector<16xf32>,
      %add3A_306 = arith.constant 144 : i32
      %add3A_307 = arith.addi %mul3A_190, %add3A_306 : i32
      %get3A_308 = arith.index_cast %add3A_307 : i32 to index
      %get3A_309 = tpu.vector_load %arg5[%get3A_308] {strides = array<i32>} : memref<49152xf32, #tpu.memory_space<vmem>>, vector<16xf32>,
      %get3A_310 = vector.shape_cast %get3A_309 : vector<16xf32> to vector<16xf32>
      %get3A_311 = arith.index_cast %add3A_307 : i32 to index
      %get3A_312 = tpu.vector_load %arg6[%get3A_311] {strides = array<i32>} : memref<49152xf32, #tpu.memory_space<vmem>>, vector<16xf32>,
      %get3A_313 = vector.shape_cast %get3A_312 : vector<16xf32> to vector<16xf32>
      %add3A_314 = arith.addf %get3A_310, %get3A_313 : vector<16xf32>
      %swap3A_315 = arith.index_cast %add3A_307 : i32 to index
      %swap3A_316 = tpu.vector_load %arg5[%swap3A_315] {strides = array<i32>} : memref<49152xf32, #tpu.memory_space<vmem>>, vector<16xf32>,
      %swap3A_317 = vector.shape_cast %swap3A_316 : vector<16xf32> to vector<16xf32>
      %swap3A_318 = vector.shape_cast %add3A_314 : vector<16xf32> to vector<16xf32>
      tpu.vector_store %arg5[%swap3A_315], %swap3A_318 {strides = array<i32>} : memref<49152xf32, #tpu.memory_space<vmem>>, vector<16xf32>,
      %add3A_319 = arith.constant 160 : i32
      %add3A_320 = arith.addi %mul3A_190, %add3A_319 : i32
      %get3A_321 = arith.index_cast %add3A_320 : i32 to index
      %get3A_322 = tpu.vector_load %arg5[%get3A_321] {strides = array<i32>} : memref<49152xf32, #tpu.memory_space<vmem>>, vector<16xf32>,
      %get3A_323 = vector.shape_cast %get3A_322 : vector<16xf32> to vector<16xf32>
      %get3A_324 = arith.index_cast %add3A_320 : i32 to index
      %get3A_325 = tpu.vector_load %arg6[%get3A_324] {strides = array<i32>} : memref<49152xf32, #tpu.memory_space<vmem>>, vector<16xf32>,
      %get3A_326 = vector.shape_cast %get3A_325 : vector<16xf32> to vector<16xf32>
      %add3A_327 = arith.addf %get3A_323, %get3A_326 : vector<16xf32>
      %swap3A_328 = arith.index_cast %add3A_320 : i32 to index
      %swap3A_329 = tpu.vector_load %arg5[%swap3A_328] {strides = array<i32>} : memref<49152xf32, #tpu.memory_space<vmem>>, vector<16xf32>,
      %swap3A_330 = vector.shape_cast %swap3A_329 : vector<16xf32> to vector<16xf32>
      %swap3A_331 = vector.shape_cast %add3A_327 : vector<16xf32> to vector<16xf32>
      tpu.vector_store %arg5[%swap3A_328], %swap3A_331 {strides = array<i32>} : memref<49152xf32, #tpu.memory_space<vmem>>, vector<16xf32>,
      %add3A_332 = arith.constant 176 : i32
      %add3A_333 = arith.addi %mul3A_190, %add3A_332 : i32
      %get3A_334 = arith.index_cast %add3A_333 : i32 to index
      %get3A_335 = tpu.vector_load %arg5[%get3A_334] {strides = array<i32>} : memref<49152xf32, #tpu.memory_space<vmem>>, vector<16xf32>,
      %get3A_336 = vector.shape_cast %get3A_335 : vector<16xf32> to vector<16xf32>
      %get3A_337 = arith.index_cast %add3A_333 : i32 to index
      %get3A_338 = tpu.vector_load %arg6[%get3A_337] {strides = array<i32>} : memref<49152xf32, #tpu.memory_space<vmem>>, vector<16xf32>,
      %get3A_339 = vector.shape_cast %get3A_338 : vector<16xf32> to vector<16xf32>
      %add3A_340 = arith.addf %get3A_336, %get3A_339 : vector<16xf32>
      %swap3A_341 = arith.index_cast %add3A_333 : i32 to index
      %swap3A_342 = tpu.vector_load %arg5[%swap3A_341] {strides = array<i32>} : memref<49152xf32, #tpu.memory_space<vmem>>, vector<16xf32>,
      %swap3A_343 = vector.shape_cast %swap3A_342 : vector<16xf32> to vector<16xf32>
      %swap3A_344 = vector.shape_cast %add3A_340 : vector<16xf32> to vector<16xf32>
      tpu.vector_store %arg5[%swap3A_341], %swap3A_344 {strides = array<i32>} : memref<49152xf32, #tpu.memory_space<vmem>>, vector<16xf32>,
      %add3A_345 = arith.constant 192 : i32
      %add3A_346 = arith.addi %mul3A_190, %add3A_345 : i32
      %get3A_347 = arith.index_cast %add3A_346 : i32 to index
      %get3A_348 = tpu.vector_load %arg5[%get3A_347] {strides = array<i32>} : memref<49152xf32, #tpu.memory_space<vmem>>, vector<16xf32>,
      %get3A_349 = vector.shape_cast %get3A_348 : vector<16xf32> to vector<16xf32>
      %get3A_350 = arith.index_cast %add3A_346 : i32 to index
      %get3A_351 = tpu.vector_load %arg6[%get3A_350] {strides = array<i32>} : memref<49152xf32, #tpu.memory_space<vmem>>, vector<16xf32>,
      %get3A_352 = vector.shape_cast %get3A_351 : vector<16xf32> to vector<16xf32>
      %add3A_353 = arith.addf %get3A_349, %get3A_352 : vector<16xf32>
      %swap3A_354 = arith.index_cast %add3A_346 : i32 to index
      %swap3A_355 = tpu.vector_load %arg5[%swap3A_354] {strides = array<i32>} : memref<49152xf32, #tpu.memory_space<vmem>>, vector<16xf32>,
      %swap3A_356 = vector.shape_cast %swap3A_355 : vector<16xf32> to vector<16xf32>
      %swap3A_357 = vector.shape_cast %add3A_353 : vector<16xf32> to vector<16xf32>
      tpu.vector_store %arg5[%swap3A_354], %swap3A_357 {strides = array<i32>} : memref<49152xf32, #tpu.memory_space<vmem>>, vector<16xf32>,
      %add3A_358 = arith.constant 208 : i32
      %add3A_359 = arith.addi %mul3A_190, %add3A_358 : i32
      %get3A_360 = arith.index_cast %add3A_359 : i32 to index
      %get3A_361 = tpu.vector_load %arg5[%get3A_360] {strides = array<i32>} : memref<49152xf32, #tpu.memory_space<vmem>>, vector<16xf32>,
      %get3A_362 = vector.shape_cast %get3A_361 : vector<16xf32> to vector<16xf32>
      %get3A_363 = arith.index_cast %add3A_359 : i32 to index
      %get3A_364 = tpu.vector_load %arg6[%get3A_363] {strides = array<i32>} : memref<49152xf32, #tpu.memory_space<vmem>>, vector<16xf32>,
      %get3A_365 = vector.shape_cast %get3A_364 : vector<16xf32> to vector<16xf32>
      %add3A_366 = arith.addf %get3A_362, %get3A_365 : vector<16xf32>
      %swap3A_367 = arith.index_cast %add3A_359 : i32 to index
      %swap3A_368 = tpu.vector_load %arg5[%swap3A_367] {strides = array<i32>} : memref<49152xf32, #tpu.memory_space<vmem>>, vector<16xf32>,
      %swap3A_369 = vector.shape_cast %swap3A_368 : vector<16xf32> to vector<16xf32>
      %swap3A_370 = vector.shape_cast %add3A_366 : vector<16xf32> to vector<16xf32>
      tpu.vector_store %arg5[%swap3A_367], %swap3A_370 {strides = array<i32>} : memref<49152xf32, #tpu.memory_space<vmem>>, vector<16xf32>,
      %add3A_371 = arith.constant 224 : i32
      %add3A_372 = arith.addi %mul3A_190, %add3A_371 : i32
      %get3A_373 = arith.index_cast %add3A_372 : i32 to index
      %get3A_374 = tpu.vector_load %arg5[%get3A_373] {strides = array<i32>} : memref<49152xf32, #tpu.memory_space<vmem>>, vector<16xf32>,
      %get3A_375 = vector.shape_cast %get3A_374 : vector<16xf32> to vector<16xf32>
      %get3A_376 = arith.index_cast %add3A_372 : i32 to index
      %get3A_377 = tpu.vector_load %arg6[%get3A_376] {strides = array<i32>} : memref<49152xf32, #tpu.memory_space<vmem>>, vector<16xf32>,
      %get3A_378 = vector.shape_cast %get3A_377 : vector<16xf32> to vector<16xf32>
      %add3A_379 = arith.addf %get3A_375, %get3A_378 : vector<16xf32>
      %swap3A_380 = arith.index_cast %add3A_372 : i32 to index
      %swap3A_381 = tpu.vector_load %arg5[%swap3A_380] {strides = array<i32>} : memref<49152xf32, #tpu.memory_space<vmem>>, vector<16xf32>,
      %swap3A_382 = vector.shape_cast %swap3A_381 : vector<16xf32> to vector<16xf32>
      %swap3A_383 = vector.shape_cast %add3A_379 : vector<16xf32> to vector<16xf32>
      tpu.vector_store %arg5[%swap3A_380], %swap3A_383 {strides = array<i32>} : memref<49152xf32, #tpu.memory_space<vmem>>, vector<16xf32>,
      %add3A_384 = arith.constant 240 : i32
      %add3A_385 = arith.addi %mul3A_190, %add3A_384 : i32
      %get3A_386 = arith.index_cast %add3A_385 : i32 to index
      %get3A_387 = tpu.vector_load %arg5[%get3A_386] {strides = array<i32>} : memref<49152xf32, #tpu.memory_space<vmem>>, vector<16xf32>,
      %get3A_388 = vector.shape_cast %get3A_387 : vector<16xf32> to vector<16xf32>
      %get3A_389 = arith.index_cast %add3A_385 : i32 to index
      %get3A_390 = tpu.vector_load %arg6[%get3A_389] {strides = array<i32>} : memref<49152xf32, #tpu.memory_space<vmem>>, vector<16xf32>,
      %get3A_391 = vector.shape_cast %get3A_390 : vector<16xf32> to vector<16xf32>
      %add3A_392 = arith.addf %get3A_388, %get3A_391 : vector<16xf32>
      %swap3A_393 = arith.index_cast %add3A_385 : i32 to index
      %swap3A_394 = tpu.vector_load %arg5[%swap3A_393] {strides = array<i32>} : memref<49152xf32, #tpu.memory_space<vmem>>, vector<16xf32>,
      %swap3A_395 = vector.shape_cast %swap3A_394 : vector<16xf32> to vector<16xf32>
      %swap3A_396 = vector.shape_cast %add3A_392 : vector<16xf32> to vector<16xf32>
      tpu.vector_store %arg5[%swap3A_393], %swap3A_396 {strides = array<i32>} : memref<49152xf32, #tpu.memory_space<vmem>>, vector<16xf32>,
      %scan3A_397 = arith.constant 0 : i32
      scf.yield %scan3A_397 : i32
    }
    %scan3A_131 = arith.constant 192 : i32
    "tpu.region"() ({
      %run_scoped3A = tpu.sem_alloc : memref<!tpu.dma_semaphore, #tpu.memory_space<semaphore_mem>>
      %dma_start3A = tpu.memref_slice %arg4[%add3A_122] : memref<25165824xf32, #tpu.memory_space<hbm>> -> memref<49152xf32, #tpu.memory_space<hbm>>
      %dma_start3A_187 = tpu.memref_slice %arg4[%add3A_122] : memref<25165824xf32, #tpu.memory_space<hbm>> -> memref<49152xf32, #tpu.memory_space<hbm>>
      tpu.enqueue_dma source(%arg5 : memref<49152xf32, #tpu.memory_space<vmem>>) target(%dma_start3A_187 : memref<49152xf32, #tpu.memory_space<hbm>>) target_semaphore(%run_scoped3A : memref<!tpu.dma_semaphore, #tpu.memory_space<semaphore_mem>>)
      %dma_wait3A = tpu.memref_slice %arg4[%add3A_122] : memref<25165824xf32, #tpu.memory_space<hbm>> -> memref<49152xf32, #tpu.memory_space<hbm>>
      %dma_wait3A_188 = tpu.memref_slice %arg4[%add3A_122] : memref<25165824xf32, #tpu.memory_space<hbm>> -> memref<49152xf32, #tpu.memory_space<hbm>>
      tpu.wait_dma2 semaphore(%run_scoped3A : memref<!tpu.dma_semaphore, #tpu.memory_space<semaphore_mem>>) src(%arg5 : memref<49152xf32, #tpu.memory_space<vmem>>) dst(%dma_wait3A_188 : memref<49152xf32, #tpu.memory_space<hbm>>)
      tpu.yield
    }) : () -> ()
    %add3A_132 = arith.constant 540672 : i32
    %add3A_133 = arith.addi %mul3A_2, %add3A_132 : i32
    %add3A_134 = arith.constant 540672 : i32
    %add3A_135 = arith.addi %select_n3A_11, %add3A_134 : i32
    "tpu.region"() ({
      %run_scoped3A = tpu.sem_alloc : memref<!tpu.dma_semaphore, #tpu.memory_space<semaphore_mem>>
      %dma_start3A = tpu.memref_slice %arg2[%add3A_133] : memref<25165824xf32, #tpu.memory_space<hbm>> -> memref<49152xf32, #tpu.memory_space<hbm>>
      %dma_start3A_187 = tpu.memref_slice %arg2[%add3A_133] : memref<25165824xf32, #tpu.memory_space<hbm>> -> memref<49152xf32, #tpu.memory_space<hbm>>
      tpu.enqueue_dma source(%dma_start3A_187 : memref<49152xf32, #tpu.memory_space<hbm>>) target(%arg5 : memref<49152xf32, #tpu.memory_space<vmem>>) target_semaphore(%run_scoped3A : memref<!tpu.dma_semaphore, #tpu.memory_space<semaphore_mem>>)
      %dma_wait3A = tpu.memref_slice %arg2[%add3A_133] : memref<25165824xf32, #tpu.memory_space<hbm>> -> memref<49152xf32, #tpu.memory_space<hbm>>
      %dma_wait3A_188 = tpu.memref_slice %arg2[%add3A_133] : memref<25165824xf32, #tpu.memory_space<hbm>> -> memref<49152xf32, #tpu.memory_space<hbm>>
      tpu.wait_dma2 semaphore(%run_scoped3A : memref<!tpu.dma_semaphore, #tpu.memory_space<semaphore_mem>>) src(%dma_wait3A_188 : memref<49152xf32, #tpu.memory_space<hbm>>) dst(%arg5 : memref<49152xf32, #tpu.memory_space<vmem>>)
      tpu.yield
    }) : () -> ()
    "tpu.region"() ({
      %run_scoped3A = tpu.sem_alloc : memref<!tpu.dma_semaphore, #tpu.memory_space<semaphore_mem>>
      %dma_start3A = tpu.memref_slice %arg3[%add3A_135] : memref<6291456xf32, #tpu.memory_space<hbm>> -> memref<49152xf32, #tpu.memory_space<hbm>>
      %dma_start3A_187 = tpu.memref_slice %arg3[%add3A_135] : memref<6291456xf32, #tpu.memory_space<hbm>> -> memref<49152xf32, #tpu.memory_space<hbm>>
      tpu.enqueue_dma source(%dma_start3A_187 : memref<49152xf32, #tpu.memory_space<hbm>>) target(%arg6 : memref<49152xf32, #tpu.memory_space<vmem>>) target_semaphore(%run_scoped3A : memref<!tpu.dma_semaphore, #tpu.memory_space<semaphore_mem>>)
      %dma_wait3A = tpu.memref_slice %arg3[%add3A_135] : memref<6291456xf32, #tpu.memory_space<hbm>> -> memref<49152xf32, #tpu.memory_space<hbm>>
      %dma_wait3A_188 = tpu.memref_slice %arg3[%add3A_135] : memref<6291456xf32, #tpu.memory_space<hbm>> -> memref<49152xf32, #tpu.memory_space<hbm>>
      tpu.wait_dma2 semaphore(%run_scoped3A : memref<!tpu.dma_semaphore, #tpu.memory_space<semaphore_mem>>) src(%dma_wait3A_188 : memref<49152xf32, #tpu.memory_space<hbm>>) dst(%arg6 : memref<49152xf32, #tpu.memory_space<vmem>>)
      tpu.yield
    }) : () -> ()
    %scan3A_136 = arith.constant 0 : i32
    %scan3A_137 = arith.constant 0 : i32
    %scan3A_138 = arith.constant 192 : i32
    %scan3A_139 = arith.addi %scan3A_137, %scan3A_138 : i32
    %scan3A_140 = arith.constant 1 : i32
    %scan3A_141 = scf.for %scan3A_187 = %scan3A_137 to %scan3A_139 step %scan3A_140 iter_args(%scan3A_188 = %scan3A_136) -> (i32)  : i32 {
      %mul3A_189 = arith.constant 256 : i32
      %mul3A_190 = arith.muli %scan3A_187, %mul3A_189 : i32
      %add3A_191 = arith.constant 0 : i32
      %add3A_192 = arith.addi %mul3A_190, %add3A_191 : i32
      %get3A = arith.index_cast %add3A_192 : i32 to index
      %get3A_193 = tpu.vector_load %arg5[%get3A] {strides = array<i32>} : memref<49152xf32, #tpu.memory_space<vmem>>, vector<16xf32>,
      %get3A_194 = vector.shape_cast %get3A_193 : vector<16xf32> to vector<16xf32>
      %get3A_195 = arith.index_cast %add3A_192 : i32 to index
      %get3A_196 = tpu.vector_load %arg6[%get3A_195] {strides = array<i32>} : memref<49152xf32, #tpu.memory_space<vmem>>, vector<16xf32>,
      %get3A_197 = vector.shape_cast %get3A_196 : vector<16xf32> to vector<16xf32>
      %add3A_198 = arith.addf %get3A_194, %get3A_197 : vector<16xf32>
      %swap3A = arith.index_cast %add3A_192 : i32 to index
      %swap3A_199 = tpu.vector_load %arg5[%swap3A] {strides = array<i32>} : memref<49152xf32, #tpu.memory_space<vmem>>, vector<16xf32>,
      %swap3A_200 = vector.shape_cast %swap3A_199 : vector<16xf32> to vector<16xf32>
      %swap3A_201 = vector.shape_cast %add3A_198 : vector<16xf32> to vector<16xf32>
      tpu.vector_store %arg5[%swap3A], %swap3A_201 {strides = array<i32>} : memref<49152xf32, #tpu.memory_space<vmem>>, vector<16xf32>,
      %add3A_202 = arith.constant 16 : i32
      %add3A_203 = arith.addi %mul3A_190, %add3A_202 : i32
      %get3A_204 = arith.index_cast %add3A_203 : i32 to index
      %get3A_205 = tpu.vector_load %arg5[%get3A_204] {strides = array<i32>} : memref<49152xf32, #tpu.memory_space<vmem>>, vector<16xf32>,
      %get3A_206 = vector.shape_cast %get3A_205 : vector<16xf32> to vector<16xf32>
      %get3A_207 = arith.index_cast %add3A_203 : i32 to index
      %get3A_208 = tpu.vector_load %arg6[%get3A_207] {strides = array<i32>} : memref<49152xf32, #tpu.memory_space<vmem>>, vector<16xf32>,
      %get3A_209 = vector.shape_cast %get3A_208 : vector<16xf32> to vector<16xf32>
      %add3A_210 = arith.addf %get3A_206, %get3A_209 : vector<16xf32>
      %swap3A_211 = arith.index_cast %add3A_203 : i32 to index
      %swap3A_212 = tpu.vector_load %arg5[%swap3A_211] {strides = array<i32>} : memref<49152xf32, #tpu.memory_space<vmem>>, vector<16xf32>,
      %swap3A_213 = vector.shape_cast %swap3A_212 : vector<16xf32> to vector<16xf32>
      %swap3A_214 = vector.shape_cast %add3A_210 : vector<16xf32> to vector<16xf32>
      tpu.vector_store %arg5[%swap3A_211], %swap3A_214 {strides = array<i32>} : memref<49152xf32, #tpu.memory_space<vmem>>, vector<16xf32>,
      %add3A_215 = arith.constant 32 : i32
      %add3A_216 = arith.addi %mul3A_190, %add3A_215 : i32
      %get3A_217 = arith.index_cast %add3A_216 : i32 to index
      %get3A_218 = tpu.vector_load %arg5[%get3A_217] {strides = array<i32>} : memref<49152xf32, #tpu.memory_space<vmem>>, vector<16xf32>,
      %get3A_219 = vector.shape_cast %get3A_218 : vector<16xf32> to vector<16xf32>
      %get3A_220 = arith.index_cast %add3A_216 : i32 to index
      %get3A_221 = tpu.vector_load %arg6[%get3A_220] {strides = array<i32>} : memref<49152xf32, #tpu.memory_space<vmem>>, vector<16xf32>,
      %get3A_222 = vector.shape_cast %get3A_221 : vector<16xf32> to vector<16xf32>
      %add3A_223 = arith.addf %get3A_219, %get3A_222 : vector<16xf32>
      %swap3A_224 = arith.index_cast %add3A_216 : i32 to index
      %swap3A_225 = tpu.vector_load %arg5[%swap3A_224] {strides = array<i32>} : memref<49152xf32, #tpu.memory_space<vmem>>, vector<16xf32>,
      %swap3A_226 = vector.shape_cast %swap3A_225 : vector<16xf32> to vector<16xf32>
      %swap3A_227 = vector.shape_cast %add3A_223 : vector<16xf32> to vector<16xf32>
      tpu.vector_store %arg5[%swap3A_224], %swap3A_227 {strides = array<i32>} : memref<49152xf32, #tpu.memory_space<vmem>>, vector<16xf32>,
      %add3A_228 = arith.constant 48 : i32
      %add3A_229 = arith.addi %mul3A_190, %add3A_228 : i32
      %get3A_230 = arith.index_cast %add3A_229 : i32 to index
      %get3A_231 = tpu.vector_load %arg5[%get3A_230] {strides = array<i32>} : memref<49152xf32, #tpu.memory_space<vmem>>, vector<16xf32>,
      %get3A_232 = vector.shape_cast %get3A_231 : vector<16xf32> to vector<16xf32>
      %get3A_233 = arith.index_cast %add3A_229 : i32 to index
      %get3A_234 = tpu.vector_load %arg6[%get3A_233] {strides = array<i32>} : memref<49152xf32, #tpu.memory_space<vmem>>, vector<16xf32>,
      %get3A_235 = vector.shape_cast %get3A_234 : vector<16xf32> to vector<16xf32>
      %add3A_236 = arith.addf %get3A_232, %get3A_235 : vector<16xf32>
      %swap3A_237 = arith.index_cast %add3A_229 : i32 to index
      %swap3A_238 = tpu.vector_load %arg5[%swap3A_237] {strides = array<i32>} : memref<49152xf32, #tpu.memory_space<vmem>>, vector<16xf32>,
      %swap3A_239 = vector.shape_cast %swap3A_238 : vector<16xf32> to vector<16xf32>
      %swap3A_240 = vector.shape_cast %add3A_236 : vector<16xf32> to vector<16xf32>
      tpu.vector_store %arg5[%swap3A_237], %swap3A_240 {strides = array<i32>} : memref<49152xf32, #tpu.memory_space<vmem>>, vector<16xf32>,
      %add3A_241 = arith.constant 64 : i32
      %add3A_242 = arith.addi %mul3A_190, %add3A_241 : i32
      %get3A_243 = arith.index_cast %add3A_242 : i32 to index
      %get3A_244 = tpu.vector_load %arg5[%get3A_243] {strides = array<i32>} : memref<49152xf32, #tpu.memory_space<vmem>>, vector<16xf32>,
      %get3A_245 = vector.shape_cast %get3A_244 : vector<16xf32> to vector<16xf32>
      %get3A_246 = arith.index_cast %add3A_242 : i32 to index
      %get3A_247 = tpu.vector_load %arg6[%get3A_246] {strides = array<i32>} : memref<49152xf32, #tpu.memory_space<vmem>>, vector<16xf32>,
      %get3A_248 = vector.shape_cast %get3A_247 : vector<16xf32> to vector<16xf32>
      %add3A_249 = arith.addf %get3A_245, %get3A_248 : vector<16xf32>
      %swap3A_250 = arith.index_cast %add3A_242 : i32 to index
      %swap3A_251 = tpu.vector_load %arg5[%swap3A_250] {strides = array<i32>} : memref<49152xf32, #tpu.memory_space<vmem>>, vector<16xf32>,
      %swap3A_252 = vector.shape_cast %swap3A_251 : vector<16xf32> to vector<16xf32>
      %swap3A_253 = vector.shape_cast %add3A_249 : vector<16xf32> to vector<16xf32>
      tpu.vector_store %arg5[%swap3A_250], %swap3A_253 {strides = array<i32>} : memref<49152xf32, #tpu.memory_space<vmem>>, vector<16xf32>,
      %add3A_254 = arith.constant 80 : i32
      %add3A_255 = arith.addi %mul3A_190, %add3A_254 : i32
      %get3A_256 = arith.index_cast %add3A_255 : i32 to index
      %get3A_257 = tpu.vector_load %arg5[%get3A_256] {strides = array<i32>} : memref<49152xf32, #tpu.memory_space<vmem>>, vector<16xf32>,
      %get3A_258 = vector.shape_cast %get3A_257 : vector<16xf32> to vector<16xf32>
      %get3A_259 = arith.index_cast %add3A_255 : i32 to index
      %get3A_260 = tpu.vector_load %arg6[%get3A_259] {strides = array<i32>} : memref<49152xf32, #tpu.memory_space<vmem>>, vector<16xf32>,
      %get3A_261 = vector.shape_cast %get3A_260 : vector<16xf32> to vector<16xf32>
      %add3A_262 = arith.addf %get3A_258, %get3A_261 : vector<16xf32>
      %swap3A_263 = arith.index_cast %add3A_255 : i32 to index
      %swap3A_264 = tpu.vector_load %arg5[%swap3A_263] {strides = array<i32>} : memref<49152xf32, #tpu.memory_space<vmem>>, vector<16xf32>,
      %swap3A_265 = vector.shape_cast %swap3A_264 : vector<16xf32> to vector<16xf32>
      %swap3A_266 = vector.shape_cast %add3A_262 : vector<16xf32> to vector<16xf32>
      tpu.vector_store %arg5[%swap3A_263], %swap3A_266 {strides = array<i32>} : memref<49152xf32, #tpu.memory_space<vmem>>, vector<16xf32>,
      %add3A_267 = arith.constant 96 : i32
      %add3A_268 = arith.addi %mul3A_190, %add3A_267 : i32
      %get3A_269 = arith.index_cast %add3A_268 : i32 to index
      %get3A_270 = tpu.vector_load %arg5[%get3A_269] {strides = array<i32>} : memref<49152xf32, #tpu.memory_space<vmem>>, vector<16xf32>,
      %get3A_271 = vector.shape_cast %get3A_270 : vector<16xf32> to vector<16xf32>
      %get3A_272 = arith.index_cast %add3A_268 : i32 to index
      %get3A_273 = tpu.vector_load %arg6[%get3A_272] {strides = array<i32>} : memref<49152xf32, #tpu.memory_space<vmem>>, vector<16xf32>,
      %get3A_274 = vector.shape_cast %get3A_273 : vector<16xf32> to vector<16xf32>
      %add3A_275 = arith.addf %get3A_271, %get3A_274 : vector<16xf32>
      %swap3A_276 = arith.index_cast %add3A_268 : i32 to index
      %swap3A_277 = tpu.vector_load %arg5[%swap3A_276] {strides = array<i32>} : memref<49152xf32, #tpu.memory_space<vmem>>, vector<16xf32>,
      %swap3A_278 = vector.shape_cast %swap3A_277 : vector<16xf32> to vector<16xf32>
      %swap3A_279 = vector.shape_cast %add3A_275 : vector<16xf32> to vector<16xf32>
      tpu.vector_store %arg5[%swap3A_276], %swap3A_279 {strides = array<i32>} : memref<49152xf32, #tpu.memory_space<vmem>>, vector<16xf32>,
      %add3A_280 = arith.constant 112 : i32
      %add3A_281 = arith.addi %mul3A_190, %add3A_280 : i32
      %get3A_282 = arith.index_cast %add3A_281 : i32 to index
      %get3A_283 = tpu.vector_load %arg5[%get3A_282] {strides = array<i32>} : memref<49152xf32, #tpu.memory_space<vmem>>, vector<16xf32>,
      %get3A_284 = vector.shape_cast %get3A_283 : vector<16xf32> to vector<16xf32>
      %get3A_285 = arith.index_cast %add3A_281 : i32 to index
      %get3A_286 = tpu.vector_load %arg6[%get3A_285] {strides = array<i32>} : memref<49152xf32, #tpu.memory_space<vmem>>, vector<16xf32>,
      %get3A_287 = vector.shape_cast %get3A_286 : vector<16xf32> to vector<16xf32>
      %add3A_288 = arith.addf %get3A_284, %get3A_287 : vector<16xf32>
      %swap3A_289 = arith.index_cast %add3A_281 : i32 to index
      %swap3A_290 = tpu.vector_load %arg5[%swap3A_289] {strides = array<i32>} : memref<49152xf32, #tpu.memory_space<vmem>>, vector<16xf32>,
      %swap3A_291 = vector.shape_cast %swap3A_290 : vector<16xf32> to vector<16xf32>
      %swap3A_292 = vector.shape_cast %add3A_288 : vector<16xf32> to vector<16xf32>
      tpu.vector_store %arg5[%swap3A_289], %swap3A_292 {strides = array<i32>} : memref<49152xf32, #tpu.memory_space<vmem>>, vector<16xf32>,
      %add3A_293 = arith.constant 128 : i32
      %add3A_294 = arith.addi %mul3A_190, %add3A_293 : i32
      %get3A_295 = arith.index_cast %add3A_294 : i32 to index
      %get3A_296 = tpu.vector_load %arg5[%get3A_295] {strides = array<i32>} : memref<49152xf32, #tpu.memory_space<vmem>>, vector<16xf32>,
      %get3A_297 = vector.shape_cast %get3A_296 : vector<16xf32> to vector<16xf32>
      %get3A_298 = arith.index_cast %add3A_294 : i32 to index
      %get3A_299 = tpu.vector_load %arg6[%get3A_298] {strides = array<i32>} : memref<49152xf32, #tpu.memory_space<vmem>>, vector<16xf32>,
      %get3A_300 = vector.shape_cast %get3A_299 : vector<16xf32> to vector<16xf32>
      %add3A_301 = arith.addf %get3A_297, %get3A_300 : vector<16xf32>
      %swap3A_302 = arith.index_cast %add3A_294 : i32 to index
      %swap3A_303 = tpu.vector_load %arg5[%swap3A_302] {strides = array<i32>} : memref<49152xf32, #tpu.memory_space<vmem>>, vector<16xf32>,
      %swap3A_304 = vector.shape_cast %swap3A_303 : vector<16xf32> to vector<16xf32>
      %swap3A_305 = vector.shape_cast %add3A_301 : vector<16xf32> to vector<16xf32>
      tpu.vector_store %arg5[%swap3A_302], %swap3A_305 {strides = array<i32>} : memref<49152xf32, #tpu.memory_space<vmem>>, vector<16xf32>,
      %add3A_306 = arith.constant 144 : i32
      %add3A_307 = arith.addi %mul3A_190, %add3A_306 : i32
      %get3A_308 = arith.index_cast %add3A_307 : i32 to index
      %get3A_309 = tpu.vector_load %arg5[%get3A_308] {strides = array<i32>} : memref<49152xf32, #tpu.memory_space<vmem>>, vector<16xf32>,
      %get3A_310 = vector.shape_cast %get3A_309 : vector<16xf32> to vector<16xf32>
      %get3A_311 = arith.index_cast %add3A_307 : i32 to index
      %get3A_312 = tpu.vector_load %arg6[%get3A_311] {strides = array<i32>} : memref<49152xf32, #tpu.memory_space<vmem>>, vector<16xf32>,
      %get3A_313 = vector.shape_cast %get3A_312 : vector<16xf32> to vector<16xf32>
      %add3A_314 = arith.addf %get3A_310, %get3A_313 : vector<16xf32>
      %swap3A_315 = arith.index_cast %add3A_307 : i32 to index
      %swap3A_316 = tpu.vector_load %arg5[%swap3A_315] {strides = array<i32>} : memref<49152xf32, #tpu.memory_space<vmem>>, vector<16xf32>,
      %swap3A_317 = vector.shape_cast %swap3A_316 : vector<16xf32> to vector<16xf32>
      %swap3A_318 = vector.shape_cast %add3A_314 : vector<16xf32> to vector<16xf32>
      tpu.vector_store %arg5[%swap3A_315], %swap3A_318 {strides = array<i32>} : memref<49152xf32, #tpu.memory_space<vmem>>, vector<16xf32>,
      %add3A_319 = arith.constant 160 : i32
      %add3A_320 = arith.addi %mul3A_190, %add3A_319 : i32
      %get3A_321 = arith.index_cast %add3A_320 : i32 to index
      %get3A_322 = tpu.vector_load %arg5[%get3A_321] {strides = array<i32>} : memref<49152xf32, #tpu.memory_space<vmem>>, vector<16xf32>,
      %get3A_323 = vector.shape_cast %get3A_322 : vector<16xf32> to vector<16xf32>
      %get3A_324 = arith.index_cast %add3A_320 : i32 to index
      %get3A_325 = tpu.vector_load %arg6[%get3A_324] {strides = array<i32>} : memref<49152xf32, #tpu.memory_space<vmem>>, vector<16xf32>,
      %get3A_326 = vector.shape_cast %get3A_325 : vector<16xf32> to vector<16xf32>
      %add3A_327 = arith.addf %get3A_323, %get3A_326 : vector<16xf32>
      %swap3A_328 = arith.index_cast %add3A_320 : i32 to index
      %swap3A_329 = tpu.vector_load %arg5[%swap3A_328] {strides = array<i32>} : memref<49152xf32, #tpu.memory_space<vmem>>, vector<16xf32>,
      %swap3A_330 = vector.shape_cast %swap3A_329 : vector<16xf32> to vector<16xf32>
      %swap3A_331 = vector.shape_cast %add3A_327 : vector<16xf32> to vector<16xf32>
      tpu.vector_store %arg5[%swap3A_328], %swap3A_331 {strides = array<i32>} : memref<49152xf32, #tpu.memory_space<vmem>>, vector<16xf32>,
      %add3A_332 = arith.constant 176 : i32
      %add3A_333 = arith.addi %mul3A_190, %add3A_332 : i32
      %get3A_334 = arith.index_cast %add3A_333 : i32 to index
      %get3A_335 = tpu.vector_load %arg5[%get3A_334] {strides = array<i32>} : memref<49152xf32, #tpu.memory_space<vmem>>, vector<16xf32>,
      %get3A_336 = vector.shape_cast %get3A_335 : vector<16xf32> to vector<16xf32>
      %get3A_337 = arith.index_cast %add3A_333 : i32 to index
      %get3A_338 = tpu.vector_load %arg6[%get3A_337] {strides = array<i32>} : memref<49152xf32, #tpu.memory_space<vmem>>, vector<16xf32>,
      %get3A_339 = vector.shape_cast %get3A_338 : vector<16xf32> to vector<16xf32>
      %add3A_340 = arith.addf %get3A_336, %get3A_339 : vector<16xf32>
      %swap3A_341 = arith.index_cast %add3A_333 : i32 to index
      %swap3A_342 = tpu.vector_load %arg5[%swap3A_341] {strides = array<i32>} : memref<49152xf32, #tpu.memory_space<vmem>>, vector<16xf32>,
      %swap3A_343 = vector.shape_cast %swap3A_342 : vector<16xf32> to vector<16xf32>
      %swap3A_344 = vector.shape_cast %add3A_340 : vector<16xf32> to vector<16xf32>
      tpu.vector_store %arg5[%swap3A_341], %swap3A_344 {strides = array<i32>} : memref<49152xf32, #tpu.memory_space<vmem>>, vector<16xf32>,
      %add3A_345 = arith.constant 192 : i32
      %add3A_346 = arith.addi %mul3A_190, %add3A_345 : i32
      %get3A_347 = arith.index_cast %add3A_346 : i32 to index
      %get3A_348 = tpu.vector_load %arg5[%get3A_347] {strides = array<i32>} : memref<49152xf32, #tpu.memory_space<vmem>>, vector<16xf32>,
      %get3A_349 = vector.shape_cast %get3A_348 : vector<16xf32> to vector<16xf32>
      %get3A_350 = arith.index_cast %add3A_346 : i32 to index
      %get3A_351 = tpu.vector_load %arg6[%get3A_350] {strides = array<i32>} : memref<49152xf32, #tpu.memory_space<vmem>>, vector<16xf32>,
      %get3A_352 = vector.shape_cast %get3A_351 : vector<16xf32> to vector<16xf32>
      %add3A_353 = arith.addf %get3A_349, %get3A_352 : vector<16xf32>
      %swap3A_354 = arith.index_cast %add3A_346 : i32 to index
      %swap3A_355 = tpu.vector_load %arg5[%swap3A_354] {strides = array<i32>} : memref<49152xf32, #tpu.memory_space<vmem>>, vector<16xf32>,
      %swap3A_356 = vector.shape_cast %swap3A_355 : vector<16xf32> to vector<16xf32>
      %swap3A_357 = vector.shape_cast %add3A_353 : vector<16xf32> to vector<16xf32>
      tpu.vector_store %arg5[%swap3A_354], %swap3A_357 {strides = array<i32>} : memref<49152xf32, #tpu.memory_space<vmem>>, vector<16xf32>,
      %add3A_358 = arith.constant 208 : i32
      %add3A_359 = arith.addi %mul3A_190, %add3A_358 : i32
      %get3A_360 = arith.index_cast %add3A_359 : i32 to index
      %get3A_361 = tpu.vector_load %arg5[%get3A_360] {strides = array<i32>} : memref<49152xf32, #tpu.memory_space<vmem>>, vector<16xf32>,
      %get3A_362 = vector.shape_cast %get3A_361 : vector<16xf32> to vector<16xf32>
      %get3A_363 = arith.index_cast %add3A_359 : i32 to index
      %get3A_364 = tpu.vector_load %arg6[%get3A_363] {strides = array<i32>} : memref<49152xf32, #tpu.memory_space<vmem>>, vector<16xf32>,
      %get3A_365 = vector.shape_cast %get3A_364 : vector<16xf32> to vector<16xf32>
      %add3A_366 = arith.addf %get3A_362, %get3A_365 : vector<16xf32>
      %swap3A_367 = arith.index_cast %add3A_359 : i32 to index
      %swap3A_368 = tpu.vector_load %arg5[%swap3A_367] {strides = array<i32>} : memref<49152xf32, #tpu.memory_space<vmem>>, vector<16xf32>,
      %swap3A_369 = vector.shape_cast %swap3A_368 : vector<16xf32> to vector<16xf32>
      %swap3A_370 = vector.shape_cast %add3A_366 : vector<16xf32> to vector<16xf32>
      tpu.vector_store %arg5[%swap3A_367], %swap3A_370 {strides = array<i32>} : memref<49152xf32, #tpu.memory_space<vmem>>, vector<16xf32>,
      %add3A_371 = arith.constant 224 : i32
      %add3A_372 = arith.addi %mul3A_190, %add3A_371 : i32
      %get3A_373 = arith.index_cast %add3A_372 : i32 to index
      %get3A_374 = tpu.vector_load %arg5[%get3A_373] {strides = array<i32>} : memref<49152xf32, #tpu.memory_space<vmem>>, vector<16xf32>,
      %get3A_375 = vector.shape_cast %get3A_374 : vector<16xf32> to vector<16xf32>
      %get3A_376 = arith.index_cast %add3A_372 : i32 to index
      %get3A_377 = tpu.vector_load %arg6[%get3A_376] {strides = array<i32>} : memref<49152xf32, #tpu.memory_space<vmem>>, vector<16xf32>,
      %get3A_378 = vector.shape_cast %get3A_377 : vector<16xf32> to vector<16xf32>
      %add3A_379 = arith.addf %get3A_375, %get3A_378 : vector<16xf32>
      %swap3A_380 = arith.index_cast %add3A_372 : i32 to index
      %swap3A_381 = tpu.vector_load %arg5[%swap3A_380] {strides = array<i32>} : memref<49152xf32, #tpu.memory_space<vmem>>, vector<16xf32>,
      %swap3A_382 = vector.shape_cast %swap3A_381 : vector<16xf32> to vector<16xf32>
      %swap3A_383 = vector.shape_cast %add3A_379 : vector<16xf32> to vector<16xf32>
      tpu.vector_store %arg5[%swap3A_380], %swap3A_383 {strides = array<i32>} : memref<49152xf32, #tpu.memory_space<vmem>>, vector<16xf32>,
      %add3A_384 = arith.constant 240 : i32
      %add3A_385 = arith.addi %mul3A_190, %add3A_384 : i32
      %get3A_386 = arith.index_cast %add3A_385 : i32 to index
      %get3A_387 = tpu.vector_load %arg5[%get3A_386] {strides = array<i32>} : memref<49152xf32, #tpu.memory_space<vmem>>, vector<16xf32>,
      %get3A_388 = vector.shape_cast %get3A_387 : vector<16xf32> to vector<16xf32>
      %get3A_389 = arith.index_cast %add3A_385 : i32 to index
      %get3A_390 = tpu.vector_load %arg6[%get3A_389] {strides = array<i32>} : memref<49152xf32, #tpu.memory_space<vmem>>, vector<16xf32>,
      %get3A_391 = vector.shape_cast %get3A_390 : vector<16xf32> to vector<16xf32>
      %add3A_392 = arith.addf %get3A_388, %get3A_391 : vector<16xf32>
      %swap3A_393 = arith.index_cast %add3A_385 : i32 to index
      %swap3A_394 = tpu.vector_load %arg5[%swap3A_393] {strides = array<i32>} : memref<49152xf32, #tpu.memory_space<vmem>>, vector<16xf32>,
      %swap3A_395 = vector.shape_cast %swap3A_394 : vector<16xf32> to vector<16xf32>
      %swap3A_396 = vector.shape_cast %add3A_392 : vector<16xf32> to vector<16xf32>
      tpu.vector_store %arg5[%swap3A_393], %swap3A_396 {strides = array<i32>} : memref<49152xf32, #tpu.memory_space<vmem>>, vector<16xf32>,
      %scan3A_397 = arith.constant 0 : i32
      scf.yield %scan3A_397 : i32
    }
    %scan3A_142 = arith.constant 192 : i32
    "tpu.region"() ({
      %run_scoped3A = tpu.sem_alloc : memref<!tpu.dma_semaphore, #tpu.memory_space<semaphore_mem>>
      %dma_start3A = tpu.memref_slice %arg4[%add3A_133] : memref<25165824xf32, #tpu.memory_space<hbm>> -> memref<49152xf32, #tpu.memory_space<hbm>>
      %dma_start3A_187 = tpu.memref_slice %arg4[%add3A_133] : memref<25165824xf32, #tpu.memory_space<hbm>> -> memref<49152xf32, #tpu.memory_space<hbm>>
      tpu.enqueue_dma source(%arg5 : memref<49152xf32, #tpu.memory_space<vmem>>) target(%dma_start3A_187 : memref<49152xf32, #tpu.memory_space<hbm>>) target_semaphore(%run_scoped3A : memref<!tpu.dma_semaphore, #tpu.memory_space<semaphore_mem>>)
      %dma_wait3A = tpu.memref_slice %arg4[%add3A_133] : memref<25165824xf32, #tpu.memory_space<hbm>> -> memref<49152xf32, #tpu.memory_space<hbm>>
      %dma_wait3A_188 = tpu.memref_slice %arg4[%add3A_133] : memref<25165824xf32, #tpu.memory_space<hbm>> -> memref<49152xf32, #tpu.memory_space<hbm>>
      tpu.wait_dma2 semaphore(%run_scoped3A : memref<!tpu.dma_semaphore, #tpu.memory_space<semaphore_mem>>) src(%arg5 : memref<49152xf32, #tpu.memory_space<vmem>>) dst(%dma_wait3A_188 : memref<49152xf32, #tpu.memory_space<hbm>>)
      tpu.yield
    }) : () -> ()
    %add3A_143 = arith.constant 589824 : i32
    %add3A_144 = arith.addi %mul3A_2, %add3A_143 : i32
    %add3A_145 = arith.constant 589824 : i32
    %add3A_146 = arith.addi %select_n3A_11, %add3A_145 : i32
    "tpu.region"() ({
      %run_scoped3A = tpu.sem_alloc : memref<!tpu.dma_semaphore, #tpu.memory_space<semaphore_mem>>
      %dma_start3A = tpu.memref_slice %arg2[%add3A_144] : memref<25165824xf32, #tpu.memory_space<hbm>> -> memref<49152xf32, #tpu.memory_space<hbm>>
      %dma_start3A_187 = tpu.memref_slice %arg2[%add3A_144] : memref<25165824xf32, #tpu.memory_space<hbm>> -> memref<49152xf32, #tpu.memory_space<hbm>>
      tpu.enqueue_dma source(%dma_start3A_187 : memref<49152xf32, #tpu.memory_space<hbm>>) target(%arg5 : memref<49152xf32, #tpu.memory_space<vmem>>) target_semaphore(%run_scoped3A : memref<!tpu.dma_semaphore, #tpu.memory_space<semaphore_mem>>)
      %dma_wait3A = tpu.memref_slice %arg2[%add3A_144] : memref<25165824xf32, #tpu.memory_space<hbm>> -> memref<49152xf32, #tpu.memory_space<hbm>>
      %dma_wait3A_188 = tpu.memref_slice %arg2[%add3A_144] : memref<25165824xf32, #tpu.memory_space<hbm>> -> memref<49152xf32, #tpu.memory_space<hbm>>
      tpu.wait_dma2 semaphore(%run_scoped3A : memref<!tpu.dma_semaphore, #tpu.memory_space<semaphore_mem>>) src(%dma_wait3A_188 : memref<49152xf32, #tpu.memory_space<hbm>>) dst(%arg5 : memref<49152xf32, #tpu.memory_space<vmem>>)
      tpu.yield
    }) : () -> ()
    "tpu.region"() ({
      %run_scoped3A = tpu.sem_alloc : memref<!tpu.dma_semaphore, #tpu.memory_space<semaphore_mem>>
      %dma_start3A = tpu.memref_slice %arg3[%add3A_146] : memref<6291456xf32, #tpu.memory_space<hbm>> -> memref<49152xf32, #tpu.memory_space<hbm>>
      %dma_start3A_187 = tpu.memref_slice %arg3[%add3A_146] : memref<6291456xf32, #tpu.memory_space<hbm>> -> memref<49152xf32, #tpu.memory_space<hbm>>
      tpu.enqueue_dma source(%dma_start3A_187 : memref<49152xf32, #tpu.memory_space<hbm>>) target(%arg6 : memref<49152xf32, #tpu.memory_space<vmem>>) target_semaphore(%run_scoped3A : memref<!tpu.dma_semaphore, #tpu.memory_space<semaphore_mem>>)
      %dma_wait3A = tpu.memref_slice %arg3[%add3A_146] : memref<6291456xf32, #tpu.memory_space<hbm>> -> memref<49152xf32, #tpu.memory_space<hbm>>
      %dma_wait3A_188 = tpu.memref_slice %arg3[%add3A_146] : memref<6291456xf32, #tpu.memory_space<hbm>> -> memref<49152xf32, #tpu.memory_space<hbm>>
      tpu.wait_dma2 semaphore(%run_scoped3A : memref<!tpu.dma_semaphore, #tpu.memory_space<semaphore_mem>>) src(%dma_wait3A_188 : memref<49152xf32, #tpu.memory_space<hbm>>) dst(%arg6 : memref<49152xf32, #tpu.memory_space<vmem>>)
      tpu.yield
    }) : () -> ()
    %scan3A_147 = arith.constant 0 : i32
    %scan3A_148 = arith.constant 0 : i32
    %scan3A_149 = arith.constant 192 : i32
    %scan3A_150 = arith.addi %scan3A_148, %scan3A_149 : i32
    %scan3A_151 = arith.constant 1 : i32
    %scan3A_152 = scf.for %scan3A_187 = %scan3A_148 to %scan3A_150 step %scan3A_151 iter_args(%scan3A_188 = %scan3A_147) -> (i32)  : i32 {
      %mul3A_189 = arith.constant 256 : i32
      %mul3A_190 = arith.muli %scan3A_187, %mul3A_189 : i32
      %add3A_191 = arith.constant 0 : i32
      %add3A_192 = arith.addi %mul3A_190, %add3A_191 : i32
      %get3A = arith.index_cast %add3A_192 : i32 to index
      %get3A_193 = tpu.vector_load %arg5[%get3A] {strides = array<i32>} : memref<49152xf32, #tpu.memory_space<vmem>>, vector<16xf32>,
      %get3A_194 = vector.shape_cast %get3A_193 : vector<16xf32> to vector<16xf32>
      %get3A_195 = arith.index_cast %add3A_192 : i32 to index
      %get3A_196 = tpu.vector_load %arg6[%get3A_195] {strides = array<i32>} : memref<49152xf32, #tpu.memory_space<vmem>>, vector<16xf32>,
      %get3A_197 = vector.shape_cast %get3A_196 : vector<16xf32> to vector<16xf32>
      %add3A_198 = arith.addf %get3A_194, %get3A_197 : vector<16xf32>
      %swap3A = arith.index_cast %add3A_192 : i32 to index
      %swap3A_199 = tpu.vector_load %arg5[%swap3A] {strides = array<i32>} : memref<49152xf32, #tpu.memory_space<vmem>>, vector<16xf32>,
      %swap3A_200 = vector.shape_cast %swap3A_199 : vector<16xf32> to vector<16xf32>
      %swap3A_201 = vector.shape_cast %add3A_198 : vector<16xf32> to vector<16xf32>
      tpu.vector_store %arg5[%swap3A], %swap3A_201 {strides = array<i32>} : memref<49152xf32, #tpu.memory_space<vmem>>, vector<16xf32>,
      %add3A_202 = arith.constant 16 : i32
      %add3A_203 = arith.addi %mul3A_190, %add3A_202 : i32
      %get3A_204 = arith.index_cast %add3A_203 : i32 to index
      %get3A_205 = tpu.vector_load %arg5[%get3A_204] {strides = array<i32>} : memref<49152xf32, #tpu.memory_space<vmem>>, vector<16xf32>,
      %get3A_206 = vector.shape_cast %get3A_205 : vector<16xf32> to vector<16xf32>
      %get3A_207 = arith.index_cast %add3A_203 : i32 to index
      %get3A_208 = tpu.vector_load %arg6[%get3A_207] {strides = array<i32>} : memref<49152xf32, #tpu.memory_space<vmem>>, vector<16xf32>,
      %get3A_209 = vector.shape_cast %get3A_208 : vector<16xf32> to vector<16xf32>
      %add3A_210 = arith.addf %get3A_206, %get3A_209 : vector<16xf32>
      %swap3A_211 = arith.index_cast %add3A_203 : i32 to index
      %swap3A_212 = tpu.vector_load %arg5[%swap3A_211] {strides = array<i32>} : memref<49152xf32, #tpu.memory_space<vmem>>, vector<16xf32>,
      %swap3A_213 = vector.shape_cast %swap3A_212 : vector<16xf32> to vector<16xf32>
      %swap3A_214 = vector.shape_cast %add3A_210 : vector<16xf32> to vector<16xf32>
      tpu.vector_store %arg5[%swap3A_211], %swap3A_214 {strides = array<i32>} : memref<49152xf32, #tpu.memory_space<vmem>>, vector<16xf32>,
      %add3A_215 = arith.constant 32 : i32
      %add3A_216 = arith.addi %mul3A_190, %add3A_215 : i32
      %get3A_217 = arith.index_cast %add3A_216 : i32 to index
      %get3A_218 = tpu.vector_load %arg5[%get3A_217] {strides = array<i32>} : memref<49152xf32, #tpu.memory_space<vmem>>, vector<16xf32>,
      %get3A_219 = vector.shape_cast %get3A_218 : vector<16xf32> to vector<16xf32>
      %get3A_220 = arith.index_cast %add3A_216 : i32 to index
      %get3A_221 = tpu.vector_load %arg6[%get3A_220] {strides = array<i32>} : memref<49152xf32, #tpu.memory_space<vmem>>, vector<16xf32>,
      %get3A_222 = vector.shape_cast %get3A_221 : vector<16xf32> to vector<16xf32>
      %add3A_223 = arith.addf %get3A_219, %get3A_222 : vector<16xf32>
      %swap3A_224 = arith.index_cast %add3A_216 : i32 to index
      %swap3A_225 = tpu.vector_load %arg5[%swap3A_224] {strides = array<i32>} : memref<49152xf32, #tpu.memory_space<vmem>>, vector<16xf32>,
      %swap3A_226 = vector.shape_cast %swap3A_225 : vector<16xf32> to vector<16xf32>
      %swap3A_227 = vector.shape_cast %add3A_223 : vector<16xf32> to vector<16xf32>
      tpu.vector_store %arg5[%swap3A_224], %swap3A_227 {strides = array<i32>} : memref<49152xf32, #tpu.memory_space<vmem>>, vector<16xf32>,
      %add3A_228 = arith.constant 48 : i32
      %add3A_229 = arith.addi %mul3A_190, %add3A_228 : i32
      %get3A_230 = arith.index_cast %add3A_229 : i32 to index
      %get3A_231 = tpu.vector_load %arg5[%get3A_230] {strides = array<i32>} : memref<49152xf32, #tpu.memory_space<vmem>>, vector<16xf32>,
      %get3A_232 = vector.shape_cast %get3A_231 : vector<16xf32> to vector<16xf32>
      %get3A_233 = arith.index_cast %add3A_229 : i32 to index
      %get3A_234 = tpu.vector_load %arg6[%get3A_233] {strides = array<i32>} : memref<49152xf32, #tpu.memory_space<vmem>>, vector<16xf32>,
      %get3A_235 = vector.shape_cast %get3A_234 : vector<16xf32> to vector<16xf32>
      %add3A_236 = arith.addf %get3A_232, %get3A_235 : vector<16xf32>
      %swap3A_237 = arith.index_cast %add3A_229 : i32 to index
      %swap3A_238 = tpu.vector_load %arg5[%swap3A_237] {strides = array<i32>} : memref<49152xf32, #tpu.memory_space<vmem>>, vector<16xf32>,
      %swap3A_239 = vector.shape_cast %swap3A_238 : vector<16xf32> to vector<16xf32>
      %swap3A_240 = vector.shape_cast %add3A_236 : vector<16xf32> to vector<16xf32>
      tpu.vector_store %arg5[%swap3A_237], %swap3A_240 {strides = array<i32>} : memref<49152xf32, #tpu.memory_space<vmem>>, vector<16xf32>,
      %add3A_241 = arith.constant 64 : i32
      %add3A_242 = arith.addi %mul3A_190, %add3A_241 : i32
      %get3A_243 = arith.index_cast %add3A_242 : i32 to index
      %get3A_244 = tpu.vector_load %arg5[%get3A_243] {strides = array<i32>} : memref<49152xf32, #tpu.memory_space<vmem>>, vector<16xf32>,
      %get3A_245 = vector.shape_cast %get3A_244 : vector<16xf32> to vector<16xf32>
      %get3A_246 = arith.index_cast %add3A_242 : i32 to index
      %get3A_247 = tpu.vector_load %arg6[%get3A_246] {strides = array<i32>} : memref<49152xf32, #tpu.memory_space<vmem>>, vector<16xf32>,
      %get3A_248 = vector.shape_cast %get3A_247 : vector<16xf32> to vector<16xf32>
      %add3A_249 = arith.addf %get3A_245, %get3A_248 : vector<16xf32>
      %swap3A_250 = arith.index_cast %add3A_242 : i32 to index
      %swap3A_251 = tpu.vector_load %arg5[%swap3A_250] {strides = array<i32>} : memref<49152xf32, #tpu.memory_space<vmem>>, vector<16xf32>,
      %swap3A_252 = vector.shape_cast %swap3A_251 : vector<16xf32> to vector<16xf32>
      %swap3A_253 = vector.shape_cast %add3A_249 : vector<16xf32> to vector<16xf32>
      tpu.vector_store %arg5[%swap3A_250], %swap3A_253 {strides = array<i32>} : memref<49152xf32, #tpu.memory_space<vmem>>, vector<16xf32>,
      %add3A_254 = arith.constant 80 : i32
      %add3A_255 = arith.addi %mul3A_190, %add3A_254 : i32
      %get3A_256 = arith.index_cast %add3A_255 : i32 to index
      %get3A_257 = tpu.vector_load %arg5[%get3A_256] {strides = array<i32>} : memref<49152xf32, #tpu.memory_space<vmem>>, vector<16xf32>,
      %get3A_258 = vector.shape_cast %get3A_257 : vector<16xf32> to vector<16xf32>
      %get3A_259 = arith.index_cast %add3A_255 : i32 to index
      %get3A_260 = tpu.vector_load %arg6[%get3A_259] {strides = array<i32>} : memref<49152xf32, #tpu.memory_space<vmem>>, vector<16xf32>,
      %get3A_261 = vector.shape_cast %get3A_260 : vector<16xf32> to vector<16xf32>
      %add3A_262 = arith.addf %get3A_258, %get3A_261 : vector<16xf32>
      %swap3A_263 = arith.index_cast %add3A_255 : i32 to index
      %swap3A_264 = tpu.vector_load %arg5[%swap3A_263] {strides = array<i32>} : memref<49152xf32, #tpu.memory_space<vmem>>, vector<16xf32>,
      %swap3A_265 = vector.shape_cast %swap3A_264 : vector<16xf32> to vector<16xf32>
      %swap3A_266 = vector.shape_cast %add3A_262 : vector<16xf32> to vector<16xf32>
      tpu.vector_store %arg5[%swap3A_263], %swap3A_266 {strides = array<i32>} : memref<49152xf32, #tpu.memory_space<vmem>>, vector<16xf32>,
      %add3A_267 = arith.constant 96 : i32
      %add3A_268 = arith.addi %mul3A_190, %add3A_267 : i32
      %get3A_269 = arith.index_cast %add3A_268 : i32 to index
      %get3A_270 = tpu.vector_load %arg5[%get3A_269] {strides = array<i32>} : memref<49152xf32, #tpu.memory_space<vmem>>, vector<16xf32>,
      %get3A_271 = vector.shape_cast %get3A_270 : vector<16xf32> to vector<16xf32>
      %get3A_272 = arith.index_cast %add3A_268 : i32 to index
      %get3A_273 = tpu.vector_load %arg6[%get3A_272] {strides = array<i32>} : memref<49152xf32, #tpu.memory_space<vmem>>, vector<16xf32>,
      %get3A_274 = vector.shape_cast %get3A_273 : vector<16xf32> to vector<16xf32>
      %add3A_275 = arith.addf %get3A_271, %get3A_274 : vector<16xf32>
      %swap3A_276 = arith.index_cast %add3A_268 : i32 to index
      %swap3A_277 = tpu.vector_load %arg5[%swap3A_276] {strides = array<i32>} : memref<49152xf32, #tpu.memory_space<vmem>>, vector<16xf32>,
      %swap3A_278 = vector.shape_cast %swap3A_277 : vector<16xf32> to vector<16xf32>
      %swap3A_279 = vector.shape_cast %add3A_275 : vector<16xf32> to vector<16xf32>
      tpu.vector_store %arg5[%swap3A_276], %swap3A_279 {strides = array<i32>} : memref<49152xf32, #tpu.memory_space<vmem>>, vector<16xf32>,
      %add3A_280 = arith.constant 112 : i32
      %add3A_281 = arith.addi %mul3A_190, %add3A_280 : i32
      %get3A_282 = arith.index_cast %add3A_281 : i32 to index
      %get3A_283 = tpu.vector_load %arg5[%get3A_282] {strides = array<i32>} : memref<49152xf32, #tpu.memory_space<vmem>>, vector<16xf32>,
      %get3A_284 = vector.shape_cast %get3A_283 : vector<16xf32> to vector<16xf32>
      %get3A_285 = arith.index_cast %add3A_281 : i32 to index
      %get3A_286 = tpu.vector_load %arg6[%get3A_285] {strides = array<i32>} : memref<49152xf32, #tpu.memory_space<vmem>>, vector<16xf32>,
      %get3A_287 = vector.shape_cast %get3A_286 : vector<16xf32> to vector<16xf32>
      %add3A_288 = arith.addf %get3A_284, %get3A_287 : vector<16xf32>
      %swap3A_289 = arith.index_cast %add3A_281 : i32 to index
      %swap3A_290 = tpu.vector_load %arg5[%swap3A_289] {strides = array<i32>} : memref<49152xf32, #tpu.memory_space<vmem>>, vector<16xf32>,
      %swap3A_291 = vector.shape_cast %swap3A_290 : vector<16xf32> to vector<16xf32>
      %swap3A_292 = vector.shape_cast %add3A_288 : vector<16xf32> to vector<16xf32>
      tpu.vector_store %arg5[%swap3A_289], %swap3A_292 {strides = array<i32>} : memref<49152xf32, #tpu.memory_space<vmem>>, vector<16xf32>,
      %add3A_293 = arith.constant 128 : i32
      %add3A_294 = arith.addi %mul3A_190, %add3A_293 : i32
      %get3A_295 = arith.index_cast %add3A_294 : i32 to index
      %get3A_296 = tpu.vector_load %arg5[%get3A_295] {strides = array<i32>} : memref<49152xf32, #tpu.memory_space<vmem>>, vector<16xf32>,
      %get3A_297 = vector.shape_cast %get3A_296 : vector<16xf32> to vector<16xf32>
      %get3A_298 = arith.index_cast %add3A_294 : i32 to index
      %get3A_299 = tpu.vector_load %arg6[%get3A_298] {strides = array<i32>} : memref<49152xf32, #tpu.memory_space<vmem>>, vector<16xf32>,
      %get3A_300 = vector.shape_cast %get3A_299 : vector<16xf32> to vector<16xf32>
      %add3A_301 = arith.addf %get3A_297, %get3A_300 : vector<16xf32>
      %swap3A_302 = arith.index_cast %add3A_294 : i32 to index
      %swap3A_303 = tpu.vector_load %arg5[%swap3A_302] {strides = array<i32>} : memref<49152xf32, #tpu.memory_space<vmem>>, vector<16xf32>,
      %swap3A_304 = vector.shape_cast %swap3A_303 : vector<16xf32> to vector<16xf32>
      %swap3A_305 = vector.shape_cast %add3A_301 : vector<16xf32> to vector<16xf32>
      tpu.vector_store %arg5[%swap3A_302], %swap3A_305 {strides = array<i32>} : memref<49152xf32, #tpu.memory_space<vmem>>, vector<16xf32>,
      %add3A_306 = arith.constant 144 : i32
      %add3A_307 = arith.addi %mul3A_190, %add3A_306 : i32
      %get3A_308 = arith.index_cast %add3A_307 : i32 to index
      %get3A_309 = tpu.vector_load %arg5[%get3A_308] {strides = array<i32>} : memref<49152xf32, #tpu.memory_space<vmem>>, vector<16xf32>,
      %get3A_310 = vector.shape_cast %get3A_309 : vector<16xf32> to vector<16xf32>
      %get3A_311 = arith.index_cast %add3A_307 : i32 to index
      %get3A_312 = tpu.vector_load %arg6[%get3A_311] {strides = array<i32>} : memref<49152xf32, #tpu.memory_space<vmem>>, vector<16xf32>,
      %get3A_313 = vector.shape_cast %get3A_312 : vector<16xf32> to vector<16xf32>
      %add3A_314 = arith.addf %get3A_310, %get3A_313 : vector<16xf32>
      %swap3A_315 = arith.index_cast %add3A_307 : i32 to index
      %swap3A_316 = tpu.vector_load %arg5[%swap3A_315] {strides = array<i32>} : memref<49152xf32, #tpu.memory_space<vmem>>, vector<16xf32>,
      %swap3A_317 = vector.shape_cast %swap3A_316 : vector<16xf32> to vector<16xf32>
      %swap3A_318 = vector.shape_cast %add3A_314 : vector<16xf32> to vector<16xf32>
      tpu.vector_store %arg5[%swap3A_315], %swap3A_318 {strides = array<i32>} : memref<49152xf32, #tpu.memory_space<vmem>>, vector<16xf32>,
      %add3A_319 = arith.constant 160 : i32
      %add3A_320 = arith.addi %mul3A_190, %add3A_319 : i32
      %get3A_321 = arith.index_cast %add3A_320 : i32 to index
      %get3A_322 = tpu.vector_load %arg5[%get3A_321] {strides = array<i32>} : memref<49152xf32, #tpu.memory_space<vmem>>, vector<16xf32>,
      %get3A_323 = vector.shape_cast %get3A_322 : vector<16xf32> to vector<16xf32>
      %get3A_324 = arith.index_cast %add3A_320 : i32 to index
      %get3A_325 = tpu.vector_load %arg6[%get3A_324] {strides = array<i32>} : memref<49152xf32, #tpu.memory_space<vmem>>, vector<16xf32>,
      %get3A_326 = vector.shape_cast %get3A_325 : vector<16xf32> to vector<16xf32>
      %add3A_327 = arith.addf %get3A_323, %get3A_326 : vector<16xf32>
      %swap3A_328 = arith.index_cast %add3A_320 : i32 to index
      %swap3A_329 = tpu.vector_load %arg5[%swap3A_328] {strides = array<i32>} : memref<49152xf32, #tpu.memory_space<vmem>>, vector<16xf32>,
      %swap3A_330 = vector.shape_cast %swap3A_329 : vector<16xf32> to vector<16xf32>
      %swap3A_331 = vector.shape_cast %add3A_327 : vector<16xf32> to vector<16xf32>
      tpu.vector_store %arg5[%swap3A_328], %swap3A_331 {strides = array<i32>} : memref<49152xf32, #tpu.memory_space<vmem>>, vector<16xf32>,
      %add3A_332 = arith.constant 176 : i32
      %add3A_333 = arith.addi %mul3A_190, %add3A_332 : i32
      %get3A_334 = arith.index_cast %add3A_333 : i32 to index
      %get3A_335 = tpu.vector_load %arg5[%get3A_334] {strides = array<i32>} : memref<49152xf32, #tpu.memory_space<vmem>>, vector<16xf32>,
      %get3A_336 = vector.shape_cast %get3A_335 : vector<16xf32> to vector<16xf32>
      %get3A_337 = arith.index_cast %add3A_333 : i32 to index
      %get3A_338 = tpu.vector_load %arg6[%get3A_337] {strides = array<i32>} : memref<49152xf32, #tpu.memory_space<vmem>>, vector<16xf32>,
      %get3A_339 = vector.shape_cast %get3A_338 : vector<16xf32> to vector<16xf32>
      %add3A_340 = arith.addf %get3A_336, %get3A_339 : vector<16xf32>
      %swap3A_341 = arith.index_cast %add3A_333 : i32 to index
      %swap3A_342 = tpu.vector_load %arg5[%swap3A_341] {strides = array<i32>} : memref<49152xf32, #tpu.memory_space<vmem>>, vector<16xf32>,
      %swap3A_343 = vector.shape_cast %swap3A_342 : vector<16xf32> to vector<16xf32>
      %swap3A_344 = vector.shape_cast %add3A_340 : vector<16xf32> to vector<16xf32>
      tpu.vector_store %arg5[%swap3A_341], %swap3A_344 {strides = array<i32>} : memref<49152xf32, #tpu.memory_space<vmem>>, vector<16xf32>,
      %add3A_345 = arith.constant 192 : i32
      %add3A_346 = arith.addi %mul3A_190, %add3A_345 : i32
      %get3A_347 = arith.index_cast %add3A_346 : i32 to index
      %get3A_348 = tpu.vector_load %arg5[%get3A_347] {strides = array<i32>} : memref<49152xf32, #tpu.memory_space<vmem>>, vector<16xf32>,
      %get3A_349 = vector.shape_cast %get3A_348 : vector<16xf32> to vector<16xf32>
      %get3A_350 = arith.index_cast %add3A_346 : i32 to index
      %get3A_351 = tpu.vector_load %arg6[%get3A_350] {strides = array<i32>} : memref<49152xf32, #tpu.memory_space<vmem>>, vector<16xf32>,
      %get3A_352 = vector.shape_cast %get3A_351 : vector<16xf32> to vector<16xf32>
      %add3A_353 = arith.addf %get3A_349, %get3A_352 : vector<16xf32>
      %swap3A_354 = arith.index_cast %add3A_346 : i32 to index
      %swap3A_355 = tpu.vector_load %arg5[%swap3A_354] {strides = array<i32>} : memref<49152xf32, #tpu.memory_space<vmem>>, vector<16xf32>,
      %swap3A_356 = vector.shape_cast %swap3A_355 : vector<16xf32> to vector<16xf32>
      %swap3A_357 = vector.shape_cast %add3A_353 : vector<16xf32> to vector<16xf32>
      tpu.vector_store %arg5[%swap3A_354], %swap3A_357 {strides = array<i32>} : memref<49152xf32, #tpu.memory_space<vmem>>, vector<16xf32>,
      %add3A_358 = arith.constant 208 : i32
      %add3A_359 = arith.addi %mul3A_190, %add3A_358 : i32
      %get3A_360 = arith.index_cast %add3A_359 : i32 to index
      %get3A_361 = tpu.vector_load %arg5[%get3A_360] {strides = array<i32>} : memref<49152xf32, #tpu.memory_space<vmem>>, vector<16xf32>,
      %get3A_362 = vector.shape_cast %get3A_361 : vector<16xf32> to vector<16xf32>
      %get3A_363 = arith.index_cast %add3A_359 : i32 to index
      %get3A_364 = tpu.vector_load %arg6[%get3A_363] {strides = array<i32>} : memref<49152xf32, #tpu.memory_space<vmem>>, vector<16xf32>,
      %get3A_365 = vector.shape_cast %get3A_364 : vector<16xf32> to vector<16xf32>
      %add3A_366 = arith.addf %get3A_362, %get3A_365 : vector<16xf32>
      %swap3A_367 = arith.index_cast %add3A_359 : i32 to index
      %swap3A_368 = tpu.vector_load %arg5[%swap3A_367] {strides = array<i32>} : memref<49152xf32, #tpu.memory_space<vmem>>, vector<16xf32>,
      %swap3A_369 = vector.shape_cast %swap3A_368 : vector<16xf32> to vector<16xf32>
      %swap3A_370 = vector.shape_cast %add3A_366 : vector<16xf32> to vector<16xf32>
      tpu.vector_store %arg5[%swap3A_367], %swap3A_370 {strides = array<i32>} : memref<49152xf32, #tpu.memory_space<vmem>>, vector<16xf32>,
      %add3A_371 = arith.constant 224 : i32
      %add3A_372 = arith.addi %mul3A_190, %add3A_371 : i32
      %get3A_373 = arith.index_cast %add3A_372 : i32 to index
      %get3A_374 = tpu.vector_load %arg5[%get3A_373] {strides = array<i32>} : memref<49152xf32, #tpu.memory_space<vmem>>, vector<16xf32>,
      %get3A_375 = vector.shape_cast %get3A_374 : vector<16xf32> to vector<16xf32>
      %get3A_376 = arith.index_cast %add3A_372 : i32 to index
      %get3A_377 = tpu.vector_load %arg6[%get3A_376] {strides = array<i32>} : memref<49152xf32, #tpu.memory_space<vmem>>, vector<16xf32>,
      %get3A_378 = vector.shape_cast %get3A_377 : vector<16xf32> to vector<16xf32>
      %add3A_379 = arith.addf %get3A_375, %get3A_378 : vector<16xf32>
      %swap3A_380 = arith.index_cast %add3A_372 : i32 to index
      %swap3A_381 = tpu.vector_load %arg5[%swap3A_380] {strides = array<i32>} : memref<49152xf32, #tpu.memory_space<vmem>>, vector<16xf32>,
      %swap3A_382 = vector.shape_cast %swap3A_381 : vector<16xf32> to vector<16xf32>
      %swap3A_383 = vector.shape_cast %add3A_379 : vector<16xf32> to vector<16xf32>
      tpu.vector_store %arg5[%swap3A_380], %swap3A_383 {strides = array<i32>} : memref<49152xf32, #tpu.memory_space<vmem>>, vector<16xf32>,
      %add3A_384 = arith.constant 240 : i32
      %add3A_385 = arith.addi %mul3A_190, %add3A_384 : i32
      %get3A_386 = arith.index_cast %add3A_385 : i32 to index
      %get3A_387 = tpu.vector_load %arg5[%get3A_386] {strides = array<i32>} : memref<49152xf32, #tpu.memory_space<vmem>>, vector<16xf32>,
      %get3A_388 = vector.shape_cast %get3A_387 : vector<16xf32> to vector<16xf32>
      %get3A_389 = arith.index_cast %add3A_385 : i32 to index
      %get3A_390 = tpu.vector_load %arg6[%get3A_389] {strides = array<i32>} : memref<49152xf32, #tpu.memory_space<vmem>>, vector<16xf32>,
      %get3A_391 = vector.shape_cast %get3A_390 : vector<16xf32> to vector<16xf32>
      %add3A_392 = arith.addf %get3A_388, %get3A_391 : vector<16xf32>
      %swap3A_393 = arith.index_cast %add3A_385 : i32 to index
      %swap3A_394 = tpu.vector_load %arg5[%swap3A_393] {strides = array<i32>} : memref<49152xf32, #tpu.memory_space<vmem>>, vector<16xf32>,
      %swap3A_395 = vector.shape_cast %swap3A_394 : vector<16xf32> to vector<16xf32>
      %swap3A_396 = vector.shape_cast %add3A_392 : vector<16xf32> to vector<16xf32>
      tpu.vector_store %arg5[%swap3A_393], %swap3A_396 {strides = array<i32>} : memref<49152xf32, #tpu.memory_space<vmem>>, vector<16xf32>,
      %scan3A_397 = arith.constant 0 : i32
      scf.yield %scan3A_397 : i32
    }
    %scan3A_153 = arith.constant 192 : i32
    "tpu.region"() ({
      %run_scoped3A = tpu.sem_alloc : memref<!tpu.dma_semaphore, #tpu.memory_space<semaphore_mem>>
      %dma_start3A = tpu.memref_slice %arg4[%add3A_144] : memref<25165824xf32, #tpu.memory_space<hbm>> -> memref<49152xf32, #tpu.memory_space<hbm>>
      %dma_start3A_187 = tpu.memref_slice %arg4[%add3A_144] : memref<25165824xf32, #tpu.memory_space<hbm>> -> memref<49152xf32, #tpu.memory_space<hbm>>
      tpu.enqueue_dma source(%arg5 : memref<49152xf32, #tpu.memory_space<vmem>>) target(%dma_start3A_187 : memref<49152xf32, #tpu.memory_space<hbm>>) target_semaphore(%run_scoped3A : memref<!tpu.dma_semaphore, #tpu.memory_space<semaphore_mem>>)
      %dma_wait3A = tpu.memref_slice %arg4[%add3A_144] : memref<25165824xf32, #tpu.memory_space<hbm>> -> memref<49152xf32, #tpu.memory_space<hbm>>
      %dma_wait3A_188 = tpu.memref_slice %arg4[%add3A_144] : memref<25165824xf32, #tpu.memory_space<hbm>> -> memref<49152xf32, #tpu.memory_space<hbm>>
      tpu.wait_dma2 semaphore(%run_scoped3A : memref<!tpu.dma_semaphore, #tpu.memory_space<semaphore_mem>>) src(%arg5 : memref<49152xf32, #tpu.memory_space<vmem>>) dst(%dma_wait3A_188 : memref<49152xf32, #tpu.memory_space<hbm>>)
      tpu.yield
    }) : () -> ()
    %add3A_154 = arith.constant 638976 : i32
    %add3A_155 = arith.addi %mul3A_2, %add3A_154 : i32
    %add3A_156 = arith.constant 638976 : i32
    %add3A_157 = arith.addi %select_n3A_11, %add3A_156 : i32
    "tpu.region"() ({
      %run_scoped3A = tpu.sem_alloc : memref<!tpu.dma_semaphore, #tpu.memory_space<semaphore_mem>>
      %dma_start3A = tpu.memref_slice %arg2[%add3A_155] : memref<25165824xf32, #tpu.memory_space<hbm>> -> memref<49152xf32, #tpu.memory_space<hbm>>
      %dma_start3A_187 = tpu.memref_slice %arg2[%add3A_155] : memref<25165824xf32, #tpu.memory_space<hbm>> -> memref<49152xf32, #tpu.memory_space<hbm>>
      tpu.enqueue_dma source(%dma_start3A_187 : memref<49152xf32, #tpu.memory_space<hbm>>) target(%arg5 : memref<49152xf32, #tpu.memory_space<vmem>>) target_semaphore(%run_scoped3A : memref<!tpu.dma_semaphore, #tpu.memory_space<semaphore_mem>>)
      %dma_wait3A = tpu.memref_slice %arg2[%add3A_155] : memref<25165824xf32, #tpu.memory_space<hbm>> -> memref<49152xf32, #tpu.memory_space<hbm>>
      %dma_wait3A_188 = tpu.memref_slice %arg2[%add3A_155] : memref<25165824xf32, #tpu.memory_space<hbm>> -> memref<49152xf32, #tpu.memory_space<hbm>>
      tpu.wait_dma2 semaphore(%run_scoped3A : memref<!tpu.dma_semaphore, #tpu.memory_space<semaphore_mem>>) src(%dma_wait3A_188 : memref<49152xf32, #tpu.memory_space<hbm>>) dst(%arg5 : memref<49152xf32, #tpu.memory_space<vmem>>)
      tpu.yield
    }) : () -> ()
    "tpu.region"() ({
      %run_scoped3A = tpu.sem_alloc : memref<!tpu.dma_semaphore, #tpu.memory_space<semaphore_mem>>
      %dma_start3A = tpu.memref_slice %arg3[%add3A_157] : memref<6291456xf32, #tpu.memory_space<hbm>> -> memref<49152xf32, #tpu.memory_space<hbm>>
      %dma_start3A_187 = tpu.memref_slice %arg3[%add3A_157] : memref<6291456xf32, #tpu.memory_space<hbm>> -> memref<49152xf32, #tpu.memory_space<hbm>>
      tpu.enqueue_dma source(%dma_start3A_187 : memref<49152xf32, #tpu.memory_space<hbm>>) target(%arg6 : memref<49152xf32, #tpu.memory_space<vmem>>) target_semaphore(%run_scoped3A : memref<!tpu.dma_semaphore, #tpu.memory_space<semaphore_mem>>)
      %dma_wait3A = tpu.memref_slice %arg3[%add3A_157] : memref<6291456xf32, #tpu.memory_space<hbm>> -> memref<49152xf32, #tpu.memory_space<hbm>>
      %dma_wait3A_188 = tpu.memref_slice %arg3[%add3A_157] : memref<6291456xf32, #tpu.memory_space<hbm>> -> memref<49152xf32, #tpu.memory_space<hbm>>
      tpu.wait_dma2 semaphore(%run_scoped3A : memref<!tpu.dma_semaphore, #tpu.memory_space<semaphore_mem>>) src(%dma_wait3A_188 : memref<49152xf32, #tpu.memory_space<hbm>>) dst(%arg6 : memref<49152xf32, #tpu.memory_space<vmem>>)
      tpu.yield
    }) : () -> ()
    %scan3A_158 = arith.constant 0 : i32
    %scan3A_159 = arith.constant 0 : i32
    %scan3A_160 = arith.constant 192 : i32
    %scan3A_161 = arith.addi %scan3A_159, %scan3A_160 : i32
    %scan3A_162 = arith.constant 1 : i32
    %scan3A_163 = scf.for %scan3A_187 = %scan3A_159 to %scan3A_161 step %scan3A_162 iter_args(%scan3A_188 = %scan3A_158) -> (i32)  : i32 {
      %mul3A_189 = arith.constant 256 : i32
      %mul3A_190 = arith.muli %scan3A_187, %mul3A_189 : i32
      %add3A_191 = arith.constant 0 : i32
      %add3A_192 = arith.addi %mul3A_190, %add3A_191 : i32
      %get3A = arith.index_cast %add3A_192 : i32 to index
      %get3A_193 = tpu.vector_load %arg5[%get3A] {strides = array<i32>} : memref<49152xf32, #tpu.memory_space<vmem>>, vector<16xf32>,
      %get3A_194 = vector.shape_cast %get3A_193 : vector<16xf32> to vector<16xf32>
      %get3A_195 = arith.index_cast %add3A_192 : i32 to index
      %get3A_196 = tpu.vector_load %arg6[%get3A_195] {strides = array<i32>} : memref<49152xf32, #tpu.memory_space<vmem>>, vector<16xf32>,
      %get3A_197 = vector.shape_cast %get3A_196 : vector<16xf32> to vector<16xf32>
      %add3A_198 = arith.addf %get3A_194, %get3A_197 : vector<16xf32>
      %swap3A = arith.index_cast %add3A_192 : i32 to index
      %swap3A_199 = tpu.vector_load %arg5[%swap3A] {strides = array<i32>} : memref<49152xf32, #tpu.memory_space<vmem>>, vector<16xf32>,
      %swap3A_200 = vector.shape_cast %swap3A_199 : vector<16xf32> to vector<16xf32>
      %swap3A_201 = vector.shape_cast %add3A_198 : vector<16xf32> to vector<16xf32>
      tpu.vector_store %arg5[%swap3A], %swap3A_201 {strides = array<i32>} : memref<49152xf32, #tpu.memory_space<vmem>>, vector<16xf32>,
      %add3A_202 = arith.constant 16 : i32
      %add3A_203 = arith.addi %mul3A_190, %add3A_202 : i32
      %get3A_204 = arith.index_cast %add3A_203 : i32 to index
      %get3A_205 = tpu.vector_load %arg5[%get3A_204] {strides = array<i32>} : memref<49152xf32, #tpu.memory_space<vmem>>, vector<16xf32>,
      %get3A_206 = vector.shape_cast %get3A_205 : vector<16xf32> to vector<16xf32>
      %get3A_207 = arith.index_cast %add3A_203 : i32 to index
      %get3A_208 = tpu.vector_load %arg6[%get3A_207] {strides = array<i32>} : memref<49152xf32, #tpu.memory_space<vmem>>, vector<16xf32>,
      %get3A_209 = vector.shape_cast %get3A_208 : vector<16xf32> to vector<16xf32>
      %add3A_210 = arith.addf %get3A_206, %get3A_209 : vector<16xf32>
      %swap3A_211 = arith.index_cast %add3A_203 : i32 to index
      %swap3A_212 = tpu.vector_load %arg5[%swap3A_211] {strides = array<i32>} : memref<49152xf32, #tpu.memory_space<vmem>>, vector<16xf32>,
      %swap3A_213 = vector.shape_cast %swap3A_212 : vector<16xf32> to vector<16xf32>
      %swap3A_214 = vector.shape_cast %add3A_210 : vector<16xf32> to vector<16xf32>
      tpu.vector_store %arg5[%swap3A_211], %swap3A_214 {strides = array<i32>} : memref<49152xf32, #tpu.memory_space<vmem>>, vector<16xf32>,
      %add3A_215 = arith.constant 32 : i32
      %add3A_216 = arith.addi %mul3A_190, %add3A_215 : i32
      %get3A_217 = arith.index_cast %add3A_216 : i32 to index
      %get3A_218 = tpu.vector_load %arg5[%get3A_217] {strides = array<i32>} : memref<49152xf32, #tpu.memory_space<vmem>>, vector<16xf32>,
      %get3A_219 = vector.shape_cast %get3A_218 : vector<16xf32> to vector<16xf32>
      %get3A_220 = arith.index_cast %add3A_216 : i32 to index
      %get3A_221 = tpu.vector_load %arg6[%get3A_220] {strides = array<i32>} : memref<49152xf32, #tpu.memory_space<vmem>>, vector<16xf32>,
      %get3A_222 = vector.shape_cast %get3A_221 : vector<16xf32> to vector<16xf32>
      %add3A_223 = arith.addf %get3A_219, %get3A_222 : vector<16xf32>
      %swap3A_224 = arith.index_cast %add3A_216 : i32 to index
      %swap3A_225 = tpu.vector_load %arg5[%swap3A_224] {strides = array<i32>} : memref<49152xf32, #tpu.memory_space<vmem>>, vector<16xf32>,
      %swap3A_226 = vector.shape_cast %swap3A_225 : vector<16xf32> to vector<16xf32>
      %swap3A_227 = vector.shape_cast %add3A_223 : vector<16xf32> to vector<16xf32>
      tpu.vector_store %arg5[%swap3A_224], %swap3A_227 {strides = array<i32>} : memref<49152xf32, #tpu.memory_space<vmem>>, vector<16xf32>,
      %add3A_228 = arith.constant 48 : i32
      %add3A_229 = arith.addi %mul3A_190, %add3A_228 : i32
      %get3A_230 = arith.index_cast %add3A_229 : i32 to index
      %get3A_231 = tpu.vector_load %arg5[%get3A_230] {strides = array<i32>} : memref<49152xf32, #tpu.memory_space<vmem>>, vector<16xf32>,
      %get3A_232 = vector.shape_cast %get3A_231 : vector<16xf32> to vector<16xf32>
      %get3A_233 = arith.index_cast %add3A_229 : i32 to index
      %get3A_234 = tpu.vector_load %arg6[%get3A_233] {strides = array<i32>} : memref<49152xf32, #tpu.memory_space<vmem>>, vector<16xf32>,
      %get3A_235 = vector.shape_cast %get3A_234 : vector<16xf32> to vector<16xf32>
      %add3A_236 = arith.addf %get3A_232, %get3A_235 : vector<16xf32>
      %swap3A_237 = arith.index_cast %add3A_229 : i32 to index
      %swap3A_238 = tpu.vector_load %arg5[%swap3A_237] {strides = array<i32>} : memref<49152xf32, #tpu.memory_space<vmem>>, vector<16xf32>,
      %swap3A_239 = vector.shape_cast %swap3A_238 : vector<16xf32> to vector<16xf32>
      %swap3A_240 = vector.shape_cast %add3A_236 : vector<16xf32> to vector<16xf32>
      tpu.vector_store %arg5[%swap3A_237], %swap3A_240 {strides = array<i32>} : memref<49152xf32, #tpu.memory_space<vmem>>, vector<16xf32>,
      %add3A_241 = arith.constant 64 : i32
      %add3A_242 = arith.addi %mul3A_190, %add3A_241 : i32
      %get3A_243 = arith.index_cast %add3A_242 : i32 to index
      %get3A_244 = tpu.vector_load %arg5[%get3A_243] {strides = array<i32>} : memref<49152xf32, #tpu.memory_space<vmem>>, vector<16xf32>,
      %get3A_245 = vector.shape_cast %get3A_244 : vector<16xf32> to vector<16xf32>
      %get3A_246 = arith.index_cast %add3A_242 : i32 to index
      %get3A_247 = tpu.vector_load %arg6[%get3A_246] {strides = array<i32>} : memref<49152xf32, #tpu.memory_space<vmem>>, vector<16xf32>,
      %get3A_248 = vector.shape_cast %get3A_247 : vector<16xf32> to vector<16xf32>
      %add3A_249 = arith.addf %get3A_245, %get3A_248 : vector<16xf32>
      %swap3A_250 = arith.index_cast %add3A_242 : i32 to index
      %swap3A_251 = tpu.vector_load %arg5[%swap3A_250] {strides = array<i32>} : memref<49152xf32, #tpu.memory_space<vmem>>, vector<16xf32>,
      %swap3A_252 = vector.shape_cast %swap3A_251 : vector<16xf32> to vector<16xf32>
      %swap3A_253 = vector.shape_cast %add3A_249 : vector<16xf32> to vector<16xf32>
      tpu.vector_store %arg5[%swap3A_250], %swap3A_253 {strides = array<i32>} : memref<49152xf32, #tpu.memory_space<vmem>>, vector<16xf32>,
      %add3A_254 = arith.constant 80 : i32
      %add3A_255 = arith.addi %mul3A_190, %add3A_254 : i32
      %get3A_256 = arith.index_cast %add3A_255 : i32 to index
      %get3A_257 = tpu.vector_load %arg5[%get3A_256] {strides = array<i32>} : memref<49152xf32, #tpu.memory_space<vmem>>, vector<16xf32>,
      %get3A_258 = vector.shape_cast %get3A_257 : vector<16xf32> to vector<16xf32>
      %get3A_259 = arith.index_cast %add3A_255 : i32 to index
      %get3A_260 = tpu.vector_load %arg6[%get3A_259] {strides = array<i32>} : memref<49152xf32, #tpu.memory_space<vmem>>, vector<16xf32>,
      %get3A_261 = vector.shape_cast %get3A_260 : vector<16xf32> to vector<16xf32>
      %add3A_262 = arith.addf %get3A_258, %get3A_261 : vector<16xf32>
      %swap3A_263 = arith.index_cast %add3A_255 : i32 to index
      %swap3A_264 = tpu.vector_load %arg5[%swap3A_263] {strides = array<i32>} : memref<49152xf32, #tpu.memory_space<vmem>>, vector<16xf32>,
      %swap3A_265 = vector.shape_cast %swap3A_264 : vector<16xf32> to vector<16xf32>
      %swap3A_266 = vector.shape_cast %add3A_262 : vector<16xf32> to vector<16xf32>
      tpu.vector_store %arg5[%swap3A_263], %swap3A_266 {strides = array<i32>} : memref<49152xf32, #tpu.memory_space<vmem>>, vector<16xf32>,
      %add3A_267 = arith.constant 96 : i32
      %add3A_268 = arith.addi %mul3A_190, %add3A_267 : i32
      %get3A_269 = arith.index_cast %add3A_268 : i32 to index
      %get3A_270 = tpu.vector_load %arg5[%get3A_269] {strides = array<i32>} : memref<49152xf32, #tpu.memory_space<vmem>>, vector<16xf32>,
      %get3A_271 = vector.shape_cast %get3A_270 : vector<16xf32> to vector<16xf32>
      %get3A_272 = arith.index_cast %add3A_268 : i32 to index
      %get3A_273 = tpu.vector_load %arg6[%get3A_272] {strides = array<i32>} : memref<49152xf32, #tpu.memory_space<vmem>>, vector<16xf32>,
      %get3A_274 = vector.shape_cast %get3A_273 : vector<16xf32> to vector<16xf32>
      %add3A_275 = arith.addf %get3A_271, %get3A_274 : vector<16xf32>
      %swap3A_276 = arith.index_cast %add3A_268 : i32 to index
      %swap3A_277 = tpu.vector_load %arg5[%swap3A_276] {strides = array<i32>} : memref<49152xf32, #tpu.memory_space<vmem>>, vector<16xf32>,
      %swap3A_278 = vector.shape_cast %swap3A_277 : vector<16xf32> to vector<16xf32>
      %swap3A_279 = vector.shape_cast %add3A_275 : vector<16xf32> to vector<16xf32>
      tpu.vector_store %arg5[%swap3A_276], %swap3A_279 {strides = array<i32>} : memref<49152xf32, #tpu.memory_space<vmem>>, vector<16xf32>,
      %add3A_280 = arith.constant 112 : i32
      %add3A_281 = arith.addi %mul3A_190, %add3A_280 : i32
      %get3A_282 = arith.index_cast %add3A_281 : i32 to index
      %get3A_283 = tpu.vector_load %arg5[%get3A_282] {strides = array<i32>} : memref<49152xf32, #tpu.memory_space<vmem>>, vector<16xf32>,
      %get3A_284 = vector.shape_cast %get3A_283 : vector<16xf32> to vector<16xf32>
      %get3A_285 = arith.index_cast %add3A_281 : i32 to index
      %get3A_286 = tpu.vector_load %arg6[%get3A_285] {strides = array<i32>} : memref<49152xf32, #tpu.memory_space<vmem>>, vector<16xf32>,
      %get3A_287 = vector.shape_cast %get3A_286 : vector<16xf32> to vector<16xf32>
      %add3A_288 = arith.addf %get3A_284, %get3A_287 : vector<16xf32>
      %swap3A_289 = arith.index_cast %add3A_281 : i32 to index
      %swap3A_290 = tpu.vector_load %arg5[%swap3A_289] {strides = array<i32>} : memref<49152xf32, #tpu.memory_space<vmem>>, vector<16xf32>,
      %swap3A_291 = vector.shape_cast %swap3A_290 : vector<16xf32> to vector<16xf32>
      %swap3A_292 = vector.shape_cast %add3A_288 : vector<16xf32> to vector<16xf32>
      tpu.vector_store %arg5[%swap3A_289], %swap3A_292 {strides = array<i32>} : memref<49152xf32, #tpu.memory_space<vmem>>, vector<16xf32>,
      %add3A_293 = arith.constant 128 : i32
      %add3A_294 = arith.addi %mul3A_190, %add3A_293 : i32
      %get3A_295 = arith.index_cast %add3A_294 : i32 to index
      %get3A_296 = tpu.vector_load %arg5[%get3A_295] {strides = array<i32>} : memref<49152xf32, #tpu.memory_space<vmem>>, vector<16xf32>,
      %get3A_297 = vector.shape_cast %get3A_296 : vector<16xf32> to vector<16xf32>
      %get3A_298 = arith.index_cast %add3A_294 : i32 to index
      %get3A_299 = tpu.vector_load %arg6[%get3A_298] {strides = array<i32>} : memref<49152xf32, #tpu.memory_space<vmem>>, vector<16xf32>,
      %get3A_300 = vector.shape_cast %get3A_299 : vector<16xf32> to vector<16xf32>
      %add3A_301 = arith.addf %get3A_297, %get3A_300 : vector<16xf32>
      %swap3A_302 = arith.index_cast %add3A_294 : i32 to index
      %swap3A_303 = tpu.vector_load %arg5[%swap3A_302] {strides = array<i32>} : memref<49152xf32, #tpu.memory_space<vmem>>, vector<16xf32>,
      %swap3A_304 = vector.shape_cast %swap3A_303 : vector<16xf32> to vector<16xf32>
      %swap3A_305 = vector.shape_cast %add3A_301 : vector<16xf32> to vector<16xf32>
      tpu.vector_store %arg5[%swap3A_302], %swap3A_305 {strides = array<i32>} : memref<49152xf32, #tpu.memory_space<vmem>>, vector<16xf32>,
      %add3A_306 = arith.constant 144 : i32
      %add3A_307 = arith.addi %mul3A_190, %add3A_306 : i32
      %get3A_308 = arith.index_cast %add3A_307 : i32 to index
      %get3A_309 = tpu.vector_load %arg5[%get3A_308] {strides = array<i32>} : memref<49152xf32, #tpu.memory_space<vmem>>, vector<16xf32>,
      %get3A_310 = vector.shape_cast %get3A_309 : vector<16xf32> to vector<16xf32>
      %get3A_311 = arith.index_cast %add3A_307 : i32 to index
      %get3A_312 = tpu.vector_load %arg6[%get3A_311] {strides = array<i32>} : memref<49152xf32, #tpu.memory_space<vmem>>, vector<16xf32>,
      %get3A_313 = vector.shape_cast %get3A_312 : vector<16xf32> to vector<16xf32>
      %add3A_314 = arith.addf %get3A_310, %get3A_313 : vector<16xf32>
      %swap3A_315 = arith.index_cast %add3A_307 : i32 to index
      %swap3A_316 = tpu.vector_load %arg5[%swap3A_315] {strides = array<i32>} : memref<49152xf32, #tpu.memory_space<vmem>>, vector<16xf32>,
      %swap3A_317 = vector.shape_cast %swap3A_316 : vector<16xf32> to vector<16xf32>
      %swap3A_318 = vector.shape_cast %add3A_314 : vector<16xf32> to vector<16xf32>
      tpu.vector_store %arg5[%swap3A_315], %swap3A_318 {strides = array<i32>} : memref<49152xf32, #tpu.memory_space<vmem>>, vector<16xf32>,
      %add3A_319 = arith.constant 160 : i32
      %add3A_320 = arith.addi %mul3A_190, %add3A_319 : i32
      %get3A_321 = arith.index_cast %add3A_320 : i32 to index
      %get3A_322 = tpu.vector_load %arg5[%get3A_321] {strides = array<i32>} : memref<49152xf32, #tpu.memory_space<vmem>>, vector<16xf32>,
      %get3A_323 = vector.shape_cast %get3A_322 : vector<16xf32> to vector<16xf32>
      %get3A_324 = arith.index_cast %add3A_320 : i32 to index
      %get3A_325 = tpu.vector_load %arg6[%get3A_324] {strides = array<i32>} : memref<49152xf32, #tpu.memory_space<vmem>>, vector<16xf32>,
      %get3A_326 = vector.shape_cast %get3A_325 : vector<16xf32> to vector<16xf32>
      %add3A_327 = arith.addf %get3A_323, %get3A_326 : vector<16xf32>
      %swap3A_328 = arith.index_cast %add3A_320 : i32 to index
      %swap3A_329 = tpu.vector_load %arg5[%swap3A_328] {strides = array<i32>} : memref<49152xf32, #tpu.memory_space<vmem>>, vector<16xf32>,
      %swap3A_330 = vector.shape_cast %swap3A_329 : vector<16xf32> to vector<16xf32>
      %swap3A_331 = vector.shape_cast %add3A_327 : vector<16xf32> to vector<16xf32>
      tpu.vector_store %arg5[%swap3A_328], %swap3A_331 {strides = array<i32>} : memref<49152xf32, #tpu.memory_space<vmem>>, vector<16xf32>,
      %add3A_332 = arith.constant 176 : i32
      %add3A_333 = arith.addi %mul3A_190, %add3A_332 : i32
      %get3A_334 = arith.index_cast %add3A_333 : i32 to index
      %get3A_335 = tpu.vector_load %arg5[%get3A_334] {strides = array<i32>} : memref<49152xf32, #tpu.memory_space<vmem>>, vector<16xf32>,
      %get3A_336 = vector.shape_cast %get3A_335 : vector<16xf32> to vector<16xf32>
      %get3A_337 = arith.index_cast %add3A_333 : i32 to index
      %get3A_338 = tpu.vector_load %arg6[%get3A_337] {strides = array<i32>} : memref<49152xf32, #tpu.memory_space<vmem>>, vector<16xf32>,
      %get3A_339 = vector.shape_cast %get3A_338 : vector<16xf32> to vector<16xf32>
      %add3A_340 = arith.addf %get3A_336, %get3A_339 : vector<16xf32>
      %swap3A_341 = arith.index_cast %add3A_333 : i32 to index
      %swap3A_342 = tpu.vector_load %arg5[%swap3A_341] {strides = array<i32>} : memref<49152xf32, #tpu.memory_space<vmem>>, vector<16xf32>,
      %swap3A_343 = vector.shape_cast %swap3A_342 : vector<16xf32> to vector<16xf32>
      %swap3A_344 = vector.shape_cast %add3A_340 : vector<16xf32> to vector<16xf32>
      tpu.vector_store %arg5[%swap3A_341], %swap3A_344 {strides = array<i32>} : memref<49152xf32, #tpu.memory_space<vmem>>, vector<16xf32>,
      %add3A_345 = arith.constant 192 : i32
      %add3A_346 = arith.addi %mul3A_190, %add3A_345 : i32
      %get3A_347 = arith.index_cast %add3A_346 : i32 to index
      %get3A_348 = tpu.vector_load %arg5[%get3A_347] {strides = array<i32>} : memref<49152xf32, #tpu.memory_space<vmem>>, vector<16xf32>,
      %get3A_349 = vector.shape_cast %get3A_348 : vector<16xf32> to vector<16xf32>
      %get3A_350 = arith.index_cast %add3A_346 : i32 to index
      %get3A_351 = tpu.vector_load %arg6[%get3A_350] {strides = array<i32>} : memref<49152xf32, #tpu.memory_space<vmem>>, vector<16xf32>,
      %get3A_352 = vector.shape_cast %get3A_351 : vector<16xf32> to vector<16xf32>
      %add3A_353 = arith.addf %get3A_349, %get3A_352 : vector<16xf32>
      %swap3A_354 = arith.index_cast %add3A_346 : i32 to index
      %swap3A_355 = tpu.vector_load %arg5[%swap3A_354] {strides = array<i32>} : memref<49152xf32, #tpu.memory_space<vmem>>, vector<16xf32>,
      %swap3A_356 = vector.shape_cast %swap3A_355 : vector<16xf32> to vector<16xf32>
      %swap3A_357 = vector.shape_cast %add3A_353 : vector<16xf32> to vector<16xf32>
      tpu.vector_store %arg5[%swap3A_354], %swap3A_357 {strides = array<i32>} : memref<49152xf32, #tpu.memory_space<vmem>>, vector<16xf32>,
      %add3A_358 = arith.constant 208 : i32
      %add3A_359 = arith.addi %mul3A_190, %add3A_358 : i32
      %get3A_360 = arith.index_cast %add3A_359 : i32 to index
      %get3A_361 = tpu.vector_load %arg5[%get3A_360] {strides = array<i32>} : memref<49152xf32, #tpu.memory_space<vmem>>, vector<16xf32>,
      %get3A_362 = vector.shape_cast %get3A_361 : vector<16xf32> to vector<16xf32>
      %get3A_363 = arith.index_cast %add3A_359 : i32 to index
      %get3A_364 = tpu.vector_load %arg6[%get3A_363] {strides = array<i32>} : memref<49152xf32, #tpu.memory_space<vmem>>, vector<16xf32>,
      %get3A_365 = vector.shape_cast %get3A_364 : vector<16xf32> to vector<16xf32>
      %add3A_366 = arith.addf %get3A_362, %get3A_365 : vector<16xf32>
      %swap3A_367 = arith.index_cast %add3A_359 : i32 to index
      %swap3A_368 = tpu.vector_load %arg5[%swap3A_367] {strides = array<i32>} : memref<49152xf32, #tpu.memory_space<vmem>>, vector<16xf32>,
      %swap3A_369 = vector.shape_cast %swap3A_368 : vector<16xf32> to vector<16xf32>
      %swap3A_370 = vector.shape_cast %add3A_366 : vector<16xf32> to vector<16xf32>
      tpu.vector_store %arg5[%swap3A_367], %swap3A_370 {strides = array<i32>} : memref<49152xf32, #tpu.memory_space<vmem>>, vector<16xf32>,
      %add3A_371 = arith.constant 224 : i32
      %add3A_372 = arith.addi %mul3A_190, %add3A_371 : i32
      %get3A_373 = arith.index_cast %add3A_372 : i32 to index
      %get3A_374 = tpu.vector_load %arg5[%get3A_373] {strides = array<i32>} : memref<49152xf32, #tpu.memory_space<vmem>>, vector<16xf32>,
      %get3A_375 = vector.shape_cast %get3A_374 : vector<16xf32> to vector<16xf32>
      %get3A_376 = arith.index_cast %add3A_372 : i32 to index
      %get3A_377 = tpu.vector_load %arg6[%get3A_376] {strides = array<i32>} : memref<49152xf32, #tpu.memory_space<vmem>>, vector<16xf32>,
      %get3A_378 = vector.shape_cast %get3A_377 : vector<16xf32> to vector<16xf32>
      %add3A_379 = arith.addf %get3A_375, %get3A_378 : vector<16xf32>
      %swap3A_380 = arith.index_cast %add3A_372 : i32 to index
      %swap3A_381 = tpu.vector_load %arg5[%swap3A_380] {strides = array<i32>} : memref<49152xf32, #tpu.memory_space<vmem>>, vector<16xf32>,
      %swap3A_382 = vector.shape_cast %swap3A_381 : vector<16xf32> to vector<16xf32>
      %swap3A_383 = vector.shape_cast %add3A_379 : vector<16xf32> to vector<16xf32>
      tpu.vector_store %arg5[%swap3A_380], %swap3A_383 {strides = array<i32>} : memref<49152xf32, #tpu.memory_space<vmem>>, vector<16xf32>,
      %add3A_384 = arith.constant 240 : i32
      %add3A_385 = arith.addi %mul3A_190, %add3A_384 : i32
      %get3A_386 = arith.index_cast %add3A_385 : i32 to index
      %get3A_387 = tpu.vector_load %arg5[%get3A_386] {strides = array<i32>} : memref<49152xf32, #tpu.memory_space<vmem>>, vector<16xf32>,
      %get3A_388 = vector.shape_cast %get3A_387 : vector<16xf32> to vector<16xf32>
      %get3A_389 = arith.index_cast %add3A_385 : i32 to index
      %get3A_390 = tpu.vector_load %arg6[%get3A_389] {strides = array<i32>} : memref<49152xf32, #tpu.memory_space<vmem>>, vector<16xf32>,
      %get3A_391 = vector.shape_cast %get3A_390 : vector<16xf32> to vector<16xf32>
      %add3A_392 = arith.addf %get3A_388, %get3A_391 : vector<16xf32>
      %swap3A_393 = arith.index_cast %add3A_385 : i32 to index
      %swap3A_394 = tpu.vector_load %arg5[%swap3A_393] {strides = array<i32>} : memref<49152xf32, #tpu.memory_space<vmem>>, vector<16xf32>,
      %swap3A_395 = vector.shape_cast %swap3A_394 : vector<16xf32> to vector<16xf32>
      %swap3A_396 = vector.shape_cast %add3A_392 : vector<16xf32> to vector<16xf32>
      tpu.vector_store %arg5[%swap3A_393], %swap3A_396 {strides = array<i32>} : memref<49152xf32, #tpu.memory_space<vmem>>, vector<16xf32>,
      %scan3A_397 = arith.constant 0 : i32
      scf.yield %scan3A_397 : i32
    }
    %scan3A_164 = arith.constant 192 : i32
    "tpu.region"() ({
      %run_scoped3A = tpu.sem_alloc : memref<!tpu.dma_semaphore, #tpu.memory_space<semaphore_mem>>
      %dma_start3A = tpu.memref_slice %arg4[%add3A_155] : memref<25165824xf32, #tpu.memory_space<hbm>> -> memref<49152xf32, #tpu.memory_space<hbm>>
      %dma_start3A_187 = tpu.memref_slice %arg4[%add3A_155] : memref<25165824xf32, #tpu.memory_space<hbm>> -> memref<49152xf32, #tpu.memory_space<hbm>>
      tpu.enqueue_dma source(%arg5 : memref<49152xf32, #tpu.memory_space<vmem>>) target(%dma_start3A_187 : memref<49152xf32, #tpu.memory_space<hbm>>) target_semaphore(%run_scoped3A : memref<!tpu.dma_semaphore, #tpu.memory_space<semaphore_mem>>)
      %dma_wait3A = tpu.memref_slice %arg4[%add3A_155] : memref<25165824xf32, #tpu.memory_space<hbm>> -> memref<49152xf32, #tpu.memory_space<hbm>>
      %dma_wait3A_188 = tpu.memref_slice %arg4[%add3A_155] : memref<25165824xf32, #tpu.memory_space<hbm>> -> memref<49152xf32, #tpu.memory_space<hbm>>
      tpu.wait_dma2 semaphore(%run_scoped3A : memref<!tpu.dma_semaphore, #tpu.memory_space<semaphore_mem>>) src(%arg5 : memref<49152xf32, #tpu.memory_space<vmem>>) dst(%dma_wait3A_188 : memref<49152xf32, #tpu.memory_space<hbm>>)
      tpu.yield
    }) : () -> ()
    %add3A_165 = arith.constant 688128 : i32
    %add3A_166 = arith.addi %mul3A_2, %add3A_165 : i32
    %add3A_167 = arith.constant 688128 : i32
    %add3A_168 = arith.addi %select_n3A_11, %add3A_167 : i32
    "tpu.region"() ({
      %run_scoped3A = tpu.sem_alloc : memref<!tpu.dma_semaphore, #tpu.memory_space<semaphore_mem>>
      %dma_start3A = tpu.memref_slice %arg2[%add3A_166] : memref<25165824xf32, #tpu.memory_space<hbm>> -> memref<49152xf32, #tpu.memory_space<hbm>>
      %dma_start3A_187 = tpu.memref_slice %arg2[%add3A_166] : memref<25165824xf32, #tpu.memory_space<hbm>> -> memref<49152xf32, #tpu.memory_space<hbm>>
      tpu.enqueue_dma source(%dma_start3A_187 : memref<49152xf32, #tpu.memory_space<hbm>>) target(%arg5 : memref<49152xf32, #tpu.memory_space<vmem>>) target_semaphore(%run_scoped3A : memref<!tpu.dma_semaphore, #tpu.memory_space<semaphore_mem>>)
      %dma_wait3A = tpu.memref_slice %arg2[%add3A_166] : memref<25165824xf32, #tpu.memory_space<hbm>> -> memref<49152xf32, #tpu.memory_space<hbm>>
      %dma_wait3A_188 = tpu.memref_slice %arg2[%add3A_166] : memref<25165824xf32, #tpu.memory_space<hbm>> -> memref<49152xf32, #tpu.memory_space<hbm>>
      tpu.wait_dma2 semaphore(%run_scoped3A : memref<!tpu.dma_semaphore, #tpu.memory_space<semaphore_mem>>) src(%dma_wait3A_188 : memref<49152xf32, #tpu.memory_space<hbm>>) dst(%arg5 : memref<49152xf32, #tpu.memory_space<vmem>>)
      tpu.yield
    }) : () -> ()
    "tpu.region"() ({
      %run_scoped3A = tpu.sem_alloc : memref<!tpu.dma_semaphore, #tpu.memory_space<semaphore_mem>>
      %dma_start3A = tpu.memref_slice %arg3[%add3A_168] : memref<6291456xf32, #tpu.memory_space<hbm>> -> memref<49152xf32, #tpu.memory_space<hbm>>
      %dma_start3A_187 = tpu.memref_slice %arg3[%add3A_168] : memref<6291456xf32, #tpu.memory_space<hbm>> -> memref<49152xf32, #tpu.memory_space<hbm>>
      tpu.enqueue_dma source(%dma_start3A_187 : memref<49152xf32, #tpu.memory_space<hbm>>) target(%arg6 : memref<49152xf32, #tpu.memory_space<vmem>>) target_semaphore(%run_scoped3A : memref<!tpu.dma_semaphore, #tpu.memory_space<semaphore_mem>>)
      %dma_wait3A = tpu.memref_slice %arg3[%add3A_168] : memref<6291456xf32, #tpu.memory_space<hbm>> -> memref<49152xf32, #tpu.memory_space<hbm>>
      %dma_wait3A_188 = tpu.memref_slice %arg3[%add3A_168] : memref<6291456xf32, #tpu.memory_space<hbm>> -> memref<49152xf32, #tpu.memory_space<hbm>>
      tpu.wait_dma2 semaphore(%run_scoped3A : memref<!tpu.dma_semaphore, #tpu.memory_space<semaphore_mem>>) src(%dma_wait3A_188 : memref<49152xf32, #tpu.memory_space<hbm>>) dst(%arg6 : memref<49152xf32, #tpu.memory_space<vmem>>)
      tpu.yield
    }) : () -> ()
    %scan3A_169 = arith.constant 0 : i32
    %scan3A_170 = arith.constant 0 : i32
    %scan3A_171 = arith.constant 192 : i32
    %scan3A_172 = arith.addi %scan3A_170, %scan3A_171 : i32
    %scan3A_173 = arith.constant 1 : i32
    %scan3A_174 = scf.for %scan3A_187 = %scan3A_170 to %scan3A_172 step %scan3A_173 iter_args(%scan3A_188 = %scan3A_169) -> (i32)  : i32 {
      %mul3A_189 = arith.constant 256 : i32
      %mul3A_190 = arith.muli %scan3A_187, %mul3A_189 : i32
      %add3A_191 = arith.constant 0 : i32
      %add3A_192 = arith.addi %mul3A_190, %add3A_191 : i32
      %get3A = arith.index_cast %add3A_192 : i32 to index
      %get3A_193 = tpu.vector_load %arg5[%get3A] {strides = array<i32>} : memref<49152xf32, #tpu.memory_space<vmem>>, vector<16xf32>,
      %get3A_194 = vector.shape_cast %get3A_193 : vector<16xf32> to vector<16xf32>
      %get3A_195 = arith.index_cast %add3A_192 : i32 to index
      %get3A_196 = tpu.vector_load %arg6[%get3A_195] {strides = array<i32>} : memref<49152xf32, #tpu.memory_space<vmem>>, vector<16xf32>,
      %get3A_197 = vector.shape_cast %get3A_196 : vector<16xf32> to vector<16xf32>
      %add3A_198 = arith.addf %get3A_194, %get3A_197 : vector<16xf32>
      %swap3A = arith.index_cast %add3A_192 : i32 to index
      %swap3A_199 = tpu.vector_load %arg5[%swap3A] {strides = array<i32>} : memref<49152xf32, #tpu.memory_space<vmem>>, vector<16xf32>,
      %swap3A_200 = vector.shape_cast %swap3A_199 : vector<16xf32> to vector<16xf32>
      %swap3A_201 = vector.shape_cast %add3A_198 : vector<16xf32> to vector<16xf32>
      tpu.vector_store %arg5[%swap3A], %swap3A_201 {strides = array<i32>} : memref<49152xf32, #tpu.memory_space<vmem>>, vector<16xf32>,
      %add3A_202 = arith.constant 16 : i32
      %add3A_203 = arith.addi %mul3A_190, %add3A_202 : i32
      %get3A_204 = arith.index_cast %add3A_203 : i32 to index
      %get3A_205 = tpu.vector_load %arg5[%get3A_204] {strides = array<i32>} : memref<49152xf32, #tpu.memory_space<vmem>>, vector<16xf32>,
      %get3A_206 = vector.shape_cast %get3A_205 : vector<16xf32> to vector<16xf32>
      %get3A_207 = arith.index_cast %add3A_203 : i32 to index
      %get3A_208 = tpu.vector_load %arg6[%get3A_207] {strides = array<i32>} : memref<49152xf32, #tpu.memory_space<vmem>>, vector<16xf32>,
      %get3A_209 = vector.shape_cast %get3A_208 : vector<16xf32> to vector<16xf32>
      %add3A_210 = arith.addf %get3A_206, %get3A_209 : vector<16xf32>
      %swap3A_211 = arith.index_cast %add3A_203 : i32 to index
      %swap3A_212 = tpu.vector_load %arg5[%swap3A_211] {strides = array<i32>} : memref<49152xf32, #tpu.memory_space<vmem>>, vector<16xf32>,
      %swap3A_213 = vector.shape_cast %swap3A_212 : vector<16xf32> to vector<16xf32>
      %swap3A_214 = vector.shape_cast %add3A_210 : vector<16xf32> to vector<16xf32>
      tpu.vector_store %arg5[%swap3A_211], %swap3A_214 {strides = array<i32>} : memref<49152xf32, #tpu.memory_space<vmem>>, vector<16xf32>,
      %add3A_215 = arith.constant 32 : i32
      %add3A_216 = arith.addi %mul3A_190, %add3A_215 : i32
      %get3A_217 = arith.index_cast %add3A_216 : i32 to index
      %get3A_218 = tpu.vector_load %arg5[%get3A_217] {strides = array<i32>} : memref<49152xf32, #tpu.memory_space<vmem>>, vector<16xf32>,
      %get3A_219 = vector.shape_cast %get3A_218 : vector<16xf32> to vector<16xf32>
      %get3A_220 = arith.index_cast %add3A_216 : i32 to index
      %get3A_221 = tpu.vector_load %arg6[%get3A_220] {strides = array<i32>} : memref<49152xf32, #tpu.memory_space<vmem>>, vector<16xf32>,
      %get3A_222 = vector.shape_cast %get3A_221 : vector<16xf32> to vector<16xf32>
      %add3A_223 = arith.addf %get3A_219, %get3A_222 : vector<16xf32>
      %swap3A_224 = arith.index_cast %add3A_216 : i32 to index
      %swap3A_225 = tpu.vector_load %arg5[%swap3A_224] {strides = array<i32>} : memref<49152xf32, #tpu.memory_space<vmem>>, vector<16xf32>,
      %swap3A_226 = vector.shape_cast %swap3A_225 : vector<16xf32> to vector<16xf32>
      %swap3A_227 = vector.shape_cast %add3A_223 : vector<16xf32> to vector<16xf32>
      tpu.vector_store %arg5[%swap3A_224], %swap3A_227 {strides = array<i32>} : memref<49152xf32, #tpu.memory_space<vmem>>, vector<16xf32>,
      %add3A_228 = arith.constant 48 : i32
      %add3A_229 = arith.addi %mul3A_190, %add3A_228 : i32
      %get3A_230 = arith.index_cast %add3A_229 : i32 to index
      %get3A_231 = tpu.vector_load %arg5[%get3A_230] {strides = array<i32>} : memref<49152xf32, #tpu.memory_space<vmem>>, vector<16xf32>,
      %get3A_232 = vector.shape_cast %get3A_231 : vector<16xf32> to vector<16xf32>
      %get3A_233 = arith.index_cast %add3A_229 : i32 to index
      %get3A_234 = tpu.vector_load %arg6[%get3A_233] {strides = array<i32>} : memref<49152xf32, #tpu.memory_space<vmem>>, vector<16xf32>,
      %get3A_235 = vector.shape_cast %get3A_234 : vector<16xf32> to vector<16xf32>
      %add3A_236 = arith.addf %get3A_232, %get3A_235 : vector<16xf32>
      %swap3A_237 = arith.index_cast %add3A_229 : i32 to index
      %swap3A_238 = tpu.vector_load %arg5[%swap3A_237] {strides = array<i32>} : memref<49152xf32, #tpu.memory_space<vmem>>, vector<16xf32>,
      %swap3A_239 = vector.shape_cast %swap3A_238 : vector<16xf32> to vector<16xf32>
      %swap3A_240 = vector.shape_cast %add3A_236 : vector<16xf32> to vector<16xf32>
      tpu.vector_store %arg5[%swap3A_237], %swap3A_240 {strides = array<i32>} : memref<49152xf32, #tpu.memory_space<vmem>>, vector<16xf32>,
      %add3A_241 = arith.constant 64 : i32
      %add3A_242 = arith.addi %mul3A_190, %add3A_241 : i32
      %get3A_243 = arith.index_cast %add3A_242 : i32 to index
      %get3A_244 = tpu.vector_load %arg5[%get3A_243] {strides = array<i32>} : memref<49152xf32, #tpu.memory_space<vmem>>, vector<16xf32>,
      %get3A_245 = vector.shape_cast %get3A_244 : vector<16xf32> to vector<16xf32>
      %get3A_246 = arith.index_cast %add3A_242 : i32 to index
      %get3A_247 = tpu.vector_load %arg6[%get3A_246] {strides = array<i32>} : memref<49152xf32, #tpu.memory_space<vmem>>, vector<16xf32>,
      %get3A_248 = vector.shape_cast %get3A_247 : vector<16xf32> to vector<16xf32>
      %add3A_249 = arith.addf %get3A_245, %get3A_248 : vector<16xf32>
      %swap3A_250 = arith.index_cast %add3A_242 : i32 to index
      %swap3A_251 = tpu.vector_load %arg5[%swap3A_250] {strides = array<i32>} : memref<49152xf32, #tpu.memory_space<vmem>>, vector<16xf32>,
      %swap3A_252 = vector.shape_cast %swap3A_251 : vector<16xf32> to vector<16xf32>
      %swap3A_253 = vector.shape_cast %add3A_249 : vector<16xf32> to vector<16xf32>
      tpu.vector_store %arg5[%swap3A_250], %swap3A_253 {strides = array<i32>} : memref<49152xf32, #tpu.memory_space<vmem>>, vector<16xf32>,
      %add3A_254 = arith.constant 80 : i32
      %add3A_255 = arith.addi %mul3A_190, %add3A_254 : i32
      %get3A_256 = arith.index_cast %add3A_255 : i32 to index
      %get3A_257 = tpu.vector_load %arg5[%get3A_256] {strides = array<i32>} : memref<49152xf32, #tpu.memory_space<vmem>>, vector<16xf32>,
      %get3A_258 = vector.shape_cast %get3A_257 : vector<16xf32> to vector<16xf32>
      %get3A_259 = arith.index_cast %add3A_255 : i32 to index
      %get3A_260 = tpu.vector_load %arg6[%get3A_259] {strides = array<i32>} : memref<49152xf32, #tpu.memory_space<vmem>>, vector<16xf32>,
      %get3A_261 = vector.shape_cast %get3A_260 : vector<16xf32> to vector<16xf32>
      %add3A_262 = arith.addf %get3A_258, %get3A_261 : vector<16xf32>
      %swap3A_263 = arith.index_cast %add3A_255 : i32 to index
      %swap3A_264 = tpu.vector_load %arg5[%swap3A_263] {strides = array<i32>} : memref<49152xf32, #tpu.memory_space<vmem>>, vector<16xf32>,
      %swap3A_265 = vector.shape_cast %swap3A_264 : vector<16xf32> to vector<16xf32>
      %swap3A_266 = vector.shape_cast %add3A_262 : vector<16xf32> to vector<16xf32>
      tpu.vector_store %arg5[%swap3A_263], %swap3A_266 {strides = array<i32>} : memref<49152xf32, #tpu.memory_space<vmem>>, vector<16xf32>,
      %add3A_267 = arith.constant 96 : i32
      %add3A_268 = arith.addi %mul3A_190, %add3A_267 : i32
      %get3A_269 = arith.index_cast %add3A_268 : i32 to index
      %get3A_270 = tpu.vector_load %arg5[%get3A_269] {strides = array<i32>} : memref<49152xf32, #tpu.memory_space<vmem>>, vector<16xf32>,
      %get3A_271 = vector.shape_cast %get3A_270 : vector<16xf32> to vector<16xf32>
      %get3A_272 = arith.index_cast %add3A_268 : i32 to index
      %get3A_273 = tpu.vector_load %arg6[%get3A_272] {strides = array<i32>} : memref<49152xf32, #tpu.memory_space<vmem>>, vector<16xf32>,
      %get3A_274 = vector.shape_cast %get3A_273 : vector<16xf32> to vector<16xf32>
      %add3A_275 = arith.addf %get3A_271, %get3A_274 : vector<16xf32>
      %swap3A_276 = arith.index_cast %add3A_268 : i32 to index
      %swap3A_277 = tpu.vector_load %arg5[%swap3A_276] {strides = array<i32>} : memref<49152xf32, #tpu.memory_space<vmem>>, vector<16xf32>,
      %swap3A_278 = vector.shape_cast %swap3A_277 : vector<16xf32> to vector<16xf32>
      %swap3A_279 = vector.shape_cast %add3A_275 : vector<16xf32> to vector<16xf32>
      tpu.vector_store %arg5[%swap3A_276], %swap3A_279 {strides = array<i32>} : memref<49152xf32, #tpu.memory_space<vmem>>, vector<16xf32>,
      %add3A_280 = arith.constant 112 : i32
      %add3A_281 = arith.addi %mul3A_190, %add3A_280 : i32
      %get3A_282 = arith.index_cast %add3A_281 : i32 to index
      %get3A_283 = tpu.vector_load %arg5[%get3A_282] {strides = array<i32>} : memref<49152xf32, #tpu.memory_space<vmem>>, vector<16xf32>,
      %get3A_284 = vector.shape_cast %get3A_283 : vector<16xf32> to vector<16xf32>
      %get3A_285 = arith.index_cast %add3A_281 : i32 to index
      %get3A_286 = tpu.vector_load %arg6[%get3A_285] {strides = array<i32>} : memref<49152xf32, #tpu.memory_space<vmem>>, vector<16xf32>,
      %get3A_287 = vector.shape_cast %get3A_286 : vector<16xf32> to vector<16xf32>
      %add3A_288 = arith.addf %get3A_284, %get3A_287 : vector<16xf32>
      %swap3A_289 = arith.index_cast %add3A_281 : i32 to index
      %swap3A_290 = tpu.vector_load %arg5[%swap3A_289] {strides = array<i32>} : memref<49152xf32, #tpu.memory_space<vmem>>, vector<16xf32>,
      %swap3A_291 = vector.shape_cast %swap3A_290 : vector<16xf32> to vector<16xf32>
      %swap3A_292 = vector.shape_cast %add3A_288 : vector<16xf32> to vector<16xf32>
      tpu.vector_store %arg5[%swap3A_289], %swap3A_292 {strides = array<i32>} : memref<49152xf32, #tpu.memory_space<vmem>>, vector<16xf32>,
      %add3A_293 = arith.constant 128 : i32
      %add3A_294 = arith.addi %mul3A_190, %add3A_293 : i32
      %get3A_295 = arith.index_cast %add3A_294 : i32 to index
      %get3A_296 = tpu.vector_load %arg5[%get3A_295] {strides = array<i32>} : memref<49152xf32, #tpu.memory_space<vmem>>, vector<16xf32>,
      %get3A_297 = vector.shape_cast %get3A_296 : vector<16xf32> to vector<16xf32>
      %get3A_298 = arith.index_cast %add3A_294 : i32 to index
      %get3A_299 = tpu.vector_load %arg6[%get3A_298] {strides = array<i32>} : memref<49152xf32, #tpu.memory_space<vmem>>, vector<16xf32>,
      %get3A_300 = vector.shape_cast %get3A_299 : vector<16xf32> to vector<16xf32>
      %add3A_301 = arith.addf %get3A_297, %get3A_300 : vector<16xf32>
      %swap3A_302 = arith.index_cast %add3A_294 : i32 to index
      %swap3A_303 = tpu.vector_load %arg5[%swap3A_302] {strides = array<i32>} : memref<49152xf32, #tpu.memory_space<vmem>>, vector<16xf32>,
      %swap3A_304 = vector.shape_cast %swap3A_303 : vector<16xf32> to vector<16xf32>
      %swap3A_305 = vector.shape_cast %add3A_301 : vector<16xf32> to vector<16xf32>
      tpu.vector_store %arg5[%swap3A_302], %swap3A_305 {strides = array<i32>} : memref<49152xf32, #tpu.memory_space<vmem>>, vector<16xf32>,
      %add3A_306 = arith.constant 144 : i32
      %add3A_307 = arith.addi %mul3A_190, %add3A_306 : i32
      %get3A_308 = arith.index_cast %add3A_307 : i32 to index
      %get3A_309 = tpu.vector_load %arg5[%get3A_308] {strides = array<i32>} : memref<49152xf32, #tpu.memory_space<vmem>>, vector<16xf32>,
      %get3A_310 = vector.shape_cast %get3A_309 : vector<16xf32> to vector<16xf32>
      %get3A_311 = arith.index_cast %add3A_307 : i32 to index
      %get3A_312 = tpu.vector_load %arg6[%get3A_311] {strides = array<i32>} : memref<49152xf32, #tpu.memory_space<vmem>>, vector<16xf32>,
      %get3A_313 = vector.shape_cast %get3A_312 : vector<16xf32> to vector<16xf32>
      %add3A_314 = arith.addf %get3A_310, %get3A_313 : vector<16xf32>
      %swap3A_315 = arith.index_cast %add3A_307 : i32 to index
      %swap3A_316 = tpu.vector_load %arg5[%swap3A_315] {strides = array<i32>} : memref<49152xf32, #tpu.memory_space<vmem>>, vector<16xf32>,
      %swap3A_317 = vector.shape_cast %swap3A_316 : vector<16xf32> to vector<16xf32>
      %swap3A_318 = vector.shape_cast %add3A_314 : vector<16xf32> to vector<16xf32>
      tpu.vector_store %arg5[%swap3A_315], %swap3A_318 {strides = array<i32>} : memref<49152xf32, #tpu.memory_space<vmem>>, vector<16xf32>,
      %add3A_319 = arith.constant 160 : i32
      %add3A_320 = arith.addi %mul3A_190, %add3A_319 : i32
      %get3A_321 = arith.index_cast %add3A_320 : i32 to index
      %get3A_322 = tpu.vector_load %arg5[%get3A_321] {strides = array<i32>} : memref<49152xf32, #tpu.memory_space<vmem>>, vector<16xf32>,
      %get3A_323 = vector.shape_cast %get3A_322 : vector<16xf32> to vector<16xf32>
      %get3A_324 = arith.index_cast %add3A_320 : i32 to index
      %get3A_325 = tpu.vector_load %arg6[%get3A_324] {strides = array<i32>} : memref<49152xf32, #tpu.memory_space<vmem>>, vector<16xf32>,
      %get3A_326 = vector.shape_cast %get3A_325 : vector<16xf32> to vector<16xf32>
      %add3A_327 = arith.addf %get3A_323, %get3A_326 : vector<16xf32>
      %swap3A_328 = arith.index_cast %add3A_320 : i32 to index
      %swap3A_329 = tpu.vector_load %arg5[%swap3A_328] {strides = array<i32>} : memref<49152xf32, #tpu.memory_space<vmem>>, vector<16xf32>,
      %swap3A_330 = vector.shape_cast %swap3A_329 : vector<16xf32> to vector<16xf32>
      %swap3A_331 = vector.shape_cast %add3A_327 : vector<16xf32> to vector<16xf32>
      tpu.vector_store %arg5[%swap3A_328], %swap3A_331 {strides = array<i32>} : memref<49152xf32, #tpu.memory_space<vmem>>, vector<16xf32>,
      %add3A_332 = arith.constant 176 : i32
      %add3A_333 = arith.addi %mul3A_190, %add3A_332 : i32
      %get3A_334 = arith.index_cast %add3A_333 : i32 to index
      %get3A_335 = tpu.vector_load %arg5[%get3A_334] {strides = array<i32>} : memref<49152xf32, #tpu.memory_space<vmem>>, vector<16xf32>,
      %get3A_336 = vector.shape_cast %get3A_335 : vector<16xf32> to vector<16xf32>
      %get3A_337 = arith.index_cast %add3A_333 : i32 to index
      %get3A_338 = tpu.vector_load %arg6[%get3A_337] {strides = array<i32>} : memref<49152xf32, #tpu.memory_space<vmem>>, vector<16xf32>,
      %get3A_339 = vector.shape_cast %get3A_338 : vector<16xf32> to vector<16xf32>
      %add3A_340 = arith.addf %get3A_336, %get3A_339 : vector<16xf32>
      %swap3A_341 = arith.index_cast %add3A_333 : i32 to index
      %swap3A_342 = tpu.vector_load %arg5[%swap3A_341] {strides = array<i32>} : memref<49152xf32, #tpu.memory_space<vmem>>, vector<16xf32>,
      %swap3A_343 = vector.shape_cast %swap3A_342 : vector<16xf32> to vector<16xf32>
      %swap3A_344 = vector.shape_cast %add3A_340 : vector<16xf32> to vector<16xf32>
      tpu.vector_store %arg5[%swap3A_341], %swap3A_344 {strides = array<i32>} : memref<49152xf32, #tpu.memory_space<vmem>>, vector<16xf32>,
      %add3A_345 = arith.constant 192 : i32
      %add3A_346 = arith.addi %mul3A_190, %add3A_345 : i32
      %get3A_347 = arith.index_cast %add3A_346 : i32 to index
      %get3A_348 = tpu.vector_load %arg5[%get3A_347] {strides = array<i32>} : memref<49152xf32, #tpu.memory_space<vmem>>, vector<16xf32>,
      %get3A_349 = vector.shape_cast %get3A_348 : vector<16xf32> to vector<16xf32>
      %get3A_350 = arith.index_cast %add3A_346 : i32 to index
      %get3A_351 = tpu.vector_load %arg6[%get3A_350] {strides = array<i32>} : memref<49152xf32, #tpu.memory_space<vmem>>, vector<16xf32>,
      %get3A_352 = vector.shape_cast %get3A_351 : vector<16xf32> to vector<16xf32>
      %add3A_353 = arith.addf %get3A_349, %get3A_352 : vector<16xf32>
      %swap3A_354 = arith.index_cast %add3A_346 : i32 to index
      %swap3A_355 = tpu.vector_load %arg5[%swap3A_354] {strides = array<i32>} : memref<49152xf32, #tpu.memory_space<vmem>>, vector<16xf32>,
      %swap3A_356 = vector.shape_cast %swap3A_355 : vector<16xf32> to vector<16xf32>
      %swap3A_357 = vector.shape_cast %add3A_353 : vector<16xf32> to vector<16xf32>
      tpu.vector_store %arg5[%swap3A_354], %swap3A_357 {strides = array<i32>} : memref<49152xf32, #tpu.memory_space<vmem>>, vector<16xf32>,
      %add3A_358 = arith.constant 208 : i32
      %add3A_359 = arith.addi %mul3A_190, %add3A_358 : i32
      %get3A_360 = arith.index_cast %add3A_359 : i32 to index
      %get3A_361 = tpu.vector_load %arg5[%get3A_360] {strides = array<i32>} : memref<49152xf32, #tpu.memory_space<vmem>>, vector<16xf32>,
      %get3A_362 = vector.shape_cast %get3A_361 : vector<16xf32> to vector<16xf32>
      %get3A_363 = arith.index_cast %add3A_359 : i32 to index
      %get3A_364 = tpu.vector_load %arg6[%get3A_363] {strides = array<i32>} : memref<49152xf32, #tpu.memory_space<vmem>>, vector<16xf32>,
      %get3A_365 = vector.shape_cast %get3A_364 : vector<16xf32> to vector<16xf32>
      %add3A_366 = arith.addf %get3A_362, %get3A_365 : vector<16xf32>
      %swap3A_367 = arith.index_cast %add3A_359 : i32 to index
      %swap3A_368 = tpu.vector_load %arg5[%swap3A_367] {strides = array<i32>} : memref<49152xf32, #tpu.memory_space<vmem>>, vector<16xf32>,
      %swap3A_369 = vector.shape_cast %swap3A_368 : vector<16xf32> to vector<16xf32>
      %swap3A_370 = vector.shape_cast %add3A_366 : vector<16xf32> to vector<16xf32>
      tpu.vector_store %arg5[%swap3A_367], %swap3A_370 {strides = array<i32>} : memref<49152xf32, #tpu.memory_space<vmem>>, vector<16xf32>,
      %add3A_371 = arith.constant 224 : i32
      %add3A_372 = arith.addi %mul3A_190, %add3A_371 : i32
      %get3A_373 = arith.index_cast %add3A_372 : i32 to index
      %get3A_374 = tpu.vector_load %arg5[%get3A_373] {strides = array<i32>} : memref<49152xf32, #tpu.memory_space<vmem>>, vector<16xf32>,
      %get3A_375 = vector.shape_cast %get3A_374 : vector<16xf32> to vector<16xf32>
      %get3A_376 = arith.index_cast %add3A_372 : i32 to index
      %get3A_377 = tpu.vector_load %arg6[%get3A_376] {strides = array<i32>} : memref<49152xf32, #tpu.memory_space<vmem>>, vector<16xf32>,
      %get3A_378 = vector.shape_cast %get3A_377 : vector<16xf32> to vector<16xf32>
      %add3A_379 = arith.addf %get3A_375, %get3A_378 : vector<16xf32>
      %swap3A_380 = arith.index_cast %add3A_372 : i32 to index
      %swap3A_381 = tpu.vector_load %arg5[%swap3A_380] {strides = array<i32>} : memref<49152xf32, #tpu.memory_space<vmem>>, vector<16xf32>,
      %swap3A_382 = vector.shape_cast %swap3A_381 : vector<16xf32> to vector<16xf32>
      %swap3A_383 = vector.shape_cast %add3A_379 : vector<16xf32> to vector<16xf32>
      tpu.vector_store %arg5[%swap3A_380], %swap3A_383 {strides = array<i32>} : memref<49152xf32, #tpu.memory_space<vmem>>, vector<16xf32>,
      %add3A_384 = arith.constant 240 : i32
      %add3A_385 = arith.addi %mul3A_190, %add3A_384 : i32
      %get3A_386 = arith.index_cast %add3A_385 : i32 to index
      %get3A_387 = tpu.vector_load %arg5[%get3A_386] {strides = array<i32>} : memref<49152xf32, #tpu.memory_space<vmem>>, vector<16xf32>,
      %get3A_388 = vector.shape_cast %get3A_387 : vector<16xf32> to vector<16xf32>
      %get3A_389 = arith.index_cast %add3A_385 : i32 to index
      %get3A_390 = tpu.vector_load %arg6[%get3A_389] {strides = array<i32>} : memref<49152xf32, #tpu.memory_space<vmem>>, vector<16xf32>,
      %get3A_391 = vector.shape_cast %get3A_390 : vector<16xf32> to vector<16xf32>
      %add3A_392 = arith.addf %get3A_388, %get3A_391 : vector<16xf32>
      %swap3A_393 = arith.index_cast %add3A_385 : i32 to index
      %swap3A_394 = tpu.vector_load %arg5[%swap3A_393] {strides = array<i32>} : memref<49152xf32, #tpu.memory_space<vmem>>, vector<16xf32>,
      %swap3A_395 = vector.shape_cast %swap3A_394 : vector<16xf32> to vector<16xf32>
      %swap3A_396 = vector.shape_cast %add3A_392 : vector<16xf32> to vector<16xf32>
      tpu.vector_store %arg5[%swap3A_393], %swap3A_396 {strides = array<i32>} : memref<49152xf32, #tpu.memory_space<vmem>>, vector<16xf32>,
      %scan3A_397 = arith.constant 0 : i32
      scf.yield %scan3A_397 : i32
    }
    %scan3A_175 = arith.constant 192 : i32
    "tpu.region"() ({
      %run_scoped3A = tpu.sem_alloc : memref<!tpu.dma_semaphore, #tpu.memory_space<semaphore_mem>>
      %dma_start3A = tpu.memref_slice %arg4[%add3A_166] : memref<25165824xf32, #tpu.memory_space<hbm>> -> memref<49152xf32, #tpu.memory_space<hbm>>
      %dma_start3A_187 = tpu.memref_slice %arg4[%add3A_166] : memref<25165824xf32, #tpu.memory_space<hbm>> -> memref<49152xf32, #tpu.memory_space<hbm>>
      tpu.enqueue_dma source(%arg5 : memref<49152xf32, #tpu.memory_space<vmem>>) target(%dma_start3A_187 : memref<49152xf32, #tpu.memory_space<hbm>>) target_semaphore(%run_scoped3A : memref<!tpu.dma_semaphore, #tpu.memory_space<semaphore_mem>>)
      %dma_wait3A = tpu.memref_slice %arg4[%add3A_166] : memref<25165824xf32, #tpu.memory_space<hbm>> -> memref<49152xf32, #tpu.memory_space<hbm>>
      %dma_wait3A_188 = tpu.memref_slice %arg4[%add3A_166] : memref<25165824xf32, #tpu.memory_space<hbm>> -> memref<49152xf32, #tpu.memory_space<hbm>>
      tpu.wait_dma2 semaphore(%run_scoped3A : memref<!tpu.dma_semaphore, #tpu.memory_space<semaphore_mem>>) src(%arg5 : memref<49152xf32, #tpu.memory_space<vmem>>) dst(%dma_wait3A_188 : memref<49152xf32, #tpu.memory_space<hbm>>)
      tpu.yield
    }) : () -> ()
    %add3A_176 = arith.constant 737280 : i32
    %add3A_177 = arith.addi %mul3A_2, %add3A_176 : i32
    %add3A_178 = arith.constant 737280 : i32
    %add3A_179 = arith.addi %select_n3A_11, %add3A_178 : i32
    "tpu.region"() ({
      %run_scoped3A = tpu.sem_alloc : memref<!tpu.dma_semaphore, #tpu.memory_space<semaphore_mem>>
      %dma_start3A = tpu.memref_slice %arg2[%add3A_177] : memref<25165824xf32, #tpu.memory_space<hbm>> -> memref<49152xf32, #tpu.memory_space<hbm>>
      %dma_start3A_187 = tpu.memref_slice %arg2[%add3A_177] : memref<25165824xf32, #tpu.memory_space<hbm>> -> memref<49152xf32, #tpu.memory_space<hbm>>
      tpu.enqueue_dma source(%dma_start3A_187 : memref<49152xf32, #tpu.memory_space<hbm>>) target(%arg5 : memref<49152xf32, #tpu.memory_space<vmem>>) target_semaphore(%run_scoped3A : memref<!tpu.dma_semaphore, #tpu.memory_space<semaphore_mem>>)
      %dma_wait3A = tpu.memref_slice %arg2[%add3A_177] : memref<25165824xf32, #tpu.memory_space<hbm>> -> memref<49152xf32, #tpu.memory_space<hbm>>
      %dma_wait3A_188 = tpu.memref_slice %arg2[%add3A_177] : memref<25165824xf32, #tpu.memory_space<hbm>> -> memref<49152xf32, #tpu.memory_space<hbm>>
      tpu.wait_dma2 semaphore(%run_scoped3A : memref<!tpu.dma_semaphore, #tpu.memory_space<semaphore_mem>>) src(%dma_wait3A_188 : memref<49152xf32, #tpu.memory_space<hbm>>) dst(%arg5 : memref<49152xf32, #tpu.memory_space<vmem>>)
      tpu.yield
    }) : () -> ()
    "tpu.region"() ({
      %run_scoped3A = tpu.sem_alloc : memref<!tpu.dma_semaphore, #tpu.memory_space<semaphore_mem>>
      %dma_start3A = tpu.memref_slice %arg3[%add3A_179] : memref<6291456xf32, #tpu.memory_space<hbm>> -> memref<49152xf32, #tpu.memory_space<hbm>>
      %dma_start3A_187 = tpu.memref_slice %arg3[%add3A_179] : memref<6291456xf32, #tpu.memory_space<hbm>> -> memref<49152xf32, #tpu.memory_space<hbm>>
      tpu.enqueue_dma source(%dma_start3A_187 : memref<49152xf32, #tpu.memory_space<hbm>>) target(%arg6 : memref<49152xf32, #tpu.memory_space<vmem>>) target_semaphore(%run_scoped3A : memref<!tpu.dma_semaphore, #tpu.memory_space<semaphore_mem>>)
      %dma_wait3A = tpu.memref_slice %arg3[%add3A_179] : memref<6291456xf32, #tpu.memory_space<hbm>> -> memref<49152xf32, #tpu.memory_space<hbm>>
      %dma_wait3A_188 = tpu.memref_slice %arg3[%add3A_179] : memref<6291456xf32, #tpu.memory_space<hbm>> -> memref<49152xf32, #tpu.memory_space<hbm>>
      tpu.wait_dma2 semaphore(%run_scoped3A : memref<!tpu.dma_semaphore, #tpu.memory_space<semaphore_mem>>) src(%dma_wait3A_188 : memref<49152xf32, #tpu.memory_space<hbm>>) dst(%arg6 : memref<49152xf32, #tpu.memory_space<vmem>>)
      tpu.yield
    }) : () -> ()
    %scan3A_180 = arith.constant 0 : i32
    %scan3A_181 = arith.constant 0 : i32
    %scan3A_182 = arith.constant 192 : i32
    %scan3A_183 = arith.addi %scan3A_181, %scan3A_182 : i32
    %scan3A_184 = arith.constant 1 : i32
    %scan3A_185 = scf.for %scan3A_187 = %scan3A_181 to %scan3A_183 step %scan3A_184 iter_args(%scan3A_188 = %scan3A_180) -> (i32)  : i32 {
      %mul3A_189 = arith.constant 256 : i32
      %mul3A_190 = arith.muli %scan3A_187, %mul3A_189 : i32
      %add3A_191 = arith.constant 0 : i32
      %add3A_192 = arith.addi %mul3A_190, %add3A_191 : i32
      %get3A = arith.index_cast %add3A_192 : i32 to index
      %get3A_193 = tpu.vector_load %arg5[%get3A] {strides = array<i32>} : memref<49152xf32, #tpu.memory_space<vmem>>, vector<16xf32>,
      %get3A_194 = vector.shape_cast %get3A_193 : vector<16xf32> to vector<16xf32>
      %get3A_195 = arith.index_cast %add3A_192 : i32 to index
      %get3A_196 = tpu.vector_load %arg6[%get3A_195] {strides = array<i32>} : memref<49152xf32, #tpu.memory_space<vmem>>, vector<16xf32>,
      %get3A_197 = vector.shape_cast %get3A_196 : vector<16xf32> to vector<16xf32>
      %add3A_198 = arith.addf %get3A_194, %get3A_197 : vector<16xf32>
      %swap3A = arith.index_cast %add3A_192 : i32 to index
      %swap3A_199 = tpu.vector_load %arg5[%swap3A] {strides = array<i32>} : memref<49152xf32, #tpu.memory_space<vmem>>, vector<16xf32>,
      %swap3A_200 = vector.shape_cast %swap3A_199 : vector<16xf32> to vector<16xf32>
      %swap3A_201 = vector.shape_cast %add3A_198 : vector<16xf32> to vector<16xf32>
      tpu.vector_store %arg5[%swap3A], %swap3A_201 {strides = array<i32>} : memref<49152xf32, #tpu.memory_space<vmem>>, vector<16xf32>,
      %add3A_202 = arith.constant 16 : i32
      %add3A_203 = arith.addi %mul3A_190, %add3A_202 : i32
      %get3A_204 = arith.index_cast %add3A_203 : i32 to index
      %get3A_205 = tpu.vector_load %arg5[%get3A_204] {strides = array<i32>} : memref<49152xf32, #tpu.memory_space<vmem>>, vector<16xf32>,
      %get3A_206 = vector.shape_cast %get3A_205 : vector<16xf32> to vector<16xf32>
      %get3A_207 = arith.index_cast %add3A_203 : i32 to index
      %get3A_208 = tpu.vector_load %arg6[%get3A_207] {strides = array<i32>} : memref<49152xf32, #tpu.memory_space<vmem>>, vector<16xf32>,
      %get3A_209 = vector.shape_cast %get3A_208 : vector<16xf32> to vector<16xf32>
      %add3A_210 = arith.addf %get3A_206, %get3A_209 : vector<16xf32>
      %swap3A_211 = arith.index_cast %add3A_203 : i32 to index
      %swap3A_212 = tpu.vector_load %arg5[%swap3A_211] {strides = array<i32>} : memref<49152xf32, #tpu.memory_space<vmem>>, vector<16xf32>,
      %swap3A_213 = vector.shape_cast %swap3A_212 : vector<16xf32> to vector<16xf32>
      %swap3A_214 = vector.shape_cast %add3A_210 : vector<16xf32> to vector<16xf32>
      tpu.vector_store %arg5[%swap3A_211], %swap3A_214 {strides = array<i32>} : memref<49152xf32, #tpu.memory_space<vmem>>, vector<16xf32>,
      %add3A_215 = arith.constant 32 : i32
      %add3A_216 = arith.addi %mul3A_190, %add3A_215 : i32
      %get3A_217 = arith.index_cast %add3A_216 : i32 to index
      %get3A_218 = tpu.vector_load %arg5[%get3A_217] {strides = array<i32>} : memref<49152xf32, #tpu.memory_space<vmem>>, vector<16xf32>,
      %get3A_219 = vector.shape_cast %get3A_218 : vector<16xf32> to vector<16xf32>
      %get3A_220 = arith.index_cast %add3A_216 : i32 to index
      %get3A_221 = tpu.vector_load %arg6[%get3A_220] {strides = array<i32>} : memref<49152xf32, #tpu.memory_space<vmem>>, vector<16xf32>,
      %get3A_222 = vector.shape_cast %get3A_221 : vector<16xf32> to vector<16xf32>
      %add3A_223 = arith.addf %get3A_219, %get3A_222 : vector<16xf32>
      %swap3A_224 = arith.index_cast %add3A_216 : i32 to index
      %swap3A_225 = tpu.vector_load %arg5[%swap3A_224] {strides = array<i32>} : memref<49152xf32, #tpu.memory_space<vmem>>, vector<16xf32>,
      %swap3A_226 = vector.shape_cast %swap3A_225 : vector<16xf32> to vector<16xf32>
      %swap3A_227 = vector.shape_cast %add3A_223 : vector<16xf32> to vector<16xf32>
      tpu.vector_store %arg5[%swap3A_224], %swap3A_227 {strides = array<i32>} : memref<49152xf32, #tpu.memory_space<vmem>>, vector<16xf32>,
      %add3A_228 = arith.constant 48 : i32
      %add3A_229 = arith.addi %mul3A_190, %add3A_228 : i32
      %get3A_230 = arith.index_cast %add3A_229 : i32 to index
      %get3A_231 = tpu.vector_load %arg5[%get3A_230] {strides = array<i32>} : memref<49152xf32, #tpu.memory_space<vmem>>, vector<16xf32>,
      %get3A_232 = vector.shape_cast %get3A_231 : vector<16xf32> to vector<16xf32>
      %get3A_233 = arith.index_cast %add3A_229 : i32 to index
      %get3A_234 = tpu.vector_load %arg6[%get3A_233] {strides = array<i32>} : memref<49152xf32, #tpu.memory_space<vmem>>, vector<16xf32>,
      %get3A_235 = vector.shape_cast %get3A_234 : vector<16xf32> to vector<16xf32>
      %add3A_236 = arith.addf %get3A_232, %get3A_235 : vector<16xf32>
      %swap3A_237 = arith.index_cast %add3A_229 : i32 to index
      %swap3A_238 = tpu.vector_load %arg5[%swap3A_237] {strides = array<i32>} : memref<49152xf32, #tpu.memory_space<vmem>>, vector<16xf32>,
      %swap3A_239 = vector.shape_cast %swap3A_238 : vector<16xf32> to vector<16xf32>
      %swap3A_240 = vector.shape_cast %add3A_236 : vector<16xf32> to vector<16xf32>
      tpu.vector_store %arg5[%swap3A_237], %swap3A_240 {strides = array<i32>} : memref<49152xf32, #tpu.memory_space<vmem>>, vector<16xf32>,
      %add3A_241 = arith.constant 64 : i32
      %add3A_242 = arith.addi %mul3A_190, %add3A_241 : i32
      %get3A_243 = arith.index_cast %add3A_242 : i32 to index
      %get3A_244 = tpu.vector_load %arg5[%get3A_243] {strides = array<i32>} : memref<49152xf32, #tpu.memory_space<vmem>>, vector<16xf32>,
      %get3A_245 = vector.shape_cast %get3A_244 : vector<16xf32> to vector<16xf32>
      %get3A_246 = arith.index_cast %add3A_242 : i32 to index
      %get3A_247 = tpu.vector_load %arg6[%get3A_246] {strides = array<i32>} : memref<49152xf32, #tpu.memory_space<vmem>>, vector<16xf32>,
      %get3A_248 = vector.shape_cast %get3A_247 : vector<16xf32> to vector<16xf32>
      %add3A_249 = arith.addf %get3A_245, %get3A_248 : vector<16xf32>
      %swap3A_250 = arith.index_cast %add3A_242 : i32 to index
      %swap3A_251 = tpu.vector_load %arg5[%swap3A_250] {strides = array<i32>} : memref<49152xf32, #tpu.memory_space<vmem>>, vector<16xf32>,
      %swap3A_252 = vector.shape_cast %swap3A_251 : vector<16xf32> to vector<16xf32>
      %swap3A_253 = vector.shape_cast %add3A_249 : vector<16xf32> to vector<16xf32>
      tpu.vector_store %arg5[%swap3A_250], %swap3A_253 {strides = array<i32>} : memref<49152xf32, #tpu.memory_space<vmem>>, vector<16xf32>,
      %add3A_254 = arith.constant 80 : i32
      %add3A_255 = arith.addi %mul3A_190, %add3A_254 : i32
      %get3A_256 = arith.index_cast %add3A_255 : i32 to index
      %get3A_257 = tpu.vector_load %arg5[%get3A_256] {strides = array<i32>} : memref<49152xf32, #tpu.memory_space<vmem>>, vector<16xf32>,
      %get3A_258 = vector.shape_cast %get3A_257 : vector<16xf32> to vector<16xf32>
      %get3A_259 = arith.index_cast %add3A_255 : i32 to index
      %get3A_260 = tpu.vector_load %arg6[%get3A_259] {strides = array<i32>} : memref<49152xf32, #tpu.memory_space<vmem>>, vector<16xf32>,
      %get3A_261 = vector.shape_cast %get3A_260 : vector<16xf32> to vector<16xf32>
      %add3A_262 = arith.addf %get3A_258, %get3A_261 : vector<16xf32>
      %swap3A_263 = arith.index_cast %add3A_255 : i32 to index
      %swap3A_264 = tpu.vector_load %arg5[%swap3A_263] {strides = array<i32>} : memref<49152xf32, #tpu.memory_space<vmem>>, vector<16xf32>,
      %swap3A_265 = vector.shape_cast %swap3A_264 : vector<16xf32> to vector<16xf32>
      %swap3A_266 = vector.shape_cast %add3A_262 : vector<16xf32> to vector<16xf32>
      tpu.vector_store %arg5[%swap3A_263], %swap3A_266 {strides = array<i32>} : memref<49152xf32, #tpu.memory_space<vmem>>, vector<16xf32>,
      %add3A_267 = arith.constant 96 : i32
      %add3A_268 = arith.addi %mul3A_190, %add3A_267 : i32
      %get3A_269 = arith.index_cast %add3A_268 : i32 to index
      %get3A_270 = tpu.vector_load %arg5[%get3A_269] {strides = array<i32>} : memref<49152xf32, #tpu.memory_space<vmem>>, vector<16xf32>,
      %get3A_271 = vector.shape_cast %get3A_270 : vector<16xf32> to vector<16xf32>
      %get3A_272 = arith.index_cast %add3A_268 : i32 to index
      %get3A_273 = tpu.vector_load %arg6[%get3A_272] {strides = array<i32>} : memref<49152xf32, #tpu.memory_space<vmem>>, vector<16xf32>,
      %get3A_274 = vector.shape_cast %get3A_273 : vector<16xf32> to vector<16xf32>
      %add3A_275 = arith.addf %get3A_271, %get3A_274 : vector<16xf32>
      %swap3A_276 = arith.index_cast %add3A_268 : i32 to index
      %swap3A_277 = tpu.vector_load %arg5[%swap3A_276] {strides = array<i32>} : memref<49152xf32, #tpu.memory_space<vmem>>, vector<16xf32>,
      %swap3A_278 = vector.shape_cast %swap3A_277 : vector<16xf32> to vector<16xf32>
      %swap3A_279 = vector.shape_cast %add3A_275 : vector<16xf32> to vector<16xf32>
      tpu.vector_store %arg5[%swap3A_276], %swap3A_279 {strides = array<i32>} : memref<49152xf32, #tpu.memory_space<vmem>>, vector<16xf32>,
      %add3A_280 = arith.constant 112 : i32
      %add3A_281 = arith.addi %mul3A_190, %add3A_280 : i32
      %get3A_282 = arith.index_cast %add3A_281 : i32 to index
      %get3A_283 = tpu.vector_load %arg5[%get3A_282] {strides = array<i32>} : memref<49152xf32, #tpu.memory_space<vmem>>, vector<16xf32>,
      %get3A_284 = vector.shape_cast %get3A_283 : vector<16xf32> to vector<16xf32>
      %get3A_285 = arith.index_cast %add3A_281 : i32 to index
      %get3A_286 = tpu.vector_load %arg6[%get3A_285] {strides = array<i32>} : memref<49152xf32, #tpu.memory_space<vmem>>, vector<16xf32>,
      %get3A_287 = vector.shape_cast %get3A_286 : vector<16xf32> to vector<16xf32>
      %add3A_288 = arith.addf %get3A_284, %get3A_287 : vector<16xf32>
      %swap3A_289 = arith.index_cast %add3A_281 : i32 to index
      %swap3A_290 = tpu.vector_load %arg5[%swap3A_289] {strides = array<i32>} : memref<49152xf32, #tpu.memory_space<vmem>>, vector<16xf32>,
      %swap3A_291 = vector.shape_cast %swap3A_290 : vector<16xf32> to vector<16xf32>
      %swap3A_292 = vector.shape_cast %add3A_288 : vector<16xf32> to vector<16xf32>
      tpu.vector_store %arg5[%swap3A_289], %swap3A_292 {strides = array<i32>} : memref<49152xf32, #tpu.memory_space<vmem>>, vector<16xf32>,
      %add3A_293 = arith.constant 128 : i32
      %add3A_294 = arith.addi %mul3A_190, %add3A_293 : i32
      %get3A_295 = arith.index_cast %add3A_294 : i32 to index
      %get3A_296 = tpu.vector_load %arg5[%get3A_295] {strides = array<i32>} : memref<49152xf32, #tpu.memory_space<vmem>>, vector<16xf32>,
      %get3A_297 = vector.shape_cast %get3A_296 : vector<16xf32> to vector<16xf32>
      %get3A_298 = arith.index_cast %add3A_294 : i32 to index
      %get3A_299 = tpu.vector_load %arg6[%get3A_298] {strides = array<i32>} : memref<49152xf32, #tpu.memory_space<vmem>>, vector<16xf32>,
      %get3A_300 = vector.shape_cast %get3A_299 : vector<16xf32> to vector<16xf32>
      %add3A_301 = arith.addf %get3A_297, %get3A_300 : vector<16xf32>
      %swap3A_302 = arith.index_cast %add3A_294 : i32 to index
      %swap3A_303 = tpu.vector_load %arg5[%swap3A_302] {strides = array<i32>} : memref<49152xf32, #tpu.memory_space<vmem>>, vector<16xf32>,
      %swap3A_304 = vector.shape_cast %swap3A_303 : vector<16xf32> to vector<16xf32>
      %swap3A_305 = vector.shape_cast %add3A_301 : vector<16xf32> to vector<16xf32>
      tpu.vector_store %arg5[%swap3A_302], %swap3A_305 {strides = array<i32>} : memref<49152xf32, #tpu.memory_space<vmem>>, vector<16xf32>,
      %add3A_306 = arith.constant 144 : i32
      %add3A_307 = arith.addi %mul3A_190, %add3A_306 : i32
      %get3A_308 = arith.index_cast %add3A_307 : i32 to index
      %get3A_309 = tpu.vector_load %arg5[%get3A_308] {strides = array<i32>} : memref<49152xf32, #tpu.memory_space<vmem>>, vector<16xf32>,
      %get3A_310 = vector.shape_cast %get3A_309 : vector<16xf32> to vector<16xf32>
      %get3A_311 = arith.index_cast %add3A_307 : i32 to index
      %get3A_312 = tpu.vector_load %arg6[%get3A_311] {strides = array<i32>} : memref<49152xf32, #tpu.memory_space<vmem>>, vector<16xf32>,
      %get3A_313 = vector.shape_cast %get3A_312 : vector<16xf32> to vector<16xf32>
      %add3A_314 = arith.addf %get3A_310, %get3A_313 : vector<16xf32>
      %swap3A_315 = arith.index_cast %add3A_307 : i32 to index
      %swap3A_316 = tpu.vector_load %arg5[%swap3A_315] {strides = array<i32>} : memref<49152xf32, #tpu.memory_space<vmem>>, vector<16xf32>,
      %swap3A_317 = vector.shape_cast %swap3A_316 : vector<16xf32> to vector<16xf32>
      %swap3A_318 = vector.shape_cast %add3A_314 : vector<16xf32> to vector<16xf32>
      tpu.vector_store %arg5[%swap3A_315], %swap3A_318 {strides = array<i32>} : memref<49152xf32, #tpu.memory_space<vmem>>, vector<16xf32>,
      %add3A_319 = arith.constant 160 : i32
      %add3A_320 = arith.addi %mul3A_190, %add3A_319 : i32
      %get3A_321 = arith.index_cast %add3A_320 : i32 to index
      %get3A_322 = tpu.vector_load %arg5[%get3A_321] {strides = array<i32>} : memref<49152xf32, #tpu.memory_space<vmem>>, vector<16xf32>,
      %get3A_323 = vector.shape_cast %get3A_322 : vector<16xf32> to vector<16xf32>
      %get3A_324 = arith.index_cast %add3A_320 : i32 to index
      %get3A_325 = tpu.vector_load %arg6[%get3A_324] {strides = array<i32>} : memref<49152xf32, #tpu.memory_space<vmem>>, vector<16xf32>,
      %get3A_326 = vector.shape_cast %get3A_325 : vector<16xf32> to vector<16xf32>
      %add3A_327 = arith.addf %get3A_323, %get3A_326 : vector<16xf32>
      %swap3A_328 = arith.index_cast %add3A_320 : i32 to index
      %swap3A_329 = tpu.vector_load %arg5[%swap3A_328] {strides = array<i32>} : memref<49152xf32, #tpu.memory_space<vmem>>, vector<16xf32>,
      %swap3A_330 = vector.shape_cast %swap3A_329 : vector<16xf32> to vector<16xf32>
      %swap3A_331 = vector.shape_cast %add3A_327 : vector<16xf32> to vector<16xf32>
      tpu.vector_store %arg5[%swap3A_328], %swap3A_331 {strides = array<i32>} : memref<49152xf32, #tpu.memory_space<vmem>>, vector<16xf32>,
      %add3A_332 = arith.constant 176 : i32
      %add3A_333 = arith.addi %mul3A_190, %add3A_332 : i32
      %get3A_334 = arith.index_cast %add3A_333 : i32 to index
      %get3A_335 = tpu.vector_load %arg5[%get3A_334] {strides = array<i32>} : memref<49152xf32, #tpu.memory_space<vmem>>, vector<16xf32>,
      %get3A_336 = vector.shape_cast %get3A_335 : vector<16xf32> to vector<16xf32>
      %get3A_337 = arith.index_cast %add3A_333 : i32 to index
      %get3A_338 = tpu.vector_load %arg6[%get3A_337] {strides = array<i32>} : memref<49152xf32, #tpu.memory_space<vmem>>, vector<16xf32>,
      %get3A_339 = vector.shape_cast %get3A_338 : vector<16xf32> to vector<16xf32>
      %add3A_340 = arith.addf %get3A_336, %get3A_339 : vector<16xf32>
      %swap3A_341 = arith.index_cast %add3A_333 : i32 to index
      %swap3A_342 = tpu.vector_load %arg5[%swap3A_341] {strides = array<i32>} : memref<49152xf32, #tpu.memory_space<vmem>>, vector<16xf32>,
      %swap3A_343 = vector.shape_cast %swap3A_342 : vector<16xf32> to vector<16xf32>
      %swap3A_344 = vector.shape_cast %add3A_340 : vector<16xf32> to vector<16xf32>
      tpu.vector_store %arg5[%swap3A_341], %swap3A_344 {strides = array<i32>} : memref<49152xf32, #tpu.memory_space<vmem>>, vector<16xf32>,
      %add3A_345 = arith.constant 192 : i32
      %add3A_346 = arith.addi %mul3A_190, %add3A_345 : i32
      %get3A_347 = arith.index_cast %add3A_346 : i32 to index
      %get3A_348 = tpu.vector_load %arg5[%get3A_347] {strides = array<i32>} : memref<49152xf32, #tpu.memory_space<vmem>>, vector<16xf32>,
      %get3A_349 = vector.shape_cast %get3A_348 : vector<16xf32> to vector<16xf32>
      %get3A_350 = arith.index_cast %add3A_346 : i32 to index
      %get3A_351 = tpu.vector_load %arg6[%get3A_350] {strides = array<i32>} : memref<49152xf32, #tpu.memory_space<vmem>>, vector<16xf32>,
      %get3A_352 = vector.shape_cast %get3A_351 : vector<16xf32> to vector<16xf32>
      %add3A_353 = arith.addf %get3A_349, %get3A_352 : vector<16xf32>
      %swap3A_354 = arith.index_cast %add3A_346 : i32 to index
      %swap3A_355 = tpu.vector_load %arg5[%swap3A_354] {strides = array<i32>} : memref<49152xf32, #tpu.memory_space<vmem>>, vector<16xf32>,
      %swap3A_356 = vector.shape_cast %swap3A_355 : vector<16xf32> to vector<16xf32>
      %swap3A_357 = vector.shape_cast %add3A_353 : vector<16xf32> to vector<16xf32>
      tpu.vector_store %arg5[%swap3A_354], %swap3A_357 {strides = array<i32>} : memref<49152xf32, #tpu.memory_space<vmem>>, vector<16xf32>,
      %add3A_358 = arith.constant 208 : i32
      %add3A_359 = arith.addi %mul3A_190, %add3A_358 : i32
      %get3A_360 = arith.index_cast %add3A_359 : i32 to index
      %get3A_361 = tpu.vector_load %arg5[%get3A_360] {strides = array<i32>} : memref<49152xf32, #tpu.memory_space<vmem>>, vector<16xf32>,
      %get3A_362 = vector.shape_cast %get3A_361 : vector<16xf32> to vector<16xf32>
      %get3A_363 = arith.index_cast %add3A_359 : i32 to index
      %get3A_364 = tpu.vector_load %arg6[%get3A_363] {strides = array<i32>} : memref<49152xf32, #tpu.memory_space<vmem>>, vector<16xf32>,
      %get3A_365 = vector.shape_cast %get3A_364 : vector<16xf32> to vector<16xf32>
      %add3A_366 = arith.addf %get3A_362, %get3A_365 : vector<16xf32>
      %swap3A_367 = arith.index_cast %add3A_359 : i32 to index
      %swap3A_368 = tpu.vector_load %arg5[%swap3A_367] {strides = array<i32>} : memref<49152xf32, #tpu.memory_space<vmem>>, vector<16xf32>,
      %swap3A_369 = vector.shape_cast %swap3A_368 : vector<16xf32> to vector<16xf32>
      %swap3A_370 = vector.shape_cast %add3A_366 : vector<16xf32> to vector<16xf32>
      tpu.vector_store %arg5[%swap3A_367], %swap3A_370 {strides = array<i32>} : memref<49152xf32, #tpu.memory_space<vmem>>, vector<16xf32>,
      %add3A_371 = arith.constant 224 : i32
      %add3A_372 = arith.addi %mul3A_190, %add3A_371 : i32
      %get3A_373 = arith.index_cast %add3A_372 : i32 to index
      %get3A_374 = tpu.vector_load %arg5[%get3A_373] {strides = array<i32>} : memref<49152xf32, #tpu.memory_space<vmem>>, vector<16xf32>,
      %get3A_375 = vector.shape_cast %get3A_374 : vector<16xf32> to vector<16xf32>
      %get3A_376 = arith.index_cast %add3A_372 : i32 to index
      %get3A_377 = tpu.vector_load %arg6[%get3A_376] {strides = array<i32>} : memref<49152xf32, #tpu.memory_space<vmem>>, vector<16xf32>,
      %get3A_378 = vector.shape_cast %get3A_377 : vector<16xf32> to vector<16xf32>
      %add3A_379 = arith.addf %get3A_375, %get3A_378 : vector<16xf32>
      %swap3A_380 = arith.index_cast %add3A_372 : i32 to index
      %swap3A_381 = tpu.vector_load %arg5[%swap3A_380] {strides = array<i32>} : memref<49152xf32, #tpu.memory_space<vmem>>, vector<16xf32>,
      %swap3A_382 = vector.shape_cast %swap3A_381 : vector<16xf32> to vector<16xf32>
      %swap3A_383 = vector.shape_cast %add3A_379 : vector<16xf32> to vector<16xf32>
      tpu.vector_store %arg5[%swap3A_380], %swap3A_383 {strides = array<i32>} : memref<49152xf32, #tpu.memory_space<vmem>>, vector<16xf32>,
      %add3A_384 = arith.constant 240 : i32
      %add3A_385 = arith.addi %mul3A_190, %add3A_384 : i32
      %get3A_386 = arith.index_cast %add3A_385 : i32 to index
      %get3A_387 = tpu.vector_load %arg5[%get3A_386] {strides = array<i32>} : memref<49152xf32, #tpu.memory_space<vmem>>, vector<16xf32>,
      %get3A_388 = vector.shape_cast %get3A_387 : vector<16xf32> to vector<16xf32>
      %get3A_389 = arith.index_cast %add3A_385 : i32 to index
      %get3A_390 = tpu.vector_load %arg6[%get3A_389] {strides = array<i32>} : memref<49152xf32, #tpu.memory_space<vmem>>, vector<16xf32>,
      %get3A_391 = vector.shape_cast %get3A_390 : vector<16xf32> to vector<16xf32>
      %add3A_392 = arith.addf %get3A_388, %get3A_391 : vector<16xf32>
      %swap3A_393 = arith.index_cast %add3A_385 : i32 to index
      %swap3A_394 = tpu.vector_load %arg5[%swap3A_393] {strides = array<i32>} : memref<49152xf32, #tpu.memory_space<vmem>>, vector<16xf32>,
      %swap3A_395 = vector.shape_cast %swap3A_394 : vector<16xf32> to vector<16xf32>
      %swap3A_396 = vector.shape_cast %add3A_392 : vector<16xf32> to vector<16xf32>
      tpu.vector_store %arg5[%swap3A_393], %swap3A_396 {strides = array<i32>} : memref<49152xf32, #tpu.memory_space<vmem>>, vector<16xf32>,
      %scan3A_397 = arith.constant 0 : i32
      scf.yield %scan3A_397 : i32
    }
    %scan3A_186 = arith.constant 192 : i32
    "tpu.region"() ({
      %run_scoped3A = tpu.sem_alloc : memref<!tpu.dma_semaphore, #tpu.memory_space<semaphore_mem>>
      %dma_start3A = tpu.memref_slice %arg4[%add3A_177] : memref<25165824xf32, #tpu.memory_space<hbm>> -> memref<49152xf32, #tpu.memory_space<hbm>>
      %dma_start3A_187 = tpu.memref_slice %arg4[%add3A_177] : memref<25165824xf32, #tpu.memory_space<hbm>> -> memref<49152xf32, #tpu.memory_space<hbm>>
      tpu.enqueue_dma source(%arg5 : memref<49152xf32, #tpu.memory_space<vmem>>) target(%dma_start3A_187 : memref<49152xf32, #tpu.memory_space<hbm>>) target_semaphore(%run_scoped3A : memref<!tpu.dma_semaphore, #tpu.memory_space<semaphore_mem>>)
      %dma_wait3A = tpu.memref_slice %arg4[%add3A_177] : memref<25165824xf32, #tpu.memory_space<hbm>> -> memref<49152xf32, #tpu.memory_space<hbm>>
      %dma_wait3A_188 = tpu.memref_slice %arg4[%add3A_177] : memref<25165824xf32, #tpu.memory_space<hbm>> -> memref<49152xf32, #tpu.memory_space<hbm>>
      tpu.wait_dma2 semaphore(%run_scoped3A : memref<!tpu.dma_semaphore, #tpu.memory_space<semaphore_mem>>) src(%arg5 : memref<49152xf32, #tpu.memory_space<vmem>>) dst(%dma_wait3A_188 : memref<49152xf32, #tpu.memory_space<hbm>>)
      tpu.yield
    }) : () -> ()
    return
  }
}

</mosaic_0001>

<sc_bundles>
// kernel: kernel.3.cloned.1.call-start
scs
__scs_entry_jumppad:
0x0: {  	(pc) =	sbr.rel $0x88, $3  }
0x1: {  	(tag) =	ssettag $0x0;
	lr =	simm.s32 $0x1  }
0x2: {  	[smem:$0x3F9F] =	sst lr;
	_ =	strace $0xD0000000  }
0x3: {  	_ = 	snop  }
0x4: {  	_ = 	snop  }
0x5: {  	_ = 	snop  }
0x6: {  	_ = 	snop  }
0x7: {  	_ = 	snop  }
__scs_overlays_trampoline_lowered:
0x8: {  	[smem:$0x3FAE] =	sst s0  }
0x9: {  	[smem:$0x3FAF] =	sst s1  }
0xa: {  	[smem:$0x3FB0] =	sst s2  }
0xb: {  	[smem:$0x3FB1] =	sst s3  }
0xc: {  	[smem:$0x3FB2] =	sst s4  }
0xd: {  	[smem:$0x3FB3] =	sst s5  }
0xe: {  	[smem:$0x3FB4] =	sst s6  }
0xf: {  	[smem:$0x3FB5] =	sst s7  }
0x10: {  	[smem:$0x3FB6] =	sst s8  }
0x11: {  	[smem:$0x3FB7] =	sst s9;
	s0 =	simm.s32 @!p0 $0x0  }
0x12: {  	s1 =	sld [smem:$0x3F9D];
	s0 =	simm.s32 @p0 $0x1  }
0x13: {  	[smem:$0x3FB8] =	sst s0;
	s0 =	simm.s32 @!p1 $0x0  }
0x14: {  	s2 =	sld [smem:$0x3F9C];
	s0 =	simm.s32 @p1 $0x1  }
0x15: {  	[smem:$0x3FB9] =	sst s0;
	s0 =	simm.s32 @!p2 $0x0  }
0x16: {  	s3 =	sld [smem:$0x3FDB];
	s0 =	simm.s32 @p2 $0x1  }
0x17: {  	s4 =	simm.s32 $0x1BF5;
	[smem:$0x3FBB] =	sst s0  }
0x18: {  	s0 =	sld [smem:$0x3F9E];
	_ =	swait.ge [sflag:s4], $0x0  }
0x19: {  	s7 =	sld [smem:$0x3F9F]  }
0x1a: {  	s8 =	sadd.s32 $0xFFFFE003, lr  }
0x1b: {  	s9 =	sadd.s32 $0xFFFFFEF7, lr;
	s5 =	simm.s32 $0xFFFFFFFF;
	p2 =	slt.u32 s8, $0xFFFFF086  }
0x1c: {  	p1 =	slt.u32 s9, $0xF7A;
	s5 =	simm.s32 @!p2 $0x0  }
0x1d: {  	s5 =	simm.s32 @p1 $0x1;
	p0 =	seq.s32 s7, s2  }
0x1e: {  	s7 =	smul.u32 @!p0 $0xF7A, s2;
	p2 =	seq.s32 @!p0 s5, $0x0  }
0x1f: {  	s9 =	smul.u32 $0xF7A, s1;
	s8 =	simm.s32 @!p0 $0x1BF5;
	p2 =	por !p2, p0  }
0x20: {  	[sflag:s8] =	ssyncset.s32 @!p0 $0xFFFFF086;
	s6 =	sadd.s32 @!p0 s3, s7;
	s7 =	simm.s32 @!p0 $0x108  }
0x21: {  	s3 =	sadd.s32 s3, s9;
	s6 =	sadd.s32 @!p0 $0x88, s6;
	s7 =	simm.s32 @p2 $0x1082  }
0x22: {  	[simem:s7], [sflag:s8] =	dma.local @!p0 [hbm:s6], $0xF7A  }
0x23: {  	s9 =	sor.u32 $0xD0000000, s2;
	s6 =	simm.s32 $0x108;
	_ =	swait.ge @!p0 [sflag:s8], $0x0  }
0x24: {  	s3 =	sadd.s32 $0x88, s3;
	s6 =	simm.s32 @!p1 $0x1082;
	[sflag:s4] =	ssyncset.s32 $0xFFFFF086  }
0x25: {  	[simem:s6], [sflag:s4] =	dma.local [hbm:s3], $0xF7A  }
0x26: {  	[smem:$0x3F9F] =	sst s1;
	(tag) =	ssettag s2;
	_ =	strace s9  }
0x27: {  	s1 =	sld [smem:$0x3FAF]  }
0x28: {  	s2 =	sld [smem:$0x3FB0]  }
0x29: {  	s4 =	sld [smem:$0x3FB2]  }
0x2a: {  	p0 =	seq.s32 s5, $0x0;
	s5 =	sld [smem:$0x3FB3]  }
0x2b: {  	s6 =	sld [smem:$0x3FB4]  }
0x2c: {  	s7 =	sld [smem:$0x3FB5]  }
0x2d: {  	s3 =	simm.s32 $0x108;
	s8 =	sld [smem:$0x3FB6]  }
0x2e: {  	s3 =	simm.s32 @!p0 $0x1082;
	s9 =	sld [smem:$0x3FB7]  }
0x2f: {  	lr =	sadd.s32 s0, s3;
	s0 =	sld [smem:$0x3FAE]  }
0x30: {  	s3 =	sld [smem:$0x3FB1]  }
0x31: {  	[smem:$0x3FBA] =	sst s10  }
0x32: {  	s10 =	sld [smem:$0x3FB8];
	_ =	sdelay $0x3  }
0x33: {  	p0 =	seq.s32 s10, $0x1;
	s10 =	sld [smem:$0x3FBA];
	_ =	sdelay $0x3  }
0x34: {  	[smem:$0x3FBA] =	sst s10  }
0x35: {  	s10 =	sld [smem:$0x3FB9];
	_ =	sdelay $0x3  }
0x36: {  	p1 =	seq.s32 s10, $0x1;
	s10 =	sld [smem:$0x3FBA];
	_ =	sdelay $0x3  }
0x37: {  	[smem:$0x3FBA] =	sst s10  }
0x38: {  	s10 =	sld [smem:$0x3FBB]  }
0x39: {  	_ = 	snop;
	(pc) =	sbr.ind lr, $3  }
0x3a: {  	_ = 	snop  }
0x3b: {  	_ = 	snop  }
0x3c: {  	p2 =	seq.s32 s10, $0x1;
	s10 =	sld [smem:$0x3FBA]  }
0x3d: {  	_ =	shalt  }
0x3e: {  	_ =	shalt  }
0x3f: {  	_ =	shalt  }
0x40: {  	_ =	shalt  }
0x41: {  	_ =	shalt  }
0x42: {  	_ =	shalt  }
0x43: {  	_ =	shalt  }
0x44: {  	_ =	shalt  }
0x45: {  	_ =	shalt  }
0x46: {  	_ =	shalt  }
0x47: {  	_ =	shalt  }
0x48: {  	_ =	shalt  }
0x49: {  	_ =	shalt  }
0x4a: {  	_ =	shalt  }
0x4b: {  	_ =	shalt  }
0x4c: {  	_ =	shalt  }
0x4d: {  	_ =	shalt  }
0x4e: {  	_ =	shalt  }
0x4f: {  	_ =	shalt  }
0x50: {  	_ =	shalt  }
0x51: {  	_ =	shalt  }
0x52: {  	_ =	shalt  }
0x53: {  	_ =	shalt  }
0x54: {  	_ =	shalt  }
0x55: {  	_ =	shalt  }
0x56: {  	_ =	shalt  }
0x57: {  	_ =	shalt  }
0x58: {  	_ =	shalt  }
0x59: {  	_ =	shalt  }
0x5a: {  	_ =	shalt  }
0x5b: {  	_ =	shalt  }
0x5c: {  	_ =	shalt  }
0x5d: {  	_ =	shalt  }
0x5e: {  	_ =	shalt  }
0x5f: {  	_ =	shalt  }
0x60: {  	_ =	shalt  }
0x61: {  	_ =	shalt  }
0x62: {  	_ =	shalt  }
0x63: {  	_ =	shalt  }
0x64: {  	_ =	shalt  }
0x65: {  	_ =	shalt  }
0x66: {  	_ =	shalt  }
0x67: {  	_ =	shalt  }
0x68: {  	_ =	shalt  }
0x69: {  	_ =	shalt  }
0x6a: {  	_ =	shalt  }
0x6b: {  	_ =	shalt  }
0x6c: {  	_ =	shalt  }
0x6d: {  	_ =	shalt  }
0x6e: {  	_ =	shalt  }
0x6f: {  	_ =	shalt  }
0x70: {  	_ =	shalt  }
0x71: {  	_ =	shalt  }
0x72: {  	_ =	shalt  }
0x73: {  	_ =	shalt  }
0x74: {  	_ =	shalt  }
0x75: {  	_ =	shalt  }
0x76: {  	_ =	shalt  }
0x77: {  	_ =	shalt  }
0x78: {  	_ =	shalt  }
0x79: {  	_ =	shalt  }
0x7a: {  	_ =	shalt  }
0x7b: {  	_ =	shalt  }
0x7c: {  	_ =	shalt  }
0x7d: {  	_ =	shalt  }
0x7e: {  	_ =	shalt  }
0x7f: {  	_ =	shalt  }
0x80: {  	_ =	shalt  }
0x81: {  	_ =	shalt  }
0x82: {  	_ =	shalt  }
0x83: {  	_ =	shalt  }
0x84: {  	_ =	shalt  }
0x85: {  	_ =	shalt  }
0x86: {  	_ =	shalt  }
0x87: {  	_ =	shalt  }
.Lfunc_end0:
.L_simem_size_0:
called_computation_lowered:
.L_overlay_start_0:
0x88: {  	s2 =	sld [smem:$0x3FD9]  }
0x89: {  	s3 =	sld [smem:$0x3FFE];
	_ =	sdelay $0x1  }
0x8a: {  	s1 =	srdreg.scid  }
0x8b: {  	s0 =	sand.u32 $0x1, s1  }
0x8c: {  	s17 =	sshll.u32 s0, $0xA;
	s2 =	sadd.s32 s3, s2  }
0x8d: {  	s2 =	sadd.s32 s2, s17  }
0x8e: {  	[smem:$0x3FC6] =	sst s2  }
0x8f: {  	_ = 	snop  }
0x90: {  	s2 =	sld [smem:$0x3FD0];
	(tm) =	ssettm $0x1  }
0x91: {  	s18 =	sld [smem:$0x3FFB];
	_ =	sdelay $0x3  }
0x92: {  	_ =	strace s18  }
0x93: {  	s3 =	sld [smem:$0x3FFC];
	_ =	sdelay $0x3  }
0x94: {  	_ =	strace s3  }
0x95: {  	s3 =	sld [smem:$0x3FFD];
	_ =	sdelay $0x3  }
0x96: {  	_ =	strace s3  }
0x97: {  	_ =	strace $0x8FFFFFFF  }
0x98: {  	s19 =	sld [smem:$0x3FDB];
	_ =	sdelay $0x1  }
0x99: {  	s4 =	simm.s32 $_scs_section_size  }
0x9a: {  	s5 =	simm.s32 $_size__tile_overlayer_lowered;
	s6 =	simm.s32 $_tile_overlayer_lowered  }
0x9b: {  	s22 =	simm.s32 $0x1BFF;
	s21 =	sshll.u32 s6, $0x1;
	s3 =	sadd.s32 s4, s19  }
0x9c: {  	s7 =	simm.s32 $0x0;
	s20 =	sshll.u32 s5, $0x1;
	s5 =	sadd.s32 s21, s3  }
0x9d: {  	[timem:s7], [sflag:s22] =	dma.local [hbm:s5], s20  }
0x9e: {  	_ =	swait.ge [sflag:s22], s20  }
0x9f: {  	s4 =	ssub.s32 $0x0, s20;
	[sflag:s22] =	ssyncset.done $0x0  }
0xa0: {  	[sflag:s22] =	ssyncadd.s32 s4;
	_ =	sdelay $0x1  }
0xa1: {  	s23 =	simm.s32 $0x1B8B  }
0xa2: {  	_ =	swait.ge [sflag:s23], $0x1  }
0xa3: {  	[sflag:s23] =	ssyncset.done $0x0  }
0xa4: {  	s25 =	simm.s32 $0x1B8E;
	s24 =	sld [smem:$0x3FFE];
	[sflag:s23] =	ssyncadd.s32 $0xFFFFFFFF  }
0xa5: {  	s26 =	simm.s32 $execute0_lowered;
	[smem:$0x3FD2] =	sst s25  }
0xa6: {  	s5 =	sshll.u32 s26, $0x1;
	_ =	strace $0x80000046;
	[dreg:$0x1] =	wrdreg $0xFFFFFFFF  }
0xa7: {  	s28 =	simm.s32 $_size_execute0_lowered;
	s3 =	sadd.s32 s3, s5;
	[dreg:$0x0] =	wrdreg $0x0  }
0xa8: {  	s5 =	sshll.u32 s28, $0x1;
	[dreg:$0x2] =	wrdreg s3  }
0xa9: {  	[dreg:$0x3] =	wrdreg s5  }
0xaa: {  	[dreg:$0x4] =	wrdreg $0xC0  }
0xab: {  	_ =	task [dreg:s7], $0x5FFFF  }
0xac: {  	[dreg:$0x1] =	wrdreg $0xFFFFFFFF  }
0xad: {  	[dreg:$0x0] =	wrdreg $0x60  }
0xae: {  	[dreg:$0x2] =	wrdreg s2  }
0xaf: {  	[dreg:$0x3] =	wrdreg s24  }
0xb0: {  	[dreg:$0x4] =	wrdreg $0x9  }
0xb1: {  	_ =	task.clear_ibuf [dreg:s7], $0x5FFFF;
	_ =	strace $0x90000046  }
0xb2: {  	s29 =	simm.s32 $0x9;
	_ =	strace $0x80000048  }
0xb3: {  	_ =	swait.ge [sflag:s29], $0x1  }
0xb4: {  	[sflag:s29] =	ssyncadd.s32 $0xFFFFFFFF  }
0xb5: {  	_ =	strace $0x90000048  }
0xb6: {  	_ =	sfence  }
0xb7: {  	s30 =	sld [smem:$0x0];
	_ =	sdelay $0x2  }
0xb8: {  	s31 =	sshll.u32 s1, $0xD;
	s1 =	sshrl.u32 s1, $0x2  }
0xb9: {  	s3 =	sand.u32 $0x4000, s31;
	s1 =	sadd.s32 s1, s30  }
0xba: {  	s0 =	sor.u32 s3, s0;
	s1 =	sshll.u32 s1, $0x11  }
0xbb: {  	s0 =	sor.u32 s1, s0  }
0xbc: {  	s0 =	sadd.s32 $0x8F2B, s0  }
0xbd: {  	[sflag:s0] =	ssyncadd.remote.s32 $0x1  }
0xbe: {  	_ =	sfence.sel $0xFFFF  }
0xbf: {  	[dreg:$0x0] =	wrdreg $0xFFFFFFFF;
	(pc) =	sbr.abs _section_cstart, $3  }
0xc0: {  	[dreg:$0x1] =	wrdreg $0xFFFFFFFF  }
0xc1: {  	_ =	task.clear_ibuf [dreg:s7], $0x2FFFF;
	_ =	strace $0x9FFFFFFF  }
0xc2: {  	(tm) =	ssettm $0x7FFFFFFF  }
0xc3: {  	_ =	shalt  }
tec
execute0_lowered:
.L_overlay_start_1:
0x0: {  	(tag) =	ssettag $0x1  }
0x1: {  	s0 =	srdreg.scid;
	s1 =	stileid.u32  }
0x2: {  	s0 =	sand.u32 $0x1, s0;
	s1 =	sshll.u32 s1, $0x1  }
0x3: {  	s1 =	sor.u32 s0, s1  }
0x4: {  	s2 =	smul.u32 $0xC0000, s1;
	_ =	sdelay $0x1  }
0x5: {  	s1 =	smulhi.u32 $0xAAAAAB, s2  }
0x6: {  	s0 =	ssub.s32 $0x2, s0  }
0x7: {  	s15 =	sshrl.u32 s0, $0x1;
	s1 =	sshrl.u32 s1, $0xE  }
0x8: {  	s4 =	rddreg [dreg:$0x0];
	s20 =	ssub.s32 s0, s15;
	s3 =	smul.u32 $0x600000, s1  }
0x9: {  	s5 =	rddreg [dreg:$0x1];
	s20 =	smax.u32 s20, $0x1  }
0xa: {  	s1 =	simm.s32 $0x0;
	s3 =	ssub.s32 s2, s3;
	s2 =	sshrl.u32 s2, $0x3  }
0xb: {  	[smem:$0x7FF] =	sst s1;
	s3 =	sshrl.u32 s3, $0x3;
	s6 =	sor.u32 $0x1800, s2  }
0xc: {  	s17 =	sor.u32 $0x3000, s2;
	s22 =	sor.u32 $0x4800, s2;
	s24 =	sor.u32 $0x6000, s2  }
0xd: {  	s26 =	sor.u32 $0x7800, s2;
	s7 =	sadd.s32 $0x9000, s2;
	s9 =	sadd.s32 $0xA800, s2  }
0xe: {  	s11 =	sadd.s32 $0xC000, s2;
	s13 =	sadd.s32 $0xD800, s2;
	s16 =	sadd.s32 s4, s6  }
0xf: {  	s15 =	sadd.s32 $0xF000, s2;
	s21 =	sadd.s32 s4, s17;
	[dreg:$0x3] =	wrdreg s16  }
0x10: {  	s30 =	sadd.s32 s4, s2;
	s23 =	sadd.s32 s4, s22;
	[dreg:$0x5] =	wrdreg s21  }
0x11: {  	s19 =	sadd.s32 s3, s5;
	s25 =	sadd.s32 s4, s24;
	[dreg:$0x7] =	wrdreg s23  }
0x12: {  	s3 =	sadd.s32 $0xC0400, s5;
	s8 =	sadd.s32 s4, s7;
	[dreg:$0x9] =	wrdreg s25  }
0x13: {  	s10 =	sadd.s32 s4, s9;
	s12 =	sadd.s32 s4, s11;
	[dreg:$0xd] =	wrdreg s8  }
0x14: {  	s14 =	sadd.s32 s4, s13;
	s18 =	sadd.s32 s3, s6;
	[dreg:$0xf] =	wrdreg s10  }
0x15: {  	s0 =	sadd.s32 s3, s17;
	s5 =	sadd.s32 s3, s22;
	[dreg:$0x11] =	wrdreg s12  }
0x16: {  	s6 =	sadd.s32 s4, s26;
	[dreg:$0x13] =	wrdreg s14;
	s16 =	sadd.s32 s4, s15  }
0x17: {  	s17 =	sadd.s32 $0x10800, s2;
	s21 =	sadd.s32 $0x12000, s2;
	[dreg:$0x4] =	wrdreg s18  }
0x18: {  	s23 =	sadd.s32 $0x13800, s2;
	s25 =	sadd.s32 $0x15000, s2;
	[dreg:$0x6] =	wrdreg s0  }
0x19: {  	s8 =	sadd.s32 $0x6400, s19;
	s10 =	sadd.s32 $0x9400, s19;
	[dreg:$0x8] =	wrdreg s5  }
0x1a: {  	s12 =	sadd.s32 $0xC400, s19;
	s14 =	sadd.s32 $0xF400, s19;
	[dreg:$0xb] =	wrdreg s6  }
0x1b: {  	s0 =	sadd.s32 s3, s24;
	s5 =	sadd.s32 s3, s26;
	[dreg:$0x15] =	wrdreg s16  }
0x1c: {  	s18 =	sadd.s32 s4, s17;
	s22 =	sadd.s32 s4, s21;
	s24 =	sadd.s32 s4, s23  }
0x1d: {  	s28 =	sadd.s32 s3, s23;
	s29 =	sadd.s32 s4, s25;
	[dreg:$0xa] =	wrdreg s0  }
0x1e: {  	s31 =	sadd.s32 s3, s25;
	s26 =	sadd.s32 $0x16800, s2;
	[dreg:$0xc] =	wrdreg s5  }
0x1f: {  	s6 =	sadd.s32 $0x3400, s19;
	s16 =	sadd.s32 $0x12400, s19;
	[dreg:$0x17] =	wrdreg s18  }
0x20: {  	s23 =	simm.s32 $0x0;
	s0 =	sadd.s32 s3, s7;
	[dreg:$0x19] =	wrdreg s22  }
0x21: {  	s5 =	sadd.s32 s3, s9;
	[dreg:$0x1b] =	wrdreg s24;
	s7 =	sadd.s32 $0x4C00, s19  }
0x22: {  	s9 =	sadd.s32 $0x7C00, s19;
	s18 =	sadd.s32 $0x15400, s19;
	[dreg:$0xe] =	wrdreg s0  }
0x23: {  	s22 =	simm.s32 $0xC000;
	[dreg:$0x10] =	wrdreg s5;
	s0 =	sadd.s32 s3, s11  }
0x24: {  	s5 =	sadd.s32 s3, s13;
	s11 =	sadd.s32 $0xAC00, s19;
	[dreg:$0x12] =	wrdreg s0  }
0x25: {  	s13 =	sadd.s32 $0xDC00, s19;
	[dreg:$0x14] =	wrdreg s5;
	s0 =	sadd.s32 s3, s15  }
0x26: {  	s5 =	sadd.s32 s3, s17;
	s15 =	sadd.s32 $0x10C00, s19;
	[dreg:$0x16] =	wrdreg s0  }
0x27: {  	s17 =	sadd.s32 $0x13C00, s19;
	[dreg:$0x18] =	wrdreg s5;
	s0 =	sadd.s32 s3, s21  }
0x28: {  	s5 =	sadd.s32 $0x1C00, s19;
	s21 =	simm.s32 $0x1;
	[dreg:$0x1a] =	wrdreg s0  }
0x29: {  	s0 =	sadd.s32 s3, s2;
	s2 =	sadd.s32 s4, s26;
	s3 =	sadd.s32 s3, s26  }
0x2a: {  	s4 =	sadd.s32 $0x400, s19;
	s19 =	sadd.s32 $0x16C00, s19;
	_ =	strace $0x80000047  }
.LBB2_1:
0x2b: {  	[tilespmem:s1], [sflag:$0x1] =	stream.linear.gather [hbm4b:s30+s1], $0xC000, $0x38;
	[tilespmem:$0x18000] =	vst v63  }
0x2c: {  	_ =	swait.ge [sflag:s21], $0xC000  }
0x2d: {  	[sflag:s21] =	ssyncset.done $0x0  }
0x2e: {  	[sflag:s21] =	ssyncadd.s32 $0xFFFF4000  }
0x2f: {  	[tilespmem:s22], [sflag:$0x1] =	stream.linear.gather [hbm4b:s4+s1], $0xC000, $0x38;
	[tilespmem:$0x18000] =	vst v63  }
0x30: {  	_ =	swait.ge [sflag:s21], $0xC000  }
0x31: {  	[sflag:s21] =	ssyncset.done $0x0  }
0x32: {  	s24 =	simm.s32 $0x0;
	[sflag:s21] =	ssyncadd.s32 $0xFFFF4000  }
0x33: {  	v6 =	vld [tilespmem:s24+$0xC000]  }
0x34: {  	v7 =	vld [tilespmem:s24+$0xC010]  }
0x35: {  	v8 =	vld [tilespmem:s24+$0xC020]  }
0x36: {  	v9 =	vld [tilespmem:s24+$0xC030]  }
0x37: {  	v10 =	vld [tilespmem:s24+$0xC040]  }
0x38: {  	v11 =	vld [tilespmem:s24+$0xC050]  }
0x39: {  	v12 =	vld [tilespmem:s24+$0xC060]  }
0x3a: {  	v13 =	vld [tilespmem:s24+$0xC070]  }
0x3b: {  	v14 =	vld [tilespmem:s24+$0xC080]  }
0x3c: {  	v15 =	vld [tilespmem:s24+$0xC090]  }
0x3d: {  	v5 =	vld [tilespmem:s24+$0xC0A0]  }
0x3e: {  	v4 =	vld [tilespmem:s24+$0xC0B0]  }
0x3f: {  	v3 =	vld [tilespmem:s24+$0xC0C0]  }
0x40: {  	v2 =	vld [tilespmem:s24+$0xC0D0]  }
0x41: {  	v1 =	vld [tilespmem:s24+$0xC0E0]  }
0x42: {  	v0 =	vld [tilespmem:s24+$0xC0F0]  }
0x43: {  	v16 =	vld [tilespmem:s24+$0x0]  }
0x44: {  	v17 =	vld [tilespmem:s24+$0x10]  }
0x45: {  	v18 =	vld [tilespmem:s24+$0x20]  }
0x46: {  	v19 =	vld [tilespmem:s24+$0x30]  }
0x47: {  	v20 =	vld [tilespmem:s24+$0x40]  }
0x48: {  	v60 =	vld [tilespmem:s24+$0x50];
	v6 =	vadd.f32 v6, v16  }
0x49: {  	v21 =	vld [tilespmem:s24+$0x60];
	v7 =	vadd.f32 v7, v17  }
0x4a: {  	v61 =	vld [tilespmem:s24+$0x70];
	[tilespmem:s24+$0x0] =	vst v6;
	v6 =	vadd.f32 v8, v18  }
0x4b: {  	v62 =	vld [tilespmem:s24+$0x80];
	[tilespmem:s24+$0x10] =	vst v7;
	v7 =	vadd.f32 v9, v19  }
0x4c: {  	v63 =	vld [tilespmem:s24+$0x90];
	[tilespmem:s24+$0x20] =	vst v6;
	v6 =	vadd.f32 v10, v20  }
0x4d: {  	v8 =	vadd.f32 v11, v60;
	[tilespmem:s24+$0x30] =	vst v7;
	v7 =	vld [tilespmem:s24+$0xA0]  }
0x4e: {  	v9 =	vadd.f32 v12, v21;
	[tilespmem:s24+$0x40] =	vst v6;
	v6 =	vld [tilespmem:s24+$0xB0]  }
0x4f: {  	[tilespmem:s24+$0x50] =	vst v8;
	v8 =	vld [tilespmem:s24+$0xC0];
	v10 =	vadd.f32 v13, v61  }
0x50: {  	v12 =	vadd.f32 v14, v62;
	[tilespmem:s24+$0x60] =	vst v9;
	v9 =	vld [tilespmem:s24+$0xD0]  }
0x51: {  	s25 =	simm.s32 $0x400;
	v11 =	vadd.f32 v15, v63;
	[tilespmem:s24+$0x70] =	vst v10;
	v10 =	vld [tilespmem:s24+$0xE0]  }
.LBB2_2:
0x52: {  	s26 =	sshra.s32 s25, $0x2;
	p0 =	sne.s32 s25, $0x2FC00;
	[tilespmem:s24+$0x80] =	vst v12;
	v5 =	vadd.f32 v5, v7;
	v7 =	vld [tilespmem:s24+$0xF0]  }
0x53: {  	v12 =	vld [tilespmem:s26+$0xC000];
	[tilespmem:s24+$0x90] =	vst v11;
	v4 =	vadd.f32 v4, v6  }
0x54: {  	v6 =	vld [tilespmem:s26+$0xC010];
	[tilespmem:s24+$0xA0] =	vst v5;
	v3 =	vadd.f32 v3, v8  }
0x55: {  	v8 =	vld [tilespmem:s26+$0xC020];
	[tilespmem:s24+$0xB0] =	vst v4;
	v2 =	vadd.f32 v2, v9  }
0x56: {  	v9 =	vld [tilespmem:s26+$0xC030];
	[tilespmem:s24+$0xC0] =	vst v3;
	v1 =	vadd.f32 v1, v10  }
0x57: {  	v10 =	vld [tilespmem:s26+$0xC040];
	[tilespmem:s24+$0xD0] =	vst v2;
	v0 =	vadd.f32 v0, v7  }
0x58: {  	v7 =	vld [tilespmem:s26+$0xC050];
	[tilespmem:s24+$0xE0] =	vst v1  }
0x59: {  	v11 =	vld [tilespmem:s26+$0xC060];
	[tilespmem:s24+$0xF0] =	vst v0;
	s24 =	smov.u32 s26  }
0x5a: {  	v13 =	vld [tilespmem:s24+$0xC070]  }
0x5b: {  	v14 =	vld [tilespmem:s24+$0xC080]  }
0x5c: {  	v15 =	vld [tilespmem:s24+$0xC090]  }
0x5d: {  	v5 =	vld [tilespmem:s24+$0xC0A0]  }
0x5e: {  	v4 =	vld [tilespmem:s24+$0xC0B0]  }
0x5f: {  	v3 =	vld [tilespmem:s24+$0xC0C0]  }
0x60: {  	v2 =	vld [tilespmem:s24+$0xC0D0]  }
0x61: {  	v1 =	vld [tilespmem:s24+$0xC0E0]  }
0x62: {  	v0 =	vld [tilespmem:s24+$0xC0F0]  }
0x63: {  	v16 =	vld [tilespmem:s24+$0x0]  }
0x64: {  	v17 =	vld [tilespmem:s24+$0x10]  }
0x65: {  	v18 =	vld [tilespmem:s24+$0x20]  }
0x66: {  	v19 =	vld [tilespmem:s24+$0x30]  }
0x67: {  	v20 =	vld [tilespmem:s24+$0x40]  }
0x68: {  	v12 =	vadd.f32 v12, v16;
	v16 =	vld [tilespmem:s24+$0x50]  }
0x69: {  	v6 =	vadd.f32 v6, v17;
	v17 =	vld [tilespmem:s24+$0x60]  }
0x6a: {  	[tilespmem:s24+$0x0] =	vst v12;
	v8 =	vadd.f32 v8, v18;
	v12 =	vld [tilespmem:s24+$0x70]  }
0x6b: {  	[tilespmem:s24+$0x10] =	vst v6;
	v6 =	vadd.f32 v9, v19;
	v9 =	vld [tilespmem:s24+$0x80]  }
0x6c: {  	[tilespmem:s24+$0x20] =	vst v8;
	v8 =	vadd.f32 v10, v20;
	v10 =	vld [tilespmem:s24+$0x90]  }
.Ltmp0:
0x6d: {  	[tilespmem:s24+$0x30] =	vst v6;
	v16 =	vadd.f32 v7, v16;
	v7 =	vld [tilespmem:s24+$0xA0];
	(pc) =	sbr.rel @p0 .LBB2_2-.Ltmp0, $4  }
0x6e: {  	[tilespmem:s24+$0x40] =	vst v8;
	v11 =	vadd.f32 v11, v17;
	v6 =	vld [tilespmem:s24+$0xB0]  }
0x6f: {  	[tilespmem:s24+$0x50] =	vst v16;
	v13 =	vadd.f32 v13, v12;
	v8 =	vld [tilespmem:s24+$0xC0]  }
0x70: {  	[tilespmem:s24+$0x60] =	vst v11;
	v12 =	vadd.f32 v14, v9;
	v9 =	vld [tilespmem:s24+$0xD0]  }
0x71: {  	s25 =	sadd.s32 $0x400, s25;
	[tilespmem:s24+$0x70] =	vst v13;
	v11 =	vadd.f32 v15, v10;
	v10 =	vld [tilespmem:s24+$0xE0]  }
0x72: {  	[tilespmem:s24+$0x80] =	vst v12;
	v5 =	vadd.f32 v5, v7;
	v7 =	vld [tilespmem:s24+$0xF0]  }
0x73: {  	[tilespmem:s24+$0x90] =	vst v11;
	v4 =	vadd.f32 v4, v6  }
0x74: {  	[tilespmem:s24+$0xA0] =	vst v5;
	v3 =	vadd.f32 v3, v8  }
0x75: {  	[tilespmem:s24+$0xB0] =	vst v4;
	v2 =	vadd.f32 v2, v9  }
0x76: {  	[tilespmem:s24+$0xC0] =	vst v3;
	v1 =	vadd.f32 v1, v10  }
0x77: {  	[tilespmem:s24+$0xD0] =	vst v2;
	v0 =	vadd.f32 v0, v7  }
0x78: {  	[tilespmem:s24+$0xE0] =	vst v1  }
0x79: {  	s26 =	simm.s32 $0x0;
	[tilespmem:s24+$0xF0] =	vst v0  }
0x7a: {  	[hbm4b:s0+s26] =	stream.linear.scatter [tilespmem:s26], [sflag:$0x1], $0xC000, $0x38;
	[tilespmem:$0x18000] =	vst v63  }
0x7b: {  	_ =	swait.ge [sflag:s21], $0xC000  }
0x7c: {  	[sflag:s21] =	ssyncset.done $0x0  }
0x7d: {  	s25 =	rddreg [dreg:$0x3];
	[sflag:s21] =	ssyncadd.s32 $0xFFFF4000  }
0x7e: {  	[tilespmem:s26], [sflag:$0x1] =	stream.linear.gather [hbm4b:s25+s26], $0xC000, $0x38;
	[tilespmem:$0x18000] =	vst v63  }
0x7f: {  	_ =	swait.ge [sflag:s21], $0xC000  }
0x80: {  	[sflag:s21] =	ssyncset.done $0x0  }
0x81: {  	[sflag:s21] =	ssyncadd.s32 $0xFFFF4000  }
0x82: {  	[tilespmem:s22], [sflag:$0x1] =	stream.linear.gather [hbm4b:s5+s26], $0xC000, $0x38;
	[tilespmem:$0x18000] =	vst v63  }
0x83: {  	_ =	swait.ge [sflag:s21], $0xC000  }
0x84: {  	[sflag:s21] =	ssyncset.done $0x0  }
0x85: {  	s24 =	simm.s32 $0x0;
	[sflag:s21] =	ssyncadd.s32 $0xFFFF4000  }
0x86: {  	v6 =	vld [tilespmem:s24+$0xC000]  }
0x87: {  	v7 =	vld [tilespmem:s24+$0xC010]  }
0x88: {  	v8 =	vld [tilespmem:s24+$0xC020]  }
0x89: {  	v9 =	vld [tilespmem:s24+$0xC030]  }
0x8a: {  	v10 =	vld [tilespmem:s24+$0xC040]  }
0x8b: {  	v11 =	vld [tilespmem:s24+$0xC050]  }
0x8c: {  	v12 =	vld [tilespmem:s24+$0xC060]  }
0x8d: {  	v13 =	vld [tilespmem:s24+$0xC070]  }
0x8e: {  	v14 =	vld [tilespmem:s24+$0xC080]  }
0x8f: {  	v15 =	vld [tilespmem:s24+$0xC090]  }
0x90: {  	v5 =	vld [tilespmem:s24+$0xC0A0]  }
0x91: {  	v4 =	vld [tilespmem:s24+$0xC0B0]  }
0x92: {  	v3 =	vld [tilespmem:s24+$0xC0C0]  }
0x93: {  	v2 =	vld [tilespmem:s24+$0xC0D0]  }
0x94: {  	v1 =	vld [tilespmem:s24+$0xC0E0]  }
0x95: {  	v0 =	vld [tilespmem:s24+$0xC0F0]  }
0x96: {  	v16 =	vld [tilespmem:s24+$0x0]  }
0x97: {  	v17 =	vld [tilespmem:s24+$0x10]  }
0x98: {  	v18 =	vld [tilespmem:s24+$0x20]  }
0x99: {  	v19 =	vld [tilespmem:s24+$0x30]  }
0x9a: {  	v20 =	vld [tilespmem:s24+$0x40]  }
0x9b: {  	v60 =	vld [tilespmem:s24+$0x50];
	v6 =	vadd.f32 v6, v16  }
0x9c: {  	v21 =	vld [tilespmem:s24+$0x60];
	v7 =	vadd.f32 v7, v17  }
0x9d: {  	v61 =	vld [tilespmem:s24+$0x70];
	[tilespmem:s24+$0x0] =	vst v6;
	v6 =	vadd.f32 v8, v18  }
0x9e: {  	v62 =	vld [tilespmem:s24+$0x80];
	[tilespmem:s24+$0x10] =	vst v7;
	v7 =	vadd.f32 v9, v19  }
0x9f: {  	v63 =	vld [tilespmem:s24+$0x90];
	[tilespmem:s24+$0x20] =	vst v6;
	v6 =	vadd.f32 v10, v20  }
0xa0: {  	v8 =	vadd.f32 v11, v60;
	[tilespmem:s24+$0x30] =	vst v7;
	v7 =	vld [tilespmem:s24+$0xA0]  }
0xa1: {  	v9 =	vadd.f32 v12, v21;
	[tilespmem:s24+$0x40] =	vst v6;
	v6 =	vld [tilespmem:s24+$0xB0]  }
0xa2: {  	[tilespmem:s24+$0x50] =	vst v8;
	v8 =	vld [tilespmem:s24+$0xC0];
	v10 =	vadd.f32 v13, v61  }
0xa3: {  	v12 =	vadd.f32 v14, v62;
	[tilespmem:s24+$0x60] =	vst v9;
	v9 =	vld [tilespmem:s24+$0xD0]  }
0xa4: {  	s25 =	simm.s32 $0x400;
	v11 =	vadd.f32 v15, v63;
	[tilespmem:s24+$0x70] =	vst v10;
	v10 =	vld [tilespmem:s24+$0xE0]  }
.LBB2_4:
0xa5: {  	s26 =	sshra.s32 s25, $0x2;
	p0 =	sne.s32 s25, $0x2FC00;
	[tilespmem:s24+$0x80] =	vst v12;
	v5 =	vadd.f32 v5, v7;
	v7 =	vld [tilespmem:s24+$0xF0]  }
0xa6: {  	v12 =	vld [tilespmem:s26+$0xC000];
	[tilespmem:s24+$0x90] =	vst v11;
	v4 =	vadd.f32 v4, v6  }
0xa7: {  	v6 =	vld [tilespmem:s26+$0xC010];
	[tilespmem:s24+$0xA0] =	vst v5;
	v3 =	vadd.f32 v3, v8  }
0xa8: {  	v8 =	vld [tilespmem:s26+$0xC020];
	[tilespmem:s24+$0xB0] =	vst v4;
	v2 =	vadd.f32 v2, v9  }
0xa9: {  	v9 =	vld [tilespmem:s26+$0xC030];
	[tilespmem:s24+$0xC0] =	vst v3;
	v1 =	vadd.f32 v1, v10  }
0xaa: {  	v10 =	vld [tilespmem:s26+$0xC040];
	[tilespmem:s24+$0xD0] =	vst v2;
	v0 =	vadd.f32 v0, v7  }
0xab: {  	v7 =	vld [tilespmem:s26+$0xC050];
	[tilespmem:s24+$0xE0] =	vst v1  }
0xac: {  	v11 =	vld [tilespmem:s26+$0xC060];
	[tilespmem:s24+$0xF0] =	vst v0;
	s24 =	smov.u32 s26  }
0xad: {  	v13 =	vld [tilespmem:s24+$0xC070]  }
0xae: {  	v14 =	vld [tilespmem:s24+$0xC080]  }
0xaf: {  	v15 =	vld [tilespmem:s24+$0xC090]  }
0xb0: {  	v5 =	vld [tilespmem:s24+$0xC0A0]  }
0xb1: {  	v4 =	vld [tilespmem:s24+$0xC0B0]  }
0xb2: {  	v3 =	vld [tilespmem:s24+$0xC0C0]  }
0xb3: {  	v2 =	vld [tilespmem:s24+$0xC0D0]  }
0xb4: {  	v1 =	vld [tilespmem:s24+$0xC0E0]  }
0xb5: {  	v0 =	vld [tilespmem:s24+$0xC0F0]  }
0xb6: {  	v16 =	vld [tilespmem:s24+$0x0]  }
0xb7: {  	v17 =	vld [tilespmem:s24+$0x10]  }
0xb8: {  	v18 =	vld [tilespmem:s24+$0x20]  }
0xb9: {  	v19 =	vld [tilespmem:s24+$0x30]  }
0xba: {  	v20 =	vld [tilespmem:s24+$0x40]  }
0xbb: {  	v12 =	vadd.f32 v12, v16;
	v16 =	vld [tilespmem:s24+$0x50]  }
0xbc: {  	v6 =	vadd.f32 v6, v17;
	v17 =	vld [tilespmem:s24+$0x60]  }
0xbd: {  	[tilespmem:s24+$0x0] =	vst v12;
	v8 =	vadd.f32 v8, v18;
	v12 =	vld [tilespmem:s24+$0x70]  }
0xbe: {  	[tilespmem:s24+$0x10] =	vst v6;
	v6 =	vadd.f32 v9, v19;
	v9 =	vld [tilespmem:s24+$0x80]  }
0xbf: {  	[tilespmem:s24+$0x20] =	vst v8;
	v8 =	vadd.f32 v10, v20;
	v10 =	vld [tilespmem:s24+$0x90]  }
.Ltmp1:
0xc0: {  	[tilespmem:s24+$0x30] =	vst v6;
	v16 =	vadd.f32 v7, v16;
	v7 =	vld [tilespmem:s24+$0xA0];
	(pc) =	sbr.rel @p0 .LBB2_4-.Ltmp1, $4  }
0xc1: {  	[tilespmem:s24+$0x40] =	vst v8;
	v11 =	vadd.f32 v11, v17;
	v6 =	vld [tilespmem:s24+$0xB0]  }
0xc2: {  	[tilespmem:s24+$0x50] =	vst v16;
	v13 =	vadd.f32 v13, v12;
	v8 =	vld [tilespmem:s24+$0xC0]  }
0xc3: {  	[tilespmem:s24+$0x60] =	vst v11;
	v12 =	vadd.f32 v14, v9;
	v9 =	vld [tilespmem:s24+$0xD0]  }
0xc4: {  	s25 =	sadd.s32 $0x400, s25;
	[tilespmem:s24+$0x70] =	vst v13;
	v11 =	vadd.f32 v15, v10;
	v10 =	vld [tilespmem:s24+$0xE0]  }
0xc5: {  	[tilespmem:s24+$0x80] =	vst v12;
	v5 =	vadd.f32 v5, v7;
	v7 =	vld [tilespmem:s24+$0xF0]  }
0xc6: {  	[tilespmem:s24+$0x90] =	vst v11;
	v4 =	vadd.f32 v4, v6  }
0xc7: {  	[tilespmem:s24+$0xA0] =	vst v5;
	v3 =	vadd.f32 v3, v8  }
0xc8: {  	[tilespmem:s24+$0xB0] =	vst v4;
	v2 =	vadd.f32 v2, v9  }
0xc9: {  	[tilespmem:s24+$0xC0] =	vst v3;
	v1 =	vadd.f32 v1, v10  }
0xca: {  	[tilespmem:s24+$0xD0] =	vst v2;
	v0 =	vadd.f32 v0, v7  }
0xcb: {  	[tilespmem:s24+$0xE0] =	vst v1  }
0xcc: {  	s25 =	rddreg [dreg:$0x4];
	[tilespmem:s24+$0xF0] =	vst v0;
	s24 =	simm.s32 $0x0  }
0xcd: {  	[hbm4b:s25+s24] =	stream.linear.scatter [tilespmem:s24], [sflag:$0x1], $0xC000, $0x38;
	[tilespmem:$0x18000] =	vst v63  }
0xce: {  	_ =	swait.ge [sflag:s21], $0xC000  }
0xcf: {  	[sflag:s21] =	ssyncset.done $0x0  }
0xd0: {  	s26 =	rddreg [dreg:$0x5];
	[sflag:s21] =	ssyncadd.s32 $0xFFFF4000  }
0xd1: {  	[tilespmem:s24], [sflag:$0x1] =	stream.linear.gather [hbm4b:s26+s24], $0xC000, $0x38;
	[tilespmem:$0x18000] =	vst v63  }
0xd2: {  	_ =	swait.ge [sflag:s21], $0xC000  }
0xd3: {  	[sflag:s21] =	ssyncset.done $0x0  }
0xd4: {  	[sflag:s21] =	ssyncadd.s32 $0xFFFF4000  }
0xd5: {  	[tilespmem:s22], [sflag:$0x1] =	stream.linear.gather [hbm4b:s6+s24], $0xC000, $0x38;
	[tilespmem:$0x18000] =	vst v63  }
0xd6: {  	_ =	swait.ge [sflag:s21], $0xC000  }
0xd7: {  	[sflag:s21] =	ssyncset.done $0x0  }
0xd8: {  	s24 =	simm.s32 $0x0;
	[sflag:s21] =	ssyncadd.s32 $0xFFFF4000  }
0xd9: {  	v6 =	vld [tilespmem:s24+$0xC000]  }
0xda: {  	v7 =	vld [tilespmem:s24+$0xC010]  }
0xdb: {  	v8 =	vld [tilespmem:s24+$0xC020]  }
0xdc: {  	v9 =	vld [tilespmem:s24+$0xC030]  }
0xdd: {  	v10 =	vld [tilespmem:s24+$0xC040]  }
0xde: {  	v11 =	vld [tilespmem:s24+$0xC050]  }
0xdf: {  	v12 =	vld [tilespmem:s24+$0xC060]  }
0xe0: {  	v13 =	vld [tilespmem:s24+$0xC070]  }
0xe1: {  	v14 =	vld [tilespmem:s24+$0xC080]  }
0xe2: {  	v15 =	vld [tilespmem:s24+$0xC090]  }
0xe3: {  	v5 =	vld [tilespmem:s24+$0xC0A0]  }
0xe4: {  	v4 =	vld [tilespmem:s24+$0xC0B0]  }
0xe5: {  	v3 =	vld [tilespmem:s24+$0xC0C0]  }
0xe6: {  	v2 =	vld [tilespmem:s24+$0xC0D0]  }
0xe7: {  	v1 =	vld [tilespmem:s24+$0xC0E0]  }
0xe8: {  	v0 =	vld [tilespmem:s24+$0xC0F0]  }
0xe9: {  	v16 =	vld [tilespmem:s24+$0x0]  }
0xea: {  	v17 =	vld [tilespmem:s24+$0x10]  }
0xeb: {  	v18 =	vld [tilespmem:s24+$0x20]  }
0xec: {  	v19 =	vld [tilespmem:s24+$0x30]  }
0xed: {  	v20 =	vld [tilespmem:s24+$0x40]  }
0xee: {  	v60 =	vld [tilespmem:s24+$0x50];
	v6 =	vadd.f32 v6, v16  }
0xef: {  	v21 =	vld [tilespmem:s24+$0x60];
	v7 =	vadd.f32 v7, v17  }
0xf0: {  	v61 =	vld [tilespmem:s24+$0x70];
	[tilespmem:s24+$0x0] =	vst v6;
	v6 =	vadd.f32 v8, v18  }
0xf1: {  	v62 =	vld [tilespmem:s24+$0x80];
	[tilespmem:s24+$0x10] =	vst v7;
	v7 =	vadd.f32 v9, v19  }
0xf2: {  	v63 =	vld [tilespmem:s24+$0x90];
	[tilespmem:s24+$0x20] =	vst v6;
	v6 =	vadd.f32 v10, v20  }
0xf3: {  	v8 =	vadd.f32 v11, v60;
	[tilespmem:s24+$0x30] =	vst v7;
	v7 =	vld [tilespmem:s24+$0xA0]  }
0xf4: {  	v9 =	vadd.f32 v12, v21;
	[tilespmem:s24+$0x40] =	vst v6;
	v6 =	vld [tilespmem:s24+$0xB0]  }
0xf5: {  	[tilespmem:s24+$0x50] =	vst v8;
	v8 =	vld [tilespmem:s24+$0xC0];
	v10 =	vadd.f32 v13, v61  }
0xf6: {  	v12 =	vadd.f32 v14, v62;
	[tilespmem:s24+$0x60] =	vst v9;
	v9 =	vld [tilespmem:s24+$0xD0]  }
0xf7: {  	s25 =	simm.s32 $0x400;
	v11 =	vadd.f32 v15, v63;
	[tilespmem:s24+$0x70] =	vst v10;
	v10 =	vld [tilespmem:s24+$0xE0]  }
.LBB2_6:
0xf8: {  	s26 =	sshra.s32 s25, $0x2;
	p0 =	sne.s32 s25, $0x2FC00;
	[tilespmem:s24+$0x80] =	vst v12;
	v5 =	vadd.f32 v5, v7;
	v7 =	vld [tilespmem:s24+$0xF0]  }
0xf9: {  	v12 =	vld [tilespmem:s26+$0xC000];
	[tilespmem:s24+$0x90] =	vst v11;
	v4 =	vadd.f32 v4, v6  }
0xfa: {  	v6 =	vld [tilespmem:s26+$0xC010];
	[tilespmem:s24+$0xA0] =	vst v5;
	v3 =	vadd.f32 v3, v8  }
0xfb: {  	v8 =	vld [tilespmem:s26+$0xC020];
	[tilespmem:s24+$0xB0] =	vst v4;
	v2 =	vadd.f32 v2, v9  }
0xfc: {  	v9 =	vld [tilespmem:s26+$0xC030];
	[tilespmem:s24+$0xC0] =	vst v3;
	v1 =	vadd.f32 v1, v10  }
0xfd: {  	v10 =	vld [tilespmem:s26+$0xC040];
	[tilespmem:s24+$0xD0] =	vst v2;
	v0 =	vadd.f32 v0, v7  }
0xfe: {  	v7 =	vld [tilespmem:s26+$0xC050];
	[tilespmem:s24+$0xE0] =	vst v1  }
0xff: {  	v11 =	vld [tilespmem:s26+$0xC060];
	[tilespmem:s24+$0xF0] =	vst v0;
	s24 =	smov.u32 s26  }
0x100: {  	v13 =	vld [tilespmem:s24+$0xC070]  }
0x101: {  	v14 =	vld [tilespmem:s24+$0xC080]  }
0x102: {  	v15 =	vld [tilespmem:s24+$0xC090]  }
0x103: {  	v5 =	vld [tilespmem:s24+$0xC0A0]  }
0x104: {  	v4 =	vld [tilespmem:s24+$0xC0B0]  }
0x105: {  	v3 =	vld [tilespmem:s24+$0xC0C0]  }
0x106: {  	v2 =	vld [tilespmem:s24+$0xC0D0]  }
0x107: {  	v1 =	vld [tilespmem:s24+$0xC0E0]  }
0x108: {  	v0 =	vld [tilespmem:s24+$0xC0F0]  }
0x109: {  	v16 =	vld [tilespmem:s24+$0x0]  }
0x10a: {  	v17 =	vld [tilespmem:s24+$0x10]  }
0x10b: {  	v18 =	vld [tilespmem:s24+$0x20]  }
0x10c: {  	v19 =	vld [tilespmem:s24+$0x30]  }
0x10d: {  	v20 =	vld [tilespmem:s24+$0x40]  }
0x10e: {  	v12 =	vadd.f32 v12, v16;
	v16 =	vld [tilespmem:s24+$0x50]  }
0x10f: {  	v6 =	vadd.f32 v6, v17;
	v17 =	vld [tilespmem:s24+$0x60]  }
0x110: {  	[tilespmem:s24+$0x0] =	vst v12;
	v8 =	vadd.f32 v8, v18;
	v12 =	vld [tilespmem:s24+$0x70]  }
0x111: {  	[tilespmem:s24+$0x10] =	vst v6;
	v6 =	vadd.f32 v9, v19;
	v9 =	vld [tilespmem:s24+$0x80]  }
0x112: {  	[tilespmem:s24+$0x20] =	vst v8;
	v8 =	vadd.f32 v10, v20;
	v10 =	vld [tilespmem:s24+$0x90]  }
.Ltmp2:
0x113: {  	[tilespmem:s24+$0x30] =	vst v6;
	v16 =	vadd.f32 v7, v16;
	v7 =	vld [tilespmem:s24+$0xA0];
	(pc) =	sbr.rel @p0 .LBB2_6-.Ltmp2, $4  }
0x114: {  	[tilespmem:s24+$0x40] =	vst v8;
	v11 =	vadd.f32 v11, v17;
	v6 =	vld [tilespmem:s24+$0xB0]  }
0x115: {  	[tilespmem:s24+$0x50] =	vst v16;
	v13 =	vadd.f32 v13, v12;
	v8 =	vld [tilespmem:s24+$0xC0]  }
0x116: {  	[tilespmem:s24+$0x60] =	vst v11;
	v12 =	vadd.f32 v14, v9;
	v9 =	vld [tilespmem:s24+$0xD0]  }
0x117: {  	s25 =	sadd.s32 $0x400, s25;
	[tilespmem:s24+$0x70] =	vst v13;
	v11 =	vadd.f32 v15, v10;
	v10 =	vld [tilespmem:s24+$0xE0]  }
0x118: {  	[tilespmem:s24+$0x80] =	vst v12;
	v5 =	vadd.f32 v5, v7;
	v7 =	vld [tilespmem:s24+$0xF0]  }
0x119: {  	[tilespmem:s24+$0x90] =	vst v11;
	v4 =	vadd.f32 v4, v6  }
0x11a: {  	[tilespmem:s24+$0xA0] =	vst v5;
	v3 =	vadd.f32 v3, v8  }
0x11b: {  	[tilespmem:s24+$0xB0] =	vst v4;
	v2 =	vadd.f32 v2, v9  }
0x11c: {  	[tilespmem:s24+$0xC0] =	vst v3;
	v1 =	vadd.f32 v1, v10  }
0x11d: {  	[tilespmem:s24+$0xD0] =	vst v2;
	v0 =	vadd.f32 v0, v7  }
0x11e: {  	[tilespmem:s24+$0xE0] =	vst v1  }
0x11f: {  	s25 =	rddreg [dreg:$0x6];
	[tilespmem:s24+$0xF0] =	vst v0;
	s24 =	simm.s32 $0x0  }
0x120: {  	[hbm4b:s25+s24] =	stream.linear.scatter [tilespmem:s24], [sflag:$0x1], $0xC000, $0x38;
	[tilespmem:$0x18000] =	vst v63  }
0x121: {  	_ =	swait.ge [sflag:s21], $0xC000  }
0x122: {  	[sflag:s21] =	ssyncset.done $0x0  }
0x123: {  	s26 =	rddreg [dreg:$0x7];
	[sflag:s21] =	ssyncadd.s32 $0xFFFF4000  }
0x124: {  	[tilespmem:s24], [sflag:$0x1] =	stream.linear.gather [hbm4b:s26+s24], $0xC000, $0x38;
	[tilespmem:$0x18000] =	vst v63  }
0x125: {  	_ =	swait.ge [sflag:s21], $0xC000  }
0x126: {  	[sflag:s21] =	ssyncset.done $0x0  }
0x127: {  	[sflag:s21] =	ssyncadd.s32 $0xFFFF4000  }
0x128: {  	[tilespmem:s22], [sflag:$0x1] =	stream.linear.gather [hbm4b:s7+s24], $0xC000, $0x38;
	[tilespmem:$0x18000] =	vst v63  }
0x129: {  	_ =	swait.ge [sflag:s21], $0xC000  }
0x12a: {  	[sflag:s21] =	ssyncset.done $0x0  }
0x12b: {  	s24 =	simm.s32 $0x0;
	[sflag:s21] =	ssyncadd.s32 $0xFFFF4000  }
0x12c: {  	v6 =	vld [tilespmem:s24+$0xC000]  }
0x12d: {  	v7 =	vld [tilespmem:s24+$0xC010]  }
0x12e: {  	v8 =	vld [tilespmem:s24+$0xC020]  }
0x12f: {  	v9 =	vld [tilespmem:s24+$0xC030]  }
0x130: {  	v10 =	vld [tilespmem:s24+$0xC040]  }
0x131: {  	v11 =	vld [tilespmem:s24+$0xC050]  }
0x132: {  	v12 =	vld [tilespmem:s24+$0xC060]  }
0x133: {  	v13 =	vld [tilespmem:s24+$0xC070]  }
0x134: {  	v14 =	vld [tilespmem:s24+$0xC080]  }
0x135: {  	v15 =	vld [tilespmem:s24+$0xC090]  }
0x136: {  	v5 =	vld [tilespmem:s24+$0xC0A0]  }
0x137: {  	v4 =	vld [tilespmem:s24+$0xC0B0]  }
0x138: {  	v3 =	vld [tilespmem:s24+$0xC0C0]  }
0x139: {  	v2 =	vld [tilespmem:s24+$0xC0D0]  }
0x13a: {  	v1 =	vld [tilespmem:s24+$0xC0E0]  }
0x13b: {  	v0 =	vld [tilespmem:s24+$0xC0F0]  }
0x13c: {  	v16 =	vld [tilespmem:s24+$0x0]  }
0x13d: {  	v17 =	vld [tilespmem:s24+$0x10]  }
0x13e: {  	v18 =	vld [tilespmem:s24+$0x20]  }
0x13f: {  	v19 =	vld [tilespmem:s24+$0x30]  }
0x140: {  	v20 =	vld [tilespmem:s24+$0x40]  }
0x141: {  	v60 =	vld [tilespmem:s24+$0x50];
	v6 =	vadd.f32 v6, v16  }
0x142: {  	v21 =	vld [tilespmem:s24+$0x60];
	v7 =	vadd.f32 v7, v17  }
0x143: {  	v61 =	vld [tilespmem:s24+$0x70];
	[tilespmem:s24+$0x0] =	vst v6;
	v6 =	vadd.f32 v8, v18  }
0x144: {  	v62 =	vld [tilespmem:s24+$0x80];
	[tilespmem:s24+$0x10] =	vst v7;
	v7 =	vadd.f32 v9, v19  }
0x145: {  	v63 =	vld [tilespmem:s24+$0x90];
	[tilespmem:s24+$0x20] =	vst v6;
	v6 =	vadd.f32 v10, v20  }
0x146: {  	v8 =	vadd.f32 v11, v60;
	[tilespmem:s24+$0x30] =	vst v7;
	v7 =	vld [tilespmem:s24+$0xA0]  }
0x147: {  	v9 =	vadd.f32 v12, v21;
	[tilespmem:s24+$0x40] =	vst v6;
	v6 =	vld [tilespmem:s24+$0xB0]  }
0x148: {  	[tilespmem:s24+$0x50] =	vst v8;
	v8 =	vld [tilespmem:s24+$0xC0];
	v10 =	vadd.f32 v13, v61  }
0x149: {  	v12 =	vadd.f32 v14, v62;
	[tilespmem:s24+$0x60] =	vst v9;
	v9 =	vld [tilespmem:s24+$0xD0]  }
0x14a: {  	s25 =	simm.s32 $0x400;
	v11 =	vadd.f32 v15, v63;
	[tilespmem:s24+$0x70] =	vst v10;
	v10 =	vld [tilespmem:s24+$0xE0]  }
.LBB2_8:
0x14b: {  	s26 =	sshra.s32 s25, $0x2;
	p0 =	sne.s32 s25, $0x2FC00;
	[tilespmem:s24+$0x80] =	vst v12;
	v5 =	vadd.f32 v5, v7;
	v7 =	vld [tilespmem:s24+$0xF0]  }
0x14c: {  	v12 =	vld [tilespmem:s26+$0xC000];
	[tilespmem:s24+$0x90] =	vst v11;
	v4 =	vadd.f32 v4, v6  }
0x14d: {  	v6 =	vld [tilespmem:s26+$0xC010];
	[tilespmem:s24+$0xA0] =	vst v5;
	v3 =	vadd.f32 v3, v8  }
0x14e: {  	v8 =	vld [tilespmem:s26+$0xC020];
	[tilespmem:s24+$0xB0] =	vst v4;
	v2 =	vadd.f32 v2, v9  }
0x14f: {  	v9 =	vld [tilespmem:s26+$0xC030];
	[tilespmem:s24+$0xC0] =	vst v3;
	v1 =	vadd.f32 v1, v10  }
0x150: {  	v10 =	vld [tilespmem:s26+$0xC040];
	[tilespmem:s24+$0xD0] =	vst v2;
	v0 =	vadd.f32 v0, v7  }
0x151: {  	v7 =	vld [tilespmem:s26+$0xC050];
	[tilespmem:s24+$0xE0] =	vst v1  }
0x152: {  	v11 =	vld [tilespmem:s26+$0xC060];
	[tilespmem:s24+$0xF0] =	vst v0;
	s24 =	smov.u32 s26  }
0x153: {  	v13 =	vld [tilespmem:s24+$0xC070]  }
0x154: {  	v14 =	vld [tilespmem:s24+$0xC080]  }
0x155: {  	v15 =	vld [tilespmem:s24+$0xC090]  }
0x156: {  	v5 =	vld [tilespmem:s24+$0xC0A0]  }
0x157: {  	v4 =	vld [tilespmem:s24+$0xC0B0]  }
0x158: {  	v3 =	vld [tilespmem:s24+$0xC0C0]  }
0x159: {  	v2 =	vld [tilespmem:s24+$0xC0D0]  }
0x15a: {  	v1 =	vld [tilespmem:s24+$0xC0E0]  }
0x15b: {  	v0 =	vld [tilespmem:s24+$0xC0F0]  }
0x15c: {  	v16 =	vld [tilespmem:s24+$0x0]  }
0x15d: {  	v17 =	vld [tilespmem:s24+$0x10]  }
0x15e: {  	v18 =	vld [tilespmem:s24+$0x20]  }
0x15f: {  	v19 =	vld [tilespmem:s24+$0x30]  }
0x160: {  	v20 =	vld [tilespmem:s24+$0x40]  }
0x161: {  	v12 =	vadd.f32 v12, v16;
	v16 =	vld [tilespmem:s24+$0x50]  }
0x162: {  	v6 =	vadd.f32 v6, v17;
	v17 =	vld [tilespmem:s24+$0x60]  }
0x163: {  	[tilespmem:s24+$0x0] =	vst v12;
	v8 =	vadd.f32 v8, v18;
	v12 =	vld [tilespmem:s24+$0x70]  }
0x164: {  	[tilespmem:s24+$0x10] =	vst v6;
	v6 =	vadd.f32 v9, v19;
	v9 =	vld [tilespmem:s24+$0x80]  }
0x165: {  	[tilespmem:s24+$0x20] =	vst v8;
	v8 =	vadd.f32 v10, v20;
	v10 =	vld [tilespmem:s24+$0x90]  }
.Ltmp3:
0x166: {  	[tilespmem:s24+$0x30] =	vst v6;
	v16 =	vadd.f32 v7, v16;
	v7 =	vld [tilespmem:s24+$0xA0];
	(pc) =	sbr.rel @p0 .LBB2_8-.Ltmp3, $4  }
0x167: {  	[tilespmem:s24+$0x40] =	vst v8;
	v11 =	vadd.f32 v11, v17;
	v6 =	vld [tilespmem:s24+$0xB0]  }
0x168: {  	[tilespmem:s24+$0x50] =	vst v16;
	v13 =	vadd.f32 v13, v12;
	v8 =	vld [tilespmem:s24+$0xC0]  }
0x169: {  	[tilespmem:s24+$0x60] =	vst v11;
	v12 =	vadd.f32 v14, v9;
	v9 =	vld [tilespmem:s24+$0xD0]  }
0x16a: {  	s25 =	sadd.s32 $0x400, s25;
	[tilespmem:s24+$0x70] =	vst v13;
	v11 =	vadd.f32 v15, v10;
	v10 =	vld [tilespmem:s24+$0xE0]  }
0x16b: {  	[tilespmem:s24+$0x80] =	vst v12;
	v5 =	vadd.f32 v5, v7;
	v7 =	vld [tilespmem:s24+$0xF0]  }
0x16c: {  	[tilespmem:s24+$0x90] =	vst v11;
	v4 =	vadd.f32 v4, v6  }
0x16d: {  	[tilespmem:s24+$0xA0] =	vst v5;
	v3 =	vadd.f32 v3, v8  }
0x16e: {  	[tilespmem:s24+$0xB0] =	vst v4;
	v2 =	vadd.f32 v2, v9  }
0x16f: {  	[tilespmem:s24+$0xC0] =	vst v3;
	v1 =	vadd.f32 v1, v10  }
0x170: {  	[tilespmem:s24+$0xD0] =	vst v2;
	v0 =	vadd.f32 v0, v7  }
0x171: {  	[tilespmem:s24+$0xE0] =	vst v1  }
0x172: {  	s25 =	rddreg [dreg:$0x8];
	[tilespmem:s24+$0xF0] =	vst v0;
	s24 =	simm.s32 $0x0  }
0x173: {  	[hbm4b:s25+s24] =	stream.linear.scatter [tilespmem:s24], [sflag:$0x1], $0xC000, $0x38;
	[tilespmem:$0x18000] =	vst v63  }
0x174: {  	_ =	swait.ge [sflag:s21], $0xC000  }
0x175: {  	[sflag:s21] =	ssyncset.done $0x0  }
0x176: {  	s26 =	rddreg [dreg:$0x9];
	[sflag:s21] =	ssyncadd.s32 $0xFFFF4000  }
0x177: {  	[tilespmem:s24], [sflag:$0x1] =	stream.linear.gather [hbm4b:s26+s24], $0xC000, $0x38;
	[tilespmem:$0x18000] =	vst v63  }
0x178: {  	_ =	swait.ge [sflag:s21], $0xC000  }
0x179: {  	[sflag:s21] =	ssyncset.done $0x0  }
0x17a: {  	[sflag:s21] =	ssyncadd.s32 $0xFFFF4000  }
0x17b: {  	[tilespmem:s22], [sflag:$0x1] =	stream.linear.gather [hbm4b:s8+s24], $0xC000, $0x38;
	[tilespmem:$0x18000] =	vst v63  }
0x17c: {  	_ =	swait.ge [sflag:s21], $0xC000  }
0x17d: {  	[sflag:s21] =	ssyncset.done $0x0  }
0x17e: {  	s24 =	simm.s32 $0x0;
	[sflag:s21] =	ssyncadd.s32 $0xFFFF4000  }
0x17f: {  	v6 =	vld [tilespmem:s24+$0xC000]  }
0x180: {  	v7 =	vld [tilespmem:s24+$0xC010]  }
0x181: {  	v8 =	vld [tilespmem:s24+$0xC020]  }
0x182: {  	v9 =	vld [tilespmem:s24+$0xC030]  }
0x183: {  	v10 =	vld [tilespmem:s24+$0xC040]  }
0x184: {  	v11 =	vld [tilespmem:s24+$0xC050]  }
0x185: {  	v12 =	vld [tilespmem:s24+$0xC060]  }
0x186: {  	v13 =	vld [tilespmem:s24+$0xC070]  }
0x187: {  	v14 =	vld [tilespmem:s24+$0xC080]  }
0x188: {  	v15 =	vld [tilespmem:s24+$0xC090]  }
0x189: {  	v5 =	vld [tilespmem:s24+$0xC0A0]  }
0x18a: {  	v4 =	vld [tilespmem:s24+$0xC0B0]  }
0x18b: {  	v3 =	vld [tilespmem:s24+$0xC0C0]  }
0x18c: {  	v2 =	vld [tilespmem:s24+$0xC0D0]  }
0x18d: {  	v1 =	vld [tilespmem:s24+$0xC0E0]  }
0x18e: {  	v0 =	vld [tilespmem:s24+$0xC0F0]  }
0x18f: {  	v16 =	vld [tilespmem:s24+$0x0]  }
0x190: {  	v17 =	vld [tilespmem:s24+$0x10]  }
0x191: {  	v18 =	vld [tilespmem:s24+$0x20]  }
0x192: {  	v19 =	vld [tilespmem:s24+$0x30]  }
0x193: {  	v20 =	vld [tilespmem:s24+$0x40]  }
0x194: {  	v60 =	vld [tilespmem:s24+$0x50];
	v6 =	vadd.f32 v6, v16  }
0x195: {  	v21 =	vld [tilespmem:s24+$0x60];
	v7 =	vadd.f32 v7, v17  }
0x196: {  	v61 =	vld [tilespmem:s24+$0x70];
	[tilespmem:s24+$0x0] =	vst v6;
	v6 =	vadd.f32 v8, v18  }
0x197: {  	v62 =	vld [tilespmem:s24+$0x80];
	[tilespmem:s24+$0x10] =	vst v7;
	v7 =	vadd.f32 v9, v19  }
0x198: {  	v63 =	vld [tilespmem:s24+$0x90];
	[tilespmem:s24+$0x20] =	vst v6;
	v6 =	vadd.f32 v10, v20  }
0x199: {  	v8 =	vadd.f32 v11, v60;
	[tilespmem:s24+$0x30] =	vst v7;
	v7 =	vld [tilespmem:s24+$0xA0]  }
0x19a: {  	v9 =	vadd.f32 v12, v21;
	[tilespmem:s24+$0x40] =	vst v6;
	v6 =	vld [tilespmem:s24+$0xB0]  }
0x19b: {  	[tilespmem:s24+$0x50] =	vst v8;
	v8 =	vld [tilespmem:s24+$0xC0];
	v10 =	vadd.f32 v13, v61  }
0x19c: {  	v12 =	vadd.f32 v14, v62;
	[tilespmem:s24+$0x60] =	vst v9;
	v9 =	vld [tilespmem:s24+$0xD0]  }
0x19d: {  	s25 =	simm.s32 $0x400;
	v11 =	vadd.f32 v15, v63;
	[tilespmem:s24+$0x70] =	vst v10;
	v10 =	vld [tilespmem:s24+$0xE0]  }
.LBB2_10:
0x19e: {  	s26 =	sshra.s32 s25, $0x2;
	p0 =	sne.s32 s25, $0x2FC00;
	[tilespmem:s24+$0x80] =	vst v12;
	v5 =	vadd.f32 v5, v7;
	v7 =	vld [tilespmem:s24+$0xF0]  }
0x19f: {  	v12 =	vld [tilespmem:s26+$0xC000];
	[tilespmem:s24+$0x90] =	vst v11;
	v4 =	vadd.f32 v4, v6  }
0x1a0: {  	v6 =	vld [tilespmem:s26+$0xC010];
	[tilespmem:s24+$0xA0] =	vst v5;
	v3 =	vadd.f32 v3, v8  }
0x1a1: {  	v8 =	vld [tilespmem:s26+$0xC020];
	[tilespmem:s24+$0xB0] =	vst v4;
	v2 =	vadd.f32 v2, v9  }
0x1a2: {  	v9 =	vld [tilespmem:s26+$0xC030];
	[tilespmem:s24+$0xC0] =	vst v3;
	v1 =	vadd.f32 v1, v10  }
0x1a3: {  	v10 =	vld [tilespmem:s26+$0xC040];
	[tilespmem:s24+$0xD0] =	vst v2;
	v0 =	vadd.f32 v0, v7  }
0x1a4: {  	v7 =	vld [tilespmem:s26+$0xC050];
	[tilespmem:s24+$0xE0] =	vst v1  }
0x1a5: {  	v11 =	vld [tilespmem:s26+$0xC060];
	[tilespmem:s24+$0xF0] =	vst v0;
	s24 =	smov.u32 s26  }
0x1a6: {  	v13 =	vld [tilespmem:s24+$0xC070]  }
0x1a7: {  	v14 =	vld [tilespmem:s24+$0xC080]  }
0x1a8: {  	v15 =	vld [tilespmem:s24+$0xC090]  }
0x1a9: {  	v5 =	vld [tilespmem:s24+$0xC0A0]  }
0x1aa: {  	v4 =	vld [tilespmem:s24+$0xC0B0]  }
0x1ab: {  	v3 =	vld [tilespmem:s24+$0xC0C0]  }
0x1ac: {  	v2 =	vld [tilespmem:s24+$0xC0D0]  }
0x1ad: {  	v1 =	vld [tilespmem:s24+$0xC0E0]  }
0x1ae: {  	v0 =	vld [tilespmem:s24+$0xC0F0]  }
0x1af: {  	v16 =	vld [tilespmem:s24+$0x0]  }
0x1b0: {  	v17 =	vld [tilespmem:s24+$0x10]  }
0x1b1: {  	v18 =	vld [tilespmem:s24+$0x20]  }
0x1b2: {  	v19 =	vld [tilespmem:s24+$0x30]  }
0x1b3: {  	v20 =	vld [tilespmem:s24+$0x40]  }
0x1b4: {  	v12 =	vadd.f32 v12, v16;
	v16 =	vld [tilespmem:s24+$0x50]  }
0x1b5: {  	v6 =	vadd.f32 v6, v17;
	v17 =	vld [tilespmem:s24+$0x60]  }
0x1b6: {  	[tilespmem:s24+$0x0] =	vst v12;
	v8 =	vadd.f32 v8, v18;
	v12 =	vld [tilespmem:s24+$0x70]  }
0x1b7: {  	[tilespmem:s24+$0x10] =	vst v6;
	v6 =	vadd.f32 v9, v19;
	v9 =	vld [tilespmem:s24+$0x80]  }
0x1b8: {  	[tilespmem:s24+$0x20] =	vst v8;
	v8 =	vadd.f32 v10, v20;
	v10 =	vld [tilespmem:s24+$0x90]  }
.Ltmp4:
0x1b9: {  	[tilespmem:s24+$0x30] =	vst v6;
	v16 =	vadd.f32 v7, v16;
	v7 =	vld [tilespmem:s24+$0xA0];
	(pc) =	sbr.rel @p0 .LBB2_10-.Ltmp4, $4  }
0x1ba: {  	[tilespmem:s24+$0x40] =	vst v8;
	v11 =	vadd.f32 v11, v17;
	v6 =	vld [tilespmem:s24+$0xB0]  }
0x1bb: {  	[tilespmem:s24+$0x50] =	vst v16;
	v13 =	vadd.f32 v13, v12;
	v8 =	vld [tilespmem:s24+$0xC0]  }
0x1bc: {  	[tilespmem:s24+$0x60] =	vst v11;
	v12 =	vadd.f32 v14, v9;
	v9 =	vld [tilespmem:s24+$0xD0]  }
0x1bd: {  	s25 =	sadd.s32 $0x400, s25;
	[tilespmem:s24+$0x70] =	vst v13;
	v11 =	vadd.f32 v15, v10;
	v10 =	vld [tilespmem:s24+$0xE0]  }
0x1be: {  	[tilespmem:s24+$0x80] =	vst v12;
	v5 =	vadd.f32 v5, v7;
	v7 =	vld [tilespmem:s24+$0xF0]  }
0x1bf: {  	[tilespmem:s24+$0x90] =	vst v11;
	v4 =	vadd.f32 v4, v6  }
0x1c0: {  	[tilespmem:s24+$0xA0] =	vst v5;
	v3 =	vadd.f32 v3, v8  }
0x1c1: {  	[tilespmem:s24+$0xB0] =	vst v4;
	v2 =	vadd.f32 v2, v9  }
0x1c2: {  	[tilespmem:s24+$0xC0] =	vst v3;
	v1 =	vadd.f32 v1, v10  }
0x1c3: {  	[tilespmem:s24+$0xD0] =	vst v2;
	v0 =	vadd.f32 v0, v7  }
0x1c4: {  	[tilespmem:s24+$0xE0] =	vst v1  }
0x1c5: {  	s25 =	rddreg [dreg:$0xa];
	[tilespmem:s24+$0xF0] =	vst v0;
	s24 =	simm.s32 $0x0  }
0x1c6: {  	[hbm4b:s25+s24] =	stream.linear.scatter [tilespmem:s24], [sflag:$0x1], $0xC000, $0x38;
	[tilespmem:$0x18000] =	vst v63  }
0x1c7: {  	_ =	swait.ge [sflag:s21], $0xC000  }
0x1c8: {  	[sflag:s21] =	ssyncset.done $0x0  }
0x1c9: {  	s26 =	rddreg [dreg:$0xb];
	[sflag:s21] =	ssyncadd.s32 $0xFFFF4000  }
0x1ca: {  	[tilespmem:s24], [sflag:$0x1] =	stream.linear.gather [hbm4b:s26+s24], $0xC000, $0x38;
	[tilespmem:$0x18000] =	vst v63  }
0x1cb: {  	_ =	swait.ge [sflag:s21], $0xC000  }
0x1cc: {  	[sflag:s21] =	ssyncset.done $0x0  }
0x1cd: {  	[sflag:s21] =	ssyncadd.s32 $0xFFFF4000  }
0x1ce: {  	[tilespmem:s22], [sflag:$0x1] =	stream.linear.gather [hbm4b:s9+s24], $0xC000, $0x38;
	[tilespmem:$0x18000] =	vst v63  }
0x1cf: {  	_ =	swait.ge [sflag:s21], $0xC000  }
0x1d0: {  	[sflag:s21] =	ssyncset.done $0x0  }
0x1d1: {  	s24 =	simm.s32 $0x0;
	[sflag:s21] =	ssyncadd.s32 $0xFFFF4000  }
0x1d2: {  	v6 =	vld [tilespmem:s24+$0xC000]  }
0x1d3: {  	v7 =	vld [tilespmem:s24+$0xC010]  }
0x1d4: {  	v8 =	vld [tilespmem:s24+$0xC020]  }
0x1d5: {  	v9 =	vld [tilespmem:s24+$0xC030]  }
0x1d6: {  	v10 =	vld [tilespmem:s24+$0xC040]  }
0x1d7: {  	v11 =	vld [tilespmem:s24+$0xC050]  }
0x1d8: {  	v12 =	vld [tilespmem:s24+$0xC060]  }
0x1d9: {  	v13 =	vld [tilespmem:s24+$0xC070]  }
0x1da: {  	v14 =	vld [tilespmem:s24+$0xC080]  }
0x1db: {  	v15 =	vld [tilespmem:s24+$0xC090]  }
0x1dc: {  	v5 =	vld [tilespmem:s24+$0xC0A0]  }
0x1dd: {  	v4 =	vld [tilespmem:s24+$0xC0B0]  }
0x1de: {  	v3 =	vld [tilespmem:s24+$0xC0C0]  }
0x1df: {  	v2 =	vld [tilespmem:s24+$0xC0D0]  }
0x1e0: {  	v1 =	vld [tilespmem:s24+$0xC0E0]  }
0x1e1: {  	v0 =	vld [tilespmem:s24+$0xC0F0]  }
0x1e2: {  	v16 =	vld [tilespmem:s24+$0x0]  }
0x1e3: {  	v17 =	vld [tilespmem:s24+$0x10]  }
0x1e4: {  	v18 =	vld [tilespmem:s24+$0x20]  }
0x1e5: {  	v19 =	vld [tilespmem:s24+$0x30]  }
0x1e6: {  	v20 =	vld [tilespmem:s24+$0x40]  }
0x1e7: {  	v60 =	vld [tilespmem:s24+$0x50];
	v6 =	vadd.f32 v6, v16  }
0x1e8: {  	v21 =	vld [tilespmem:s24+$0x60];
	v7 =	vadd.f32 v7, v17  }
0x1e9: {  	v61 =	vld [tilespmem:s24+$0x70];
	[tilespmem:s24+$0x0] =	vst v6;
	v6 =	vadd.f32 v8, v18  }
0x1ea: {  	v62 =	vld [tilespmem:s24+$0x80];
	[tilespmem:s24+$0x10] =	vst v7;
	v7 =	vadd.f32 v9, v19  }
0x1eb: {  	v63 =	vld [tilespmem:s24+$0x90];
	[tilespmem:s24+$0x20] =	vst v6;
	v6 =	vadd.f32 v10, v20  }
0x1ec: {  	v8 =	vadd.f32 v11, v60;
	[tilespmem:s24+$0x30] =	vst v7;
	v7 =	vld [tilespmem:s24+$0xA0]  }
0x1ed: {  	v9 =	vadd.f32 v12, v21;
	[tilespmem:s24+$0x40] =	vst v6;
	v6 =	vld [tilespmem:s24+$0xB0]  }
0x1ee: {  	[tilespmem:s24+$0x50] =	vst v8;
	v8 =	vld [tilespmem:s24+$0xC0];
	v10 =	vadd.f32 v13, v61  }
0x1ef: {  	v12 =	vadd.f32 v14, v62;
	[tilespmem:s24+$0x60] =	vst v9;
	v9 =	vld [tilespmem:s24+$0xD0]  }
0x1f0: {  	s25 =	simm.s32 $0x400;
	v11 =	vadd.f32 v15, v63;
	[tilespmem:s24+$0x70] =	vst v10;
	v10 =	vld [tilespmem:s24+$0xE0]  }
.LBB2_12:
0x1f1: {  	s26 =	sshra.s32 s25, $0x2;
	p0 =	sne.s32 s25, $0x2FC00;
	[tilespmem:s24+$0x80] =	vst v12;
	v5 =	vadd.f32 v5, v7;
	v7 =	vld [tilespmem:s24+$0xF0]  }
0x1f2: {  	v12 =	vld [tilespmem:s26+$0xC000];
	[tilespmem:s24+$0x90] =	vst v11;
	v4 =	vadd.f32 v4, v6  }
0x1f3: {  	v6 =	vld [tilespmem:s26+$0xC010];
	[tilespmem:s24+$0xA0] =	vst v5;
	v3 =	vadd.f32 v3, v8  }
0x1f4: {  	v8 =	vld [tilespmem:s26+$0xC020];
	[tilespmem:s24+$0xB0] =	vst v4;
	v2 =	vadd.f32 v2, v9  }
0x1f5: {  	v9 =	vld [tilespmem:s26+$0xC030];
	[tilespmem:s24+$0xC0] =	vst v3;
	v1 =	vadd.f32 v1, v10  }
0x1f6: {  	v10 =	vld [tilespmem:s26+$0xC040];
	[tilespmem:s24+$0xD0] =	vst v2;
	v0 =	vadd.f32 v0, v7  }
0x1f7: {  	v7 =	vld [tilespmem:s26+$0xC050];
	[tilespmem:s24+$0xE0] =	vst v1  }
0x1f8: {  	v11 =	vld [tilespmem:s26+$0xC060];
	[tilespmem:s24+$0xF0] =	vst v0;
	s24 =	smov.u32 s26  }
0x1f9: {  	v13 =	vld [tilespmem:s24+$0xC070]  }
0x1fa: {  	v14 =	vld [tilespmem:s24+$0xC080]  }
0x1fb: {  	v15 =	vld [tilespmem:s24+$0xC090]  }
0x1fc: {  	v5 =	vld [tilespmem:s24+$0xC0A0]  }
0x1fd: {  	v4 =	vld [tilespmem:s24+$0xC0B0]  }
0x1fe: {  	v3 =	vld [tilespmem:s24+$0xC0C0]  }
0x1ff: {  	v2 =	vld [tilespmem:s24+$0xC0D0]  }
0x200: {  	v1 =	vld [tilespmem:s24+$0xC0E0]  }
0x201: {  	v0 =	vld [tilespmem:s24+$0xC0F0]  }
0x202: {  	v16 =	vld [tilespmem:s24+$0x0]  }
0x203: {  	v17 =	vld [tilespmem:s24+$0x10]  }
0x204: {  	v18 =	vld [tilespmem:s24+$0x20]  }
0x205: {  	v19 =	vld [tilespmem:s24+$0x30]  }
0x206: {  	v20 =	vld [tilespmem:s24+$0x40]  }
0x207: {  	v12 =	vadd.f32 v12, v16;
	v16 =	vld [tilespmem:s24+$0x50]  }
0x208: {  	v6 =	vadd.f32 v6, v17;
	v17 =	vld [tilespmem:s24+$0x60]  }
0x209: {  	[tilespmem:s24+$0x0] =	vst v12;
	v8 =	vadd.f32 v8, v18;
	v12 =	vld [tilespmem:s24+$0x70]  }
0x20a: {  	[tilespmem:s24+$0x10] =	vst v6;
	v6 =	vadd.f32 v9, v19;
	v9 =	vld [tilespmem:s24+$0x80]  }
0x20b: {  	[tilespmem:s24+$0x20] =	vst v8;
	v8 =	vadd.f32 v10, v20;
	v10 =	vld [tilespmem:s24+$0x90]  }
.Ltmp5:
0x20c: {  	[tilespmem:s24+$0x30] =	vst v6;
	v16 =	vadd.f32 v7, v16;
	v7 =	vld [tilespmem:s24+$0xA0];
	(pc) =	sbr.rel @p0 .LBB2_12-.Ltmp5, $4  }
0x20d: {  	[tilespmem:s24+$0x40] =	vst v8;
	v11 =	vadd.f32 v11, v17;
	v6 =	vld [tilespmem:s24+$0xB0]  }
0x20e: {  	[tilespmem:s24+$0x50] =	vst v16;
	v13 =	vadd.f32 v13, v12;
	v8 =	vld [tilespmem:s24+$0xC0]  }
0x20f: {  	[tilespmem:s24+$0x60] =	vst v11;
	v12 =	vadd.f32 v14, v9;
	v9 =	vld [tilespmem:s24+$0xD0]  }
0x210: {  	s25 =	sadd.s32 $0x400, s25;
	[tilespmem:s24+$0x70] =	vst v13;
	v11 =	vadd.f32 v15, v10;
	v10 =	vld [tilespmem:s24+$0xE0]  }
0x211: {  	[tilespmem:s24+$0x80] =	vst v12;
	v5 =	vadd.f32 v5, v7;
	v7 =	vld [tilespmem:s24+$0xF0]  }
0x212: {  	[tilespmem:s24+$0x90] =	vst v11;
	v4 =	vadd.f32 v4, v6  }
0x213: {  	[tilespmem:s24+$0xA0] =	vst v5;
	v3 =	vadd.f32 v3, v8  }
0x214: {  	[tilespmem:s24+$0xB0] =	vst v4;
	v2 =	vadd.f32 v2, v9  }
0x215: {  	[tilespmem:s24+$0xC0] =	vst v3;
	v1 =	vadd.f32 v1, v10  }
0x216: {  	[tilespmem:s24+$0xD0] =	vst v2;
	v0 =	vadd.f32 v0, v7  }
0x217: {  	[tilespmem:s24+$0xE0] =	vst v1  }
0x218: {  	s25 =	rddreg [dreg:$0xc];
	[tilespmem:s24+$0xF0] =	vst v0;
	s24 =	simm.s32 $0x0  }
0x219: {  	[hbm4b:s25+s24] =	stream.linear.scatter [tilespmem:s24], [sflag:$0x1], $0xC000, $0x38;
	[tilespmem:$0x18000] =	vst v63  }
0x21a: {  	_ =	swait.ge [sflag:s21], $0xC000  }
0x21b: {  	[sflag:s21] =	ssyncset.done $0x0  }
0x21c: {  	s26 =	rddreg [dreg:$0xd];
	[sflag:s21] =	ssyncadd.s32 $0xFFFF4000  }
0x21d: {  	[tilespmem:s24], [sflag:$0x1] =	stream.linear.gather [hbm4b:s26+s24], $0xC000, $0x38;
	[tilespmem:$0x18000] =	vst v63  }
0x21e: {  	_ =	swait.ge [sflag:s21], $0xC000  }
0x21f: {  	[sflag:s21] =	ssyncset.done $0x0  }
0x220: {  	[sflag:s21] =	ssyncadd.s32 $0xFFFF4000  }
0x221: {  	[tilespmem:s22], [sflag:$0x1] =	stream.linear.gather [hbm4b:s10+s24], $0xC000, $0x38;
	[tilespmem:$0x18000] =	vst v63  }
0x222: {  	_ =	swait.ge [sflag:s21], $0xC000  }
0x223: {  	[sflag:s21] =	ssyncset.done $0x0  }
0x224: {  	s24 =	simm.s32 $0x0;
	[sflag:s21] =	ssyncadd.s32 $0xFFFF4000  }
0x225: {  	v6 =	vld [tilespmem:s24+$0xC000]  }
0x226: {  	v7 =	vld [tilespmem:s24+$0xC010]  }
0x227: {  	v8 =	vld [tilespmem:s24+$0xC020]  }
0x228: {  	v9 =	vld [tilespmem:s24+$0xC030]  }
0x229: {  	v10 =	vld [tilespmem:s24+$0xC040]  }
0x22a: {  	v11 =	vld [tilespmem:s24+$0xC050]  }
0x22b: {  	v12 =	vld [tilespmem:s24+$0xC060]  }
0x22c: {  	v13 =	vld [tilespmem:s24+$0xC070]  }
0x22d: {  	v14 =	vld [tilespmem:s24+$0xC080]  }
0x22e: {  	v15 =	vld [tilespmem:s24+$0xC090]  }
0x22f: {  	v5 =	vld [tilespmem:s24+$0xC0A0]  }
0x230: {  	v4 =	vld [tilespmem:s24+$0xC0B0]  }
0x231: {  	v3 =	vld [tilespmem:s24+$0xC0C0]  }
0x232: {  	v2 =	vld [tilespmem:s24+$0xC0D0]  }
0x233: {  	v1 =	vld [tilespmem:s24+$0xC0E0]  }
0x234: {  	v0 =	vld [tilespmem:s24+$0xC0F0]  }
0x235: {  	v16 =	vld [tilespmem:s24+$0x0]  }
0x236: {  	v17 =	vld [tilespmem:s24+$0x10]  }
0x237: {  	v18 =	vld [tilespmem:s24+$0x20]  }
0x238: {  	v19 =	vld [tilespmem:s24+$0x30]  }
0x239: {  	v20 =	vld [tilespmem:s24+$0x40]  }
0x23a: {  	v60 =	vld [tilespmem:s24+$0x50];
	v6 =	vadd.f32 v6, v16  }
0x23b: {  	v21 =	vld [tilespmem:s24+$0x60];
	v7 =	vadd.f32 v7, v17  }
0x23c: {  	v61 =	vld [tilespmem:s24+$0x70];
	[tilespmem:s24+$0x0] =	vst v6;
	v6 =	vadd.f32 v8, v18  }
0x23d: {  	v62 =	vld [tilespmem:s24+$0x80];
	[tilespmem:s24+$0x10] =	vst v7;
	v7 =	vadd.f32 v9, v19  }
0x23e: {  	v63 =	vld [tilespmem:s24+$0x90];
	[tilespmem:s24+$0x20] =	vst v6;
	v6 =	vadd.f32 v10, v20  }
0x23f: {  	v8 =	vadd.f32 v11, v60;
	[tilespmem:s24+$0x30] =	vst v7;
	v7 =	vld [tilespmem:s24+$0xA0]  }
0x240: {  	v9 =	vadd.f32 v12, v21;
	[tilespmem:s24+$0x40] =	vst v6;
	v6 =	vld [tilespmem:s24+$0xB0]  }
0x241: {  	[tilespmem:s24+$0x50] =	vst v8;
	v8 =	vld [tilespmem:s24+$0xC0];
	v10 =	vadd.f32 v13, v61  }
0x242: {  	v12 =	vadd.f32 v14, v62;
	[tilespmem:s24+$0x60] =	vst v9;
	v9 =	vld [tilespmem:s24+$0xD0]  }
0x243: {  	s25 =	simm.s32 $0x400;
	v11 =	vadd.f32 v15, v63;
	[tilespmem:s24+$0x70] =	vst v10;
	v10 =	vld [tilespmem:s24+$0xE0]  }
.LBB2_14:
0x244: {  	s26 =	sshra.s32 s25, $0x2;
	p0 =	sne.s32 s25, $0x2FC00;
	[tilespmem:s24+$0x80] =	vst v12;
	v5 =	vadd.f32 v5, v7;
	v7 =	vld [tilespmem:s24+$0xF0]  }
0x245: {  	v12 =	vld [tilespmem:s26+$0xC000];
	[tilespmem:s24+$0x90] =	vst v11;
	v4 =	vadd.f32 v4, v6  }
0x246: {  	v6 =	vld [tilespmem:s26+$0xC010];
	[tilespmem:s24+$0xA0] =	vst v5;
	v3 =	vadd.f32 v3, v8  }
0x247: {  	v8 =	vld [tilespmem:s26+$0xC020];
	[tilespmem:s24+$0xB0] =	vst v4;
	v2 =	vadd.f32 v2, v9  }
0x248: {  	v9 =	vld [tilespmem:s26+$0xC030];
	[tilespmem:s24+$0xC0] =	vst v3;
	v1 =	vadd.f32 v1, v10  }
0x249: {  	v10 =	vld [tilespmem:s26+$0xC040];
	[tilespmem:s24+$0xD0] =	vst v2;
	v0 =	vadd.f32 v0, v7  }
0x24a: {  	v7 =	vld [tilespmem:s26+$0xC050];
	[tilespmem:s24+$0xE0] =	vst v1  }
0x24b: {  	v11 =	vld [tilespmem:s26+$0xC060];
	[tilespmem:s24+$0xF0] =	vst v0;
	s24 =	smov.u32 s26  }
0x24c: {  	v13 =	vld [tilespmem:s24+$0xC070]  }
0x24d: {  	v14 =	vld [tilespmem:s24+$0xC080]  }
0x24e: {  	v15 =	vld [tilespmem:s24+$0xC090]  }
0x24f: {  	v5 =	vld [tilespmem:s24+$0xC0A0]  }
0x250: {  	v4 =	vld [tilespmem:s24+$0xC0B0]  }
0x251: {  	v3 =	vld [tilespmem:s24+$0xC0C0]  }
0x252: {  	v2 =	vld [tilespmem:s24+$0xC0D0]  }
0x253: {  	v1 =	vld [tilespmem:s24+$0xC0E0]  }
0x254: {  	v0 =	vld [tilespmem:s24+$0xC0F0]  }
0x255: {  	v16 =	vld [tilespmem:s24+$0x0]  }
0x256: {  	v17 =	vld [tilespmem:s24+$0x10]  }
0x257: {  	v18 =	vld [tilespmem:s24+$0x20]  }
0x258: {  	v19 =	vld [tilespmem:s24+$0x30]  }
0x259: {  	v20 =	vld [tilespmem:s24+$0x40]  }
0x25a: {  	v12 =	vadd.f32 v12, v16;
	v16 =	vld [tilespmem:s24+$0x50]  }
0x25b: {  	v6 =	vadd.f32 v6, v17;
	v17 =	vld [tilespmem:s24+$0x60]  }
0x25c: {  	[tilespmem:s24+$0x0] =	vst v12;
	v8 =	vadd.f32 v8, v18;
	v12 =	vld [tilespmem:s24+$0x70]  }
0x25d: {  	[tilespmem:s24+$0x10] =	vst v6;
	v6 =	vadd.f32 v9, v19;
	v9 =	vld [tilespmem:s24+$0x80]  }
0x25e: {  	[tilespmem:s24+$0x20] =	vst v8;
	v8 =	vadd.f32 v10, v20;
	v10 =	vld [tilespmem:s24+$0x90]  }
.Ltmp6:
0x25f: {  	[tilespmem:s24+$0x30] =	vst v6;
	v16 =	vadd.f32 v7, v16;
	v7 =	vld [tilespmem:s24+$0xA0];
	(pc) =	sbr.rel @p0 .LBB2_14-.Ltmp6, $4  }
0x260: {  	[tilespmem:s24+$0x40] =	vst v8;
	v11 =	vadd.f32 v11, v17;
	v6 =	vld [tilespmem:s24+$0xB0]  }
0x261: {  	[tilespmem:s24+$0x50] =	vst v16;
	v13 =	vadd.f32 v13, v12;
	v8 =	vld [tilespmem:s24+$0xC0]  }
0x262: {  	[tilespmem:s24+$0x60] =	vst v11;
	v12 =	vadd.f32 v14, v9;
	v9 =	vld [tilespmem:s24+$0xD0]  }
0x263: {  	s25 =	sadd.s32 $0x400, s25;
	[tilespmem:s24+$0x70] =	vst v13;
	v11 =	vadd.f32 v15, v10;
	v10 =	vld [tilespmem:s24+$0xE0]  }
0x264: {  	[tilespmem:s24+$0x80] =	vst v12;
	v5 =	vadd.f32 v5, v7;
	v7 =	vld [tilespmem:s24+$0xF0]  }
0x265: {  	[tilespmem:s24+$0x90] =	vst v11;
	v4 =	vadd.f32 v4, v6  }
0x266: {  	[tilespmem:s24+$0xA0] =	vst v5;
	v3 =	vadd.f32 v3, v8  }
0x267: {  	[tilespmem:s24+$0xB0] =	vst v4;
	v2 =	vadd.f32 v2, v9  }
0x268: {  	[tilespmem:s24+$0xC0] =	vst v3;
	v1 =	vadd.f32 v1, v10  }
0x269: {  	[tilespmem:s24+$0xD0] =	vst v2;
	v0 =	vadd.f32 v0, v7  }
0x26a: {  	[tilespmem:s24+$0xE0] =	vst v1  }
0x26b: {  	s25 =	rddreg [dreg:$0xe];
	[tilespmem:s24+$0xF0] =	vst v0;
	s24 =	simm.s32 $0x0  }
0x26c: {  	[hbm4b:s25+s24] =	stream.linear.scatter [tilespmem:s24], [sflag:$0x1], $0xC000, $0x38;
	[tilespmem:$0x18000] =	vst v63  }
0x26d: {  	_ =	swait.ge [sflag:s21], $0xC000  }
0x26e: {  	[sflag:s21] =	ssyncset.done $0x0  }
0x26f: {  	s26 =	rddreg [dreg:$0xf];
	[sflag:s21] =	ssyncadd.s32 $0xFFFF4000  }
0x270: {  	[tilespmem:s24], [sflag:$0x1] =	stream.linear.gather [hbm4b:s26+s24], $0xC000, $0x38;
	[tilespmem:$0x18000] =	vst v63  }
0x271: {  	_ =	swait.ge [sflag:s21], $0xC000  }
0x272: {  	[sflag:s21] =	ssyncset.done $0x0  }
0x273: {  	[sflag:s21] =	ssyncadd.s32 $0xFFFF4000  }
0x274: {  	[tilespmem:s22], [sflag:$0x1] =	stream.linear.gather [hbm4b:s11+s24], $0xC000, $0x38;
	[tilespmem:$0x18000] =	vst v63  }
0x275: {  	_ =	swait.ge [sflag:s21], $0xC000  }
0x276: {  	[sflag:s21] =	ssyncset.done $0x0  }
0x277: {  	s24 =	simm.s32 $0x0;
	[sflag:s21] =	ssyncadd.s32 $0xFFFF4000  }
0x278: {  	v6 =	vld [tilespmem:s24+$0xC000]  }
0x279: {  	v7 =	vld [tilespmem:s24+$0xC010]  }
0x27a: {  	v8 =	vld [tilespmem:s24+$0xC020]  }
0x27b: {  	v9 =	vld [tilespmem:s24+$0xC030]  }
0x27c: {  	v10 =	vld [tilespmem:s24+$0xC040]  }
0x27d: {  	v11 =	vld [tilespmem:s24+$0xC050]  }
0x27e: {  	v12 =	vld [tilespmem:s24+$0xC060]  }
0x27f: {  	v13 =	vld [tilespmem:s24+$0xC070]  }
0x280: {  	v14 =	vld [tilespmem:s24+$0xC080]  }
0x281: {  	v15 =	vld [tilespmem:s24+$0xC090]  }
0x282: {  	v5 =	vld [tilespmem:s24+$0xC0A0]  }
0x283: {  	v4 =	vld [tilespmem:s24+$0xC0B0]  }
0x284: {  	v3 =	vld [tilespmem:s24+$0xC0C0]  }
0x285: {  	v2 =	vld [tilespmem:s24+$0xC0D0]  }
0x286: {  	v1 =	vld [tilespmem:s24+$0xC0E0]  }
0x287: {  	v0 =	vld [tilespmem:s24+$0xC0F0]  }
0x288: {  	v16 =	vld [tilespmem:s24+$0x0]  }
0x289: {  	v17 =	vld [tilespmem:s24+$0x10]  }
0x28a: {  	v18 =	vld [tilespmem:s24+$0x20]  }
0x28b: {  	v19 =	vld [tilespmem:s24+$0x30]  }
0x28c: {  	v20 =	vld [tilespmem:s24+$0x40]  }
0x28d: {  	v60 =	vld [tilespmem:s24+$0x50];
	v6 =	vadd.f32 v6, v16  }
0x28e: {  	v21 =	vld [tilespmem:s24+$0x60];
	v7 =	vadd.f32 v7, v17  }
0x28f: {  	v61 =	vld [tilespmem:s24+$0x70];
	[tilespmem:s24+$0x0] =	vst v6;
	v6 =	vadd.f32 v8, v18  }
0x290: {  	v62 =	vld [tilespmem:s24+$0x80];
	[tilespmem:s24+$0x10] =	vst v7;
	v7 =	vadd.f32 v9, v19  }
0x291: {  	v63 =	vld [tilespmem:s24+$0x90];
	[tilespmem:s24+$0x20] =	vst v6;
	v6 =	vadd.f32 v10, v20  }
0x292: {  	v8 =	vadd.f32 v11, v60;
	[tilespmem:s24+$0x30] =	vst v7;
	v7 =	vld [tilespmem:s24+$0xA0]  }
0x293: {  	v9 =	vadd.f32 v12, v21;
	[tilespmem:s24+$0x40] =	vst v6;
	v6 =	vld [tilespmem:s24+$0xB0]  }
0x294: {  	[tilespmem:s24+$0x50] =	vst v8;
	v8 =	vld [tilespmem:s24+$0xC0];
	v10 =	vadd.f32 v13, v61  }
0x295: {  	v12 =	vadd.f32 v14, v62;
	[tilespmem:s24+$0x60] =	vst v9;
	v9 =	vld [tilespmem:s24+$0xD0]  }
0x296: {  	s25 =	simm.s32 $0x400;
	v11 =	vadd.f32 v15, v63;
	[tilespmem:s24+$0x70] =	vst v10;
	v10 =	vld [tilespmem:s24+$0xE0]  }
.LBB2_16:
0x297: {  	s26 =	sshra.s32 s25, $0x2;
	p0 =	sne.s32 s25, $0x2FC00;
	[tilespmem:s24+$0x80] =	vst v12;
	v5 =	vadd.f32 v5, v7;
	v7 =	vld [tilespmem:s24+$0xF0]  }
0x298: {  	v12 =	vld [tilespmem:s26+$0xC000];
	[tilespmem:s24+$0x90] =	vst v11;
	v4 =	vadd.f32 v4, v6  }
0x299: {  	v6 =	vld [tilespmem:s26+$0xC010];
	[tilespmem:s24+$0xA0] =	vst v5;
	v3 =	vadd.f32 v3, v8  }
0x29a: {  	v8 =	vld [tilespmem:s26+$0xC020];
	[tilespmem:s24+$0xB0] =	vst v4;
	v2 =	vadd.f32 v2, v9  }
0x29b: {  	v9 =	vld [tilespmem:s26+$0xC030];
	[tilespmem:s24+$0xC0] =	vst v3;
	v1 =	vadd.f32 v1, v10  }
0x29c: {  	v10 =	vld [tilespmem:s26+$0xC040];
	[tilespmem:s24+$0xD0] =	vst v2;
	v0 =	vadd.f32 v0, v7  }
0x29d: {  	v7 =	vld [tilespmem:s26+$0xC050];
	[tilespmem:s24+$0xE0] =	vst v1  }
0x29e: {  	v11 =	vld [tilespmem:s26+$0xC060];
	[tilespmem:s24+$0xF0] =	vst v0;
	s24 =	smov.u32 s26  }
0x29f: {  	v13 =	vld [tilespmem:s24+$0xC070]  }
0x2a0: {  	v14 =	vld [tilespmem:s24+$0xC080]  }
0x2a1: {  	v15 =	vld [tilespmem:s24+$0xC090]  }
0x2a2: {  	v5 =	vld [tilespmem:s24+$0xC0A0]  }
0x2a3: {  	v4 =	vld [tilespmem:s24+$0xC0B0]  }
0x2a4: {  	v3 =	vld [tilespmem:s24+$0xC0C0]  }
0x2a5: {  	v2 =	vld [tilespmem:s24+$0xC0D0]  }
0x2a6: {  	v1 =	vld [tilespmem:s24+$0xC0E0]  }
0x2a7: {  	v0 =	vld [tilespmem:s24+$0xC0F0]  }
0x2a8: {  	v16 =	vld [tilespmem:s24+$0x0]  }
0x2a9: {  	v17 =	vld [tilespmem:s24+$0x10]  }
0x2aa: {  	v18 =	vld [tilespmem:s24+$0x20]  }
0x2ab: {  	v19 =	vld [tilespmem:s24+$0x30]  }
0x2ac: {  	v20 =	vld [tilespmem:s24+$0x40]  }
0x2ad: {  	v12 =	vadd.f32 v12, v16;
	v16 =	vld [tilespmem:s24+$0x50]  }
0x2ae: {  	v6 =	vadd.f32 v6, v17;
	v17 =	vld [tilespmem:s24+$0x60]  }
0x2af: {  	[tilespmem:s24+$0x0] =	vst v12;
	v8 =	vadd.f32 v8, v18;
	v12 =	vld [tilespmem:s24+$0x70]  }
0x2b0: {  	[tilespmem:s24+$0x10] =	vst v6;
	v6 =	vadd.f32 v9, v19;
	v9 =	vld [tilespmem:s24+$0x80]  }
0x2b1: {  	[tilespmem:s24+$0x20] =	vst v8;
	v8 =	vadd.f32 v10, v20;
	v10 =	vld [tilespmem:s24+$0x90]  }
.Ltmp7:
0x2b2: {  	[tilespmem:s24+$0x30] =	vst v6;
	v16 =	vadd.f32 v7, v16;
	v7 =	vld [tilespmem:s24+$0xA0];
	(pc) =	sbr.rel @p0 .LBB2_16-.Ltmp7, $4  }
0x2b3: {  	[tilespmem:s24+$0x40] =	vst v8;
	v11 =	vadd.f32 v11, v17;
	v6 =	vld [tilespmem:s24+$0xB0]  }
0x2b4: {  	[tilespmem:s24+$0x50] =	vst v16;
	v13 =	vadd.f32 v13, v12;
	v8 =	vld [tilespmem:s24+$0xC0]  }
0x2b5: {  	[tilespmem:s24+$0x60] =	vst v11;
	v12 =	vadd.f32 v14, v9;
	v9 =	vld [tilespmem:s24+$0xD0]  }
0x2b6: {  	s25 =	sadd.s32 $0x400, s25;
	[tilespmem:s24+$0x70] =	vst v13;
	v11 =	vadd.f32 v15, v10;
	v10 =	vld [tilespmem:s24+$0xE0]  }
0x2b7: {  	[tilespmem:s24+$0x80] =	vst v12;
	v5 =	vadd.f32 v5, v7;
	v7 =	vld [tilespmem:s24+$0xF0]  }
0x2b8: {  	[tilespmem:s24+$0x90] =	vst v11;
	v4 =	vadd.f32 v4, v6  }
0x2b9: {  	[tilespmem:s24+$0xA0] =	vst v5;
	v3 =	vadd.f32 v3, v8  }
0x2ba: {  	[tilespmem:s24+$0xB0] =	vst v4;
	v2 =	vadd.f32 v2, v9  }
0x2bb: {  	[tilespmem:s24+$0xC0] =	vst v3;
	v1 =	vadd.f32 v1, v10  }
0x2bc: {  	[tilespmem:s24+$0xD0] =	vst v2;
	v0 =	vadd.f32 v0, v7  }
0x2bd: {  	[tilespmem:s24+$0xE0] =	vst v1  }
0x2be: {  	s25 =	rddreg [dreg:$0x10];
	[tilespmem:s24+$0xF0] =	vst v0;
	s24 =	simm.s32 $0x0  }
0x2bf: {  	[hbm4b:s25+s24] =	stream.linear.scatter [tilespmem:s24], [sflag:$0x1], $0xC000, $0x38;
	[tilespmem:$0x18000] =	vst v63  }
0x2c0: {  	_ =	swait.ge [sflag:s21], $0xC000  }
0x2c1: {  	[sflag:s21] =	ssyncset.done $0x0  }
0x2c2: {  	s26 =	rddreg [dreg:$0x11];
	[sflag:s21] =	ssyncadd.s32 $0xFFFF4000  }
0x2c3: {  	[tilespmem:s24], [sflag:$0x1] =	stream.linear.gather [hbm4b:s26+s24], $0xC000, $0x38;
	[tilespmem:$0x18000] =	vst v63  }
0x2c4: {  	_ =	swait.ge [sflag:s21], $0xC000  }
0x2c5: {  	[sflag:s21] =	ssyncset.done $0x0  }
0x2c6: {  	[sflag:s21] =	ssyncadd.s32 $0xFFFF4000  }
0x2c7: {  	[tilespmem:s22], [sflag:$0x1] =	stream.linear.gather [hbm4b:s12+s24], $0xC000, $0x38;
	[tilespmem:$0x18000] =	vst v63  }
0x2c8: {  	_ =	swait.ge [sflag:s21], $0xC000  }
0x2c9: {  	[sflag:s21] =	ssyncset.done $0x0  }
0x2ca: {  	s24 =	simm.s32 $0x0;
	[sflag:s21] =	ssyncadd.s32 $0xFFFF4000  }
0x2cb: {  	v6 =	vld [tilespmem:s24+$0xC000]  }
0x2cc: {  	v7 =	vld [tilespmem:s24+$0xC010]  }
0x2cd: {  	v8 =	vld [tilespmem:s24+$0xC020]  }
0x2ce: {  	v9 =	vld [tilespmem:s24+$0xC030]  }
0x2cf: {  	v10 =	vld [tilespmem:s24+$0xC040]  }
0x2d0: {  	v11 =	vld [tilespmem:s24+$0xC050]  }
0x2d1: {  	v12 =	vld [tilespmem:s24+$0xC060]  }
0x2d2: {  	v13 =	vld [tilespmem:s24+$0xC070]  }
0x2d3: {  	v14 =	vld [tilespmem:s24+$0xC080]  }
0x2d4: {  	v15 =	vld [tilespmem:s24+$0xC090]  }
0x2d5: {  	v5 =	vld [tilespmem:s24+$0xC0A0]  }
0x2d6: {  	v4 =	vld [tilespmem:s24+$0xC0B0]  }
0x2d7: {  	v3 =	vld [tilespmem:s24+$0xC0C0]  }
0x2d8: {  	v2 =	vld [tilespmem:s24+$0xC0D0]  }
0x2d9: {  	v1 =	vld [tilespmem:s24+$0xC0E0]  }
0x2da: {  	v0 =	vld [tilespmem:s24+$0xC0F0]  }
0x2db: {  	v16 =	vld [tilespmem:s24+$0x0]  }
0x2dc: {  	v17 =	vld [tilespmem:s24+$0x10]  }
0x2dd: {  	v18 =	vld [tilespmem:s24+$0x20]  }
0x2de: {  	v19 =	vld [tilespmem:s24+$0x30]  }
0x2df: {  	v20 =	vld [tilespmem:s24+$0x40]  }
0x2e0: {  	v60 =	vld [tilespmem:s24+$0x50];
	v6 =	vadd.f32 v6, v16  }
0x2e1: {  	v21 =	vld [tilespmem:s24+$0x60];
	v7 =	vadd.f32 v7, v17  }
0x2e2: {  	v61 =	vld [tilespmem:s24+$0x70];
	[tilespmem:s24+$0x0] =	vst v6;
	v6 =	vadd.f32 v8, v18  }
0x2e3: {  	v62 =	vld [tilespmem:s24+$0x80];
	[tilespmem:s24+$0x10] =	vst v7;
	v7 =	vadd.f32 v9, v19  }
0x2e4: {  	v63 =	vld [tilespmem:s24+$0x90];
	[tilespmem:s24+$0x20] =	vst v6;
	v6 =	vadd.f32 v10, v20  }
0x2e5: {  	v8 =	vadd.f32 v11, v60;
	[tilespmem:s24+$0x30] =	vst v7;
	v7 =	vld [tilespmem:s24+$0xA0]  }
0x2e6: {  	v9 =	vadd.f32 v12, v21;
	[tilespmem:s24+$0x40] =	vst v6;
	v6 =	vld [tilespmem:s24+$0xB0]  }
0x2e7: {  	[tilespmem:s24+$0x50] =	vst v8;
	v8 =	vld [tilespmem:s24+$0xC0];
	v10 =	vadd.f32 v13, v61  }
0x2e8: {  	v12 =	vadd.f32 v14, v62;
	[tilespmem:s24+$0x60] =	vst v9;
	v9 =	vld [tilespmem:s24+$0xD0]  }
0x2e9: {  	s25 =	simm.s32 $0x400;
	v11 =	vadd.f32 v15, v63;
	[tilespmem:s24+$0x70] =	vst v10;
	v10 =	vld [tilespmem:s24+$0xE0]  }
.LBB2_18:
0x2ea: {  	s26 =	sshra.s32 s25, $0x2;
	p0 =	sne.s32 s25, $0x2FC00;
	[tilespmem:s24+$0x80] =	vst v12;
	v5 =	vadd.f32 v5, v7;
	v7 =	vld [tilespmem:s24+$0xF0]  }
0x2eb: {  	v12 =	vld [tilespmem:s26+$0xC000];
	[tilespmem:s24+$0x90] =	vst v11;
	v4 =	vadd.f32 v4, v6  }
0x2ec: {  	v6 =	vld [tilespmem:s26+$0xC010];
	[tilespmem:s24+$0xA0] =	vst v5;
	v3 =	vadd.f32 v3, v8  }
0x2ed: {  	v8 =	vld [tilespmem:s26+$0xC020];
	[tilespmem:s24+$0xB0] =	vst v4;
	v2 =	vadd.f32 v2, v9  }
0x2ee: {  	v9 =	vld [tilespmem:s26+$0xC030];
	[tilespmem:s24+$0xC0] =	vst v3;
	v1 =	vadd.f32 v1, v10  }
0x2ef: {  	v10 =	vld [tilespmem:s26+$0xC040];
	[tilespmem:s24+$0xD0] =	vst v2;
	v0 =	vadd.f32 v0, v7  }
0x2f0: {  	v7 =	vld [tilespmem:s26+$0xC050];
	[tilespmem:s24+$0xE0] =	vst v1  }
0x2f1: {  	v11 =	vld [tilespmem:s26+$0xC060];
	[tilespmem:s24+$0xF0] =	vst v0;
	s24 =	smov.u32 s26  }
0x2f2: {  	v13 =	vld [tilespmem:s24+$0xC070]  }
0x2f3: {  	v14 =	vld [tilespmem:s24+$0xC080]  }
0x2f4: {  	v15 =	vld [tilespmem:s24+$0xC090]  }
0x2f5: {  	v5 =	vld [tilespmem:s24+$0xC0A0]  }
0x2f6: {  	v4 =	vld [tilespmem:s24+$0xC0B0]  }
0x2f7: {  	v3 =	vld [tilespmem:s24+$0xC0C0]  }
0x2f8: {  	v2 =	vld [tilespmem:s24+$0xC0D0]  }
0x2f9: {  	v1 =	vld [tilespmem:s24+$0xC0E0]  }
0x2fa: {  	v0 =	vld [tilespmem:s24+$0xC0F0]  }
0x2fb: {  	v16 =	vld [tilespmem:s24+$0x0]  }
0x2fc: {  	v17 =	vld [tilespmem:s24+$0x10]  }
0x2fd: {  	v18 =	vld [tilespmem:s24+$0x20]  }
0x2fe: {  	v19 =	vld [tilespmem:s24+$0x30]  }
0x2ff: {  	v20 =	vld [tilespmem:s24+$0x40]  }
0x300: {  	v12 =	vadd.f32 v12, v16;
	v16 =	vld [tilespmem:s24+$0x50]  }
0x301: {  	v6 =	vadd.f32 v6, v17;
	v17 =	vld [tilespmem:s24+$0x60]  }
0x302: {  	[tilespmem:s24+$0x0] =	vst v12;
	v8 =	vadd.f32 v8, v18;
	v12 =	vld [tilespmem:s24+$0x70]  }
0x303: {  	[tilespmem:s24+$0x10] =	vst v6;
	v6 =	vadd.f32 v9, v19;
	v9 =	vld [tilespmem:s24+$0x80]  }
0x304: {  	[tilespmem:s24+$0x20] =	vst v8;
	v8 =	vadd.f32 v10, v20;
	v10 =	vld [tilespmem:s24+$0x90]  }
.Ltmp8:
0x305: {  	[tilespmem:s24+$0x30] =	vst v6;
	v16 =	vadd.f32 v7, v16;
	v7 =	vld [tilespmem:s24+$0xA0];
	(pc) =	sbr.rel @p0 .LBB2_18-.Ltmp8, $4  }
0x306: {  	[tilespmem:s24+$0x40] =	vst v8;
	v11 =	vadd.f32 v11, v17;
	v6 =	vld [tilespmem:s24+$0xB0]  }
0x307: {  	[tilespmem:s24+$0x50] =	vst v16;
	v13 =	vadd.f32 v13, v12;
	v8 =	vld [tilespmem:s24+$0xC0]  }
0x308: {  	[tilespmem:s24+$0x60] =	vst v11;
	v12 =	vadd.f32 v14, v9;
	v9 =	vld [tilespmem:s24+$0xD0]  }
0x309: {  	s25 =	sadd.s32 $0x400, s25;
	[tilespmem:s24+$0x70] =	vst v13;
	v11 =	vadd.f32 v15, v10;
	v10 =	vld [tilespmem:s24+$0xE0]  }
0x30a: {  	[tilespmem:s24+$0x80] =	vst v12;
	v5 =	vadd.f32 v5, v7;
	v7 =	vld [tilespmem:s24+$0xF0]  }
0x30b: {  	[tilespmem:s24+$0x90] =	vst v11;
	v4 =	vadd.f32 v4, v6  }
0x30c: {  	[tilespmem:s24+$0xA0] =	vst v5;
	v3 =	vadd.f32 v3, v8  }
0x30d: {  	[tilespmem:s24+$0xB0] =	vst v4;
	v2 =	vadd.f32 v2, v9  }
0x30e: {  	[tilespmem:s24+$0xC0] =	vst v3;
	v1 =	vadd.f32 v1, v10  }
0x30f: {  	[tilespmem:s24+$0xD0] =	vst v2;
	v0 =	vadd.f32 v0, v7  }
0x310: {  	[tilespmem:s24+$0xE0] =	vst v1  }
0x311: {  	s25 =	rddreg [dreg:$0x12];
	[tilespmem:s24+$0xF0] =	vst v0;
	s24 =	simm.s32 $0x0  }
0x312: {  	[hbm4b:s25+s24] =	stream.linear.scatter [tilespmem:s24], [sflag:$0x1], $0xC000, $0x38;
	[tilespmem:$0x18000] =	vst v63  }
0x313: {  	_ =	swait.ge [sflag:s21], $0xC000  }
0x314: {  	[sflag:s21] =	ssyncset.done $0x0  }
0x315: {  	s26 =	rddreg [dreg:$0x13];
	[sflag:s21] =	ssyncadd.s32 $0xFFFF4000  }
0x316: {  	[tilespmem:s24], [sflag:$0x1] =	stream.linear.gather [hbm4b:s26+s24], $0xC000, $0x38;
	[tilespmem:$0x18000] =	vst v63  }
0x317: {  	_ =	swait.ge [sflag:s21], $0xC000  }
0x318: {  	[sflag:s21] =	ssyncset.done $0x0  }
0x319: {  	[sflag:s21] =	ssyncadd.s32 $0xFFFF4000  }
0x31a: {  	[tilespmem:s22], [sflag:$0x1] =	stream.linear.gather [hbm4b:s13+s24], $0xC000, $0x38;
	[tilespmem:$0x18000] =	vst v63  }
0x31b: {  	_ =	swait.ge [sflag:s21], $0xC000  }
0x31c: {  	[sflag:s21] =	ssyncset.done $0x0  }
0x31d: {  	s24 =	simm.s32 $0x0;
	[sflag:s21] =	ssyncadd.s32 $0xFFFF4000  }
0x31e: {  	v6 =	vld [tilespmem:s24+$0xC000]  }
0x31f: {  	v7 =	vld [tilespmem:s24+$0xC010]  }
0x320: {  	v8 =	vld [tilespmem:s24+$0xC020]  }
0x321: {  	v9 =	vld [tilespmem:s24+$0xC030]  }
0x322: {  	v10 =	vld [tilespmem:s24+$0xC040]  }
0x323: {  	v11 =	vld [tilespmem:s24+$0xC050]  }
0x324: {  	v12 =	vld [tilespmem:s24+$0xC060]  }
0x325: {  	v13 =	vld [tilespmem:s24+$0xC070]  }
0x326: {  	v14 =	vld [tilespmem:s24+$0xC080]  }
0x327: {  	v15 =	vld [tilespmem:s24+$0xC090]  }
0x328: {  	v5 =	vld [tilespmem:s24+$0xC0A0]  }
0x329: {  	v4 =	vld [tilespmem:s24+$0xC0B0]  }
0x32a: {  	v3 =	vld [tilespmem:s24+$0xC0C0]  }
0x32b: {  	v2 =	vld [tilespmem:s24+$0xC0D0]  }
0x32c: {  	v1 =	vld [tilespmem:s24+$0xC0E0]  }
0x32d: {  	v0 =	vld [tilespmem:s24+$0xC0F0]  }
0x32e: {  	v16 =	vld [tilespmem:s24+$0x0]  }
0x32f: {  	v17 =	vld [tilespmem:s24+$0x10]  }
0x330: {  	v18 =	vld [tilespmem:s24+$0x20]  }
0x331: {  	v19 =	vld [tilespmem:s24+$0x30]  }
0x332: {  	v20 =	vld [tilespmem:s24+$0x40]  }
0x333: {  	v60 =	vld [tilespmem:s24+$0x50];
	v6 =	vadd.f32 v6, v16  }
0x334: {  	v21 =	vld [tilespmem:s24+$0x60];
	v7 =	vadd.f32 v7, v17  }
0x335: {  	v61 =	vld [tilespmem:s24+$0x70];
	[tilespmem:s24+$0x0] =	vst v6;
	v6 =	vadd.f32 v8, v18  }
0x336: {  	v62 =	vld [tilespmem:s24+$0x80];
	[tilespmem:s24+$0x10] =	vst v7;
	v7 =	vadd.f32 v9, v19  }
0x337: {  	v63 =	vld [tilespmem:s24+$0x90];
	[tilespmem:s24+$0x20] =	vst v6;
	v6 =	vadd.f32 v10, v20  }
0x338: {  	v8 =	vadd.f32 v11, v60;
	[tilespmem:s24+$0x30] =	vst v7;
	v7 =	vld [tilespmem:s24+$0xA0]  }
0x339: {  	v9 =	vadd.f32 v12, v21;
	[tilespmem:s24+$0x40] =	vst v6;
	v6 =	vld [tilespmem:s24+$0xB0]  }
0x33a: {  	[tilespmem:s24+$0x50] =	vst v8;
	v8 =	vld [tilespmem:s24+$0xC0];
	v10 =	vadd.f32 v13, v61  }
0x33b: {  	v12 =	vadd.f32 v14, v62;
	[tilespmem:s24+$0x60] =	vst v9;
	v9 =	vld [tilespmem:s24+$0xD0]  }
0x33c: {  	s25 =	simm.s32 $0x400;
	v11 =	vadd.f32 v15, v63;
	[tilespmem:s24+$0x70] =	vst v10;
	v10 =	vld [tilespmem:s24+$0xE0]  }
.LBB2_20:
0x33d: {  	s26 =	sshra.s32 s25, $0x2;
	p0 =	sne.s32 s25, $0x2FC00;
	[tilespmem:s24+$0x80] =	vst v12;
	v5 =	vadd.f32 v5, v7;
	v7 =	vld [tilespmem:s24+$0xF0]  }
0x33e: {  	v12 =	vld [tilespmem:s26+$0xC000];
	[tilespmem:s24+$0x90] =	vst v11;
	v4 =	vadd.f32 v4, v6  }
0x33f: {  	v6 =	vld [tilespmem:s26+$0xC010];
	[tilespmem:s24+$0xA0] =	vst v5;
	v3 =	vadd.f32 v3, v8  }
0x340: {  	v8 =	vld [tilespmem:s26+$0xC020];
	[tilespmem:s24+$0xB0] =	vst v4;
	v2 =	vadd.f32 v2, v9  }
0x341: {  	v9 =	vld [tilespmem:s26+$0xC030];
	[tilespmem:s24+$0xC0] =	vst v3;
	v1 =	vadd.f32 v1, v10  }
0x342: {  	v10 =	vld [tilespmem:s26+$0xC040];
	[tilespmem:s24+$0xD0] =	vst v2;
	v0 =	vadd.f32 v0, v7  }
0x343: {  	v7 =	vld [tilespmem:s26+$0xC050];
	[tilespmem:s24+$0xE0] =	vst v1  }
0x344: {  	v11 =	vld [tilespmem:s26+$0xC060];
	[tilespmem:s24+$0xF0] =	vst v0;
	s24 =	smov.u32 s26  }
0x345: {  	v13 =	vld [tilespmem:s24+$0xC070]  }
0x346: {  	v14 =	vld [tilespmem:s24+$0xC080]  }
0x347: {  	v15 =	vld [tilespmem:s24+$0xC090]  }
0x348: {  	v5 =	vld [tilespmem:s24+$0xC0A0]  }
0x349: {  	v4 =	vld [tilespmem:s24+$0xC0B0]  }
0x34a: {  	v3 =	vld [tilespmem:s24+$0xC0C0]  }
0x34b: {  	v2 =	vld [tilespmem:s24+$0xC0D0]  }
0x34c: {  	v1 =	vld [tilespmem:s24+$0xC0E0]  }
0x34d: {  	v0 =	vld [tilespmem:s24+$0xC0F0]  }
0x34e: {  	v16 =	vld [tilespmem:s24+$0x0]  }
0x34f: {  	v17 =	vld [tilespmem:s24+$0x10]  }
0x350: {  	v18 =	vld [tilespmem:s24+$0x20]  }
0x351: {  	v19 =	vld [tilespmem:s24+$0x30]  }
0x352: {  	v20 =	vld [tilespmem:s24+$0x40]  }
0x353: {  	v12 =	vadd.f32 v12, v16;
	v16 =	vld [tilespmem:s24+$0x50]  }
0x354: {  	v6 =	vadd.f32 v6, v17;
	v17 =	vld [tilespmem:s24+$0x60]  }
0x355: {  	[tilespmem:s24+$0x0] =	vst v12;
	v8 =	vadd.f32 v8, v18;
	v12 =	vld [tilespmem:s24+$0x70]  }
0x356: {  	[tilespmem:s24+$0x10] =	vst v6;
	v6 =	vadd.f32 v9, v19;
	v9 =	vld [tilespmem:s24+$0x80]  }
0x357: {  	[tilespmem:s24+$0x20] =	vst v8;
	v8 =	vadd.f32 v10, v20;
	v10 =	vld [tilespmem:s24+$0x90]  }
.Ltmp9:
0x358: {  	[tilespmem:s24+$0x30] =	vst v6;
	v16 =	vadd.f32 v7, v16;
	v7 =	vld [tilespmem:s24+$0xA0];
	(pc) =	sbr.rel @p0 .LBB2_20-.Ltmp9, $4  }
0x359: {  	[tilespmem:s24+$0x40] =	vst v8;
	v11 =	vadd.f32 v11, v17;
	v6 =	vld [tilespmem:s24+$0xB0]  }
0x35a: {  	[tilespmem:s24+$0x50] =	vst v16;
	v13 =	vadd.f32 v13, v12;
	v8 =	vld [tilespmem:s24+$0xC0]  }
0x35b: {  	[tilespmem:s24+$0x60] =	vst v11;
	v12 =	vadd.f32 v14, v9;
	v9 =	vld [tilespmem:s24+$0xD0]  }
0x35c: {  	s25 =	sadd.s32 $0x400, s25;
	[tilespmem:s24+$0x70] =	vst v13;
	v11 =	vadd.f32 v15, v10;
	v10 =	vld [tilespmem:s24+$0xE0]  }
0x35d: {  	[tilespmem:s24+$0x80] =	vst v12;
	v5 =	vadd.f32 v5, v7;
	v7 =	vld [tilespmem:s24+$0xF0]  }
0x35e: {  	[tilespmem:s24+$0x90] =	vst v11;
	v4 =	vadd.f32 v4, v6  }
0x35f: {  	[tilespmem:s24+$0xA0] =	vst v5;
	v3 =	vadd.f32 v3, v8  }
0x360: {  	[tilespmem:s24+$0xB0] =	vst v4;
	v2 =	vadd.f32 v2, v9  }
0x361: {  	[tilespmem:s24+$0xC0] =	vst v3;
	v1 =	vadd.f32 v1, v10  }
0x362: {  	[tilespmem:s24+$0xD0] =	vst v2;
	v0 =	vadd.f32 v0, v7  }
0x363: {  	[tilespmem:s24+$0xE0] =	vst v1  }
0x364: {  	s25 =	rddreg [dreg:$0x14];
	[tilespmem:s24+$0xF0] =	vst v0;
	s24 =	simm.s32 $0x0  }
0x365: {  	[hbm4b:s25+s24] =	stream.linear.scatter [tilespmem:s24], [sflag:$0x1], $0xC000, $0x38;
	[tilespmem:$0x18000] =	vst v63  }
0x366: {  	_ =	swait.ge [sflag:s21], $0xC000  }
0x367: {  	[sflag:s21] =	ssyncset.done $0x0  }
0x368: {  	s26 =	rddreg [dreg:$0x15];
	[sflag:s21] =	ssyncadd.s32 $0xFFFF4000  }
0x369: {  	[tilespmem:s24], [sflag:$0x1] =	stream.linear.gather [hbm4b:s26+s24], $0xC000, $0x38;
	[tilespmem:$0x18000] =	vst v63  }
0x36a: {  	_ =	swait.ge [sflag:s21], $0xC000  }
0x36b: {  	[sflag:s21] =	ssyncset.done $0x0  }
0x36c: {  	[sflag:s21] =	ssyncadd.s32 $0xFFFF4000  }
0x36d: {  	[tilespmem:s22], [sflag:$0x1] =	stream.linear.gather [hbm4b:s14+s24], $0xC000, $0x38;
	[tilespmem:$0x18000] =	vst v63  }
0x36e: {  	_ =	swait.ge [sflag:s21], $0xC000  }
0x36f: {  	[sflag:s21] =	ssyncset.done $0x0  }
0x370: {  	s24 =	simm.s32 $0x0;
	[sflag:s21] =	ssyncadd.s32 $0xFFFF4000  }
0x371: {  	v6 =	vld [tilespmem:s24+$0xC000]  }
0x372: {  	v7 =	vld [tilespmem:s24+$0xC010]  }
0x373: {  	v8 =	vld [tilespmem:s24+$0xC020]  }
0x374: {  	v9 =	vld [tilespmem:s24+$0xC030]  }
0x375: {  	v10 =	vld [tilespmem:s24+$0xC040]  }
0x376: {  	v11 =	vld [tilespmem:s24+$0xC050]  }
0x377: {  	v12 =	vld [tilespmem:s24+$0xC060]  }
0x378: {  	v13 =	vld [tilespmem:s24+$0xC070]  }
0x379: {  	v14 =	vld [tilespmem:s24+$0xC080]  }
0x37a: {  	v15 =	vld [tilespmem:s24+$0xC090]  }
0x37b: {  	v5 =	vld [tilespmem:s24+$0xC0A0]  }
0x37c: {  	v4 =	vld [tilespmem:s24+$0xC0B0]  }
0x37d: {  	v3 =	vld [tilespmem:s24+$0xC0C0]  }
0x37e: {  	v2 =	vld [tilespmem:s24+$0xC0D0]  }
0x37f: {  	v1 =	vld [tilespmem:s24+$0xC0E0]  }
0x380: {  	v0 =	vld [tilespmem:s24+$0xC0F0]  }
0x381: {  	v16 =	vld [tilespmem:s24+$0x0]  }
0x382: {  	v17 =	vld [tilespmem:s24+$0x10]  }
0x383: {  	v18 =	vld [tilespmem:s24+$0x20]  }
0x384: {  	v19 =	vld [tilespmem:s24+$0x30]  }
0x385: {  	v20 =	vld [tilespmem:s24+$0x40]  }
0x386: {  	v60 =	vld [tilespmem:s24+$0x50];
	v6 =	vadd.f32 v6, v16  }
0x387: {  	v21 =	vld [tilespmem:s24+$0x60];
	v7 =	vadd.f32 v7, v17  }
0x388: {  	v61 =	vld [tilespmem:s24+$0x70];
	[tilespmem:s24+$0x0] =	vst v6;
	v6 =	vadd.f32 v8, v18  }
0x389: {  	v62 =	vld [tilespmem:s24+$0x80];
	[tilespmem:s24+$0x10] =	vst v7;
	v7 =	vadd.f32 v9, v19  }
0x38a: {  	v63 =	vld [tilespmem:s24+$0x90];
	[tilespmem:s24+$0x20] =	vst v6;
	v6 =	vadd.f32 v10, v20  }
0x38b: {  	v8 =	vadd.f32 v11, v60;
	[tilespmem:s24+$0x30] =	vst v7;
	v7 =	vld [tilespmem:s24+$0xA0]  }
0x38c: {  	v9 =	vadd.f32 v12, v21;
	[tilespmem:s24+$0x40] =	vst v6;
	v6 =	vld [tilespmem:s24+$0xB0]  }
0x38d: {  	[tilespmem:s24+$0x50] =	vst v8;
	v8 =	vld [tilespmem:s24+$0xC0];
	v10 =	vadd.f32 v13, v61  }
0x38e: {  	v12 =	vadd.f32 v14, v62;
	[tilespmem:s24+$0x60] =	vst v9;
	v9 =	vld [tilespmem:s24+$0xD0]  }
0x38f: {  	s25 =	simm.s32 $0x400;
	v11 =	vadd.f32 v15, v63;
	[tilespmem:s24+$0x70] =	vst v10;
	v10 =	vld [tilespmem:s24+$0xE0]  }
.LBB2_22:
0x390: {  	s26 =	sshra.s32 s25, $0x2;
	p0 =	sne.s32 s25, $0x2FC00;
	[tilespmem:s24+$0x80] =	vst v12;
	v5 =	vadd.f32 v5, v7;
	v7 =	vld [tilespmem:s24+$0xF0]  }
0x391: {  	v12 =	vld [tilespmem:s26+$0xC000];
	[tilespmem:s24+$0x90] =	vst v11;
	v4 =	vadd.f32 v4, v6  }
0x392: {  	v6 =	vld [tilespmem:s26+$0xC010];
	[tilespmem:s24+$0xA0] =	vst v5;
	v3 =	vadd.f32 v3, v8  }
0x393: {  	v8 =	vld [tilespmem:s26+$0xC020];
	[tilespmem:s24+$0xB0] =	vst v4;
	v2 =	vadd.f32 v2, v9  }
0x394: {  	v9 =	vld [tilespmem:s26+$0xC030];
	[tilespmem:s24+$0xC0] =	vst v3;
	v1 =	vadd.f32 v1, v10  }
0x395: {  	v10 =	vld [tilespmem:s26+$0xC040];
	[tilespmem:s24+$0xD0] =	vst v2;
	v0 =	vadd.f32 v0, v7  }
0x396: {  	v7 =	vld [tilespmem:s26+$0xC050];
	[tilespmem:s24+$0xE0] =	vst v1  }
0x397: {  	v11 =	vld [tilespmem:s26+$0xC060];
	[tilespmem:s24+$0xF0] =	vst v0;
	s24 =	smov.u32 s26  }
0x398: {  	v13 =	vld [tilespmem:s24+$0xC070]  }
0x399: {  	v14 =	vld [tilespmem:s24+$0xC080]  }
0x39a: {  	v15 =	vld [tilespmem:s24+$0xC090]  }
0x39b: {  	v5 =	vld [tilespmem:s24+$0xC0A0]  }
0x39c: {  	v4 =	vld [tilespmem:s24+$0xC0B0]  }
0x39d: {  	v3 =	vld [tilespmem:s24+$0xC0C0]  }
0x39e: {  	v2 =	vld [tilespmem:s24+$0xC0D0]  }
0x39f: {  	v1 =	vld [tilespmem:s24+$0xC0E0]  }
0x3a0: {  	v0 =	vld [tilespmem:s24+$0xC0F0]  }
0x3a1: {  	v16 =	vld [tilespmem:s24+$0x0]  }
0x3a2: {  	v17 =	vld [tilespmem:s24+$0x10]  }
0x3a3: {  	v18 =	vld [tilespmem:s24+$0x20]  }
0x3a4: {  	v19 =	vld [tilespmem:s24+$0x30]  }
0x3a5: {  	v20 =	vld [tilespmem:s24+$0x40]  }
0x3a6: {  	v12 =	vadd.f32 v12, v16;
	v16 =	vld [tilespmem:s24+$0x50]  }
0x3a7: {  	v6 =	vadd.f32 v6, v17;
	v17 =	vld [tilespmem:s24+$0x60]  }
0x3a8: {  	[tilespmem:s24+$0x0] =	vst v12;
	v8 =	vadd.f32 v8, v18;
	v12 =	vld [tilespmem:s24+$0x70]  }
0x3a9: {  	[tilespmem:s24+$0x10] =	vst v6;
	v6 =	vadd.f32 v9, v19;
	v9 =	vld [tilespmem:s24+$0x80]  }
0x3aa: {  	[tilespmem:s24+$0x20] =	vst v8;
	v8 =	vadd.f32 v10, v20;
	v10 =	vld [tilespmem:s24+$0x90]  }
.Ltmp10:
0x3ab: {  	[tilespmem:s24+$0x30] =	vst v6;
	v16 =	vadd.f32 v7, v16;
	v7 =	vld [tilespmem:s24+$0xA0];
	(pc) =	sbr.rel @p0 .LBB2_22-.Ltmp10, $4  }
0x3ac: {  	[tilespmem:s24+$0x40] =	vst v8;
	v11 =	vadd.f32 v11, v17;
	v6 =	vld [tilespmem:s24+$0xB0]  }
0x3ad: {  	[tilespmem:s24+$0x50] =	vst v16;
	v13 =	vadd.f32 v13, v12;
	v8 =	vld [tilespmem:s24+$0xC0]  }
0x3ae: {  	[tilespmem:s24+$0x60] =	vst v11;
	v12 =	vadd.f32 v14, v9;
	v9 =	vld [tilespmem:s24+$0xD0]  }
0x3af: {  	s25 =	sadd.s32 $0x400, s25;
	[tilespmem:s24+$0x70] =	vst v13;
	v11 =	vadd.f32 v15, v10;
	v10 =	vld [tilespmem:s24+$0xE0]  }
0x3b0: {  	[tilespmem:s24+$0x80] =	vst v12;
	v5 =	vadd.f32 v5, v7;
	v7 =	vld [tilespmem:s24+$0xF0]  }
0x3b1: {  	[tilespmem:s24+$0x90] =	vst v11;
	v4 =	vadd.f32 v4, v6  }
0x3b2: {  	[tilespmem:s24+$0xA0] =	vst v5;
	v3 =	vadd.f32 v3, v8  }
0x3b3: {  	[tilespmem:s24+$0xB0] =	vst v4;
	v2 =	vadd.f32 v2, v9  }
0x3b4: {  	[tilespmem:s24+$0xC0] =	vst v3;
	v1 =	vadd.f32 v1, v10  }
0x3b5: {  	[tilespmem:s24+$0xD0] =	vst v2;
	v0 =	vadd.f32 v0, v7  }
0x3b6: {  	[tilespmem:s24+$0xE0] =	vst v1  }
0x3b7: {  	s25 =	rddreg [dreg:$0x16];
	[tilespmem:s24+$0xF0] =	vst v0;
	s24 =	simm.s32 $0x0  }
0x3b8: {  	[hbm4b:s25+s24] =	stream.linear.scatter [tilespmem:s24], [sflag:$0x1], $0xC000, $0x38;
	[tilespmem:$0x18000] =	vst v63  }
0x3b9: {  	_ =	swait.ge [sflag:s21], $0xC000  }
0x3ba: {  	[sflag:s21] =	ssyncset.done $0x0  }
0x3bb: {  	s26 =	rddreg [dreg:$0x17];
	[sflag:s21] =	ssyncadd.s32 $0xFFFF4000  }
0x3bc: {  	[tilespmem:s24], [sflag:$0x1] =	stream.linear.gather [hbm4b:s26+s24], $0xC000, $0x38;
	[tilespmem:$0x18000] =	vst v63  }
0x3bd: {  	_ =	swait.ge [sflag:s21], $0xC000  }
0x3be: {  	[sflag:s21] =	ssyncset.done $0x0  }
0x3bf: {  	[sflag:s21] =	ssyncadd.s32 $0xFFFF4000  }
0x3c0: {  	[tilespmem:s22], [sflag:$0x1] =	stream.linear.gather [hbm4b:s15+s24], $0xC000, $0x38;
	[tilespmem:$0x18000] =	vst v63  }
0x3c1: {  	_ =	swait.ge [sflag:s21], $0xC000  }
0x3c2: {  	[sflag:s21] =	ssyncset.done $0x0  }
0x3c3: {  	s24 =	simm.s32 $0x0;
	[sflag:s21] =	ssyncadd.s32 $0xFFFF4000  }
0x3c4: {  	v6 =	vld [tilespmem:s24+$0xC000]  }
0x3c5: {  	v7 =	vld [tilespmem:s24+$0xC010]  }
0x3c6: {  	v8 =	vld [tilespmem:s24+$0xC020]  }
0x3c7: {  	v9 =	vld [tilespmem:s24+$0xC030]  }
0x3c8: {  	v10 =	vld [tilespmem:s24+$0xC040]  }
0x3c9: {  	v11 =	vld [tilespmem:s24+$0xC050]  }
0x3ca: {  	v12 =	vld [tilespmem:s24+$0xC060]  }
0x3cb: {  	v13 =	vld [tilespmem:s24+$0xC070]  }
0x3cc: {  	v14 =	vld [tilespmem:s24+$0xC080]  }
0x3cd: {  	v15 =	vld [tilespmem:s24+$0xC090]  }
0x3ce: {  	v5 =	vld [tilespmem:s24+$0xC0A0]  }
0x3cf: {  	v4 =	vld [tilespmem:s24+$0xC0B0]  }
0x3d0: {  	v3 =	vld [tilespmem:s24+$0xC0C0]  }
0x3d1: {  	v2 =	vld [tilespmem:s24+$0xC0D0]  }
0x3d2: {  	v1 =	vld [tilespmem:s24+$0xC0E0]  }
0x3d3: {  	v0 =	vld [tilespmem:s24+$0xC0F0]  }
0x3d4: {  	v16 =	vld [tilespmem:s24+$0x0]  }
0x3d5: {  	v17 =	vld [tilespmem:s24+$0x10]  }
0x3d6: {  	v18 =	vld [tilespmem:s24+$0x20]  }
0x3d7: {  	v19 =	vld [tilespmem:s24+$0x30]  }
0x3d8: {  	v20 =	vld [tilespmem:s24+$0x40]  }
0x3d9: {  	v60 =	vld [tilespmem:s24+$0x50];
	v6 =	vadd.f32 v6, v16  }
0x3da: {  	v21 =	vld [tilespmem:s24+$0x60];
	v7 =	vadd.f32 v7, v17  }
0x3db: {  	v61 =	vld [tilespmem:s24+$0x70];
	[tilespmem:s24+$0x0] =	vst v6;
	v6 =	vadd.f32 v8, v18  }
0x3dc: {  	v62 =	vld [tilespmem:s24+$0x80];
	[tilespmem:s24+$0x10] =	vst v7;
	v7 =	vadd.f32 v9, v19  }
0x3dd: {  	v63 =	vld [tilespmem:s24+$0x90];
	[tilespmem:s24+$0x20] =	vst v6;
	v6 =	vadd.f32 v10, v20  }
0x3de: {  	v8 =	vadd.f32 v11, v60;
	[tilespmem:s24+$0x30] =	vst v7;
	v7 =	vld [tilespmem:s24+$0xA0]  }
0x3df: {  	v9 =	vadd.f32 v12, v21;
	[tilespmem:s24+$0x40] =	vst v6;
	v6 =	vld [tilespmem:s24+$0xB0]  }
0x3e0: {  	[tilespmem:s24+$0x50] =	vst v8;
	v8 =	vld [tilespmem:s24+$0xC0];
	v10 =	vadd.f32 v13, v61  }
0x3e1: {  	v12 =	vadd.f32 v14, v62;
	[tilespmem:s24+$0x60] =	vst v9;
	v9 =	vld [tilespmem:s24+$0xD0]  }
0x3e2: {  	s25 =	simm.s32 $0x400;
	v11 =	vadd.f32 v15, v63;
	[tilespmem:s24+$0x70] =	vst v10;
	v10 =	vld [tilespmem:s24+$0xE0]  }
.LBB2_24:
0x3e3: {  	s26 =	sshra.s32 s25, $0x2;
	p0 =	sne.s32 s25, $0x2FC00;
	[tilespmem:s24+$0x80] =	vst v12;
	v5 =	vadd.f32 v5, v7;
	v7 =	vld [tilespmem:s24+$0xF0]  }
0x3e4: {  	v12 =	vld [tilespmem:s26+$0xC000];
	[tilespmem:s24+$0x90] =	vst v11;
	v4 =	vadd.f32 v4, v6  }
0x3e5: {  	v6 =	vld [tilespmem:s26+$0xC010];
	[tilespmem:s24+$0xA0] =	vst v5;
	v3 =	vadd.f32 v3, v8  }
0x3e6: {  	v8 =	vld [tilespmem:s26+$0xC020];
	[tilespmem:s24+$0xB0] =	vst v4;
	v2 =	vadd.f32 v2, v9  }
0x3e7: {  	v9 =	vld [tilespmem:s26+$0xC030];
	[tilespmem:s24+$0xC0] =	vst v3;
	v1 =	vadd.f32 v1, v10  }
0x3e8: {  	v10 =	vld [tilespmem:s26+$0xC040];
	[tilespmem:s24+$0xD0] =	vst v2;
	v0 =	vadd.f32 v0, v7  }
0x3e9: {  	v7 =	vld [tilespmem:s26+$0xC050];
	[tilespmem:s24+$0xE0] =	vst v1  }
0x3ea: {  	v11 =	vld [tilespmem:s26+$0xC060];
	[tilespmem:s24+$0xF0] =	vst v0;
	s24 =	smov.u32 s26  }
0x3eb: {  	v13 =	vld [tilespmem:s24+$0xC070]  }
0x3ec: {  	v14 =	vld [tilespmem:s24+$0xC080]  }
0x3ed: {  	v15 =	vld [tilespmem:s24+$0xC090]  }
0x3ee: {  	v5 =	vld [tilespmem:s24+$0xC0A0]  }
0x3ef: {  	v4 =	vld [tilespmem:s24+$0xC0B0]  }
0x3f0: {  	v3 =	vld [tilespmem:s24+$0xC0C0]  }
0x3f1: {  	v2 =	vld [tilespmem:s24+$0xC0D0]  }
0x3f2: {  	v1 =	vld [tilespmem:s24+$0xC0E0]  }
0x3f3: {  	v0 =	vld [tilespmem:s24+$0xC0F0]  }
0x3f4: {  	v16 =	vld [tilespmem:s24+$0x0]  }
0x3f5: {  	v17 =	vld [tilespmem:s24+$0x10]  }
0x3f6: {  	v18 =	vld [tilespmem:s24+$0x20]  }
0x3f7: {  	v19 =	vld [tilespmem:s24+$0x30]  }
0x3f8: {  	v20 =	vld [tilespmem:s24+$0x40]  }
0x3f9: {  	v12 =	vadd.f32 v12, v16;
	v16 =	vld [tilespmem:s24+$0x50]  }
0x3fa: {  	v6 =	vadd.f32 v6, v17;
	v17 =	vld [tilespmem:s24+$0x60]  }
0x3fb: {  	[tilespmem:s24+$0x0] =	vst v12;
	v8 =	vadd.f32 v8, v18;
	v12 =	vld [tilespmem:s24+$0x70]  }
0x3fc: {  	[tilespmem:s24+$0x10] =	vst v6;
	v6 =	vadd.f32 v9, v19;
	v9 =	vld [tilespmem:s24+$0x80]  }
0x3fd: {  	[tilespmem:s24+$0x20] =	vst v8;
	v8 =	vadd.f32 v10, v20;
	v10 =	vld [tilespmem:s24+$0x90]  }
.Ltmp11:
0x3fe: {  	[tilespmem:s24+$0x30] =	vst v6;
	v16 =	vadd.f32 v7, v16;
	v7 =	vld [tilespmem:s24+$0xA0];
	(pc) =	sbr.rel @p0 .LBB2_24-.Ltmp11, $4  }
0x3ff: {  	[tilespmem:s24+$0x40] =	vst v8;
	v11 =	vadd.f32 v11, v17;
	v6 =	vld [tilespmem:s24+$0xB0]  }
0x400: {  	[tilespmem:s24+$0x50] =	vst v16;
	v13 =	vadd.f32 v13, v12;
	v8 =	vld [tilespmem:s24+$0xC0]  }
0x401: {  	[tilespmem:s24+$0x60] =	vst v11;
	v12 =	vadd.f32 v14, v9;
	v9 =	vld [tilespmem:s24+$0xD0]  }
0x402: {  	s25 =	sadd.s32 $0x400, s25;
	[tilespmem:s24+$0x70] =	vst v13;
	v11 =	vadd.f32 v15, v10;
	v10 =	vld [tilespmem:s24+$0xE0]  }
0x403: {  	[tilespmem:s24+$0x80] =	vst v12;
	v5 =	vadd.f32 v5, v7;
	v7 =	vld [tilespmem:s24+$0xF0]  }
0x404: {  	[tilespmem:s24+$0x90] =	vst v11;
	v4 =	vadd.f32 v4, v6  }
0x405: {  	[tilespmem:s24+$0xA0] =	vst v5;
	v3 =	vadd.f32 v3, v8  }
0x406: {  	[tilespmem:s24+$0xB0] =	vst v4;
	v2 =	vadd.f32 v2, v9  }
0x407: {  	[tilespmem:s24+$0xC0] =	vst v3;
	v1 =	vadd.f32 v1, v10  }
0x408: {  	[tilespmem:s24+$0xD0] =	vst v2;
	v0 =	vadd.f32 v0, v7  }
0x409: {  	[tilespmem:s24+$0xE0] =	vst v1  }
0x40a: {  	s25 =	rddreg [dreg:$0x18];
	[tilespmem:s24+$0xF0] =	vst v0;
	s24 =	simm.s32 $0x0  }
0x40b: {  	[hbm4b:s25+s24] =	stream.linear.scatter [tilespmem:s24], [sflag:$0x1], $0xC000, $0x38;
	[tilespmem:$0x18000] =	vst v63  }
0x40c: {  	_ =	swait.ge [sflag:s21], $0xC000  }
0x40d: {  	[sflag:s21] =	ssyncset.done $0x0  }
0x40e: {  	s26 =	rddreg [dreg:$0x19];
	[sflag:s21] =	ssyncadd.s32 $0xFFFF4000  }
0x40f: {  	[tilespmem:s24], [sflag:$0x1] =	stream.linear.gather [hbm4b:s26+s24], $0xC000, $0x38;
	[tilespmem:$0x18000] =	vst v63  }
0x410: {  	_ =	swait.ge [sflag:s21], $0xC000  }
0x411: {  	[sflag:s21] =	ssyncset.done $0x0  }
0x412: {  	[sflag:s21] =	ssyncadd.s32 $0xFFFF4000  }
0x413: {  	[tilespmem:s22], [sflag:$0x1] =	stream.linear.gather [hbm4b:s16+s24], $0xC000, $0x38;
	[tilespmem:$0x18000] =	vst v63  }
0x414: {  	_ =	swait.ge [sflag:s21], $0xC000  }
0x415: {  	[sflag:s21] =	ssyncset.done $0x0  }
0x416: {  	s24 =	simm.s32 $0x0;
	[sflag:s21] =	ssyncadd.s32 $0xFFFF4000  }
0x417: {  	v6 =	vld [tilespmem:s24+$0xC000]  }
0x418: {  	v7 =	vld [tilespmem:s24+$0xC010]  }
0x419: {  	v8 =	vld [tilespmem:s24+$0xC020]  }
0x41a: {  	v9 =	vld [tilespmem:s24+$0xC030]  }
0x41b: {  	v10 =	vld [tilespmem:s24+$0xC040]  }
0x41c: {  	v11 =	vld [tilespmem:s24+$0xC050]  }
0x41d: {  	v12 =	vld [tilespmem:s24+$0xC060]  }
0x41e: {  	v13 =	vld [tilespmem:s24+$0xC070]  }
0x41f: {  	v14 =	vld [tilespmem:s24+$0xC080]  }
0x420: {  	v15 =	vld [tilespmem:s24+$0xC090]  }
0x421: {  	v5 =	vld [tilespmem:s24+$0xC0A0]  }
0x422: {  	v4 =	vld [tilespmem:s24+$0xC0B0]  }
0x423: {  	v3 =	vld [tilespmem:s24+$0xC0C0]  }
0x424: {  	v2 =	vld [tilespmem:s24+$0xC0D0]  }
0x425: {  	v1 =	vld [tilespmem:s24+$0xC0E0]  }
0x426: {  	v0 =	vld [tilespmem:s24+$0xC0F0]  }
0x427: {  	v16 =	vld [tilespmem:s24+$0x0]  }
0x428: {  	v17 =	vld [tilespmem:s24+$0x10]  }
0x429: {  	v18 =	vld [tilespmem:s24+$0x20]  }
0x42a: {  	v19 =	vld [tilespmem:s24+$0x30]  }
0x42b: {  	v20 =	vld [tilespmem:s24+$0x40]  }
0x42c: {  	v60 =	vld [tilespmem:s24+$0x50];
	v6 =	vadd.f32 v6, v16  }
0x42d: {  	v21 =	vld [tilespmem:s24+$0x60];
	v7 =	vadd.f32 v7, v17  }
0x42e: {  	v61 =	vld [tilespmem:s24+$0x70];
	[tilespmem:s24+$0x0] =	vst v6;
	v6 =	vadd.f32 v8, v18  }
0x42f: {  	v62 =	vld [tilespmem:s24+$0x80];
	[tilespmem:s24+$0x10] =	vst v7;
	v7 =	vadd.f32 v9, v19  }
0x430: {  	v63 =	vld [tilespmem:s24+$0x90];
	[tilespmem:s24+$0x20] =	vst v6;
	v6 =	vadd.f32 v10, v20  }
0x431: {  	v8 =	vadd.f32 v11, v60;
	[tilespmem:s24+$0x30] =	vst v7;
	v7 =	vld [tilespmem:s24+$0xA0]  }
0x432: {  	v9 =	vadd.f32 v12, v21;
	[tilespmem:s24+$0x40] =	vst v6;
	v6 =	vld [tilespmem:s24+$0xB0]  }
0x433: {  	[tilespmem:s24+$0x50] =	vst v8;
	v8 =	vld [tilespmem:s24+$0xC0];
	v10 =	vadd.f32 v13, v61  }
0x434: {  	v12 =	vadd.f32 v14, v62;
	[tilespmem:s24+$0x60] =	vst v9;
	v9 =	vld [tilespmem:s24+$0xD0]  }
0x435: {  	s25 =	simm.s32 $0x400;
	v11 =	vadd.f32 v15, v63;
	[tilespmem:s24+$0x70] =	vst v10;
	v10 =	vld [tilespmem:s24+$0xE0]  }
.LBB2_26:
0x436: {  	s26 =	sshra.s32 s25, $0x2;
	p0 =	sne.s32 s25, $0x2FC00;
	[tilespmem:s24+$0x80] =	vst v12;
	v5 =	vadd.f32 v5, v7;
	v7 =	vld [tilespmem:s24+$0xF0]  }
0x437: {  	v12 =	vld [tilespmem:s26+$0xC000];
	[tilespmem:s24+$0x90] =	vst v11;
	v4 =	vadd.f32 v4, v6  }
0x438: {  	v6 =	vld [tilespmem:s26+$0xC010];
	[tilespmem:s24+$0xA0] =	vst v5;
	v3 =	vadd.f32 v3, v8  }
0x439: {  	v8 =	vld [tilespmem:s26+$0xC020];
	[tilespmem:s24+$0xB0] =	vst v4;
	v2 =	vadd.f32 v2, v9  }
0x43a: {  	v9 =	vld [tilespmem:s26+$0xC030];
	[tilespmem:s24+$0xC0] =	vst v3;
	v1 =	vadd.f32 v1, v10  }
0x43b: {  	v10 =	vld [tilespmem:s26+$0xC040];
	[tilespmem:s24+$0xD0] =	vst v2;
	v0 =	vadd.f32 v0, v7  }
0x43c: {  	v7 =	vld [tilespmem:s26+$0xC050];
	[tilespmem:s24+$0xE0] =	vst v1  }
0x43d: {  	v11 =	vld [tilespmem:s26+$0xC060];
	[tilespmem:s24+$0xF0] =	vst v0;
	s24 =	smov.u32 s26  }
0x43e: {  	v13 =	vld [tilespmem:s24+$0xC070]  }
0x43f: {  	v14 =	vld [tilespmem:s24+$0xC080]  }
0x440: {  	v15 =	vld [tilespmem:s24+$0xC090]  }
0x441: {  	v5 =	vld [tilespmem:s24+$0xC0A0]  }
0x442: {  	v4 =	vld [tilespmem:s24+$0xC0B0]  }
0x443: {  	v3 =	vld [tilespmem:s24+$0xC0C0]  }
0x444: {  	v2 =	vld [tilespmem:s24+$0xC0D0]  }
0x445: {  	v1 =	vld [tilespmem:s24+$0xC0E0]  }
0x446: {  	v0 =	vld [tilespmem:s24+$0xC0F0]  }
0x447: {  	v16 =	vld [tilespmem:s24+$0x0]  }
0x448: {  	v17 =	vld [tilespmem:s24+$0x10]  }
0x449: {  	v18 =	vld [tilespmem:s24+$0x20]  }
0x44a: {  	v19 =	vld [tilespmem:s24+$0x30]  }
0x44b: {  	v20 =	vld [tilespmem:s24+$0x40]  }
0x44c: {  	v12 =	vadd.f32 v12, v16;
	v16 =	vld [tilespmem:s24+$0x50]  }
0x44d: {  	v6 =	vadd.f32 v6, v17;
	v17 =	vld [tilespmem:s24+$0x60]  }
0x44e: {  	[tilespmem:s24+$0x0] =	vst v12;
	v8 =	vadd.f32 v8, v18;
	v12 =	vld [tilespmem:s24+$0x70]  }
0x44f: {  	[tilespmem:s24+$0x10] =	vst v6;
	v6 =	vadd.f32 v9, v19;
	v9 =	vld [tilespmem:s24+$0x80]  }
0x450: {  	[tilespmem:s24+$0x20] =	vst v8;
	v8 =	vadd.f32 v10, v20;
	v10 =	vld [tilespmem:s24+$0x90]  }
.Ltmp12:
0x451: {  	[tilespmem:s24+$0x30] =	vst v6;
	v16 =	vadd.f32 v7, v16;
	v7 =	vld [tilespmem:s24+$0xA0];
	(pc) =	sbr.rel @p0 .LBB2_26-.Ltmp12, $4  }
0x452: {  	[tilespmem:s24+$0x40] =	vst v8;
	v11 =	vadd.f32 v11, v17;
	v6 =	vld [tilespmem:s24+$0xB0]  }
0x453: {  	[tilespmem:s24+$0x50] =	vst v16;
	v13 =	vadd.f32 v13, v12;
	v8 =	vld [tilespmem:s24+$0xC0]  }
0x454: {  	[tilespmem:s24+$0x60] =	vst v11;
	v12 =	vadd.f32 v14, v9;
	v9 =	vld [tilespmem:s24+$0xD0]  }
0x455: {  	s25 =	sadd.s32 $0x400, s25;
	[tilespmem:s24+$0x70] =	vst v13;
	v11 =	vadd.f32 v15, v10;
	v10 =	vld [tilespmem:s24+$0xE0]  }
0x456: {  	[tilespmem:s24+$0x80] =	vst v12;
	v5 =	vadd.f32 v5, v7;
	v7 =	vld [tilespmem:s24+$0xF0]  }
0x457: {  	[tilespmem:s24+$0x90] =	vst v11;
	v4 =	vadd.f32 v4, v6  }
0x458: {  	[tilespmem:s24+$0xA0] =	vst v5;
	v3 =	vadd.f32 v3, v8  }
0x459: {  	[tilespmem:s24+$0xB0] =	vst v4;
	v2 =	vadd.f32 v2, v9  }
0x45a: {  	[tilespmem:s24+$0xC0] =	vst v3;
	v1 =	vadd.f32 v1, v10  }
0x45b: {  	[tilespmem:s24+$0xD0] =	vst v2;
	v0 =	vadd.f32 v0, v7  }
0x45c: {  	[tilespmem:s24+$0xE0] =	vst v1  }
0x45d: {  	s25 =	rddreg [dreg:$0x1a];
	[tilespmem:s24+$0xF0] =	vst v0;
	s24 =	simm.s32 $0x0  }
0x45e: {  	[hbm4b:s25+s24] =	stream.linear.scatter [tilespmem:s24], [sflag:$0x1], $0xC000, $0x38;
	[tilespmem:$0x18000] =	vst v63  }
0x45f: {  	_ =	swait.ge [sflag:s21], $0xC000  }
0x460: {  	[sflag:s21] =	ssyncset.done $0x0  }
0x461: {  	s26 =	rddreg [dreg:$0x1b];
	[sflag:s21] =	ssyncadd.s32 $0xFFFF4000  }
0x462: {  	[tilespmem:s24], [sflag:$0x1] =	stream.linear.gather [hbm4b:s26+s24], $0xC000, $0x38;
	[tilespmem:$0x18000] =	vst v63  }
0x463: {  	_ =	swait.ge [sflag:s21], $0xC000  }
0x464: {  	[sflag:s21] =	ssyncset.done $0x0  }
0x465: {  	[sflag:s21] =	ssyncadd.s32 $0xFFFF4000  }
0x466: {  	[tilespmem:s22], [sflag:$0x1] =	stream.linear.gather [hbm4b:s17+s24], $0xC000, $0x38;
	[tilespmem:$0x18000] =	vst v63  }
0x467: {  	_ =	swait.ge [sflag:s21], $0xC000  }
0x468: {  	[sflag:s21] =	ssyncset.done $0x0  }
0x469: {  	s24 =	simm.s32 $0x0;
	[sflag:s21] =	ssyncadd.s32 $0xFFFF4000  }
0x46a: {  	v6 =	vld [tilespmem:s24+$0xC000]  }
0x46b: {  	v7 =	vld [tilespmem:s24+$0xC010]  }
0x46c: {  	v8 =	vld [tilespmem:s24+$0xC020]  }
0x46d: {  	v9 =	vld [tilespmem:s24+$0xC030]  }
0x46e: {  	v10 =	vld [tilespmem:s24+$0xC040]  }
0x46f: {  	v11 =	vld [tilespmem:s24+$0xC050]  }
0x470: {  	v12 =	vld [tilespmem:s24+$0xC060]  }
0x471: {  	v13 =	vld [tilespmem:s24+$0xC070]  }
0x472: {  	v14 =	vld [tilespmem:s24+$0xC080]  }
0x473: {  	v15 =	vld [tilespmem:s24+$0xC090]  }
0x474: {  	v5 =	vld [tilespmem:s24+$0xC0A0]  }
0x475: {  	v4 =	vld [tilespmem:s24+$0xC0B0]  }
0x476: {  	v3 =	vld [tilespmem:s24+$0xC0C0]  }
0x477: {  	v2 =	vld [tilespmem:s24+$0xC0D0]  }
0x478: {  	v1 =	vld [tilespmem:s24+$0xC0E0]  }
0x479: {  	v0 =	vld [tilespmem:s24+$0xC0F0]  }
0x47a: {  	v16 =	vld [tilespmem:s24+$0x0]  }
0x47b: {  	v17 =	vld [tilespmem:s24+$0x10]  }
0x47c: {  	v18 =	vld [tilespmem:s24+$0x20]  }
0x47d: {  	v19 =	vld [tilespmem:s24+$0x30]  }
0x47e: {  	v20 =	vld [tilespmem:s24+$0x40]  }
0x47f: {  	v60 =	vld [tilespmem:s24+$0x50];
	v6 =	vadd.f32 v6, v16  }
0x480: {  	v21 =	vld [tilespmem:s24+$0x60];
	v7 =	vadd.f32 v7, v17  }
0x481: {  	v61 =	vld [tilespmem:s24+$0x70];
	[tilespmem:s24+$0x0] =	vst v6;
	v6 =	vadd.f32 v8, v18  }
0x482: {  	v62 =	vld [tilespmem:s24+$0x80];
	[tilespmem:s24+$0x10] =	vst v7;
	v7 =	vadd.f32 v9, v19  }
0x483: {  	v63 =	vld [tilespmem:s24+$0x90];
	[tilespmem:s24+$0x20] =	vst v6;
	v6 =	vadd.f32 v10, v20  }
0x484: {  	v8 =	vadd.f32 v11, v60;
	[tilespmem:s24+$0x30] =	vst v7;
	v7 =	vld [tilespmem:s24+$0xA0]  }
0x485: {  	v9 =	vadd.f32 v12, v21;
	[tilespmem:s24+$0x40] =	vst v6;
	v6 =	vld [tilespmem:s24+$0xB0]  }
0x486: {  	[tilespmem:s24+$0x50] =	vst v8;
	v8 =	vld [tilespmem:s24+$0xC0];
	v10 =	vadd.f32 v13, v61  }
0x487: {  	v12 =	vadd.f32 v14, v62;
	[tilespmem:s24+$0x60] =	vst v9;
	v9 =	vld [tilespmem:s24+$0xD0]  }
0x488: {  	s25 =	simm.s32 $0x400;
	v11 =	vadd.f32 v15, v63;
	[tilespmem:s24+$0x70] =	vst v10;
	v10 =	vld [tilespmem:s24+$0xE0]  }
.LBB2_28:
0x489: {  	s26 =	sshra.s32 s25, $0x2;
	p0 =	sne.s32 s25, $0x2FC00;
	[tilespmem:s24+$0x80] =	vst v12;
	v5 =	vadd.f32 v5, v7;
	v7 =	vld [tilespmem:s24+$0xF0]  }
0x48a: {  	v12 =	vld [tilespmem:s26+$0xC000];
	[tilespmem:s24+$0x90] =	vst v11;
	v4 =	vadd.f32 v4, v6  }
0x48b: {  	v6 =	vld [tilespmem:s26+$0xC010];
	[tilespmem:s24+$0xA0] =	vst v5;
	v3 =	vadd.f32 v3, v8  }
0x48c: {  	v8 =	vld [tilespmem:s26+$0xC020];
	[tilespmem:s24+$0xB0] =	vst v4;
	v2 =	vadd.f32 v2, v9  }
0x48d: {  	v9 =	vld [tilespmem:s26+$0xC030];
	[tilespmem:s24+$0xC0] =	vst v3;
	v1 =	vadd.f32 v1, v10  }
0x48e: {  	v10 =	vld [tilespmem:s26+$0xC040];
	[tilespmem:s24+$0xD0] =	vst v2;
	v0 =	vadd.f32 v0, v7  }
0x48f: {  	v7 =	vld [tilespmem:s26+$0xC050];
	[tilespmem:s24+$0xE0] =	vst v1  }
0x490: {  	v11 =	vld [tilespmem:s26+$0xC060];
	[tilespmem:s24+$0xF0] =	vst v0;
	s24 =	smov.u32 s26  }
0x491: {  	v13 =	vld [tilespmem:s24+$0xC070]  }
0x492: {  	v14 =	vld [tilespmem:s24+$0xC080]  }
0x493: {  	v15 =	vld [tilespmem:s24+$0xC090]  }
0x494: {  	v5 =	vld [tilespmem:s24+$0xC0A0]  }
0x495: {  	v4 =	vld [tilespmem:s24+$0xC0B0]  }
0x496: {  	v3 =	vld [tilespmem:s24+$0xC0C0]  }
0x497: {  	v2 =	vld [tilespmem:s24+$0xC0D0]  }
0x498: {  	v1 =	vld [tilespmem:s24+$0xC0E0]  }
0x499: {  	v0 =	vld [tilespmem:s24+$0xC0F0]  }
0x49a: {  	v16 =	vld [tilespmem:s24+$0x0]  }
0x49b: {  	v17 =	vld [tilespmem:s24+$0x10]  }
0x49c: {  	v18 =	vld [tilespmem:s24+$0x20]  }
0x49d: {  	v19 =	vld [tilespmem:s24+$0x30]  }
0x49e: {  	v20 =	vld [tilespmem:s24+$0x40]  }
0x49f: {  	v12 =	vadd.f32 v12, v16;
	v16 =	vld [tilespmem:s24+$0x50]  }
0x4a0: {  	v6 =	vadd.f32 v6, v17;
	v17 =	vld [tilespmem:s24+$0x60]  }
0x4a1: {  	[tilespmem:s24+$0x0] =	vst v12;
	v8 =	vadd.f32 v8, v18;
	v12 =	vld [tilespmem:s24+$0x70]  }
0x4a2: {  	[tilespmem:s24+$0x10] =	vst v6;
	v6 =	vadd.f32 v9, v19;
	v9 =	vld [tilespmem:s24+$0x80]  }
0x4a3: {  	[tilespmem:s24+$0x20] =	vst v8;
	v8 =	vadd.f32 v10, v20;
	v10 =	vld [tilespmem:s24+$0x90]  }
.Ltmp13:
0x4a4: {  	[tilespmem:s24+$0x30] =	vst v6;
	v16 =	vadd.f32 v7, v16;
	v7 =	vld [tilespmem:s24+$0xA0];
	(pc) =	sbr.rel @p0 .LBB2_28-.Ltmp13, $4  }
0x4a5: {  	[tilespmem:s24+$0x40] =	vst v8;
	v11 =	vadd.f32 v11, v17;
	v6 =	vld [tilespmem:s24+$0xB0]  }
0x4a6: {  	[tilespmem:s24+$0x50] =	vst v16;
	v13 =	vadd.f32 v13, v12;
	v8 =	vld [tilespmem:s24+$0xC0]  }
0x4a7: {  	[tilespmem:s24+$0x60] =	vst v11;
	v12 =	vadd.f32 v14, v9;
	v9 =	vld [tilespmem:s24+$0xD0]  }
0x4a8: {  	s25 =	sadd.s32 $0x400, s25;
	[tilespmem:s24+$0x70] =	vst v13;
	v11 =	vadd.f32 v15, v10;
	v10 =	vld [tilespmem:s24+$0xE0]  }
0x4a9: {  	[tilespmem:s24+$0x80] =	vst v12;
	v5 =	vadd.f32 v5, v7;
	v7 =	vld [tilespmem:s24+$0xF0]  }
0x4aa: {  	[tilespmem:s24+$0x90] =	vst v11;
	v4 =	vadd.f32 v4, v6  }
0x4ab: {  	[tilespmem:s24+$0xA0] =	vst v5;
	v3 =	vadd.f32 v3, v8  }
0x4ac: {  	[tilespmem:s24+$0xB0] =	vst v4;
	v2 =	vadd.f32 v2, v9  }
0x4ad: {  	[tilespmem:s24+$0xC0] =	vst v3;
	v1 =	vadd.f32 v1, v10  }
0x4ae: {  	[tilespmem:s24+$0xD0] =	vst v2;
	v0 =	vadd.f32 v0, v7  }
0x4af: {  	[tilespmem:s24+$0xE0] =	vst v1  }
0x4b0: {  	s26 =	simm.s32 $0x0;
	[tilespmem:s24+$0xF0] =	vst v0  }
0x4b1: {  	[hbm4b:s28+s26] =	stream.linear.scatter [tilespmem:s26], [sflag:$0x1], $0xC000, $0x38;
	[tilespmem:$0x18000] =	vst v63  }
0x4b2: {  	_ =	swait.ge [sflag:s21], $0xC000  }
0x4b3: {  	[sflag:s21] =	ssyncset.done $0x0  }
0x4b4: {  	[sflag:s21] =	ssyncadd.s32 $0xFFFF4000  }
0x4b5: {  	[tilespmem:s26], [sflag:$0x1] =	stream.linear.gather [hbm4b:s29+s26], $0xC000, $0x38;
	[tilespmem:$0x18000] =	vst v63  }
0x4b6: {  	_ =	swait.ge [sflag:s21], $0xC000  }
0x4b7: {  	[sflag:s21] =	ssyncset.done $0x0  }
0x4b8: {  	[sflag:s21] =	ssyncadd.s32 $0xFFFF4000  }
0x4b9: {  	[tilespmem:s22], [sflag:$0x1] =	stream.linear.gather [hbm4b:s18+s26], $0xC000, $0x38;
	[tilespmem:$0x18000] =	vst v63  }
0x4ba: {  	_ =	swait.ge [sflag:s21], $0xC000  }
0x4bb: {  	[sflag:s21] =	ssyncset.done $0x0  }
0x4bc: {  	s24 =	simm.s32 $0x0;
	[sflag:s21] =	ssyncadd.s32 $0xFFFF4000  }
0x4bd: {  	v6 =	vld [tilespmem:s24+$0xC000]  }
0x4be: {  	v7 =	vld [tilespmem:s24+$0xC010]  }
0x4bf: {  	v8 =	vld [tilespmem:s24+$0xC020]  }
0x4c0: {  	v9 =	vld [tilespmem:s24+$0xC030]  }
0x4c1: {  	v10 =	vld [tilespmem:s24+$0xC040]  }
0x4c2: {  	v11 =	vld [tilespmem:s24+$0xC050]  }
0x4c3: {  	v12 =	vld [tilespmem:s24+$0xC060]  }
0x4c4: {  	v13 =	vld [tilespmem:s24+$0xC070]  }
0x4c5: {  	v14 =	vld [tilespmem:s24+$0xC080]  }
0x4c6: {  	v15 =	vld [tilespmem:s24+$0xC090]  }
0x4c7: {  	v5 =	vld [tilespmem:s24+$0xC0A0]  }
0x4c8: {  	v4 =	vld [tilespmem:s24+$0xC0B0]  }
0x4c9: {  	v3 =	vld [tilespmem:s24+$0xC0C0]  }
0x4ca: {  	v2 =	vld [tilespmem:s24+$0xC0D0]  }
0x4cb: {  	v1 =	vld [tilespmem:s24+$0xC0E0]  }
0x4cc: {  	v0 =	vld [tilespmem:s24+$0xC0F0]  }
0x4cd: {  	v16 =	vld [tilespmem:s24+$0x0]  }
0x4ce: {  	v17 =	vld [tilespmem:s24+$0x10]  }
0x4cf: {  	v18 =	vld [tilespmem:s24+$0x20]  }
0x4d0: {  	v19 =	vld [tilespmem:s24+$0x30]  }
0x4d1: {  	v20 =	vld [tilespmem:s24+$0x40]  }
0x4d2: {  	v60 =	vld [tilespmem:s24+$0x50];
	v6 =	vadd.f32 v6, v16  }
0x4d3: {  	v21 =	vld [tilespmem:s24+$0x60];
	v7 =	vadd.f32 v7, v17  }
0x4d4: {  	v61 =	vld [tilespmem:s24+$0x70];
	[tilespmem:s24+$0x0] =	vst v6;
	v6 =	vadd.f32 v8, v18  }
0x4d5: {  	v62 =	vld [tilespmem:s24+$0x80];
	[tilespmem:s24+$0x10] =	vst v7;
	v7 =	vadd.f32 v9, v19  }
0x4d6: {  	v63 =	vld [tilespmem:s24+$0x90];
	[tilespmem:s24+$0x20] =	vst v6;
	v6 =	vadd.f32 v10, v20  }
0x4d7: {  	v8 =	vadd.f32 v11, v60;
	[tilespmem:s24+$0x30] =	vst v7;
	v7 =	vld [tilespmem:s24+$0xA0]  }
0x4d8: {  	v9 =	vadd.f32 v12, v21;
	[tilespmem:s24+$0x40] =	vst v6;
	v6 =	vld [tilespmem:s24+$0xB0]  }
0x4d9: {  	[tilespmem:s24+$0x50] =	vst v8;
	v8 =	vld [tilespmem:s24+$0xC0];
	v10 =	vadd.f32 v13, v61  }
0x4da: {  	v12 =	vadd.f32 v14, v62;
	[tilespmem:s24+$0x60] =	vst v9;
	v9 =	vld [tilespmem:s24+$0xD0]  }
0x4db: {  	s25 =	simm.s32 $0x400;
	v11 =	vadd.f32 v15, v63;
	[tilespmem:s24+$0x70] =	vst v10;
	v10 =	vld [tilespmem:s24+$0xE0]  }
.LBB2_30:
0x4dc: {  	s26 =	sshra.s32 s25, $0x2;
	p0 =	sne.s32 s25, $0x2FC00;
	[tilespmem:s24+$0x80] =	vst v12;
	v5 =	vadd.f32 v5, v7;
	v7 =	vld [tilespmem:s24+$0xF0]  }
0x4dd: {  	v12 =	vld [tilespmem:s26+$0xC000];
	[tilespmem:s24+$0x90] =	vst v11;
	v4 =	vadd.f32 v4, v6  }
0x4de: {  	v6 =	vld [tilespmem:s26+$0xC010];
	[tilespmem:s24+$0xA0] =	vst v5;
	v3 =	vadd.f32 v3, v8  }
0x4df: {  	v8 =	vld [tilespmem:s26+$0xC020];
	[tilespmem:s24+$0xB0] =	vst v4;
	v2 =	vadd.f32 v2, v9  }
0x4e0: {  	v9 =	vld [tilespmem:s26+$0xC030];
	[tilespmem:s24+$0xC0] =	vst v3;
	v1 =	vadd.f32 v1, v10  }
0x4e1: {  	v10 =	vld [tilespmem:s26+$0xC040];
	[tilespmem:s24+$0xD0] =	vst v2;
	v0 =	vadd.f32 v0, v7  }
0x4e2: {  	v7 =	vld [tilespmem:s26+$0xC050];
	[tilespmem:s24+$0xE0] =	vst v1  }
0x4e3: {  	v11 =	vld [tilespmem:s26+$0xC060];
	[tilespmem:s24+$0xF0] =	vst v0;
	s24 =	smov.u32 s26  }
0x4e4: {  	v13 =	vld [tilespmem:s24+$0xC070]  }
0x4e5: {  	v14 =	vld [tilespmem:s24+$0xC080]  }
0x4e6: {  	v15 =	vld [tilespmem:s24+$0xC090]  }
0x4e7: {  	v5 =	vld [tilespmem:s24+$0xC0A0]  }
0x4e8: {  	v4 =	vld [tilespmem:s24+$0xC0B0]  }
0x4e9: {  	v3 =	vld [tilespmem:s24+$0xC0C0]  }
0x4ea: {  	v2 =	vld [tilespmem:s24+$0xC0D0]  }
0x4eb: {  	v1 =	vld [tilespmem:s24+$0xC0E0]  }
0x4ec: {  	v0 =	vld [tilespmem:s24+$0xC0F0]  }
0x4ed: {  	v16 =	vld [tilespmem:s24+$0x0]  }
0x4ee: {  	v17 =	vld [tilespmem:s24+$0x10]  }
0x4ef: {  	v18 =	vld [tilespmem:s24+$0x20]  }
0x4f0: {  	v19 =	vld [tilespmem:s24+$0x30]  }
0x4f1: {  	v20 =	vld [tilespmem:s24+$0x40]  }
0x4f2: {  	v12 =	vadd.f32 v12, v16;
	v16 =	vld [tilespmem:s24+$0x50]  }
0x4f3: {  	v6 =	vadd.f32 v6, v17;
	v17 =	vld [tilespmem:s24+$0x60]  }
0x4f4: {  	[tilespmem:s24+$0x0] =	vst v12;
	v8 =	vadd.f32 v8, v18;
	v12 =	vld [tilespmem:s24+$0x70]  }
0x4f5: {  	[tilespmem:s24+$0x10] =	vst v6;
	v6 =	vadd.f32 v9, v19;
	v9 =	vld [tilespmem:s24+$0x80]  }
0x4f6: {  	[tilespmem:s24+$0x20] =	vst v8;
	v8 =	vadd.f32 v10, v20;
	v10 =	vld [tilespmem:s24+$0x90]  }
.Ltmp14:
0x4f7: {  	[tilespmem:s24+$0x30] =	vst v6;
	v16 =	vadd.f32 v7, v16;
	v7 =	vld [tilespmem:s24+$0xA0];
	(pc) =	sbr.rel @p0 .LBB2_30-.Ltmp14, $4  }
0x4f8: {  	[tilespmem:s24+$0x40] =	vst v8;
	v11 =	vadd.f32 v11, v17;
	v6 =	vld [tilespmem:s24+$0xB0]  }
0x4f9: {  	[tilespmem:s24+$0x50] =	vst v16;
	v13 =	vadd.f32 v13, v12;
	v8 =	vld [tilespmem:s24+$0xC0]  }
0x4fa: {  	[tilespmem:s24+$0x60] =	vst v11;
	v12 =	vadd.f32 v14, v9;
	v9 =	vld [tilespmem:s24+$0xD0]  }
0x4fb: {  	s25 =	sadd.s32 $0x400, s25;
	[tilespmem:s24+$0x70] =	vst v13;
	v11 =	vadd.f32 v15, v10;
	v10 =	vld [tilespmem:s24+$0xE0]  }
0x4fc: {  	[tilespmem:s24+$0x80] =	vst v12;
	v5 =	vadd.f32 v5, v7;
	v7 =	vld [tilespmem:s24+$0xF0]  }
0x4fd: {  	[tilespmem:s24+$0x90] =	vst v11;
	v4 =	vadd.f32 v4, v6  }
0x4fe: {  	[tilespmem:s24+$0xA0] =	vst v5;
	v3 =	vadd.f32 v3, v8  }
0x4ff: {  	[tilespmem:s24+$0xB0] =	vst v4;
	v2 =	vadd.f32 v2, v9  }
0x500: {  	[tilespmem:s24+$0xC0] =	vst v3;
	v1 =	vadd.f32 v1, v10  }
0x501: {  	[tilespmem:s24+$0xD0] =	vst v2;
	v0 =	vadd.f32 v0, v7  }
0x502: {  	[tilespmem:s24+$0xE0] =	vst v1  }
0x503: {  	s26 =	simm.s32 $0x0;
	[tilespmem:s24+$0xF0] =	vst v0  }
0x504: {  	[hbm4b:s31+s26] =	stream.linear.scatter [tilespmem:s26], [sflag:$0x1], $0xC000, $0x38;
	[tilespmem:$0x18000] =	vst v63  }
0x505: {  	_ =	swait.ge [sflag:s21], $0xC000  }
0x506: {  	[sflag:s21] =	ssyncset.done $0x0  }
0x507: {  	[sflag:s21] =	ssyncadd.s32 $0xFFFF4000  }
0x508: {  	[tilespmem:s26], [sflag:$0x1] =	stream.linear.gather [hbm4b:s2+s26], $0xC000, $0x38;
	[tilespmem:$0x18000] =	vst v63  }
0x509: {  	_ =	swait.ge [sflag:s21], $0xC000  }
0x50a: {  	[sflag:s21] =	ssyncset.done $0x0  }
0x50b: {  	[sflag:s21] =	ssyncadd.s32 $0xFFFF4000  }
0x50c: {  	[tilespmem:s22], [sflag:$0x1] =	stream.linear.gather [hbm4b:s19+s26], $0xC000, $0x38;
	[tilespmem:$0x18000] =	vst v63  }
0x50d: {  	_ =	swait.ge [sflag:s21], $0xC000  }
0x50e: {  	[sflag:s21] =	ssyncset.done $0x0  }
0x50f: {  	s24 =	simm.s32 $0x0;
	[sflag:s21] =	ssyncadd.s32 $0xFFFF4000  }
0x510: {  	v6 =	vld [tilespmem:s24+$0xC000]  }
0x511: {  	v7 =	vld [tilespmem:s24+$0xC010]  }
0x512: {  	v8 =	vld [tilespmem:s24+$0xC020]  }
0x513: {  	v9 =	vld [tilespmem:s24+$0xC030]  }
0x514: {  	v10 =	vld [tilespmem:s24+$0xC040]  }
0x515: {  	v11 =	vld [tilespmem:s24+$0xC050]  }
0x516: {  	v12 =	vld [tilespmem:s24+$0xC060]  }
0x517: {  	v13 =	vld [tilespmem:s24+$0xC070]  }
0x518: {  	v14 =	vld [tilespmem:s24+$0xC080]  }
0x519: {  	v15 =	vld [tilespmem:s24+$0xC090]  }
0x51a: {  	v5 =	vld [tilespmem:s24+$0xC0A0]  }
0x51b: {  	v4 =	vld [tilespmem:s24+$0xC0B0]  }
0x51c: {  	v3 =	vld [tilespmem:s24+$0xC0C0]  }
0x51d: {  	v2 =	vld [tilespmem:s24+$0xC0D0]  }
0x51e: {  	v1 =	vld [tilespmem:s24+$0xC0E0]  }
0x51f: {  	v0 =	vld [tilespmem:s24+$0xC0F0]  }
0x520: {  	v16 =	vld [tilespmem:s24+$0x0]  }
0x521: {  	v17 =	vld [tilespmem:s24+$0x10]  }
0x522: {  	v18 =	vld [tilespmem:s24+$0x20]  }
0x523: {  	v19 =	vld [tilespmem:s24+$0x30]  }
0x524: {  	v20 =	vld [tilespmem:s24+$0x40]  }
0x525: {  	v60 =	vld [tilespmem:s24+$0x50];
	v6 =	vadd.f32 v6, v16  }
0x526: {  	v21 =	vld [tilespmem:s24+$0x60];
	v7 =	vadd.f32 v7, v17  }
0x527: {  	v61 =	vld [tilespmem:s24+$0x70];
	[tilespmem:s24+$0x0] =	vst v6;
	v6 =	vadd.f32 v8, v18  }
0x528: {  	v62 =	vld [tilespmem:s24+$0x80];
	[tilespmem:s24+$0x10] =	vst v7;
	v7 =	vadd.f32 v9, v19  }
0x529: {  	v63 =	vld [tilespmem:s24+$0x90];
	[tilespmem:s24+$0x20] =	vst v6;
	v6 =	vadd.f32 v10, v20  }
0x52a: {  	v8 =	vadd.f32 v11, v60;
	[tilespmem:s24+$0x30] =	vst v7;
	v7 =	vld [tilespmem:s24+$0xA0]  }
0x52b: {  	v9 =	vadd.f32 v12, v21;
	[tilespmem:s24+$0x40] =	vst v6;
	v6 =	vld [tilespmem:s24+$0xB0]  }
0x52c: {  	[tilespmem:s24+$0x50] =	vst v8;
	v8 =	vld [tilespmem:s24+$0xC0];
	v10 =	vadd.f32 v13, v61  }
0x52d: {  	v12 =	vadd.f32 v14, v62;
	[tilespmem:s24+$0x60] =	vst v9;
	v9 =	vld [tilespmem:s24+$0xD0]  }
0x52e: {  	s25 =	simm.s32 $0x400;
	v11 =	vadd.f32 v15, v63;
	[tilespmem:s24+$0x70] =	vst v10;
	v10 =	vld [tilespmem:s24+$0xE0]  }
.LBB2_32:
0x52f: {  	s26 =	sshra.s32 s25, $0x2;
	p0 =	sne.s32 s25, $0x2FC00;
	[tilespmem:s24+$0x80] =	vst v12;
	v5 =	vadd.f32 v5, v7;
	v7 =	vld [tilespmem:s24+$0xF0]  }
0x530: {  	v12 =	vld [tilespmem:s26+$0xC000];
	[tilespmem:s24+$0x90] =	vst v11;
	v4 =	vadd.f32 v4, v6  }
0x531: {  	v6 =	vld [tilespmem:s26+$0xC010];
	[tilespmem:s24+$0xA0] =	vst v5;
	v3 =	vadd.f32 v3, v8  }
0x532: {  	v8 =	vld [tilespmem:s26+$0xC020];
	[tilespmem:s24+$0xB0] =	vst v4;
	v2 =	vadd.f32 v2, v9  }
0x533: {  	v9 =	vld [tilespmem:s26+$0xC030];
	[tilespmem:s24+$0xC0] =	vst v3;
	v1 =	vadd.f32 v1, v10  }
0x534: {  	v10 =	vld [tilespmem:s26+$0xC040];
	[tilespmem:s24+$0xD0] =	vst v2;
	v0 =	vadd.f32 v0, v7  }
0x535: {  	v7 =	vld [tilespmem:s26+$0xC050];
	[tilespmem:s24+$0xE0] =	vst v1  }
0x536: {  	v11 =	vld [tilespmem:s26+$0xC060];
	[tilespmem:s24+$0xF0] =	vst v0;
	s24 =	smov.u32 s26  }
0x537: {  	v13 =	vld [tilespmem:s24+$0xC070]  }
0x538: {  	v14 =	vld [tilespmem:s24+$0xC080]  }
0x539: {  	v15 =	vld [tilespmem:s24+$0xC090]  }
0x53a: {  	v5 =	vld [tilespmem:s24+$0xC0A0]  }
0x53b: {  	v4 =	vld [tilespmem:s24+$0xC0B0]  }
0x53c: {  	v3 =	vld [tilespmem:s24+$0xC0C0]  }
0x53d: {  	v2 =	vld [tilespmem:s24+$0xC0D0]  }
0x53e: {  	v1 =	vld [tilespmem:s24+$0xC0E0]  }
0x53f: {  	v0 =	vld [tilespmem:s24+$0xC0F0]  }
0x540: {  	v16 =	vld [tilespmem:s24+$0x0]  }
0x541: {  	v17 =	vld [tilespmem:s24+$0x10]  }
0x542: {  	v18 =	vld [tilespmem:s24+$0x20]  }
0x543: {  	v19 =	vld [tilespmem:s24+$0x30]  }
0x544: {  	v20 =	vld [tilespmem:s24+$0x40]  }
0x545: {  	v12 =	vadd.f32 v12, v16;
	v16 =	vld [tilespmem:s24+$0x50]  }
0x546: {  	v6 =	vadd.f32 v6, v17;
	v17 =	vld [tilespmem:s24+$0x60]  }
0x547: {  	[tilespmem:s24+$0x0] =	vst v12;
	v8 =	vadd.f32 v8, v18;
	v12 =	vld [tilespmem:s24+$0x70]  }
0x548: {  	[tilespmem:s24+$0x10] =	vst v6;
	v6 =	vadd.f32 v9, v19;
	v9 =	vld [tilespmem:s24+$0x80]  }
0x549: {  	[tilespmem:s24+$0x20] =	vst v8;
	v8 =	vadd.f32 v10, v20;
	v10 =	vld [tilespmem:s24+$0x90]  }
.Ltmp15:
0x54a: {  	[tilespmem:s24+$0x30] =	vst v6;
	v16 =	vadd.f32 v7, v16;
	v7 =	vld [tilespmem:s24+$0xA0];
	(pc) =	sbr.rel @p0 .LBB2_32-.Ltmp15, $4  }
0x54b: {  	[tilespmem:s24+$0x40] =	vst v8;
	v11 =	vadd.f32 v11, v17;
	v6 =	vld [tilespmem:s24+$0xB0]  }
0x54c: {  	[tilespmem:s24+$0x50] =	vst v16;
	v13 =	vadd.f32 v13, v12;
	v8 =	vld [tilespmem:s24+$0xC0]  }
0x54d: {  	[tilespmem:s24+$0x60] =	vst v11;
	v12 =	vadd.f32 v14, v9;
	v9 =	vld [tilespmem:s24+$0xD0]  }
0x54e: {  	s25 =	sadd.s32 $0x400, s25;
	[tilespmem:s24+$0x70] =	vst v13;
	v11 =	vadd.f32 v15, v10;
	v10 =	vld [tilespmem:s24+$0xE0]  }
0x54f: {  	[tilespmem:s24+$0x80] =	vst v12;
	v5 =	vadd.f32 v5, v7;
	v63 =	vld [tilespmem:s24+$0xF0]  }
0x550: {  	[tilespmem:s24+$0x90] =	vst v11;
	v4 =	vadd.f32 v4, v6  }
0x551: {  	[tilespmem:s24+$0xA0] =	vst v5;
	v3 =	vadd.f32 v3, v8  }
0x552: {  	[tilespmem:s24+$0xB0] =	vst v4;
	v2 =	vadd.f32 v2, v9  }
0x553: {  	[tilespmem:s24+$0xC0] =	vst v3;
	v1 =	vadd.f32 v1, v10  }
0x554: {  	s23 =	sadd.s32 $0x1, s23;
	[tilespmem:s24+$0xD0] =	vst v2;
	v0 =	vadd.f32 v0, v63  }
0x555: {  	p0 =	sne.s32 s23, s20;
	[tilespmem:s24+$0xE0] =	vst v1  }
.Ltmp16:
0x556: {  	[tilespmem:s24+$0xF0] =	vst v0;
	(pc) =	sbr.rel @p0 .LBB2_1-.Ltmp16, $4  }
0x557: {  	[hbm4b:s3+s1] =	stream.linear.scatter [tilespmem:s1], [sflag:$0x1], $0xC000, $0x38;
	[tilespmem:$0x18000] =	vst v63  }
0x558: {  	_ =	swait.ge [sflag:s21], $0xC000  }
0x559: {  	[sflag:s21] =	ssyncset.done $0x0  }
0x55a: {  	[sflag:s21] =	ssyncadd.s32 $0xFFFF4000  }
0x55b: {  	_ =	sfence.sel $0x180000  }
0x55c: {  	[bflag:$0x0] =	sbarrier.arrive $0xFFFF  }
0x55d: {  	_ =	strace $0x90000047  }
0x55e: {  	s0 =	stileid.u32;
	[bflag:$0x2] =	sbarrier.arrive $0xFFFF  }
0x55f: {  	p0 =	sne.s32 s0, $0x0;
	s0 =	rddreg [dreg:$0x2]  }
0x560: {  	s0 =	sadd.s32 @!p0 $0x100000, s0  }
0x561: {  	[sflag:s0] =	ssyncadd.tile.s32 @!p0 $0x1;
	_ =	shalt  }
.Lfunc_end2:
_tile_overlayer_lowered:
.L_overlay_start_2:
0x562: {  	(tag) =	ssettag $0x2  }
0x563: {  	s0 =	rddreg [dreg:$0x0];
	s2 =	stileid.u32  }
0x564: {  	s1 =	rddreg [dreg:$0x1];
	p0 =	sne.s32 s2, $0x0  }
0x565: {  	s3 =	rddreg [dreg:$0x2];
	[bflag:$0x3] =	sbarrier.arrive $0xFFFF;
	s2 =	simm.s32 @!p0 $0x1C01  }
0x566: {  	[timem:s3], [sflag:s2] =	dma.local @!p0 [hbm:s0], s1  }
0x567: {  	s0 =	simm.s32 @!p0 $0x1  }
0x568: {  	_ =	swait.ge @!p0 [sflag:s0], s1  }
0x569: {  	s1 =	ssub.s32 @!p0 $0x0, s1;
	[sflag:s0] =	ssyncset.done @!p0 $0x0  }
0x56a: {  	[sflag:s0] =	ssyncadd.s32 @!p0 s1  }
0x56b: {  	[bflag:$0x3] =	sbarrier.arrive $0xFFFF  }
0x56c: {  	_ =	shalt  }

</sc_bundles>
